<compile_context>
chip_gen: v7x
topology: tpu7x:2x2x1
jax: 0.10.2.dev20260603
libtpu: 0.0.44.dev20260713+nightly
codegen_flags: <defaults>
</compile_context>

<pallas_src>
import jax
import jax.numpy as jnp
from jax import lax
from jax.experimental import pallas as pl
from jax.experimental.pallas import tpu as pltpu
from jax.experimental.pallas import tpu_sc as plsc

NC, NS = 2, 16
NW = NC * NS

V = 1000001
D = 64
VBLK = V // 128
TAIL_V0 = VBLK * 128
VPAD = 1000016
TPR = VPAD // 2
EXTRA = VBLK - (VBLK // NW) * NW
BLKS = VBLK // NW
TAILN = (VPAD - TAIL_V0) * D


def _diag_transpose(i16, src, dst_flat, sh, sw):
    nr, nc = sh // 16, sw // 16

    def tile(t, carry):
        r0 = lax.rem(t, nr) * 16
        c0 = lax.div(t, nr) * 16
        rvec = r0 + i16

        def diag(d8, c2):
            for u in range(8):
                cvec = c0 + ((i16 + (d8 * 8 + u)) & 15)
                vals = plsc.load_gather(src, [rvec, cvec])
                plsc.store_scatter(dst_flat, [cvec * sh + rvec], vals)
            return c2

        lax.fori_loop(0, 2, diag, 0)
        return carry

    lax.fori_loop(0, nr * nc, tile, 0)


def _tblock_body(wt_hbm, tailp_hbm, tp_hbm, in0, in1, out0, out1, tail_v,
                 gsem, wsem):
    wid = lax.axis_index("s") * NC + lax.axis_index("c")
    i16 = lax.iota(jnp.int32, 16)
    ins, outs = [in0, in1], [out0, out1]

    def vof(i):
        return i * NW + wid

    def fire(i, sl):
        pltpu.async_copy(
            wt_hbm.at[:, pl.ds(vof(i) * 128, 128)], ins[sl], gsem.at[sl]
        )

    def handle(i, sl):
        pltpu.make_async_copy(
            wt_hbm.at[:, pl.ds(vof(i) * 128, 128)], ins[sl], gsem.at[sl]
        ).wait()

        @pl.when(i >= 2)
        def _():
            pltpu.make_async_copy(
                outs[sl], tp_hbm.at[pl.ds(vof(i - 2) * 8192, 8192)],
                wsem.at[sl],
            ).wait()

        _diag_transpose(i16, ins[sl], outs[sl], 64, 128)
        pltpu.async_copy(
            outs[sl], tp_hbm.at[pl.ds(vof(i) * 8192, 8192)], wsem.at[sl]
        )

    fire(0, 0)

    def outer(g, carry):
        fire(g + 1, 1)
        handle(g, 0)
        fire(g + 2, 0)
        handle(g + 1, 1)
        return carry

    lax.fori_loop(0, (BLKS - 2) // 2, lambda i, c: outer(2 * i, c), 0)

    fire(BLKS - 1, 1)
    handle(BLKS - 2, 0)
    handle(BLKS - 1, 1)
    pltpu.make_async_copy(
        outs[0], tp_hbm.at[pl.ds(vof(BLKS - 2) * 8192, 8192)], wsem.at[0]
    ).wait()
    pltpu.make_async_copy(
        outs[1], tp_hbm.at[pl.ds(vof(BLKS - 1) * 8192, 8192)], wsem.at[1]
    ).wait()

    @pl.when(wid < EXTRA)
    def _():
        v = BLKS * NW + wid
        pltpu.sync_copy(wt_hbm.at[:, pl.ds(v * 128, 128)], ins[0])
        _diag_transpose(i16, ins[0], outs[0], 64, 128)
        pltpu.sync_copy(outs[0], tp_hbm.at[pl.ds(v * 8192, 8192)])

    @pl.when(wid == EXTRA)
    def _():
        pltpu.sync_copy(tailp_hbm, tail_v)
        pltpu.sync_copy(tail_v, tp_hbm.at[pl.ds(TAIL_V0 * D, TAILN)])


def _gather_body(xt_hbm, tl_hbm, out_hbm, idx_v, rows0, rows1, trow0, trow1,
                 gsem, wsem):
    wid = lax.axis_index("s") * NC + lax.axis_index("c")
    i16 = lax.iota(jnp.int32, 16)
    L = xt_hbm.shape[0]
    rows, trows = [rows0, rows1], [trow0, trow1]

    pltpu.sync_copy(xt_hbm.at[:, pl.ds(wid * 128, 128)], idx_v)

    def fire(l, sl):
        pltpu.async_copy(tl_hbm.at[idx_v.at[l]], rows[sl], gsem.at[sl])

    def obase(l, dt):
        return ((l * 8 + dt) * NW + wid) * 1024

    def wait_writes(l, sl):
        for dt in range(8):
            pltpu.make_async_copy(
                trows[sl].at[pl.ds(dt * 1024, 1024)],
                out_hbm.at[pl.ds(obase(l, dt), 1024)],
                wsem.at[sl],
            ).wait()

    def handle(l, sl):
        pltpu.make_async_copy(
            tl_hbm.at[idx_v.at[l]], rows[sl], gsem.at[sl]
        ).wait()

        @pl.when(l >= 2)
        def _():
            wait_writes(l - 2, sl)

        _diag_transpose(i16, rows[sl], trows[sl], 128, 64)
        for dt in range(8):
            pltpu.async_copy(
                trows[sl].at[pl.ds(dt * 1024, 1024)],
                out_hbm.at[pl.ds(obase(l, dt), 1024)],
                wsem.at[sl],
            )

    fire(0, 0)

    def outer(g, carry):
        fire(g + 1, 1)
        handle(g, 0)
        fire(g + 2, 0)
        handle(g + 1, 1)
        return carry

    lax.fori_loop(0, (L - 2) // 2, lambda i, c: outer(2 * i, c), 0)

    fire(L - 1, 1)
    handle(L - 2, 0)
    handle(L - 1, 1)
    wait_writes(L - 2, 0)
    wait_writes(L - 1, 1)


def kernel(x, word_embed):
    B, L = x.shape
    mesh = plsc.VectorSubcoreMesh(
        core_axis_name="c", subcore_axis_name="s", num_cores=NC, num_subcores=NS
    )

    xt = jnp.swapaxes(x.astype(jnp.int32), 0, 1)
    wt = jnp.swapaxes(word_embed, 0, 1)
    tailp = jnp.pad(
        word_embed[TAIL_V0:], ((0, VPAD - V), (0, 0))
    ).reshape(TAILN)

    tp = pl.kernel(
        _tblock_body,
        out_type=jax.ShapeDtypeStruct((TPR * 128,), jnp.float32),
        mesh=mesh,
        scratch_types=[
            pltpu.VMEM((64, 128), jnp.float32),
            pltpu.VMEM((64, 128), jnp.float32),
            pltpu.VMEM((8192,), jnp.float32),
            pltpu.VMEM((8192,), jnp.float32),
            pltpu.VMEM((TAILN,), jnp.float32),
            pltpu.SemaphoreType.DMA((2,)),
            pltpu.SemaphoreType.DMA((2,)),
        ],
        compiler_params=pltpu.CompilerParams(
            use_tc_tiling_on_sc=True, needs_layout_passes=False
        ),
    )(wt, tailp)

    tl = tp.reshape(VPAD, D)

    out_flat = pl.kernel(
        _gather_body,
        out_type=jax.ShapeDtypeStruct((B * L * D,), jnp.float32),
        mesh=mesh,
        scratch_types=[
            pltpu.VMEM((L, 128), jnp.int32),
            pltpu.VMEM((128, D), jnp.float32),
            pltpu.VMEM((128, D), jnp.float32),
            pltpu.VMEM((8192,), jnp.float32),
            pltpu.VMEM((8192,), jnp.float32),
            pltpu.SemaphoreType.DMA((2,)),
            pltpu.SemaphoreType.DMA((2,)),
        ],
        compiler_params=pltpu.CompilerParams(
            use_tc_tiling_on_sc=False, needs_layout_passes=False
        ),
    )(xt, tl)

    out5 = out_flat.reshape(L, D // 8, B // 128, 8, 128)
    return out5.transpose(2, 4, 0, 1, 3).reshape(B, L, D)

# --- scband reference (transcript-rebuilt; emitter-appended) ---
"""Pipeline reference for scband-word-embed-42485816492268 (READ-ONLY COPY).

The authoritative reference and input builder live on the scoring server;
editing this copy changes nothing except your own understanding.
"""

import jax, jax.numpy as jnp
import numpy as np

VOCAB_SIZE = 1000000
EMBEDDING_DIM = 64
BATCH = 4096
MAX_LEN = 200

def setup_inputs(seed: int = 0) -> dict:
    key = jax.random.key(seed)
    k_idx, k_tab = jax.random.split(key)
    x = jax.random.randint(k_idx, (BATCH, MAX_LEN), 0, VOCAB_SIZE + 1, dtype=jnp.int64 if jax.config.jax_enable_x64 else jnp.int32)
    # learned embedding table, shape (vocab_size + 1, embedding_dim), uniform init like keras 'uniform' (-0.05, 0.05)
    word_embed = jax.random.uniform(k_tab, (VOCAB_SIZE + 1, EMBEDDING_DIM), minval=-0.05, maxval=0.05, dtype=jnp.float32)
    return {"x": x, "word_embed": word_embed}

def reference(x, word_embed):
    # faithful translation of tf.nn.embedding_lookup(self.word_embed, tf.cast(x, tf.int32))
    idx = x.astype(jnp.int32)
    res = jnp.take(word_embed, idx, axis=0)
    return res

if __name__ == "__main__":
    import jax
    _d = setup_inputs()
    print(jax.jit(kernel)(*tuple(_d.values())))

</pallas_src>

<mosaic_0001>
#map = affine_map<(d0, d1) -> (0, 0)>
#map1 = affine_map<(d0, d1) -> (0)>
module attributes {stable_mosaic.version = 14 : i64} {
  func.func @_tblock_body(%arg0: i32, %arg1: i32, %arg2: memref<64x1000001xf32, #tpu.memory_space<hbm>>, %arg3: memref<5120xf32, #tpu.memory_space<hbm>>, %arg4: memref<64001024xf32, #tpu.memory_space<hbm>>, %arg5: memref<64x128xf32, #tpu.memory_space<vmem>>, %arg6: memref<64x128xf32, #tpu.memory_space<vmem>>, %arg7: memref<8192xf32, #tpu.memory_space<vmem>>, %arg8: memref<8192xf32, #tpu.memory_space<vmem>>, %arg9: memref<5120xf32, #tpu.memory_space<vmem>>, %arg10: memref<2x!tpu.dma_semaphore, #tpu.memory_space<semaphore_mem>>, %arg11: memref<2x!tpu.dma_semaphore, #tpu.memory_space<semaphore_mem>>) attributes {dimension_semantics = [#tpu.dimension_semantics<core_parallel>, #tpu.dimension_semantics<subcore_parallel>], iteration_bounds = array<i64: 2, 16>, scalar_prefetch = 0 : i64, scratch_operands = 7 : i64, tpu.core_type = #tpu.core_type<sc_vector_subcore>, window_params = [{transform_indices = #map}, {transform_indices = #map1}, {transform_indices = #map1}]} {
    %mul3A = arith.constant 2 : i32
    %mul3A_0 = arith.muli %arg1, %mul3A : i32
    %add3A = arith.addi %mul3A_0, %arg0 : i32
    %iota3A = tpu.iota {dimensions = array<i32: 0>} : vector<16xi32>
    %add3A_1 = arith.constant 0 : i32
    %add3A_2 = arith.addi %add3A_1, %add3A : i32
    %mul3A_3 = arith.constant 128 : i32
    %mul3A_4 = arith.muli %add3A_2, %mul3A_3 : i32
    %dma_start3A = arith.constant 0 : i32
    %dma_start3A_5 = arith.constant 0 : i32
    %dma_start3A_6 = tpu.memref_slice %arg2[%dma_start3A_5, %mul3A_4] : memref<64x1000001xf32, #tpu.memory_space<hbm>> -> memref<64x128xf32, #tpu.memory_space<hbm>>
    %dma_start3A_7 = tpu.memref_slice %arg10[%dma_start3A] : memref<2x!tpu.dma_semaphore, #tpu.memory_space<semaphore_mem>> -> memref<1x!tpu.dma_semaphore, #tpu.memory_space<semaphore_mem>>
    %dma_start3A_8 = tpu.memref_squeeze %dma_start3A_7 : memref<1x!tpu.dma_semaphore, #tpu.memory_space<semaphore_mem>> -> memref<!tpu.dma_semaphore, #tpu.memory_space<semaphore_mem>>
    %dma_start3A_9 = arith.constant 0 : i32
    %dma_start3A_10 = tpu.memref_slice %arg2[%dma_start3A_9, %mul3A_4] : memref<64x1000001xf32, #tpu.memory_space<hbm>> -> memref<64x128xf32, #tpu.memory_space<hbm>>
    tpu.enqueue_dma source(%dma_start3A_10 : memref<64x128xf32, #tpu.memory_space<hbm>>) target(%arg5 : memref<64x128xf32, #tpu.memory_space<vmem>>) target_semaphore(%dma_start3A_8 : memref<!tpu.dma_semaphore, #tpu.memory_space<semaphore_mem>>)
    %scan3A = arith.constant 0 : i32
    %scan3A_11 = arith.constant 0 : i32
    %scan3A_12 = arith.constant 121 : i32
    %scan3A_13 = arith.addi %scan3A_11, %scan3A_12 : i32
    %scan3A_14 = arith.constant 1 : i32
    scf.for %scan3A_120 = %scan3A_11 to %scan3A_13 step %scan3A_14  : i32 {
      %mul3A_121 = arith.constant 2 : i32
      %mul3A_122 = arith.muli %mul3A_121, %scan3A_120 : i32
      %add3A_123 = arith.constant 1 : i32
      %add3A_124 = arith.addi %mul3A_122, %add3A_123 : i32
      %mul3A_125 = arith.constant 32 : i32
      %mul3A_126 = arith.muli %add3A_124, %mul3A_125 : i32
      %add3A_127 = arith.addi %mul3A_126, %add3A : i32
      %mul3A_128 = arith.constant 128 : i32
      %mul3A_129 = arith.muli %add3A_127, %mul3A_128 : i32
      %dma_start3A_130 = arith.constant 1 : i32
      %dma_start3A_131 = arith.constant 0 : i32
      %dma_start3A_132 = tpu.memref_slice %arg2[%dma_start3A_131, %mul3A_129] : memref<64x1000001xf32, #tpu.memory_space<hbm>> -> memref<64x128xf32, #tpu.memory_space<hbm>>
      %dma_start3A_133 = tpu.memref_slice %arg10[%dma_start3A_130] : memref<2x!tpu.dma_semaphore, #tpu.memory_space<semaphore_mem>> -> memref<1x!tpu.dma_semaphore, #tpu.memory_space<semaphore_mem>>
      %dma_start3A_134 = tpu.memref_squeeze %dma_start3A_133 : memref<1x!tpu.dma_semaphore, #tpu.memory_space<semaphore_mem>> -> memref<!tpu.dma_semaphore, #tpu.memory_space<semaphore_mem>>
      %dma_start3A_135 = arith.constant 0 : i32
      %dma_start3A_136 = tpu.memref_slice %arg2[%dma_start3A_135, %mul3A_129] : memref<64x1000001xf32, #tpu.memory_space<hbm>> -> memref<64x128xf32, #tpu.memory_space<hbm>>
      tpu.enqueue_dma source(%dma_start3A_136 : memref<64x128xf32, #tpu.memory_space<hbm>>) target(%arg6 : memref<64x128xf32, #tpu.memory_space<vmem>>) target_semaphore(%dma_start3A_134 : memref<!tpu.dma_semaphore, #tpu.memory_space<semaphore_mem>>)
      %mul3A_137 = arith.constant 32 : i32
      %mul3A_138 = arith.muli %mul3A_122, %mul3A_137 : i32
      %add3A_139 = arith.addi %mul3A_138, %add3A : i32
      %mul3A_140 = arith.constant 128 : i32
      %mul3A_141 = arith.muli %add3A_139, %mul3A_140 : i32
      %dma_wait3A_142 = arith.constant 0 : i32
      %dma_wait3A_143 = arith.constant 0 : i32
      %dma_wait3A_144 = tpu.memref_slice %arg2[%dma_wait3A_143, %mul3A_141] : memref<64x1000001xf32, #tpu.memory_space<hbm>> -> memref<64x128xf32, #tpu.memory_space<hbm>>
      %dma_wait3A_145 = tpu.memref_slice %arg10[%dma_wait3A_142] : memref<2x!tpu.dma_semaphore, #tpu.memory_space<semaphore_mem>> -> memref<1x!tpu.dma_semaphore, #tpu.memory_space<semaphore_mem>>
      %dma_wait3A_146 = tpu.memref_squeeze %dma_wait3A_145 : memref<1x!tpu.dma_semaphore, #tpu.memory_space<semaphore_mem>> -> memref<!tpu.dma_semaphore, #tpu.memory_space<semaphore_mem>>
      %dma_wait3A_147 = arith.constant 0 : i32
      %dma_wait3A_148 = tpu.memref_slice %arg2[%dma_wait3A_147, %mul3A_141] : memref<64x1000001xf32, #tpu.memory_space<hbm>> -> memref<64x128xf32, #tpu.memory_space<hbm>>
      tpu.wait_dma2 semaphore(%dma_wait3A_146 : memref<!tpu.dma_semaphore, #tpu.memory_space<semaphore_mem>>) src(%dma_wait3A_148 : memref<64x128xf32, #tpu.memory_space<hbm>>) dst(%arg5 : memref<64x128xf32, #tpu.memory_space<vmem>>)
      %ge3A = arith.constant 2 : i32
      %ge3A_149 = arith.cmpi sge, %mul3A_122, %ge3A : i32
      %convert_element_type3A_150 = arith.extui %ge3A_149 : i1 to i32
      %cond3A_151 = arith.constant 0 : i32
      %cond3A_152 = arith.cmpi ne, %convert_element_type3A_150, %cond3A_151 : i32
      scf.if %cond3A_152 {
        %sub3A = arith.constant 2 : i32
        %sub3A_218 = arith.subi %mul3A_122, %sub3A : i32
        %mul3A_219 = arith.constant 32 : i32
        %mul3A_220 = arith.muli %sub3A_218, %mul3A_219 : i32
        %add3A_221 = arith.addi %mul3A_220, %add3A : i32
        %mul3A_222 = arith.constant 8192 : i32
        %mul3A_223 = arith.muli %add3A_221, %mul3A_222 : i32
        %dma_wait3A_224 = arith.constant 0 : i32
        %dma_wait3A_225 = tpu.memref_slice %arg4[%mul3A_223] : memref<64001024xf32, #tpu.memory_space<hbm>> -> memref<8192xf32, #tpu.memory_space<hbm>>
        %dma_wait3A_226 = tpu.memref_slice %arg11[%dma_wait3A_224] : memref<2x!tpu.dma_semaphore, #tpu.memory_space<semaphore_mem>> -> memref<1x!tpu.dma_semaphore, #tpu.memory_space<semaphore_mem>>
        %dma_wait3A_227 = tpu.memref_squeeze %dma_wait3A_226 : memref<1x!tpu.dma_semaphore, #tpu.memory_space<semaphore_mem>> -> memref<!tpu.dma_semaphore, #tpu.memory_space<semaphore_mem>>
        %dma_wait3A_228 = tpu.memref_slice %arg4[%mul3A_223] : memref<64001024xf32, #tpu.memory_space<hbm>> -> memref<8192xf32, #tpu.memory_space<hbm>>
        tpu.wait_dma2 semaphore(%dma_wait3A_227 : memref<!tpu.dma_semaphore, #tpu.memory_space<semaphore_mem>>) src(%arg7 : memref<8192xf32, #tpu.memory_space<vmem>>) dst(%dma_wait3A_228 : memref<8192xf32, #tpu.memory_space<hbm>>)
      } else {
      }
      %scan3A_153 = arith.constant 0 : i32
      %scan3A_154 = arith.constant 0 : i32
      %scan3A_155 = arith.constant 32 : i32
      %scan3A_156 = arith.addi %scan3A_154, %scan3A_155 : i32
      %scan3A_157 = arith.constant 1 : i32
      scf.for %scan3A_218 = %scan3A_154 to %scan3A_156 step %scan3A_157  : i32 {
        %rem3A = arith.constant 4 : i32
        %rem3A_219 = arith.remsi %scan3A_218, %rem3A : i32
        %mul3A_220 = arith.constant 16 : i32
        %mul3A_221 = arith.muli %rem3A_219, %mul3A_220 : i32
        %div3A = arith.constant 4 : i32
        %div3A_222 = arith.divsi %scan3A_218, %div3A : i32
        %mul3A_223 = arith.constant 16 : i32
        %mul3A_224 = arith.muli %div3A_222, %mul3A_223 : i32
        %add3A_225 = vector.broadcast %mul3A_221 : i32 to vector<16xi32>
        %add3A_226 = arith.addi %add3A_225, %iota3A : vector<16xi32>
        %scan3A_227 = arith.constant 0 : i32
        %scan3A_228 = arith.constant 0 : i32
        %scan3A_229 = arith.constant 2 : i32
        %scan3A_230 = arith.addi %scan3A_228, %scan3A_229 : i32
        %scan3A_231 = arith.constant 1 : i32
        scf.for %scan3A_233 = %scan3A_228 to %scan3A_230 step %scan3A_231  : i32 {
          %mul3A_234 = arith.constant 8 : i32
          %mul3A_235 = arith.muli %scan3A_233, %mul3A_234 : i32
          %add3A_236 = arith.constant 0 : i32
          %add3A_237 = arith.addi %mul3A_235, %add3A_236 : i32
          %add3A_238 = vector.broadcast %add3A_237 : i32 to vector<16xi32>
          %add3A_239 = arith.addi %iota3A, %add3A_238 : vector<16xi32>
          %and3A = arith.constant 15 : i32
          %and3A_240 = vector.broadcast %and3A : i32 to vector<16xi32>
          %and3A_241 = arith.andi %add3A_239, %and3A_240 : vector<16xi32>
          %add3A_242 = vector.broadcast %mul3A_224 : i32 to vector<16xi32>
          %add3A_243 = arith.addi %add3A_242, %and3A_241 : vector<16xi32>
          %gather3A = tpu.vector_load_idx %arg5[%add3A_226, %add3A_243] : memref<64x128xf32, #tpu.memory_space<vmem>>[vector<16xi32>, vector<16xi32>], vector<16xf32>,
          %mul3A_244 = arith.constant 64 : i32
          %mul3A_245 = vector.broadcast %mul3A_244 : i32 to vector<16xi32>
          %mul3A_246 = arith.muli %add3A_243, %mul3A_245 : vector<16xi32>
          %add3A_247 = arith.addi %mul3A_246, %add3A_226 : vector<16xi32>
          tpu.vector_store_idx %arg7[%add3A_247], %gather3A : memref<8192xf32, #tpu.memory_space<vmem>>[vector<16xi32>], vector<16xf32>,
          %mul3A_248 = arith.constant 8 : i32
          %mul3A_249 = arith.muli %scan3A_233, %mul3A_248 : i32
          %add3A_250 = arith.constant 1 : i32
          %add3A_251 = arith.addi %mul3A_249, %add3A_250 : i32
          %add3A_252 = vector.broadcast %add3A_251 : i32 to vector<16xi32>
          %add3A_253 = arith.addi %iota3A, %add3A_252 : vector<16xi32>
          %and3A_254 = arith.constant 15 : i32
          %and3A_255 = vector.broadcast %and3A_254 : i32 to vector<16xi32>
          %and3A_256 = arith.andi %add3A_253, %and3A_255 : vector<16xi32>
          %add3A_257 = vector.broadcast %mul3A_224 : i32 to vector<16xi32>
          %add3A_258 = arith.addi %add3A_257, %and3A_256 : vector<16xi32>
          %gather3A_259 = tpu.vector_load_idx %arg5[%add3A_226, %add3A_258] : memref<64x128xf32, #tpu.memory_space<vmem>>[vector<16xi32>, vector<16xi32>], vector<16xf32>,
          %mul3A_260 = arith.constant 64 : i32
          %mul3A_261 = vector.broadcast %mul3A_260 : i32 to vector<16xi32>
          %mul3A_262 = arith.muli %add3A_258, %mul3A_261 : vector<16xi32>
          %add3A_263 = arith.addi %mul3A_262, %add3A_226 : vector<16xi32>
          tpu.vector_store_idx %arg7[%add3A_263], %gather3A_259 : memref<8192xf32, #tpu.memory_space<vmem>>[vector<16xi32>], vector<16xf32>,
          %mul3A_264 = arith.constant 8 : i32
          %mul3A_265 = arith.muli %scan3A_233, %mul3A_264 : i32
          %add3A_266 = arith.constant 2 : i32
          %add3A_267 = arith.addi %mul3A_265, %add3A_266 : i32
          %add3A_268 = vector.broadcast %add3A_267 : i32 to vector<16xi32>
          %add3A_269 = arith.addi %iota3A, %add3A_268 : vector<16xi32>
          %and3A_270 = arith.constant 15 : i32
          %and3A_271 = vector.broadcast %and3A_270 : i32 to vector<16xi32>
          %and3A_272 = arith.andi %add3A_269, %and3A_271 : vector<16xi32>
          %add3A_273 = vector.broadcast %mul3A_224 : i32 to vector<16xi32>
          %add3A_274 = arith.addi %add3A_273, %and3A_272 : vector<16xi32>
          %gather3A_275 = tpu.vector_load_idx %arg5[%add3A_226, %add3A_274] : memref<64x128xf32, #tpu.memory_space<vmem>>[vector<16xi32>, vector<16xi32>], vector<16xf32>,
          %mul3A_276 = arith.constant 64 : i32
          %mul3A_277 = vector.broadcast %mul3A_276 : i32 to vector<16xi32>
          %mul3A_278 = arith.muli %add3A_274, %mul3A_277 : vector<16xi32>
          %add3A_279 = arith.addi %mul3A_278, %add3A_226 : vector<16xi32>
          tpu.vector_store_idx %arg7[%add3A_279], %gather3A_275 : memref<8192xf32, #tpu.memory_space<vmem>>[vector<16xi32>], vector<16xf32>,
          %mul3A_280 = arith.constant 8 : i32
          %mul3A_281 = arith.muli %scan3A_233, %mul3A_280 : i32
          %add3A_282 = arith.constant 3 : i32
          %add3A_283 = arith.addi %mul3A_281, %add3A_282 : i32
          %add3A_284 = vector.broadcast %add3A_283 : i32 to vector<16xi32>
          %add3A_285 = arith.addi %iota3A, %add3A_284 : vector<16xi32>
          %and3A_286 = arith.constant 15 : i32
          %and3A_287 = vector.broadcast %and3A_286 : i32 to vector<16xi32>
          %and3A_288 = arith.andi %add3A_285, %and3A_287 : vector<16xi32>
          %add3A_289 = vector.broadcast %mul3A_224 : i32 to vector<16xi32>
          %add3A_290 = arith.addi %add3A_289, %and3A_288 : vector<16xi32>
          %gather3A_291 = tpu.vector_load_idx %arg5[%add3A_226, %add3A_290] : memref<64x128xf32, #tpu.memory_space<vmem>>[vector<16xi32>, vector<16xi32>], vector<16xf32>,
          %mul3A_292 = arith.constant 64 : i32
          %mul3A_293 = vector.broadcast %mul3A_292 : i32 to vector<16xi32>
          %mul3A_294 = arith.muli %add3A_290, %mul3A_293 : vector<16xi32>
          %add3A_295 = arith.addi %mul3A_294, %add3A_226 : vector<16xi32>
          tpu.vector_store_idx %arg7[%add3A_295], %gather3A_291 : memref<8192xf32, #tpu.memory_space<vmem>>[vector<16xi32>], vector<16xf32>,
          %mul3A_296 = arith.constant 8 : i32
          %mul3A_297 = arith.muli %scan3A_233, %mul3A_296 : i32
          %add3A_298 = arith.constant 4 : i32
          %add3A_299 = arith.addi %mul3A_297, %add3A_298 : i32
          %add3A_300 = vector.broadcast %add3A_299 : i32 to vector<16xi32>
          %add3A_301 = arith.addi %iota3A, %add3A_300 : vector<16xi32>
          %and3A_302 = arith.constant 15 : i32
          %and3A_303 = vector.broadcast %and3A_302 : i32 to vector<16xi32>
          %and3A_304 = arith.andi %add3A_301, %and3A_303 : vector<16xi32>
          %add3A_305 = vector.broadcast %mul3A_224 : i32 to vector<16xi32>
          %add3A_306 = arith.addi %add3A_305, %and3A_304 : vector<16xi32>
          %gather3A_307 = tpu.vector_load_idx %arg5[%add3A_226, %add3A_306] : memref<64x128xf32, #tpu.memory_space<vmem>>[vector<16xi32>, vector<16xi32>], vector<16xf32>,
          %mul3A_308 = arith.constant 64 : i32
          %mul3A_309 = vector.broadcast %mul3A_308 : i32 to vector<16xi32>
          %mul3A_310 = arith.muli %add3A_306, %mul3A_309 : vector<16xi32>
          %add3A_311 = arith.addi %mul3A_310, %add3A_226 : vector<16xi32>
          tpu.vector_store_idx %arg7[%add3A_311], %gather3A_307 : memref<8192xf32, #tpu.memory_space<vmem>>[vector<16xi32>], vector<16xf32>,
          %mul3A_312 = arith.constant 8 : i32
          %mul3A_313 = arith.muli %scan3A_233, %mul3A_312 : i32
          %add3A_314 = arith.constant 5 : i32
          %add3A_315 = arith.addi %mul3A_313, %add3A_314 : i32
          %add3A_316 = vector.broadcast %add3A_315 : i32 to vector<16xi32>
          %add3A_317 = arith.addi %iota3A, %add3A_316 : vector<16xi32>
          %and3A_318 = arith.constant 15 : i32
          %and3A_319 = vector.broadcast %and3A_318 : i32 to vector<16xi32>
          %and3A_320 = arith.andi %add3A_317, %and3A_319 : vector<16xi32>
          %add3A_321 = vector.broadcast %mul3A_224 : i32 to vector<16xi32>
          %add3A_322 = arith.addi %add3A_321, %and3A_320 : vector<16xi32>
          %gather3A_323 = tpu.vector_load_idx %arg5[%add3A_226, %add3A_322] : memref<64x128xf32, #tpu.memory_space<vmem>>[vector<16xi32>, vector<16xi32>], vector<16xf32>,
          %mul3A_324 = arith.constant 64 : i32
          %mul3A_325 = vector.broadcast %mul3A_324 : i32 to vector<16xi32>
          %mul3A_326 = arith.muli %add3A_322, %mul3A_325 : vector<16xi32>
          %add3A_327 = arith.addi %mul3A_326, %add3A_226 : vector<16xi32>
          tpu.vector_store_idx %arg7[%add3A_327], %gather3A_323 : memref<8192xf32, #tpu.memory_space<vmem>>[vector<16xi32>], vector<16xf32>,
          %mul3A_328 = arith.constant 8 : i32
          %mul3A_329 = arith.muli %scan3A_233, %mul3A_328 : i32
          %add3A_330 = arith.constant 6 : i32
          %add3A_331 = arith.addi %mul3A_329, %add3A_330 : i32
          %add3A_332 = vector.broadcast %add3A_331 : i32 to vector<16xi32>
          %add3A_333 = arith.addi %iota3A, %add3A_332 : vector<16xi32>
          %and3A_334 = arith.constant 15 : i32
          %and3A_335 = vector.broadcast %and3A_334 : i32 to vector<16xi32>
          %and3A_336 = arith.andi %add3A_333, %and3A_335 : vector<16xi32>
          %add3A_337 = vector.broadcast %mul3A_224 : i32 to vector<16xi32>
          %add3A_338 = arith.addi %add3A_337, %and3A_336 : vector<16xi32>
          %gather3A_339 = tpu.vector_load_idx %arg5[%add3A_226, %add3A_338] : memref<64x128xf32, #tpu.memory_space<vmem>>[vector<16xi32>, vector<16xi32>], vector<16xf32>,
          %mul3A_340 = arith.constant 64 : i32
          %mul3A_341 = vector.broadcast %mul3A_340 : i32 to vector<16xi32>
          %mul3A_342 = arith.muli %add3A_338, %mul3A_341 : vector<16xi32>
          %add3A_343 = arith.addi %mul3A_342, %add3A_226 : vector<16xi32>
          tpu.vector_store_idx %arg7[%add3A_343], %gather3A_339 : memref<8192xf32, #tpu.memory_space<vmem>>[vector<16xi32>], vector<16xf32>,
          %mul3A_344 = arith.constant 8 : i32
          %mul3A_345 = arith.muli %scan3A_233, %mul3A_344 : i32
          %add3A_346 = arith.constant 7 : i32
          %add3A_347 = arith.addi %mul3A_345, %add3A_346 : i32
          %add3A_348 = vector.broadcast %add3A_347 : i32 to vector<16xi32>
          %add3A_349 = arith.addi %iota3A, %add3A_348 : vector<16xi32>
          %and3A_350 = arith.constant 15 : i32
          %and3A_351 = vector.broadcast %and3A_350 : i32 to vector<16xi32>
          %and3A_352 = arith.andi %add3A_349, %and3A_351 : vector<16xi32>
          %add3A_353 = vector.broadcast %mul3A_224 : i32 to vector<16xi32>
          %add3A_354 = arith.addi %add3A_353, %and3A_352 : vector<16xi32>
          %gather3A_355 = tpu.vector_load_idx %arg5[%add3A_226, %add3A_354] : memref<64x128xf32, #tpu.memory_space<vmem>>[vector<16xi32>, vector<16xi32>], vector<16xf32>,
          %mul3A_356 = arith.constant 64 : i32
          %mul3A_357 = vector.broadcast %mul3A_356 : i32 to vector<16xi32>
          %mul3A_358 = arith.muli %add3A_354, %mul3A_357 : vector<16xi32>
          %add3A_359 = arith.addi %mul3A_358, %add3A_226 : vector<16xi32>
          tpu.vector_store_idx %arg7[%add3A_359], %gather3A_355 : memref<8192xf32, #tpu.memory_space<vmem>>[vector<16xi32>], vector<16xf32>,
        }
        %scan3A_232 = arith.constant 2 : i32
      }
      %scan3A_158 = arith.constant 32 : i32
      %mul3A_159 = arith.constant 32 : i32
      %mul3A_160 = arith.muli %mul3A_122, %mul3A_159 : i32
      %add3A_161 = arith.addi %mul3A_160, %add3A : i32
      %mul3A_162 = arith.constant 8192 : i32
      %mul3A_163 = arith.muli %add3A_161, %mul3A_162 : i32
      %dma_start3A_164 = arith.constant 0 : i32
      %dma_start3A_165 = tpu.memref_slice %arg4[%mul3A_163] : memref<64001024xf32, #tpu.memory_space<hbm>> -> memref<8192xf32, #tpu.memory_space<hbm>>
      %dma_start3A_166 = tpu.memref_slice %arg11[%dma_start3A_164] : memref<2x!tpu.dma_semaphore, #tpu.memory_space<semaphore_mem>> -> memref<1x!tpu.dma_semaphore, #tpu.memory_space<semaphore_mem>>
      %dma_start3A_167 = tpu.memref_squeeze %dma_start3A_166 : memref<1x!tpu.dma_semaphore, #tpu.memory_space<semaphore_mem>> -> memref<!tpu.dma_semaphore, #tpu.memory_space<semaphore_mem>>
      %dma_start3A_168 = tpu.memref_slice %arg4[%mul3A_163] : memref<64001024xf32, #tpu.memory_space<hbm>> -> memref<8192xf32, #tpu.memory_space<hbm>>
      tpu.enqueue_dma source(%arg7 : memref<8192xf32, #tpu.memory_space<vmem>>) target(%dma_start3A_168 : memref<8192xf32, #tpu.memory_space<hbm>>) target_semaphore(%dma_start3A_167 : memref<!tpu.dma_semaphore, #tpu.memory_space<semaphore_mem>>)
      %add3A_169 = arith.constant 2 : i32
      %add3A_170 = arith.addi %mul3A_122, %add3A_169 : i32
      %mul3A_171 = arith.constant 32 : i32
      %mul3A_172 = arith.muli %add3A_170, %mul3A_171 : i32
      %add3A_173 = arith.addi %mul3A_172, %add3A : i32
      %mul3A_174 = arith.constant 128 : i32
      %mul3A_175 = arith.muli %add3A_173, %mul3A_174 : i32
      %dma_start3A_176 = arith.constant 0 : i32
      %dma_start3A_177 = arith.constant 0 : i32
      %dma_start3A_178 = tpu.memref_slice %arg2[%dma_start3A_177, %mul3A_175] : memref<64x1000001xf32, #tpu.memory_space<hbm>> -> memref<64x128xf32, #tpu.memory_space<hbm>>
      %dma_start3A_179 = tpu.memref_slice %arg10[%dma_start3A_176] : memref<2x!tpu.dma_semaphore, #tpu.memory_space<semaphore_mem>> -> memref<1x!tpu.dma_semaphore, #tpu.memory_space<semaphore_mem>>
      %dma_start3A_180 = tpu.memref_squeeze %dma_start3A_179 : memref<1x!tpu.dma_semaphore, #tpu.memory_space<semaphore_mem>> -> memref<!tpu.dma_semaphore, #tpu.memory_space<semaphore_mem>>
      %dma_start3A_181 = arith.constant 0 : i32
      %dma_start3A_182 = tpu.memref_slice %arg2[%dma_start3A_181, %mul3A_175] : memref<64x1000001xf32, #tpu.memory_space<hbm>> -> memref<64x128xf32, #tpu.memory_space<hbm>>
      tpu.enqueue_dma source(%dma_start3A_182 : memref<64x128xf32, #tpu.memory_space<hbm>>) target(%arg5 : memref<64x128xf32, #tpu.memory_space<vmem>>) target_semaphore(%dma_start3A_180 : memref<!tpu.dma_semaphore, #tpu.memory_space<semaphore_mem>>)
      %add3A_183 = arith.constant 1 : i32
      %add3A_184 = arith.addi %mul3A_122, %add3A_183 : i32
      %mul3A_185 = arith.constant 32 : i32
      %mul3A_186 = arith.muli %add3A_184, %mul3A_185 : i32
      %add3A_187 = arith.addi %mul3A_186, %add3A : i32
      %mul3A_188 = arith.constant 128 : i32
      %mul3A_189 = arith.muli %add3A_187, %mul3A_188 : i32
      %dma_wait3A_190 = arith.constant 1 : i32
      %dma_wait3A_191 = arith.constant 0 : i32
      %dma_wait3A_192 = tpu.memref_slice %arg2[%dma_wait3A_191, %mul3A_189] : memref<64x1000001xf32, #tpu.memory_space<hbm>> -> memref<64x128xf32, #tpu.memory_space<hbm>>
      %dma_wait3A_193 = tpu.memref_slice %arg10[%dma_wait3A_190] : memref<2x!tpu.dma_semaphore, #tpu.memory_space<semaphore_mem>> -> memref<1x!tpu.dma_semaphore, #tpu.memory_space<semaphore_mem>>
      %dma_wait3A_194 = tpu.memref_squeeze %dma_wait3A_193 : memref<1x!tpu.dma_semaphore, #tpu.memory_space<semaphore_mem>> -> memref<!tpu.dma_semaphore, #tpu.memory_space<semaphore_mem>>
      %dma_wait3A_195 = arith.constant 0 : i32
      %dma_wait3A_196 = tpu.memref_slice %arg2[%dma_wait3A_195, %mul3A_189] : memref<64x1000001xf32, #tpu.memory_space<hbm>> -> memref<64x128xf32, #tpu.memory_space<hbm>>
      tpu.wait_dma2 semaphore(%dma_wait3A_194 : memref<!tpu.dma_semaphore, #tpu.memory_space<semaphore_mem>>) src(%dma_wait3A_196 : memref<64x128xf32, #tpu.memory_space<hbm>>) dst(%arg6 : memref<64x128xf32, #tpu.memory_space<vmem>>)
      %ge3A_197 = arith.constant 2 : i32
      %ge3A_198 = arith.cmpi sge, %add3A_184, %ge3A_197 : i32
      %convert_element_type3A_199 = arith.extui %ge3A_198 : i1 to i32
      %cond3A_200 = arith.constant 0 : i32
      %cond3A_201 = arith.cmpi ne, %convert_element_type3A_199, %cond3A_200 : i32
      scf.if %cond3A_201 {
        %sub3A = arith.constant 2 : i32
        %sub3A_218 = arith.subi %add3A_184, %sub3A : i32
        %mul3A_219 = arith.constant 32 : i32
        %mul3A_220 = arith.muli %sub3A_218, %mul3A_219 : i32
        %add3A_221 = arith.addi %mul3A_220, %add3A : i32
        %mul3A_222 = arith.constant 8192 : i32
        %mul3A_223 = arith.muli %add3A_221, %mul3A_222 : i32
        %dma_wait3A_224 = arith.constant 1 : i32
        %dma_wait3A_225 = tpu.memref_slice %arg4[%mul3A_223] : memref<64001024xf32, #tpu.memory_space<hbm>> -> memref<8192xf32, #tpu.memory_space<hbm>>
        %dma_wait3A_226 = tpu.memref_slice %arg11[%dma_wait3A_224] : memref<2x!tpu.dma_semaphore, #tpu.memory_space<semaphore_mem>> -> memref<1x!tpu.dma_semaphore, #tpu.memory_space<semaphore_mem>>
        %dma_wait3A_227 = tpu.memref_squeeze %dma_wait3A_226 : memref<1x!tpu.dma_semaphore, #tpu.memory_space<semaphore_mem>> -> memref<!tpu.dma_semaphore, #tpu.memory_space<semaphore_mem>>
        %dma_wait3A_228 = tpu.memref_slice %arg4[%mul3A_223] : memref<64001024xf32, #tpu.memory_space<hbm>> -> memref<8192xf32, #tpu.memory_space<hbm>>
        tpu.wait_dma2 semaphore(%dma_wait3A_227 : memref<!tpu.dma_semaphore, #tpu.memory_space<semaphore_mem>>) src(%arg8 : memref<8192xf32, #tpu.memory_space<vmem>>) dst(%dma_wait3A_228 : memref<8192xf32, #tpu.memory_space<hbm>>)
      } else {
      }
      %scan3A_202 = arith.constant 0 : i32
      %scan3A_203 = arith.constant 0 : i32
      %scan3A_204 = arith.constant 32 : i32
      %scan3A_205 = arith.addi %scan3A_203, %scan3A_204 : i32
      %scan3A_206 = arith.constant 1 : i32
      scf.for %scan3A_218 = %scan3A_203 to %scan3A_205 step %scan3A_206  : i32 {
        %rem3A = arith.constant 4 : i32
        %rem3A_219 = arith.remsi %scan3A_218, %rem3A : i32
        %mul3A_220 = arith.constant 16 : i32
        %mul3A_221 = arith.muli %rem3A_219, %mul3A_220 : i32
        %div3A = arith.constant 4 : i32
        %div3A_222 = arith.divsi %scan3A_218, %div3A : i32
        %mul3A_223 = arith.constant 16 : i32
        %mul3A_224 = arith.muli %div3A_222, %mul3A_223 : i32
        %add3A_225 = vector.broadcast %mul3A_221 : i32 to vector<16xi32>
        %add3A_226 = arith.addi %add3A_225, %iota3A : vector<16xi32>
        %scan3A_227 = arith.constant 0 : i32
        %scan3A_228 = arith.constant 0 : i32
        %scan3A_229 = arith.constant 2 : i32
        %scan3A_230 = arith.addi %scan3A_228, %scan3A_229 : i32
        %scan3A_231 = arith.constant 1 : i32
        scf.for %scan3A_233 = %scan3A_228 to %scan3A_230 step %scan3A_231  : i32 {
          %mul3A_234 = arith.constant 8 : i32
          %mul3A_235 = arith.muli %scan3A_233, %mul3A_234 : i32
          %add3A_236 = arith.constant 0 : i32
          %add3A_237 = arith.addi %mul3A_235, %add3A_236 : i32
          %add3A_238 = vector.broadcast %add3A_237 : i32 to vector<16xi32>
          %add3A_239 = arith.addi %iota3A, %add3A_238 : vector<16xi32>
          %and3A = arith.constant 15 : i32
          %and3A_240 = vector.broadcast %and3A : i32 to vector<16xi32>
          %and3A_241 = arith.andi %add3A_239, %and3A_240 : vector<16xi32>
          %add3A_242 = vector.broadcast %mul3A_224 : i32 to vector<16xi32>
          %add3A_243 = arith.addi %add3A_242, %and3A_241 : vector<16xi32>
          %gather3A = tpu.vector_load_idx %arg6[%add3A_226, %add3A_243] : memref<64x128xf32, #tpu.memory_space<vmem>>[vector<16xi32>, vector<16xi32>], vector<16xf32>,
          %mul3A_244 = arith.constant 64 : i32
          %mul3A_245 = vector.broadcast %mul3A_244 : i32 to vector<16xi32>
          %mul3A_246 = arith.muli %add3A_243, %mul3A_245 : vector<16xi32>
          %add3A_247 = arith.addi %mul3A_246, %add3A_226 : vector<16xi32>
          tpu.vector_store_idx %arg8[%add3A_247], %gather3A : memref<8192xf32, #tpu.memory_space<vmem>>[vector<16xi32>], vector<16xf32>,
          %mul3A_248 = arith.constant 8 : i32
          %mul3A_249 = arith.muli %scan3A_233, %mul3A_248 : i32
          %add3A_250 = arith.constant 1 : i32
          %add3A_251 = arith.addi %mul3A_249, %add3A_250 : i32
          %add3A_252 = vector.broadcast %add3A_251 : i32 to vector<16xi32>
          %add3A_253 = arith.addi %iota3A, %add3A_252 : vector<16xi32>
          %and3A_254 = arith.constant 15 : i32
          %and3A_255 = vector.broadcast %and3A_254 : i32 to vector<16xi32>
          %and3A_256 = arith.andi %add3A_253, %and3A_255 : vector<16xi32>
          %add3A_257 = vector.broadcast %mul3A_224 : i32 to vector<16xi32>
          %add3A_258 = arith.addi %add3A_257, %and3A_256 : vector<16xi32>
          %gather3A_259 = tpu.vector_load_idx %arg6[%add3A_226, %add3A_258] : memref<64x128xf32, #tpu.memory_space<vmem>>[vector<16xi32>, vector<16xi32>], vector<16xf32>,
          %mul3A_260 = arith.constant 64 : i32
          %mul3A_261 = vector.broadcast %mul3A_260 : i32 to vector<16xi32>
          %mul3A_262 = arith.muli %add3A_258, %mul3A_261 : vector<16xi32>
          %add3A_263 = arith.addi %mul3A_262, %add3A_226 : vector<16xi32>
          tpu.vector_store_idx %arg8[%add3A_263], %gather3A_259 : memref<8192xf32, #tpu.memory_space<vmem>>[vector<16xi32>], vector<16xf32>,
          %mul3A_264 = arith.constant 8 : i32
          %mul3A_265 = arith.muli %scan3A_233, %mul3A_264 : i32
          %add3A_266 = arith.constant 2 : i32
          %add3A_267 = arith.addi %mul3A_265, %add3A_266 : i32
          %add3A_268 = vector.broadcast %add3A_267 : i32 to vector<16xi32>
          %add3A_269 = arith.addi %iota3A, %add3A_268 : vector<16xi32>
          %and3A_270 = arith.constant 15 : i32
          %and3A_271 = vector.broadcast %and3A_270 : i32 to vector<16xi32>
          %and3A_272 = arith.andi %add3A_269, %and3A_271 : vector<16xi32>
          %add3A_273 = vector.broadcast %mul3A_224 : i32 to vector<16xi32>
          %add3A_274 = arith.addi %add3A_273, %and3A_272 : vector<16xi32>
          %gather3A_275 = tpu.vector_load_idx %arg6[%add3A_226, %add3A_274] : memref<64x128xf32, #tpu.memory_space<vmem>>[vector<16xi32>, vector<16xi32>], vector<16xf32>,
          %mul3A_276 = arith.constant 64 : i32
          %mul3A_277 = vector.broadcast %mul3A_276 : i32 to vector<16xi32>
          %mul3A_278 = arith.muli %add3A_274, %mul3A_277 : vector<16xi32>
          %add3A_279 = arith.addi %mul3A_278, %add3A_226 : vector<16xi32>
          tpu.vector_store_idx %arg8[%add3A_279], %gather3A_275 : memref<8192xf32, #tpu.memory_space<vmem>>[vector<16xi32>], vector<16xf32>,
          %mul3A_280 = arith.constant 8 : i32
          %mul3A_281 = arith.muli %scan3A_233, %mul3A_280 : i32
          %add3A_282 = arith.constant 3 : i32
          %add3A_283 = arith.addi %mul3A_281, %add3A_282 : i32
          %add3A_284 = vector.broadcast %add3A_283 : i32 to vector<16xi32>
          %add3A_285 = arith.addi %iota3A, %add3A_284 : vector<16xi32>
          %and3A_286 = arith.constant 15 : i32
          %and3A_287 = vector.broadcast %and3A_286 : i32 to vector<16xi32>
          %and3A_288 = arith.andi %add3A_285, %and3A_287 : vector<16xi32>
          %add3A_289 = vector.broadcast %mul3A_224 : i32 to vector<16xi32>
          %add3A_290 = arith.addi %add3A_289, %and3A_288 : vector<16xi32>
          %gather3A_291 = tpu.vector_load_idx %arg6[%add3A_226, %add3A_290] : memref<64x128xf32, #tpu.memory_space<vmem>>[vector<16xi32>, vector<16xi32>], vector<16xf32>,
          %mul3A_292 = arith.constant 64 : i32
          %mul3A_293 = vector.broadcast %mul3A_292 : i32 to vector<16xi32>
          %mul3A_294 = arith.muli %add3A_290, %mul3A_293 : vector<16xi32>
          %add3A_295 = arith.addi %mul3A_294, %add3A_226 : vector<16xi32>
          tpu.vector_store_idx %arg8[%add3A_295], %gather3A_291 : memref<8192xf32, #tpu.memory_space<vmem>>[vector<16xi32>], vector<16xf32>,
          %mul3A_296 = arith.constant 8 : i32
          %mul3A_297 = arith.muli %scan3A_233, %mul3A_296 : i32
          %add3A_298 = arith.constant 4 : i32
          %add3A_299 = arith.addi %mul3A_297, %add3A_298 : i32
          %add3A_300 = vector.broadcast %add3A_299 : i32 to vector<16xi32>
          %add3A_301 = arith.addi %iota3A, %add3A_300 : vector<16xi32>
          %and3A_302 = arith.constant 15 : i32
          %and3A_303 = vector.broadcast %and3A_302 : i32 to vector<16xi32>
          %and3A_304 = arith.andi %add3A_301, %and3A_303 : vector<16xi32>
          %add3A_305 = vector.broadcast %mul3A_224 : i32 to vector<16xi32>
          %add3A_306 = arith.addi %add3A_305, %and3A_304 : vector<16xi32>
          %gather3A_307 = tpu.vector_load_idx %arg6[%add3A_226, %add3A_306] : memref<64x128xf32, #tpu.memory_space<vmem>>[vector<16xi32>, vector<16xi32>], vector<16xf32>,
          %mul3A_308 = arith.constant 64 : i32
          %mul3A_309 = vector.broadcast %mul3A_308 : i32 to vector<16xi32>
          %mul3A_310 = arith.muli %add3A_306, %mul3A_309 : vector<16xi32>
          %add3A_311 = arith.addi %mul3A_310, %add3A_226 : vector<16xi32>
          tpu.vector_store_idx %arg8[%add3A_311], %gather3A_307 : memref<8192xf32, #tpu.memory_space<vmem>>[vector<16xi32>], vector<16xf32>,
          %mul3A_312 = arith.constant 8 : i32
          %mul3A_313 = arith.muli %scan3A_233, %mul3A_312 : i32
          %add3A_314 = arith.constant 5 : i32
          %add3A_315 = arith.addi %mul3A_313, %add3A_314 : i32
          %add3A_316 = vector.broadcast %add3A_315 : i32 to vector<16xi32>
          %add3A_317 = arith.addi %iota3A, %add3A_316 : vector<16xi32>
          %and3A_318 = arith.constant 15 : i32
          %and3A_319 = vector.broadcast %and3A_318 : i32 to vector<16xi32>
          %and3A_320 = arith.andi %add3A_317, %and3A_319 : vector<16xi32>
          %add3A_321 = vector.broadcast %mul3A_224 : i32 to vector<16xi32>
          %add3A_322 = arith.addi %add3A_321, %and3A_320 : vector<16xi32>
          %gather3A_323 = tpu.vector_load_idx %arg6[%add3A_226, %add3A_322] : memref<64x128xf32, #tpu.memory_space<vmem>>[vector<16xi32>, vector<16xi32>], vector<16xf32>,
          %mul3A_324 = arith.constant 64 : i32
          %mul3A_325 = vector.broadcast %mul3A_324 : i32 to vector<16xi32>
          %mul3A_326 = arith.muli %add3A_322, %mul3A_325 : vector<16xi32>
          %add3A_327 = arith.addi %mul3A_326, %add3A_226 : vector<16xi32>
          tpu.vector_store_idx %arg8[%add3A_327], %gather3A_323 : memref<8192xf32, #tpu.memory_space<vmem>>[vector<16xi32>], vector<16xf32>,
          %mul3A_328 = arith.constant 8 : i32
          %mul3A_329 = arith.muli %scan3A_233, %mul3A_328 : i32
          %add3A_330 = arith.constant 6 : i32
          %add3A_331 = arith.addi %mul3A_329, %add3A_330 : i32
          %add3A_332 = vector.broadcast %add3A_331 : i32 to vector<16xi32>
          %add3A_333 = arith.addi %iota3A, %add3A_332 : vector<16xi32>
          %and3A_334 = arith.constant 15 : i32
          %and3A_335 = vector.broadcast %and3A_334 : i32 to vector<16xi32>
          %and3A_336 = arith.andi %add3A_333, %and3A_335 : vector<16xi32>
          %add3A_337 = vector.broadcast %mul3A_224 : i32 to vector<16xi32>
          %add3A_338 = arith.addi %add3A_337, %and3A_336 : vector<16xi32>
          %gather3A_339 = tpu.vector_load_idx %arg6[%add3A_226, %add3A_338] : memref<64x128xf32, #tpu.memory_space<vmem>>[vector<16xi32>, vector<16xi32>], vector<16xf32>,
          %mul3A_340 = arith.constant 64 : i32
          %mul3A_341 = vector.broadcast %mul3A_340 : i32 to vector<16xi32>
          %mul3A_342 = arith.muli %add3A_338, %mul3A_341 : vector<16xi32>
          %add3A_343 = arith.addi %mul3A_342, %add3A_226 : vector<16xi32>
          tpu.vector_store_idx %arg8[%add3A_343], %gather3A_339 : memref<8192xf32, #tpu.memory_space<vmem>>[vector<16xi32>], vector<16xf32>,
          %mul3A_344 = arith.constant 8 : i32
          %mul3A_345 = arith.muli %scan3A_233, %mul3A_344 : i32
          %add3A_346 = arith.constant 7 : i32
          %add3A_347 = arith.addi %mul3A_345, %add3A_346 : i32
          %add3A_348 = vector.broadcast %add3A_347 : i32 to vector<16xi32>
          %add3A_349 = arith.addi %iota3A, %add3A_348 : vector<16xi32>
          %and3A_350 = arith.constant 15 : i32
          %and3A_351 = vector.broadcast %and3A_350 : i32 to vector<16xi32>
          %and3A_352 = arith.andi %add3A_349, %and3A_351 : vector<16xi32>
          %add3A_353 = vector.broadcast %mul3A_224 : i32 to vector<16xi32>
          %add3A_354 = arith.addi %add3A_353, %and3A_352 : vector<16xi32>
          %gather3A_355 = tpu.vector_load_idx %arg6[%add3A_226, %add3A_354] : memref<64x128xf32, #tpu.memory_space<vmem>>[vector<16xi32>, vector<16xi32>], vector<16xf32>,
          %mul3A_356 = arith.constant 64 : i32
          %mul3A_357 = vector.broadcast %mul3A_356 : i32 to vector<16xi32>
          %mul3A_358 = arith.muli %add3A_354, %mul3A_357 : vector<16xi32>
          %add3A_359 = arith.addi %mul3A_358, %add3A_226 : vector<16xi32>
          tpu.vector_store_idx %arg8[%add3A_359], %gather3A_355 : memref<8192xf32, #tpu.memory_space<vmem>>[vector<16xi32>], vector<16xf32>,
        }
        %scan3A_232 = arith.constant 2 : i32
      }
      %scan3A_207 = arith.constant 32 : i32
      %mul3A_208 = arith.constant 32 : i32
      %mul3A_209 = arith.muli %add3A_184, %mul3A_208 : i32
      %add3A_210 = arith.addi %mul3A_209, %add3A : i32
      %mul3A_211 = arith.constant 8192 : i32
      %mul3A_212 = arith.muli %add3A_210, %mul3A_211 : i32
      %dma_start3A_213 = arith.constant 1 : i32
      %dma_start3A_214 = tpu.memref_slice %arg4[%mul3A_212] : memref<64001024xf32, #tpu.memory_space<hbm>> -> memref<8192xf32, #tpu.memory_space<hbm>>
      %dma_start3A_215 = tpu.memref_slice %arg11[%dma_start3A_213] : memref<2x!tpu.dma_semaphore, #tpu.memory_space<semaphore_mem>> -> memref<1x!tpu.dma_semaphore, #tpu.memory_space<semaphore_mem>>
      %dma_start3A_216 = tpu.memref_squeeze %dma_start3A_215 : memref<1x!tpu.dma_semaphore, #tpu.memory_space<semaphore_mem>> -> memref<!tpu.dma_semaphore, #tpu.memory_space<semaphore_mem>>
      %dma_start3A_217 = tpu.memref_slice %arg4[%mul3A_212] : memref<64001024xf32, #tpu.memory_space<hbm>> -> memref<8192xf32, #tpu.memory_space<hbm>>
      tpu.enqueue_dma source(%arg8 : memref<8192xf32, #tpu.memory_space<vmem>>) target(%dma_start3A_217 : memref<8192xf32, #tpu.memory_space<hbm>>) target_semaphore(%dma_start3A_216 : memref<!tpu.dma_semaphore, #tpu.memory_space<semaphore_mem>>)
    }
    %scan3A_15 = arith.constant 121 : i32
    %add3A_16 = arith.constant 7776 : i32
    %add3A_17 = arith.addi %add3A_16, %add3A : i32
    %mul3A_18 = arith.constant 128 : i32
    %mul3A_19 = arith.muli %add3A_17, %mul3A_18 : i32
    %dma_start3A_20 = arith.constant 1 : i32
    %dma_start3A_21 = arith.constant 0 : i32
    %dma_start3A_22 = tpu.memref_slice %arg2[%dma_start3A_21, %mul3A_19] : memref<64x1000001xf32, #tpu.memory_space<hbm>> -> memref<64x128xf32, #tpu.memory_space<hbm>>
    %dma_start3A_23 = tpu.memref_slice %arg10[%dma_start3A_20] : memref<2x!tpu.dma_semaphore, #tpu.memory_space<semaphore_mem>> -> memref<1x!tpu.dma_semaphore, #tpu.memory_space<semaphore_mem>>
    %dma_start3A_24 = tpu.memref_squeeze %dma_start3A_23 : memref<1x!tpu.dma_semaphore, #tpu.memory_space<semaphore_mem>> -> memref<!tpu.dma_semaphore, #tpu.memory_space<semaphore_mem>>
    %dma_start3A_25 = arith.constant 0 : i32
    %dma_start3A_26 = tpu.memref_slice %arg2[%dma_start3A_25, %mul3A_19] : memref<64x1000001xf32, #tpu.memory_space<hbm>> -> memref<64x128xf32, #tpu.memory_space<hbm>>
    tpu.enqueue_dma source(%dma_start3A_26 : memref<64x128xf32, #tpu.memory_space<hbm>>) target(%arg6 : memref<64x128xf32, #tpu.memory_space<vmem>>) target_semaphore(%dma_start3A_24 : memref<!tpu.dma_semaphore, #tpu.memory_space<semaphore_mem>>)
    %add3A_27 = arith.constant 7744 : i32
    %add3A_28 = arith.addi %add3A_27, %add3A : i32
    %mul3A_29 = arith.constant 128 : i32
    %mul3A_30 = arith.muli %add3A_28, %mul3A_29 : i32
    %dma_wait3A = arith.constant 0 : i32
    %dma_wait3A_31 = arith.constant 0 : i32
    %dma_wait3A_32 = tpu.memref_slice %arg2[%dma_wait3A_31, %mul3A_30] : memref<64x1000001xf32, #tpu.memory_space<hbm>> -> memref<64x128xf32, #tpu.memory_space<hbm>>
    %dma_wait3A_33 = tpu.memref_slice %arg10[%dma_wait3A] : memref<2x!tpu.dma_semaphore, #tpu.memory_space<semaphore_mem>> -> memref<1x!tpu.dma_semaphore, #tpu.memory_space<semaphore_mem>>
    %dma_wait3A_34 = tpu.memref_squeeze %dma_wait3A_33 : memref<1x!tpu.dma_semaphore, #tpu.memory_space<semaphore_mem>> -> memref<!tpu.dma_semaphore, #tpu.memory_space<semaphore_mem>>
    %dma_wait3A_35 = arith.constant 0 : i32
    %dma_wait3A_36 = tpu.memref_slice %arg2[%dma_wait3A_35, %mul3A_30] : memref<64x1000001xf32, #tpu.memory_space<hbm>> -> memref<64x128xf32, #tpu.memory_space<hbm>>
    tpu.wait_dma2 semaphore(%dma_wait3A_34 : memref<!tpu.dma_semaphore, #tpu.memory_space<semaphore_mem>>) src(%dma_wait3A_36 : memref<64x128xf32, #tpu.memory_space<hbm>>) dst(%arg5 : memref<64x128xf32, #tpu.memory_space<vmem>>)
    %add3A_37 = arith.constant 7680 : i32
    %add3A_38 = arith.addi %add3A_37, %add3A : i32
    %mul3A_39 = arith.constant 8192 : i32
    %mul3A_40 = arith.muli %add3A_38, %mul3A_39 : i32
    %dma_wait3A_41 = arith.constant 0 : i32
    %dma_wait3A_42 = tpu.memref_slice %arg4[%mul3A_40] : memref<64001024xf32, #tpu.memory_space<hbm>> -> memref<8192xf32, #tpu.memory_space<hbm>>
    %dma_wait3A_43 = tpu.memref_slice %arg11[%dma_wait3A_41] : memref<2x!tpu.dma_semaphore, #tpu.memory_space<semaphore_mem>> -> memref<1x!tpu.dma_semaphore, #tpu.memory_space<semaphore_mem>>
    %dma_wait3A_44 = tpu.memref_squeeze %dma_wait3A_43 : memref<1x!tpu.dma_semaphore, #tpu.memory_space<semaphore_mem>> -> memref<!tpu.dma_semaphore, #tpu.memory_space<semaphore_mem>>
    %dma_wait3A_45 = tpu.memref_slice %arg4[%mul3A_40] : memref<64001024xf32, #tpu.memory_space<hbm>> -> memref<8192xf32, #tpu.memory_space<hbm>>
    tpu.wait_dma2 semaphore(%dma_wait3A_44 : memref<!tpu.dma_semaphore, #tpu.memory_space<semaphore_mem>>) src(%arg7 : memref<8192xf32, #tpu.memory_space<vmem>>) dst(%dma_wait3A_45 : memref<8192xf32, #tpu.memory_space<hbm>>)
    %scan3A_46 = arith.constant 0 : i32
    %scan3A_47 = arith.constant 0 : i32
    %scan3A_48 = arith.constant 32 : i32
    %scan3A_49 = arith.addi %scan3A_47, %scan3A_48 : i32
    %scan3A_50 = arith.constant 1 : i32
    scf.for %scan3A_120 = %scan3A_47 to %scan3A_49 step %scan3A_50  : i32 {
      %rem3A = arith.constant 4 : i32
      %rem3A_121 = arith.remsi %scan3A_120, %rem3A : i32
      %mul3A_122 = arith.constant 16 : i32
      %mul3A_123 = arith.muli %rem3A_121, %mul3A_122 : i32
      %div3A = arith.constant 4 : i32
      %div3A_124 = arith.divsi %scan3A_120, %div3A : i32
      %mul3A_125 = arith.constant 16 : i32
      %mul3A_126 = arith.muli %div3A_124, %mul3A_125 : i32
      %add3A_127 = vector.broadcast %mul3A_123 : i32 to vector<16xi32>
      %add3A_128 = arith.addi %add3A_127, %iota3A : vector<16xi32>
      %scan3A_129 = arith.constant 0 : i32
      %scan3A_130 = arith.constant 0 : i32
      %scan3A_131 = arith.constant 2 : i32
      %scan3A_132 = arith.addi %scan3A_130, %scan3A_131 : i32
      %scan3A_133 = arith.constant 1 : i32
      scf.for %scan3A_135 = %scan3A_130 to %scan3A_132 step %scan3A_133  : i32 {
        %mul3A_136 = arith.constant 8 : i32
        %mul3A_137 = arith.muli %scan3A_135, %mul3A_136 : i32
        %add3A_138 = arith.constant 0 : i32
        %add3A_139 = arith.addi %mul3A_137, %add3A_138 : i32
        %add3A_140 = vector.broadcast %add3A_139 : i32 to vector<16xi32>
        %add3A_141 = arith.addi %iota3A, %add3A_140 : vector<16xi32>
        %and3A = arith.constant 15 : i32
        %and3A_142 = vector.broadcast %and3A : i32 to vector<16xi32>
        %and3A_143 = arith.andi %add3A_141, %and3A_142 : vector<16xi32>
        %add3A_144 = vector.broadcast %mul3A_126 : i32 to vector<16xi32>
        %add3A_145 = arith.addi %add3A_144, %and3A_143 : vector<16xi32>
        %gather3A = tpu.vector_load_idx %arg5[%add3A_128, %add3A_145] : memref<64x128xf32, #tpu.memory_space<vmem>>[vector<16xi32>, vector<16xi32>], vector<16xf32>,
        %mul3A_146 = arith.constant 64 : i32
        %mul3A_147 = vector.broadcast %mul3A_146 : i32 to vector<16xi32>
        %mul3A_148 = arith.muli %add3A_145, %mul3A_147 : vector<16xi32>
        %add3A_149 = arith.addi %mul3A_148, %add3A_128 : vector<16xi32>
        tpu.vector_store_idx %arg7[%add3A_149], %gather3A : memref<8192xf32, #tpu.memory_space<vmem>>[vector<16xi32>], vector<16xf32>,
        %mul3A_150 = arith.constant 8 : i32
        %mul3A_151 = arith.muli %scan3A_135, %mul3A_150 : i32
        %add3A_152 = arith.constant 1 : i32
        %add3A_153 = arith.addi %mul3A_151, %add3A_152 : i32
        %add3A_154 = vector.broadcast %add3A_153 : i32 to vector<16xi32>
        %add3A_155 = arith.addi %iota3A, %add3A_154 : vector<16xi32>
        %and3A_156 = arith.constant 15 : i32
        %and3A_157 = vector.broadcast %and3A_156 : i32 to vector<16xi32>
        %and3A_158 = arith.andi %add3A_155, %and3A_157 : vector<16xi32>
        %add3A_159 = vector.broadcast %mul3A_126 : i32 to vector<16xi32>
        %add3A_160 = arith.addi %add3A_159, %and3A_158 : vector<16xi32>
        %gather3A_161 = tpu.vector_load_idx %arg5[%add3A_128, %add3A_160] : memref<64x128xf32, #tpu.memory_space<vmem>>[vector<16xi32>, vector<16xi32>], vector<16xf32>,
        %mul3A_162 = arith.constant 64 : i32
        %mul3A_163 = vector.broadcast %mul3A_162 : i32 to vector<16xi32>
        %mul3A_164 = arith.muli %add3A_160, %mul3A_163 : vector<16xi32>
        %add3A_165 = arith.addi %mul3A_164, %add3A_128 : vector<16xi32>
        tpu.vector_store_idx %arg7[%add3A_165], %gather3A_161 : memref<8192xf32, #tpu.memory_space<vmem>>[vector<16xi32>], vector<16xf32>,
        %mul3A_166 = arith.constant 8 : i32
        %mul3A_167 = arith.muli %scan3A_135, %mul3A_166 : i32
        %add3A_168 = arith.constant 2 : i32
        %add3A_169 = arith.addi %mul3A_167, %add3A_168 : i32
        %add3A_170 = vector.broadcast %add3A_169 : i32 to vector<16xi32>
        %add3A_171 = arith.addi %iota3A, %add3A_170 : vector<16xi32>
        %and3A_172 = arith.constant 15 : i32
        %and3A_173 = vector.broadcast %and3A_172 : i32 to vector<16xi32>
        %and3A_174 = arith.andi %add3A_171, %and3A_173 : vector<16xi32>
        %add3A_175 = vector.broadcast %mul3A_126 : i32 to vector<16xi32>
        %add3A_176 = arith.addi %add3A_175, %and3A_174 : vector<16xi32>
        %gather3A_177 = tpu.vector_load_idx %arg5[%add3A_128, %add3A_176] : memref<64x128xf32, #tpu.memory_space<vmem>>[vector<16xi32>, vector<16xi32>], vector<16xf32>,
        %mul3A_178 = arith.constant 64 : i32
        %mul3A_179 = vector.broadcast %mul3A_178 : i32 to vector<16xi32>
        %mul3A_180 = arith.muli %add3A_176, %mul3A_179 : vector<16xi32>
        %add3A_181 = arith.addi %mul3A_180, %add3A_128 : vector<16xi32>
        tpu.vector_store_idx %arg7[%add3A_181], %gather3A_177 : memref<8192xf32, #tpu.memory_space<vmem>>[vector<16xi32>], vector<16xf32>,
        %mul3A_182 = arith.constant 8 : i32
        %mul3A_183 = arith.muli %scan3A_135, %mul3A_182 : i32
        %add3A_184 = arith.constant 3 : i32
        %add3A_185 = arith.addi %mul3A_183, %add3A_184 : i32
        %add3A_186 = vector.broadcast %add3A_185 : i32 to vector<16xi32>
        %add3A_187 = arith.addi %iota3A, %add3A_186 : vector<16xi32>
        %and3A_188 = arith.constant 15 : i32
        %and3A_189 = vector.broadcast %and3A_188 : i32 to vector<16xi32>
        %and3A_190 = arith.andi %add3A_187, %and3A_189 : vector<16xi32>
        %add3A_191 = vector.broadcast %mul3A_126 : i32 to vector<16xi32>
        %add3A_192 = arith.addi %add3A_191, %and3A_190 : vector<16xi32>
        %gather3A_193 = tpu.vector_load_idx %arg5[%add3A_128, %add3A_192] : memref<64x128xf32, #tpu.memory_space<vmem>>[vector<16xi32>, vector<16xi32>], vector<16xf32>,
        %mul3A_194 = arith.constant 64 : i32
        %mul3A_195 = vector.broadcast %mul3A_194 : i32 to vector<16xi32>
        %mul3A_196 = arith.muli %add3A_192, %mul3A_195 : vector<16xi32>
        %add3A_197 = arith.addi %mul3A_196, %add3A_128 : vector<16xi32>
        tpu.vector_store_idx %arg7[%add3A_197], %gather3A_193 : memref<8192xf32, #tpu.memory_space<vmem>>[vector<16xi32>], vector<16xf32>,
        %mul3A_198 = arith.constant 8 : i32
        %mul3A_199 = arith.muli %scan3A_135, %mul3A_198 : i32
        %add3A_200 = arith.constant 4 : i32
        %add3A_201 = arith.addi %mul3A_199, %add3A_200 : i32
        %add3A_202 = vector.broadcast %add3A_201 : i32 to vector<16xi32>
        %add3A_203 = arith.addi %iota3A, %add3A_202 : vector<16xi32>
        %and3A_204 = arith.constant 15 : i32
        %and3A_205 = vector.broadcast %and3A_204 : i32 to vector<16xi32>
        %and3A_206 = arith.andi %add3A_203, %and3A_205 : vector<16xi32>
        %add3A_207 = vector.broadcast %mul3A_126 : i32 to vector<16xi32>
        %add3A_208 = arith.addi %add3A_207, %and3A_206 : vector<16xi32>
        %gather3A_209 = tpu.vector_load_idx %arg5[%add3A_128, %add3A_208] : memref<64x128xf32, #tpu.memory_space<vmem>>[vector<16xi32>, vector<16xi32>], vector<16xf32>,
        %mul3A_210 = arith.constant 64 : i32
        %mul3A_211 = vector.broadcast %mul3A_210 : i32 to vector<16xi32>
        %mul3A_212 = arith.muli %add3A_208, %mul3A_211 : vector<16xi32>
        %add3A_213 = arith.addi %mul3A_212, %add3A_128 : vector<16xi32>
        tpu.vector_store_idx %arg7[%add3A_213], %gather3A_209 : memref<8192xf32, #tpu.memory_space<vmem>>[vector<16xi32>], vector<16xf32>,
        %mul3A_214 = arith.constant 8 : i32
        %mul3A_215 = arith.muli %scan3A_135, %mul3A_214 : i32
        %add3A_216 = arith.constant 5 : i32
        %add3A_217 = arith.addi %mul3A_215, %add3A_216 : i32
        %add3A_218 = vector.broadcast %add3A_217 : i32 to vector<16xi32>
        %add3A_219 = arith.addi %iota3A, %add3A_218 : vector<16xi32>
        %and3A_220 = arith.constant 15 : i32
        %and3A_221 = vector.broadcast %and3A_220 : i32 to vector<16xi32>
        %and3A_222 = arith.andi %add3A_219, %and3A_221 : vector<16xi32>
        %add3A_223 = vector.broadcast %mul3A_126 : i32 to vector<16xi32>
        %add3A_224 = arith.addi %add3A_223, %and3A_222 : vector<16xi32>
        %gather3A_225 = tpu.vector_load_idx %arg5[%add3A_128, %add3A_224] : memref<64x128xf32, #tpu.memory_space<vmem>>[vector<16xi32>, vector<16xi32>], vector<16xf32>,
        %mul3A_226 = arith.constant 64 : i32
        %mul3A_227 = vector.broadcast %mul3A_226 : i32 to vector<16xi32>
        %mul3A_228 = arith.muli %add3A_224, %mul3A_227 : vector<16xi32>
        %add3A_229 = arith.addi %mul3A_228, %add3A_128 : vector<16xi32>
        tpu.vector_store_idx %arg7[%add3A_229], %gather3A_225 : memref<8192xf32, #tpu.memory_space<vmem>>[vector<16xi32>], vector<16xf32>,
        %mul3A_230 = arith.constant 8 : i32
        %mul3A_231 = arith.muli %scan3A_135, %mul3A_230 : i32
        %add3A_232 = arith.constant 6 : i32
        %add3A_233 = arith.addi %mul3A_231, %add3A_232 : i32
        %add3A_234 = vector.broadcast %add3A_233 : i32 to vector<16xi32>
        %add3A_235 = arith.addi %iota3A, %add3A_234 : vector<16xi32>
        %and3A_236 = arith.constant 15 : i32
        %and3A_237 = vector.broadcast %and3A_236 : i32 to vector<16xi32>
        %and3A_238 = arith.andi %add3A_235, %and3A_237 : vector<16xi32>
        %add3A_239 = vector.broadcast %mul3A_126 : i32 to vector<16xi32>
        %add3A_240 = arith.addi %add3A_239, %and3A_238 : vector<16xi32>
        %gather3A_241 = tpu.vector_load_idx %arg5[%add3A_128, %add3A_240] : memref<64x128xf32, #tpu.memory_space<vmem>>[vector<16xi32>, vector<16xi32>], vector<16xf32>,
        %mul3A_242 = arith.constant 64 : i32
        %mul3A_243 = vector.broadcast %mul3A_242 : i32 to vector<16xi32>
        %mul3A_244 = arith.muli %add3A_240, %mul3A_243 : vector<16xi32>
        %add3A_245 = arith.addi %mul3A_244, %add3A_128 : vector<16xi32>
        tpu.vector_store_idx %arg7[%add3A_245], %gather3A_241 : memref<8192xf32, #tpu.memory_space<vmem>>[vector<16xi32>], vector<16xf32>,
        %mul3A_246 = arith.constant 8 : i32
        %mul3A_247 = arith.muli %scan3A_135, %mul3A_246 : i32
        %add3A_248 = arith.constant 7 : i32
        %add3A_249 = arith.addi %mul3A_247, %add3A_248 : i32
        %add3A_250 = vector.broadcast %add3A_249 : i32 to vector<16xi32>
        %add3A_251 = arith.addi %iota3A, %add3A_250 : vector<16xi32>
        %and3A_252 = arith.constant 15 : i32
        %and3A_253 = vector.broadcast %and3A_252 : i32 to vector<16xi32>
        %and3A_254 = arith.andi %add3A_251, %and3A_253 : vector<16xi32>
        %add3A_255 = vector.broadcast %mul3A_126 : i32 to vector<16xi32>
        %add3A_256 = arith.addi %add3A_255, %and3A_254 : vector<16xi32>
        %gather3A_257 = tpu.vector_load_idx %arg5[%add3A_128, %add3A_256] : memref<64x128xf32, #tpu.memory_space<vmem>>[vector<16xi32>, vector<16xi32>], vector<16xf32>,
        %mul3A_258 = arith.constant 64 : i32
        %mul3A_259 = vector.broadcast %mul3A_258 : i32 to vector<16xi32>
        %mul3A_260 = arith.muli %add3A_256, %mul3A_259 : vector<16xi32>
        %add3A_261 = arith.addi %mul3A_260, %add3A_128 : vector<16xi32>
        tpu.vector_store_idx %arg7[%add3A_261], %gather3A_257 : memref<8192xf32, #tpu.memory_space<vmem>>[vector<16xi32>], vector<16xf32>,
      }
      %scan3A_134 = arith.constant 2 : i32
    }
    %scan3A_51 = arith.constant 32 : i32
    %add3A_52 = arith.constant 7744 : i32
    %add3A_53 = arith.addi %add3A_52, %add3A : i32
    %mul3A_54 = arith.constant 8192 : i32
    %mul3A_55 = arith.muli %add3A_53, %mul3A_54 : i32
    %dma_start3A_56 = arith.constant 0 : i32
    %dma_start3A_57 = tpu.memref_slice %arg4[%mul3A_55] : memref<64001024xf32, #tpu.memory_space<hbm>> -> memref<8192xf32, #tpu.memory_space<hbm>>
    %dma_start3A_58 = tpu.memref_slice %arg11[%dma_start3A_56] : memref<2x!tpu.dma_semaphore, #tpu.memory_space<semaphore_mem>> -> memref<1x!tpu.dma_semaphore, #tpu.memory_space<semaphore_mem>>
    %dma_start3A_59 = tpu.memref_squeeze %dma_start3A_58 : memref<1x!tpu.dma_semaphore, #tpu.memory_space<semaphore_mem>> -> memref<!tpu.dma_semaphore, #tpu.memory_space<semaphore_mem>>
    %dma_start3A_60 = tpu.memref_slice %arg4[%mul3A_55] : memref<64001024xf32, #tpu.memory_space<hbm>> -> memref<8192xf32, #tpu.memory_space<hbm>>
    tpu.enqueue_dma source(%arg7 : memref<8192xf32, #tpu.memory_space<vmem>>) target(%dma_start3A_60 : memref<8192xf32, #tpu.memory_space<hbm>>) target_semaphore(%dma_start3A_59 : memref<!tpu.dma_semaphore, #tpu.memory_space<semaphore_mem>>)
    %add3A_61 = arith.constant 7776 : i32
    %add3A_62 = arith.addi %add3A_61, %add3A : i32
    %mul3A_63 = arith.constant 128 : i32
    %mul3A_64 = arith.muli %add3A_62, %mul3A_63 : i32
    %dma_wait3A_65 = arith.constant 1 : i32
    %dma_wait3A_66 = arith.constant 0 : i32
    %dma_wait3A_67 = tpu.memref_slice %arg2[%dma_wait3A_66, %mul3A_64] : memref<64x1000001xf32, #tpu.memory_space<hbm>> -> memref<64x128xf32, #tpu.memory_space<hbm>>
    %dma_wait3A_68 = tpu.memref_slice %arg10[%dma_wait3A_65] : memref<2x!tpu.dma_semaphore, #tpu.memory_space<semaphore_mem>> -> memref<1x!tpu.dma_semaphore, #tpu.memory_space<semaphore_mem>>
    %dma_wait3A_69 = tpu.memref_squeeze %dma_wait3A_68 : memref<1x!tpu.dma_semaphore, #tpu.memory_space<semaphore_mem>> -> memref<!tpu.dma_semaphore, #tpu.memory_space<semaphore_mem>>
    %dma_wait3A_70 = arith.constant 0 : i32
    %dma_wait3A_71 = tpu.memref_slice %arg2[%dma_wait3A_70, %mul3A_64] : memref<64x1000001xf32, #tpu.memory_space<hbm>> -> memref<64x128xf32, #tpu.memory_space<hbm>>
    tpu.wait_dma2 semaphore(%dma_wait3A_69 : memref<!tpu.dma_semaphore, #tpu.memory_space<semaphore_mem>>) src(%dma_wait3A_71 : memref<64x128xf32, #tpu.memory_space<hbm>>) dst(%arg6 : memref<64x128xf32, #tpu.memory_space<vmem>>)
    %add3A_72 = arith.constant 7712 : i32
    %add3A_73 = arith.addi %add3A_72, %add3A : i32
    %mul3A_74 = arith.constant 8192 : i32
    %mul3A_75 = arith.muli %add3A_73, %mul3A_74 : i32
    %dma_wait3A_76 = arith.constant 1 : i32
    %dma_wait3A_77 = tpu.memref_slice %arg4[%mul3A_75] : memref<64001024xf32, #tpu.memory_space<hbm>> -> memref<8192xf32, #tpu.memory_space<hbm>>
    %dma_wait3A_78 = tpu.memref_slice %arg11[%dma_wait3A_76] : memref<2x!tpu.dma_semaphore, #tpu.memory_space<semaphore_mem>> -> memref<1x!tpu.dma_semaphore, #tpu.memory_space<semaphore_mem>>
    %dma_wait3A_79 = tpu.memref_squeeze %dma_wait3A_78 : memref<1x!tpu.dma_semaphore, #tpu.memory_space<semaphore_mem>> -> memref<!tpu.dma_semaphore, #tpu.memory_space<semaphore_mem>>
    %dma_wait3A_80 = tpu.memref_slice %arg4[%mul3A_75] : memref<64001024xf32, #tpu.memory_space<hbm>> -> memref<8192xf32, #tpu.memory_space<hbm>>
    tpu.wait_dma2 semaphore(%dma_wait3A_79 : memref<!tpu.dma_semaphore, #tpu.memory_space<semaphore_mem>>) src(%arg8 : memref<8192xf32, #tpu.memory_space<vmem>>) dst(%dma_wait3A_80 : memref<8192xf32, #tpu.memory_space<hbm>>)
    %scan3A_81 = arith.constant 0 : i32
    %scan3A_82 = arith.constant 0 : i32
    %scan3A_83 = arith.constant 32 : i32
    %scan3A_84 = arith.addi %scan3A_82, %scan3A_83 : i32
    %scan3A_85 = arith.constant 1 : i32
    scf.for %scan3A_120 = %scan3A_82 to %scan3A_84 step %scan3A_85  : i32 {
      %rem3A = arith.constant 4 : i32
      %rem3A_121 = arith.remsi %scan3A_120, %rem3A : i32
      %mul3A_122 = arith.constant 16 : i32
      %mul3A_123 = arith.muli %rem3A_121, %mul3A_122 : i32
      %div3A = arith.constant 4 : i32
      %div3A_124 = arith.divsi %scan3A_120, %div3A : i32
      %mul3A_125 = arith.constant 16 : i32
      %mul3A_126 = arith.muli %div3A_124, %mul3A_125 : i32
      %add3A_127 = vector.broadcast %mul3A_123 : i32 to vector<16xi32>
      %add3A_128 = arith.addi %add3A_127, %iota3A : vector<16xi32>
      %scan3A_129 = arith.constant 0 : i32
      %scan3A_130 = arith.constant 0 : i32
      %scan3A_131 = arith.constant 2 : i32
      %scan3A_132 = arith.addi %scan3A_130, %scan3A_131 : i32
      %scan3A_133 = arith.constant 1 : i32
      scf.for %scan3A_135 = %scan3A_130 to %scan3A_132 step %scan3A_133  : i32 {
        %mul3A_136 = arith.constant 8 : i32
        %mul3A_137 = arith.muli %scan3A_135, %mul3A_136 : i32
        %add3A_138 = arith.constant 0 : i32
        %add3A_139 = arith.addi %mul3A_137, %add3A_138 : i32
        %add3A_140 = vector.broadcast %add3A_139 : i32 to vector<16xi32>
        %add3A_141 = arith.addi %iota3A, %add3A_140 : vector<16xi32>
        %and3A = arith.constant 15 : i32
        %and3A_142 = vector.broadcast %and3A : i32 to vector<16xi32>
        %and3A_143 = arith.andi %add3A_141, %and3A_142 : vector<16xi32>
        %add3A_144 = vector.broadcast %mul3A_126 : i32 to vector<16xi32>
        %add3A_145 = arith.addi %add3A_144, %and3A_143 : vector<16xi32>
        %gather3A = tpu.vector_load_idx %arg6[%add3A_128, %add3A_145] : memref<64x128xf32, #tpu.memory_space<vmem>>[vector<16xi32>, vector<16xi32>], vector<16xf32>,
        %mul3A_146 = arith.constant 64 : i32
        %mul3A_147 = vector.broadcast %mul3A_146 : i32 to vector<16xi32>
        %mul3A_148 = arith.muli %add3A_145, %mul3A_147 : vector<16xi32>
        %add3A_149 = arith.addi %mul3A_148, %add3A_128 : vector<16xi32>
        tpu.vector_store_idx %arg8[%add3A_149], %gather3A : memref<8192xf32, #tpu.memory_space<vmem>>[vector<16xi32>], vector<16xf32>,
        %mul3A_150 = arith.constant 8 : i32
        %mul3A_151 = arith.muli %scan3A_135, %mul3A_150 : i32
        %add3A_152 = arith.constant 1 : i32
        %add3A_153 = arith.addi %mul3A_151, %add3A_152 : i32
        %add3A_154 = vector.broadcast %add3A_153 : i32 to vector<16xi32>
        %add3A_155 = arith.addi %iota3A, %add3A_154 : vector<16xi32>
        %and3A_156 = arith.constant 15 : i32
        %and3A_157 = vector.broadcast %and3A_156 : i32 to vector<16xi32>
        %and3A_158 = arith.andi %add3A_155, %and3A_157 : vector<16xi32>
        %add3A_159 = vector.broadcast %mul3A_126 : i32 to vector<16xi32>
        %add3A_160 = arith.addi %add3A_159, %and3A_158 : vector<16xi32>
        %gather3A_161 = tpu.vector_load_idx %arg6[%add3A_128, %add3A_160] : memref<64x128xf32, #tpu.memory_space<vmem>>[vector<16xi32>, vector<16xi32>], vector<16xf32>,
        %mul3A_162 = arith.constant 64 : i32
        %mul3A_163 = vector.broadcast %mul3A_162 : i32 to vector<16xi32>
        %mul3A_164 = arith.muli %add3A_160, %mul3A_163 : vector<16xi32>
        %add3A_165 = arith.addi %mul3A_164, %add3A_128 : vector<16xi32>
        tpu.vector_store_idx %arg8[%add3A_165], %gather3A_161 : memref<8192xf32, #tpu.memory_space<vmem>>[vector<16xi32>], vector<16xf32>,
        %mul3A_166 = arith.constant 8 : i32
        %mul3A_167 = arith.muli %scan3A_135, %mul3A_166 : i32
        %add3A_168 = arith.constant 2 : i32
        %add3A_169 = arith.addi %mul3A_167, %add3A_168 : i32
        %add3A_170 = vector.broadcast %add3A_169 : i32 to vector<16xi32>
        %add3A_171 = arith.addi %iota3A, %add3A_170 : vector<16xi32>
        %and3A_172 = arith.constant 15 : i32
        %and3A_173 = vector.broadcast %and3A_172 : i32 to vector<16xi32>
        %and3A_174 = arith.andi %add3A_171, %and3A_173 : vector<16xi32>
        %add3A_175 = vector.broadcast %mul3A_126 : i32 to vector<16xi32>
        %add3A_176 = arith.addi %add3A_175, %and3A_174 : vector<16xi32>
        %gather3A_177 = tpu.vector_load_idx %arg6[%add3A_128, %add3A_176] : memref<64x128xf32, #tpu.memory_space<vmem>>[vector<16xi32>, vector<16xi32>], vector<16xf32>,
        %mul3A_178 = arith.constant 64 : i32
        %mul3A_179 = vector.broadcast %mul3A_178 : i32 to vector<16xi32>
        %mul3A_180 = arith.muli %add3A_176, %mul3A_179 : vector<16xi32>
        %add3A_181 = arith.addi %mul3A_180, %add3A_128 : vector<16xi32>
        tpu.vector_store_idx %arg8[%add3A_181], %gather3A_177 : memref<8192xf32, #tpu.memory_space<vmem>>[vector<16xi32>], vector<16xf32>,
        %mul3A_182 = arith.constant 8 : i32
        %mul3A_183 = arith.muli %scan3A_135, %mul3A_182 : i32
        %add3A_184 = arith.constant 3 : i32
        %add3A_185 = arith.addi %mul3A_183, %add3A_184 : i32
        %add3A_186 = vector.broadcast %add3A_185 : i32 to vector<16xi32>
        %add3A_187 = arith.addi %iota3A, %add3A_186 : vector<16xi32>
        %and3A_188 = arith.constant 15 : i32
        %and3A_189 = vector.broadcast %and3A_188 : i32 to vector<16xi32>
        %and3A_190 = arith.andi %add3A_187, %and3A_189 : vector<16xi32>
        %add3A_191 = vector.broadcast %mul3A_126 : i32 to vector<16xi32>
        %add3A_192 = arith.addi %add3A_191, %and3A_190 : vector<16xi32>
        %gather3A_193 = tpu.vector_load_idx %arg6[%add3A_128, %add3A_192] : memref<64x128xf32, #tpu.memory_space<vmem>>[vector<16xi32>, vector<16xi32>], vector<16xf32>,
        %mul3A_194 = arith.constant 64 : i32
        %mul3A_195 = vector.broadcast %mul3A_194 : i32 to vector<16xi32>
        %mul3A_196 = arith.muli %add3A_192, %mul3A_195 : vector<16xi32>
        %add3A_197 = arith.addi %mul3A_196, %add3A_128 : vector<16xi32>
        tpu.vector_store_idx %arg8[%add3A_197], %gather3A_193 : memref<8192xf32, #tpu.memory_space<vmem>>[vector<16xi32>], vector<16xf32>,
        %mul3A_198 = arith.constant 8 : i32
        %mul3A_199 = arith.muli %scan3A_135, %mul3A_198 : i32
        %add3A_200 = arith.constant 4 : i32
        %add3A_201 = arith.addi %mul3A_199, %add3A_200 : i32
        %add3A_202 = vector.broadcast %add3A_201 : i32 to vector<16xi32>
        %add3A_203 = arith.addi %iota3A, %add3A_202 : vector<16xi32>
        %and3A_204 = arith.constant 15 : i32
        %and3A_205 = vector.broadcast %and3A_204 : i32 to vector<16xi32>
        %and3A_206 = arith.andi %add3A_203, %and3A_205 : vector<16xi32>
        %add3A_207 = vector.broadcast %mul3A_126 : i32 to vector<16xi32>
        %add3A_208 = arith.addi %add3A_207, %and3A_206 : vector<16xi32>
        %gather3A_209 = tpu.vector_load_idx %arg6[%add3A_128, %add3A_208] : memref<64x128xf32, #tpu.memory_space<vmem>>[vector<16xi32>, vector<16xi32>], vector<16xf32>,
        %mul3A_210 = arith.constant 64 : i32
        %mul3A_211 = vector.broadcast %mul3A_210 : i32 to vector<16xi32>
        %mul3A_212 = arith.muli %add3A_208, %mul3A_211 : vector<16xi32>
        %add3A_213 = arith.addi %mul3A_212, %add3A_128 : vector<16xi32>
        tpu.vector_store_idx %arg8[%add3A_213], %gather3A_209 : memref<8192xf32, #tpu.memory_space<vmem>>[vector<16xi32>], vector<16xf32>,
        %mul3A_214 = arith.constant 8 : i32
        %mul3A_215 = arith.muli %scan3A_135, %mul3A_214 : i32
        %add3A_216 = arith.constant 5 : i32
        %add3A_217 = arith.addi %mul3A_215, %add3A_216 : i32
        %add3A_218 = vector.broadcast %add3A_217 : i32 to vector<16xi32>
        %add3A_219 = arith.addi %iota3A, %add3A_218 : vector<16xi32>
        %and3A_220 = arith.constant 15 : i32
        %and3A_221 = vector.broadcast %and3A_220 : i32 to vector<16xi32>
        %and3A_222 = arith.andi %add3A_219, %and3A_221 : vector<16xi32>
        %add3A_223 = vector.broadcast %mul3A_126 : i32 to vector<16xi32>
        %add3A_224 = arith.addi %add3A_223, %and3A_222 : vector<16xi32>
        %gather3A_225 = tpu.vector_load_idx %arg6[%add3A_128, %add3A_224] : memref<64x128xf32, #tpu.memory_space<vmem>>[vector<16xi32>, vector<16xi32>], vector<16xf32>,
        %mul3A_226 = arith.constant 64 : i32
        %mul3A_227 = vector.broadcast %mul3A_226 : i32 to vector<16xi32>
        %mul3A_228 = arith.muli %add3A_224, %mul3A_227 : vector<16xi32>
        %add3A_229 = arith.addi %mul3A_228, %add3A_128 : vector<16xi32>
        tpu.vector_store_idx %arg8[%add3A_229], %gather3A_225 : memref<8192xf32, #tpu.memory_space<vmem>>[vector<16xi32>], vector<16xf32>,
        %mul3A_230 = arith.constant 8 : i32
        %mul3A_231 = arith.muli %scan3A_135, %mul3A_230 : i32
        %add3A_232 = arith.constant 6 : i32
        %add3A_233 = arith.addi %mul3A_231, %add3A_232 : i32
        %add3A_234 = vector.broadcast %add3A_233 : i32 to vector<16xi32>
        %add3A_235 = arith.addi %iota3A, %add3A_234 : vector<16xi32>
        %and3A_236 = arith.constant 15 : i32
        %and3A_237 = vector.broadcast %and3A_236 : i32 to vector<16xi32>
        %and3A_238 = arith.andi %add3A_235, %and3A_237 : vector<16xi32>
        %add3A_239 = vector.broadcast %mul3A_126 : i32 to vector<16xi32>
        %add3A_240 = arith.addi %add3A_239, %and3A_238 : vector<16xi32>
        %gather3A_241 = tpu.vector_load_idx %arg6[%add3A_128, %add3A_240] : memref<64x128xf32, #tpu.memory_space<vmem>>[vector<16xi32>, vector<16xi32>], vector<16xf32>,
        %mul3A_242 = arith.constant 64 : i32
        %mul3A_243 = vector.broadcast %mul3A_242 : i32 to vector<16xi32>
        %mul3A_244 = arith.muli %add3A_240, %mul3A_243 : vector<16xi32>
        %add3A_245 = arith.addi %mul3A_244, %add3A_128 : vector<16xi32>
        tpu.vector_store_idx %arg8[%add3A_245], %gather3A_241 : memref<8192xf32, #tpu.memory_space<vmem>>[vector<16xi32>], vector<16xf32>,
        %mul3A_246 = arith.constant 8 : i32
        %mul3A_247 = arith.muli %scan3A_135, %mul3A_246 : i32
        %add3A_248 = arith.constant 7 : i32
        %add3A_249 = arith.addi %mul3A_247, %add3A_248 : i32
        %add3A_250 = vector.broadcast %add3A_249 : i32 to vector<16xi32>
        %add3A_251 = arith.addi %iota3A, %add3A_250 : vector<16xi32>
        %and3A_252 = arith.constant 15 : i32
        %and3A_253 = vector.broadcast %and3A_252 : i32 to vector<16xi32>
        %and3A_254 = arith.andi %add3A_251, %and3A_253 : vector<16xi32>
        %add3A_255 = vector.broadcast %mul3A_126 : i32 to vector<16xi32>
        %add3A_256 = arith.addi %add3A_255, %and3A_254 : vector<16xi32>
        %gather3A_257 = tpu.vector_load_idx %arg6[%add3A_128, %add3A_256] : memref<64x128xf32, #tpu.memory_space<vmem>>[vector<16xi32>, vector<16xi32>], vector<16xf32>,
        %mul3A_258 = arith.constant 64 : i32
        %mul3A_259 = vector.broadcast %mul3A_258 : i32 to vector<16xi32>
        %mul3A_260 = arith.muli %add3A_256, %mul3A_259 : vector<16xi32>
        %add3A_261 = arith.addi %mul3A_260, %add3A_128 : vector<16xi32>
        tpu.vector_store_idx %arg8[%add3A_261], %gather3A_257 : memref<8192xf32, #tpu.memory_space<vmem>>[vector<16xi32>], vector<16xf32>,
      }
      %scan3A_134 = arith.constant 2 : i32
    }
    %scan3A_86 = arith.constant 32 : i32
    %add3A_87 = arith.constant 7776 : i32
    %add3A_88 = arith.addi %add3A_87, %add3A : i32
    %mul3A_89 = arith.constant 8192 : i32
    %mul3A_90 = arith.muli %add3A_88, %mul3A_89 : i32
    %dma_start3A_91 = arith.constant 1 : i32
    %dma_start3A_92 = tpu.memref_slice %arg4[%mul3A_90] : memref<64001024xf32, #tpu.memory_space<hbm>> -> memref<8192xf32, #tpu.memory_space<hbm>>
    %dma_start3A_93 = tpu.memref_slice %arg11[%dma_start3A_91] : memref<2x!tpu.dma_semaphore, #tpu.memory_space<semaphore_mem>> -> memref<1x!tpu.dma_semaphore, #tpu.memory_space<semaphore_mem>>
    %dma_start3A_94 = tpu.memref_squeeze %dma_start3A_93 : memref<1x!tpu.dma_semaphore, #tpu.memory_space<semaphore_mem>> -> memref<!tpu.dma_semaphore, #tpu.memory_space<semaphore_mem>>
    %dma_start3A_95 = tpu.memref_slice %arg4[%mul3A_90] : memref<64001024xf32, #tpu.memory_space<hbm>> -> memref<8192xf32, #tpu.memory_space<hbm>>
    tpu.enqueue_dma source(%arg8 : memref<8192xf32, #tpu.memory_space<vmem>>) target(%dma_start3A_95 : memref<8192xf32, #tpu.memory_space<hbm>>) target_semaphore(%dma_start3A_94 : memref<!tpu.dma_semaphore, #tpu.memory_space<semaphore_mem>>)
    %add3A_96 = arith.constant 7744 : i32
    %add3A_97 = arith.addi %add3A_96, %add3A : i32
    %mul3A_98 = arith.constant 8192 : i32
    %mul3A_99 = arith.muli %add3A_97, %mul3A_98 : i32
    %dma_wait3A_100 = arith.constant 0 : i32
    %dma_wait3A_101 = tpu.memref_slice %arg4[%mul3A_99] : memref<64001024xf32, #tpu.memory_space<hbm>> -> memref<8192xf32, #tpu.memory_space<hbm>>
    %dma_wait3A_102 = tpu.memref_slice %arg11[%dma_wait3A_100] : memref<2x!tpu.dma_semaphore, #tpu.memory_space<semaphore_mem>> -> memref<1x!tpu.dma_semaphore, #tpu.memory_space<semaphore_mem>>
    %dma_wait3A_103 = tpu.memref_squeeze %dma_wait3A_102 : memref<1x!tpu.dma_semaphore, #tpu.memory_space<semaphore_mem>> -> memref<!tpu.dma_semaphore, #tpu.memory_space<semaphore_mem>>
    %dma_wait3A_104 = tpu.memref_slice %arg4[%mul3A_99] : memref<64001024xf32, #tpu.memory_space<hbm>> -> memref<8192xf32, #tpu.memory_space<hbm>>
    tpu.wait_dma2 semaphore(%dma_wait3A_103 : memref<!tpu.dma_semaphore, #tpu.memory_space<semaphore_mem>>) src(%arg7 : memref<8192xf32, #tpu.memory_space<vmem>>) dst(%dma_wait3A_104 : memref<8192xf32, #tpu.memory_space<hbm>>)
    %add3A_105 = arith.constant 7776 : i32
    %add3A_106 = arith.addi %add3A_105, %add3A : i32
    %mul3A_107 = arith.constant 8192 : i32
    %mul3A_108 = arith.muli %add3A_106, %mul3A_107 : i32
    %dma_wait3A_109 = arith.constant 1 : i32
    %dma_wait3A_110 = tpu.memref_slice %arg4[%mul3A_108] : memref<64001024xf32, #tpu.memory_space<hbm>> -> memref<8192xf32, #tpu.memory_space<hbm>>
    %dma_wait3A_111 = tpu.memref_slice %arg11[%dma_wait3A_109] : memref<2x!tpu.dma_semaphore, #tpu.memory_space<semaphore_mem>> -> memref<1x!tpu.dma_semaphore, #tpu.memory_space<semaphore_mem>>
    %dma_wait3A_112 = tpu.memref_squeeze %dma_wait3A_111 : memref<1x!tpu.dma_semaphore, #tpu.memory_space<semaphore_mem>> -> memref<!tpu.dma_semaphore, #tpu.memory_space<semaphore_mem>>
    %dma_wait3A_113 = tpu.memref_slice %arg4[%mul3A_108] : memref<64001024xf32, #tpu.memory_space<hbm>> -> memref<8192xf32, #tpu.memory_space<hbm>>
    tpu.wait_dma2 semaphore(%dma_wait3A_112 : memref<!tpu.dma_semaphore, #tpu.memory_space<semaphore_mem>>) src(%arg8 : memref<8192xf32, #tpu.memory_space<vmem>>) dst(%dma_wait3A_113 : memref<8192xf32, #tpu.memory_space<hbm>>)
    %lt3A = arith.constant 4 : i32
    %lt3A_114 = arith.cmpi slt, %add3A, %lt3A : i32
    %convert_element_type3A = arith.extui %lt3A_114 : i1 to i32
    %cond3A = arith.constant 0 : i32
    %cond3A_115 = arith.cmpi ne, %convert_element_type3A, %cond3A : i32
    scf.if %cond3A_115 {
      %add3A_120 = arith.constant 7808 : i32
      %add3A_121 = arith.addi %add3A_120, %add3A : i32
      %mul3A_122 = arith.constant 128 : i32
      %mul3A_123 = arith.muli %add3A_121, %mul3A_122 : i32
      "tpu.region"() ({
        %run_scoped3A = tpu.sem_alloc : memref<!tpu.dma_semaphore, #tpu.memory_space<semaphore_mem>>
        %dma_start3A_132 = arith.constant 0 : i32
        %dma_start3A_133 = tpu.memref_slice %arg2[%dma_start3A_132, %mul3A_123] : memref<64x1000001xf32, #tpu.memory_space<hbm>> -> memref<64x128xf32, #tpu.memory_space<hbm>>
        %dma_start3A_134 = arith.constant 0 : i32
        %dma_start3A_135 = tpu.memref_slice %arg2[%dma_start3A_134, %mul3A_123] : memref<64x1000001xf32, #tpu.memory_space<hbm>> -> memref<64x128xf32, #tpu.memory_space<hbm>>
        tpu.enqueue_dma source(%dma_start3A_135 : memref<64x128xf32, #tpu.memory_space<hbm>>) target(%arg5 : memref<64x128xf32, #tpu.memory_space<vmem>>) target_semaphore(%run_scoped3A : memref<!tpu.dma_semaphore, #tpu.memory_space<semaphore_mem>>)
        %dma_wait3A_136 = arith.constant 0 : i32
        %dma_wait3A_137 = tpu.memref_slice %arg2[%dma_wait3A_136, %mul3A_123] : memref<64x1000001xf32, #tpu.memory_space<hbm>> -> memref<64x128xf32, #tpu.memory_space<hbm>>
        %dma_wait3A_138 = arith.constant 0 : i32
        %dma_wait3A_139 = tpu.memref_slice %arg2[%dma_wait3A_138, %mul3A_123] : memref<64x1000001xf32, #tpu.memory_space<hbm>> -> memref<64x128xf32, #tpu.memory_space<hbm>>
        tpu.wait_dma2 semaphore(%run_scoped3A : memref<!tpu.dma_semaphore, #tpu.memory_space<semaphore_mem>>) src(%dma_wait3A_139 : memref<64x128xf32, #tpu.memory_space<hbm>>) dst(%arg5 : memref<64x128xf32, #tpu.memory_space<vmem>>)
        tpu.yield
      }) : () -> ()
      %scan3A_124 = arith.constant 0 : i32
      %scan3A_125 = arith.constant 0 : i32
      %scan3A_126 = arith.constant 32 : i32
      %scan3A_127 = arith.addi %scan3A_125, %scan3A_126 : i32
      %scan3A_128 = arith.constant 1 : i32
      scf.for %scan3A_132 = %scan3A_125 to %scan3A_127 step %scan3A_128  : i32 {
        %rem3A = arith.constant 4 : i32
        %rem3A_133 = arith.remsi %scan3A_132, %rem3A : i32
        %mul3A_134 = arith.constant 16 : i32
        %mul3A_135 = arith.muli %rem3A_133, %mul3A_134 : i32
        %div3A = arith.constant 4 : i32
        %div3A_136 = arith.divsi %scan3A_132, %div3A : i32
        %mul3A_137 = arith.constant 16 : i32
        %mul3A_138 = arith.muli %div3A_136, %mul3A_137 : i32
        %add3A_139 = vector.broadcast %mul3A_135 : i32 to vector<16xi32>
        %add3A_140 = arith.addi %add3A_139, %iota3A : vector<16xi32>
        %scan3A_141 = arith.constant 0 : i32
        %scan3A_142 = arith.constant 0 : i32
        %scan3A_143 = arith.constant 2 : i32
        %scan3A_144 = arith.addi %scan3A_142, %scan3A_143 : i32
        %scan3A_145 = arith.constant 1 : i32
        scf.for %scan3A_147 = %scan3A_142 to %scan3A_144 step %scan3A_145  : i32 {
          %mul3A_148 = arith.constant 8 : i32
          %mul3A_149 = arith.muli %scan3A_147, %mul3A_148 : i32
          %add3A_150 = arith.constant 0 : i32
          %add3A_151 = arith.addi %mul3A_149, %add3A_150 : i32
          %add3A_152 = vector.broadcast %add3A_151 : i32 to vector<16xi32>
          %add3A_153 = arith.addi %iota3A, %add3A_152 : vector<16xi32>
          %and3A = arith.constant 15 : i32
          %and3A_154 = vector.broadcast %and3A : i32 to vector<16xi32>
          %and3A_155 = arith.andi %add3A_153, %and3A_154 : vector<16xi32>
          %add3A_156 = vector.broadcast %mul3A_138 : i32 to vector<16xi32>
          %add3A_157 = arith.addi %add3A_156, %and3A_155 : vector<16xi32>
          %gather3A = tpu.vector_load_idx %arg5[%add3A_140, %add3A_157] : memref<64x128xf32, #tpu.memory_space<vmem>>[vector<16xi32>, vector<16xi32>], vector<16xf32>,
          %mul3A_158 = arith.constant 64 : i32
          %mul3A_159 = vector.broadcast %mul3A_158 : i32 to vector<16xi32>
          %mul3A_160 = arith.muli %add3A_157, %mul3A_159 : vector<16xi32>
          %add3A_161 = arith.addi %mul3A_160, %add3A_140 : vector<16xi32>
          tpu.vector_store_idx %arg7[%add3A_161], %gather3A : memref<8192xf32, #tpu.memory_space<vmem>>[vector<16xi32>], vector<16xf32>,
          %mul3A_162 = arith.constant 8 : i32
          %mul3A_163 = arith.muli %scan3A_147, %mul3A_162 : i32
          %add3A_164 = arith.constant 1 : i32
          %add3A_165 = arith.addi %mul3A_163, %add3A_164 : i32
          %add3A_166 = vector.broadcast %add3A_165 : i32 to vector<16xi32>
          %add3A_167 = arith.addi %iota3A, %add3A_166 : vector<16xi32>
          %and3A_168 = arith.constant 15 : i32
          %and3A_169 = vector.broadcast %and3A_168 : i32 to vector<16xi32>
          %and3A_170 = arith.andi %add3A_167, %and3A_169 : vector<16xi32>
          %add3A_171 = vector.broadcast %mul3A_138 : i32 to vector<16xi32>
          %add3A_172 = arith.addi %add3A_171, %and3A_170 : vector<16xi32>
          %gather3A_173 = tpu.vector_load_idx %arg5[%add3A_140, %add3A_172] : memref<64x128xf32, #tpu.memory_space<vmem>>[vector<16xi32>, vector<16xi32>], vector<16xf32>,
          %mul3A_174 = arith.constant 64 : i32
          %mul3A_175 = vector.broadcast %mul3A_174 : i32 to vector<16xi32>
          %mul3A_176 = arith.muli %add3A_172, %mul3A_175 : vector<16xi32>
          %add3A_177 = arith.addi %mul3A_176, %add3A_140 : vector<16xi32>
          tpu.vector_store_idx %arg7[%add3A_177], %gather3A_173 : memref<8192xf32, #tpu.memory_space<vmem>>[vector<16xi32>], vector<16xf32>,
          %mul3A_178 = arith.constant 8 : i32
          %mul3A_179 = arith.muli %scan3A_147, %mul3A_178 : i32
          %add3A_180 = arith.constant 2 : i32
          %add3A_181 = arith.addi %mul3A_179, %add3A_180 : i32
          %add3A_182 = vector.broadcast %add3A_181 : i32 to vector<16xi32>
          %add3A_183 = arith.addi %iota3A, %add3A_182 : vector<16xi32>
          %and3A_184 = arith.constant 15 : i32
          %and3A_185 = vector.broadcast %and3A_184 : i32 to vector<16xi32>
          %and3A_186 = arith.andi %add3A_183, %and3A_185 : vector<16xi32>
          %add3A_187 = vector.broadcast %mul3A_138 : i32 to vector<16xi32>
          %add3A_188 = arith.addi %add3A_187, %and3A_186 : vector<16xi32>
          %gather3A_189 = tpu.vector_load_idx %arg5[%add3A_140, %add3A_188] : memref<64x128xf32, #tpu.memory_space<vmem>>[vector<16xi32>, vector<16xi32>], vector<16xf32>,
          %mul3A_190 = arith.constant 64 : i32
          %mul3A_191 = vector.broadcast %mul3A_190 : i32 to vector<16xi32>
          %mul3A_192 = arith.muli %add3A_188, %mul3A_191 : vector<16xi32>
          %add3A_193 = arith.addi %mul3A_192, %add3A_140 : vector<16xi32>
          tpu.vector_store_idx %arg7[%add3A_193], %gather3A_189 : memref<8192xf32, #tpu.memory_space<vmem>>[vector<16xi32>], vector<16xf32>,
          %mul3A_194 = arith.constant 8 : i32
          %mul3A_195 = arith.muli %scan3A_147, %mul3A_194 : i32
          %add3A_196 = arith.constant 3 : i32
          %add3A_197 = arith.addi %mul3A_195, %add3A_196 : i32
          %add3A_198 = vector.broadcast %add3A_197 : i32 to vector<16xi32>
          %add3A_199 = arith.addi %iota3A, %add3A_198 : vector<16xi32>
          %and3A_200 = arith.constant 15 : i32
          %and3A_201 = vector.broadcast %and3A_200 : i32 to vector<16xi32>
          %and3A_202 = arith.andi %add3A_199, %and3A_201 : vector<16xi32>
          %add3A_203 = vector.broadcast %mul3A_138 : i32 to vector<16xi32>
          %add3A_204 = arith.addi %add3A_203, %and3A_202 : vector<16xi32>
          %gather3A_205 = tpu.vector_load_idx %arg5[%add3A_140, %add3A_204] : memref<64x128xf32, #tpu.memory_space<vmem>>[vector<16xi32>, vector<16xi32>], vector<16xf32>,
          %mul3A_206 = arith.constant 64 : i32
          %mul3A_207 = vector.broadcast %mul3A_206 : i32 to vector<16xi32>
          %mul3A_208 = arith.muli %add3A_204, %mul3A_207 : vector<16xi32>
          %add3A_209 = arith.addi %mul3A_208, %add3A_140 : vector<16xi32>
          tpu.vector_store_idx %arg7[%add3A_209], %gather3A_205 : memref<8192xf32, #tpu.memory_space<vmem>>[vector<16xi32>], vector<16xf32>,
          %mul3A_210 = arith.constant 8 : i32
          %mul3A_211 = arith.muli %scan3A_147, %mul3A_210 : i32
          %add3A_212 = arith.constant 4 : i32
          %add3A_213 = arith.addi %mul3A_211, %add3A_212 : i32
          %add3A_214 = vector.broadcast %add3A_213 : i32 to vector<16xi32>
          %add3A_215 = arith.addi %iota3A, %add3A_214 : vector<16xi32>
          %and3A_216 = arith.constant 15 : i32
          %and3A_217 = vector.broadcast %and3A_216 : i32 to vector<16xi32>
          %and3A_218 = arith.andi %add3A_215, %and3A_217 : vector<16xi32>
          %add3A_219 = vector.broadcast %mul3A_138 : i32 to vector<16xi32>
          %add3A_220 = arith.addi %add3A_219, %and3A_218 : vector<16xi32>
          %gather3A_221 = tpu.vector_load_idx %arg5[%add3A_140, %add3A_220] : memref<64x128xf32, #tpu.memory_space<vmem>>[vector<16xi32>, vector<16xi32>], vector<16xf32>,
          %mul3A_222 = arith.constant 64 : i32
          %mul3A_223 = vector.broadcast %mul3A_222 : i32 to vector<16xi32>
          %mul3A_224 = arith.muli %add3A_220, %mul3A_223 : vector<16xi32>
          %add3A_225 = arith.addi %mul3A_224, %add3A_140 : vector<16xi32>
          tpu.vector_store_idx %arg7[%add3A_225], %gather3A_221 : memref<8192xf32, #tpu.memory_space<vmem>>[vector<16xi32>], vector<16xf32>,
          %mul3A_226 = arith.constant 8 : i32
          %mul3A_227 = arith.muli %scan3A_147, %mul3A_226 : i32
          %add3A_228 = arith.constant 5 : i32
          %add3A_229 = arith.addi %mul3A_227, %add3A_228 : i32
          %add3A_230 = vector.broadcast %add3A_229 : i32 to vector<16xi32>
          %add3A_231 = arith.addi %iota3A, %add3A_230 : vector<16xi32>
          %and3A_232 = arith.constant 15 : i32
          %and3A_233 = vector.broadcast %and3A_232 : i32 to vector<16xi32>
          %and3A_234 = arith.andi %add3A_231, %and3A_233 : vector<16xi32>
          %add3A_235 = vector.broadcast %mul3A_138 : i32 to vector<16xi32>
          %add3A_236 = arith.addi %add3A_235, %and3A_234 : vector<16xi32>
          %gather3A_237 = tpu.vector_load_idx %arg5[%add3A_140, %add3A_236] : memref<64x128xf32, #tpu.memory_space<vmem>>[vector<16xi32>, vector<16xi32>], vector<16xf32>,
          %mul3A_238 = arith.constant 64 : i32
          %mul3A_239 = vector.broadcast %mul3A_238 : i32 to vector<16xi32>
          %mul3A_240 = arith.muli %add3A_236, %mul3A_239 : vector<16xi32>
          %add3A_241 = arith.addi %mul3A_240, %add3A_140 : vector<16xi32>
          tpu.vector_store_idx %arg7[%add3A_241], %gather3A_237 : memref<8192xf32, #tpu.memory_space<vmem>>[vector<16xi32>], vector<16xf32>,
          %mul3A_242 = arith.constant 8 : i32
          %mul3A_243 = arith.muli %scan3A_147, %mul3A_242 : i32
          %add3A_244 = arith.constant 6 : i32
          %add3A_245 = arith.addi %mul3A_243, %add3A_244 : i32
          %add3A_246 = vector.broadcast %add3A_245 : i32 to vector<16xi32>
          %add3A_247 = arith.addi %iota3A, %add3A_246 : vector<16xi32>
          %and3A_248 = arith.constant 15 : i32
          %and3A_249 = vector.broadcast %and3A_248 : i32 to vector<16xi32>
          %and3A_250 = arith.andi %add3A_247, %and3A_249 : vector<16xi32>
          %add3A_251 = vector.broadcast %mul3A_138 : i32 to vector<16xi32>
          %add3A_252 = arith.addi %add3A_251, %and3A_250 : vector<16xi32>
          %gather3A_253 = tpu.vector_load_idx %arg5[%add3A_140, %add3A_252] : memref<64x128xf32, #tpu.memory_space<vmem>>[vector<16xi32>, vector<16xi32>], vector<16xf32>,
          %mul3A_254 = arith.constant 64 : i32
          %mul3A_255 = vector.broadcast %mul3A_254 : i32 to vector<16xi32>
          %mul3A_256 = arith.muli %add3A_252, %mul3A_255 : vector<16xi32>
          %add3A_257 = arith.addi %mul3A_256, %add3A_140 : vector<16xi32>
          tpu.vector_store_idx %arg7[%add3A_257], %gather3A_253 : memref<8192xf32, #tpu.memory_space<vmem>>[vector<16xi32>], vector<16xf32>,
          %mul3A_258 = arith.constant 8 : i32
          %mul3A_259 = arith.muli %scan3A_147, %mul3A_258 : i32
          %add3A_260 = arith.constant 7 : i32
          %add3A_261 = arith.addi %mul3A_259, %add3A_260 : i32
          %add3A_262 = vector.broadcast %add3A_261 : i32 to vector<16xi32>
          %add3A_263 = arith.addi %iota3A, %add3A_262 : vector<16xi32>
          %and3A_264 = arith.constant 15 : i32
          %and3A_265 = vector.broadcast %and3A_264 : i32 to vector<16xi32>
          %and3A_266 = arith.andi %add3A_263, %and3A_265 : vector<16xi32>
          %add3A_267 = vector.broadcast %mul3A_138 : i32 to vector<16xi32>
          %add3A_268 = arith.addi %add3A_267, %and3A_266 : vector<16xi32>
          %gather3A_269 = tpu.vector_load_idx %arg5[%add3A_140, %add3A_268] : memref<64x128xf32, #tpu.memory_space<vmem>>[vector<16xi32>, vector<16xi32>], vector<16xf32>,
          %mul3A_270 = arith.constant 64 : i32
          %mul3A_271 = vector.broadcast %mul3A_270 : i32 to vector<16xi32>
          %mul3A_272 = arith.muli %add3A_268, %mul3A_271 : vector<16xi32>
          %add3A_273 = arith.addi %mul3A_272, %add3A_140 : vector<16xi32>
          tpu.vector_store_idx %arg7[%add3A_273], %gather3A_269 : memref<8192xf32, #tpu.memory_space<vmem>>[vector<16xi32>], vector<16xf32>,
        }
        %scan3A_146 = arith.constant 2 : i32
      }
      %scan3A_129 = arith.constant 32 : i32
      %mul3A_130 = arith.constant 8192 : i32
      %mul3A_131 = arith.muli %add3A_121, %mul3A_130 : i32
      "tpu.region"() ({
        %run_scoped3A = tpu.sem_alloc : memref<!tpu.dma_semaphore, #tpu.memory_space<semaphore_mem>>
        %dma_start3A_132 = tpu.memref_slice %arg4[%mul3A_131] : memref<64001024xf32, #tpu.memory_space<hbm>> -> memref<8192xf32, #tpu.memory_space<hbm>>
        %dma_start3A_133 = tpu.memref_slice %arg4[%mul3A_131] : memref<64001024xf32, #tpu.memory_space<hbm>> -> memref<8192xf32, #tpu.memory_space<hbm>>
        tpu.enqueue_dma source(%arg7 : memref<8192xf32, #tpu.memory_space<vmem>>) target(%dma_start3A_133 : memref<8192xf32, #tpu.memory_space<hbm>>) target_semaphore(%run_scoped3A : memref<!tpu.dma_semaphore, #tpu.memory_space<semaphore_mem>>)
        %dma_wait3A_134 = tpu.memref_slice %arg4[%mul3A_131] : memref<64001024xf32, #tpu.memory_space<hbm>> -> memref<8192xf32, #tpu.memory_space<hbm>>
        %dma_wait3A_135 = tpu.memref_slice %arg4[%mul3A_131] : memref<64001024xf32, #tpu.memory_space<hbm>> -> memref<8192xf32, #tpu.memory_space<hbm>>
        tpu.wait_dma2 semaphore(%run_scoped3A : memref<!tpu.dma_semaphore, #tpu.memory_space<semaphore_mem>>) src(%arg7 : memref<8192xf32, #tpu.memory_space<vmem>>) dst(%dma_wait3A_135 : memref<8192xf32, #tpu.memory_space<hbm>>)
        tpu.yield
      }) : () -> ()
    } else {
    }
    %eq3A = arith.constant 4 : i32
    %eq3A_116 = arith.cmpi eq, %add3A, %eq3A : i32
    %convert_element_type3A_117 = arith.extui %eq3A_116 : i1 to i32
    %cond3A_118 = arith.constant 0 : i32
    %cond3A_119 = arith.cmpi ne, %convert_element_type3A_117, %cond3A_118 : i32
    scf.if %cond3A_119 {
      "tpu.region"() ({
        %run_scoped3A = tpu.sem_alloc : memref<!tpu.dma_semaphore, #tpu.memory_space<semaphore_mem>>
        tpu.enqueue_dma source(%arg3 : memref<5120xf32, #tpu.memory_space<hbm>>) target(%arg9 : memref<5120xf32, #tpu.memory_space<vmem>>) target_semaphore(%run_scoped3A : memref<!tpu.dma_semaphore, #tpu.memory_space<semaphore_mem>>)
        tpu.wait_dma2 semaphore(%run_scoped3A : memref<!tpu.dma_semaphore, #tpu.memory_space<semaphore_mem>>) src(%arg3 : memref<5120xf32, #tpu.memory_space<hbm>>) dst(%arg9 : memref<5120xf32, #tpu.memory_space<vmem>>)
        tpu.yield
      }) : () -> ()
      "tpu.region"() ({
        %run_scoped3A = tpu.sem_alloc : memref<!tpu.dma_semaphore, #tpu.memory_space<semaphore_mem>>
        %dma_start3A_120 = arith.constant 63995904 : i32
        %dma_start3A_121 = tpu.memref_slice %arg4[%dma_start3A_120] : memref<64001024xf32, #tpu.memory_space<hbm>> -> memref<5120xf32, #tpu.memory_space<hbm>>
        %dma_start3A_122 = arith.constant 63995904 : i32
        %dma_start3A_123 = tpu.memref_slice %arg4[%dma_start3A_122] : memref<64001024xf32, #tpu.memory_space<hbm>> -> memref<5120xf32, #tpu.memory_space<hbm>>
        tpu.enqueue_dma source(%arg9 : memref<5120xf32, #tpu.memory_space<vmem>>) target(%dma_start3A_123 : memref<5120xf32, #tpu.memory_space<hbm>>) target_semaphore(%run_scoped3A : memref<!tpu.dma_semaphore, #tpu.memory_space<semaphore_mem>>)
        %dma_wait3A_124 = arith.constant 63995904 : i32
        %dma_wait3A_125 = tpu.memref_slice %arg4[%dma_wait3A_124] : memref<64001024xf32, #tpu.memory_space<hbm>> -> memref<5120xf32, #tpu.memory_space<hbm>>
        %dma_wait3A_126 = arith.constant 63995904 : i32
        %dma_wait3A_127 = tpu.memref_slice %arg4[%dma_wait3A_126] : memref<64001024xf32, #tpu.memory_space<hbm>> -> memref<5120xf32, #tpu.memory_space<hbm>>
        tpu.wait_dma2 semaphore(%run_scoped3A : memref<!tpu.dma_semaphore, #tpu.memory_space<semaphore_mem>>) src(%arg9 : memref<5120xf32, #tpu.memory_space<vmem>>) dst(%dma_wait3A_127 : memref<5120xf32, #tpu.memory_space<hbm>>)
        tpu.yield
      }) : () -> ()
    } else {
    }
    return
  }
}

#map = affine_map<(d0, d1) -> (0, 0)>
#map1 = affine_map<(d0, d1) -> (0)>
module attributes {stable_mosaic.version = 14 : i64} {
  func.func @_gather_body(%arg0: i32, %arg1: i32, %arg2: memref<200x4096xi32, #tpu.memory_space<hbm>>, %arg3: memref<1000016x64xf32, #tpu.memory_space<hbm>>, %arg4: memref<52428800xf32, #tpu.memory_space<hbm>>, %arg5: memref<200x128xi32, #tpu.memory_space<vmem>>, %arg6: memref<128x64xf32, #tpu.memory_space<vmem>>, %arg7: memref<128x64xf32, #tpu.memory_space<vmem>>, %arg8: memref<8192xf32, #tpu.memory_space<vmem>>, %arg9: memref<8192xf32, #tpu.memory_space<vmem>>, %arg10: memref<2x!tpu.dma_semaphore, #tpu.memory_space<semaphore_mem>>, %arg11: memref<2x!tpu.dma_semaphore, #tpu.memory_space<semaphore_mem>>) attributes {dimension_semantics = [#tpu.dimension_semantics<core_parallel>, #tpu.dimension_semantics<subcore_parallel>], iteration_bounds = array<i64: 2, 16>, scalar_prefetch = 0 : i64, scratch_operands = 7 : i64, tpu.core_type = #tpu.core_type<sc_vector_subcore>, window_params = [{transform_indices = #map}, {transform_indices = #map}, {transform_indices = #map1}]} {
    %mul3A = arith.constant 2 : i32
    %mul3A_0 = arith.muli %arg1, %mul3A : i32
    %add3A = arith.addi %mul3A_0, %arg0 : i32
    %iota3A = tpu.iota {dimensions = array<i32: 0>} : vector<16xi32>
    %mul3A_1 = arith.constant 128 : i32
    %mul3A_2 = arith.muli %add3A, %mul3A_1 : i32
    "tpu.region"() ({
      %run_scoped3A = tpu.sem_alloc : memref<!tpu.dma_semaphore, #tpu.memory_space<semaphore_mem>>
      %dma_start3A_682 = arith.constant 0 : i32
      %dma_start3A_683 = tpu.memref_slice %arg2[%dma_start3A_682, %mul3A_2] : memref<200x4096xi32, #tpu.memory_space<hbm>> -> memref<200x128xi32, #tpu.memory_space<hbm>>
      %dma_start3A_684 = arith.constant 0 : i32
      %dma_start3A_685 = tpu.memref_slice %arg2[%dma_start3A_684, %mul3A_2] : memref<200x4096xi32, #tpu.memory_space<hbm>> -> memref<200x128xi32, #tpu.memory_space<hbm>>
      tpu.enqueue_dma source(%dma_start3A_685 : memref<200x128xi32, #tpu.memory_space<hbm>>) target(%arg5 : memref<200x128xi32, #tpu.memory_space<vmem>>) target_semaphore(%run_scoped3A : memref<!tpu.dma_semaphore, #tpu.memory_space<semaphore_mem>>)
      %dma_wait3A_686 = arith.constant 0 : i32
      %dma_wait3A_687 = tpu.memref_slice %arg2[%dma_wait3A_686, %mul3A_2] : memref<200x4096xi32, #tpu.memory_space<hbm>> -> memref<200x128xi32, #tpu.memory_space<hbm>>
      %dma_wait3A_688 = arith.constant 0 : i32
      %dma_wait3A_689 = tpu.memref_slice %arg2[%dma_wait3A_688, %mul3A_2] : memref<200x4096xi32, #tpu.memory_space<hbm>> -> memref<200x128xi32, #tpu.memory_space<hbm>>
      tpu.wait_dma2 semaphore(%run_scoped3A : memref<!tpu.dma_semaphore, #tpu.memory_space<semaphore_mem>>) src(%dma_wait3A_689 : memref<200x128xi32, #tpu.memory_space<hbm>>) dst(%arg5 : memref<200x128xi32, #tpu.memory_space<vmem>>)
      tpu.yield
    }) : () -> ()
    %dma_start3A = arith.constant 0 : i32
    %dma_start3A_3 = arith.constant 0 : i32
    %dma_start3A_4 = arith.constant 0 : i32
    %dma_start3A_5 = tpu.memref_slice %arg5[%dma_start3A, %dma_start3A_4] : memref<200x128xi32, #tpu.memory_space<vmem>> -> memref<1x128xi32, #tpu.memory_space<vmem>>
    %dma_start3A_6 = tpu.memref_squeeze %dma_start3A_5 : memref<1x128xi32, #tpu.memory_space<vmem>> -> memref<128xi32, #tpu.memory_space<vmem>>
    %dma_start3A_7 = arith.constant 0 : i32
    %dma_start3A_8 = arith.constant 0 : i32
    %dma_start3A_9 = tpu.memref_slice %arg3[%dma_start3A_7, %dma_start3A_8] : memref<1000016x64xf32, #tpu.memory_space<hbm>> -> memref<1000016x64xf32, #tpu.memory_space<hbm>>
    %dma_start3A_10 = tpu.memref_slice %arg10[%dma_start3A_3] : memref<2x!tpu.dma_semaphore, #tpu.memory_space<semaphore_mem>> -> memref<1x!tpu.dma_semaphore, #tpu.memory_space<semaphore_mem>>
    %dma_start3A_11 = tpu.memref_squeeze %dma_start3A_10 : memref<1x!tpu.dma_semaphore, #tpu.memory_space<semaphore_mem>> -> memref<!tpu.dma_semaphore, #tpu.memory_space<semaphore_mem>>
    tpu.enqueue_indirect_dma source(%dma_start3A_9 : memref<1000016x64xf32, #tpu.memory_space<hbm>>) target(%arg6 : memref<128x64xf32, #tpu.memory_space<vmem>>) offsets(%dma_start3A_6 : memref<128xi32, #tpu.memory_space<vmem>>) semaphore(%dma_start3A_11 : memref<!tpu.dma_semaphore, #tpu.memory_space<semaphore_mem>>)
    %scan3A = arith.constant 0 : i32
    %scan3A_12 = arith.constant 0 : i32
    %scan3A_13 = arith.constant 99 : i32
    %scan3A_14 = arith.addi %scan3A_12, %scan3A_13 : i32
    %scan3A_15 = arith.constant 1 : i32
    scf.for %scan3A_682 = %scan3A_12 to %scan3A_14 step %scan3A_15  : i32 {
      %mul3A_683 = arith.constant 2 : i32
      %mul3A_684 = arith.muli %mul3A_683, %scan3A_682 : i32
      %add3A_685 = arith.constant 1 : i32
      %add3A_686 = arith.addi %mul3A_684, %add3A_685 : i32
      %dma_start3A_687 = arith.constant 1 : i32
      %dma_start3A_688 = arith.constant 0 : i32
      %dma_start3A_689 = tpu.memref_slice %arg5[%add3A_686, %dma_start3A_688] : memref<200x128xi32, #tpu.memory_space<vmem>> -> memref<1x128xi32, #tpu.memory_space<vmem>>
      %dma_start3A_690 = tpu.memref_squeeze %dma_start3A_689 : memref<1x128xi32, #tpu.memory_space<vmem>> -> memref<128xi32, #tpu.memory_space<vmem>>
      %dma_start3A_691 = arith.constant 0 : i32
      %dma_start3A_692 = arith.constant 0 : i32
      %dma_start3A_693 = tpu.memref_slice %arg3[%dma_start3A_691, %dma_start3A_692] : memref<1000016x64xf32, #tpu.memory_space<hbm>> -> memref<1000016x64xf32, #tpu.memory_space<hbm>>
      %dma_start3A_694 = tpu.memref_slice %arg10[%dma_start3A_687] : memref<2x!tpu.dma_semaphore, #tpu.memory_space<semaphore_mem>> -> memref<1x!tpu.dma_semaphore, #tpu.memory_space<semaphore_mem>>
      %dma_start3A_695 = tpu.memref_squeeze %dma_start3A_694 : memref<1x!tpu.dma_semaphore, #tpu.memory_space<semaphore_mem>> -> memref<!tpu.dma_semaphore, #tpu.memory_space<semaphore_mem>>
      tpu.enqueue_indirect_dma source(%dma_start3A_693 : memref<1000016x64xf32, #tpu.memory_space<hbm>>) target(%arg7 : memref<128x64xf32, #tpu.memory_space<vmem>>) offsets(%dma_start3A_690 : memref<128xi32, #tpu.memory_space<vmem>>) semaphore(%dma_start3A_695 : memref<!tpu.dma_semaphore, #tpu.memory_space<semaphore_mem>>)
      %dma_wait3A_696 = arith.constant 0 : i32
      %dma_wait3A_697 = arith.constant 0 : i32
      %dma_wait3A_698 = tpu.memref_slice %arg5[%mul3A_684, %dma_wait3A_697] : memref<200x128xi32, #tpu.memory_space<vmem>> -> memref<1x128xi32, #tpu.memory_space<vmem>>
      %dma_wait3A_699 = tpu.memref_squeeze %dma_wait3A_698 : memref<1x128xi32, #tpu.memory_space<vmem>> -> memref<128xi32, #tpu.memory_space<vmem>>
      %dma_wait3A_700 = arith.constant 0 : i32
      %dma_wait3A_701 = arith.constant 0 : i32
      %dma_wait3A_702 = tpu.memref_slice %arg3[%dma_wait3A_700, %dma_wait3A_701] : memref<1000016x64xf32, #tpu.memory_space<hbm>> -> memref<1000016x64xf32, #tpu.memory_space<hbm>>
      %dma_wait3A_703 = tpu.memref_slice %arg10[%dma_wait3A_696] : memref<2x!tpu.dma_semaphore, #tpu.memory_space<semaphore_mem>> -> memref<1x!tpu.dma_semaphore, #tpu.memory_space<semaphore_mem>>
      %dma_wait3A_704 = tpu.memref_squeeze %dma_wait3A_703 : memref<1x!tpu.dma_semaphore, #tpu.memory_space<semaphore_mem>> -> memref<!tpu.dma_semaphore, #tpu.memory_space<semaphore_mem>>
      tpu.wait_indirect_dma semaphore(%dma_wait3A_704 : memref<!tpu.dma_semaphore, #tpu.memory_space<semaphore_mem>>) src(%dma_wait3A_702 : memref<1000016x64xf32, #tpu.memory_space<hbm>>) dst(%arg6 : memref<128x64xf32, #tpu.memory_space<vmem>>)
      %ge3A = arith.constant 2 : i32
      %ge3A_705 = arith.cmpi sge, %mul3A_684, %ge3A : i32
      %convert_element_type3A = arith.extui %ge3A_705 : i1 to i32
      %cond3A = arith.constant 0 : i32
      %cond3A_706 = arith.cmpi ne, %convert_element_type3A, %cond3A : i32
      scf.if %cond3A_706 {
        %sub3A = arith.constant 2 : i32
        %sub3A_1034 = arith.subi %mul3A_684, %sub3A : i32
        %mul3A_1035 = arith.constant 8 : i32
        %mul3A_1036 = arith.muli %sub3A_1034, %mul3A_1035 : i32
        %add3A_1037 = arith.constant 0 : i32
        %add3A_1038 = arith.addi %mul3A_1036, %add3A_1037 : i32
        %mul3A_1039 = arith.constant 32 : i32
        %mul3A_1040 = arith.muli %add3A_1038, %mul3A_1039 : i32
        %add3A_1041 = arith.addi %mul3A_1040, %add3A : i32
        %mul3A_1042 = arith.constant 1024 : i32
        %mul3A_1043 = arith.muli %add3A_1041, %mul3A_1042 : i32
        %dma_wait3A_1044 = arith.constant 0 : i32
        %dma_wait3A_1045 = arith.constant 0 : i32
        %dma_wait3A_1046 = tpu.memref_slice %arg8[%dma_wait3A_1045] : memref<8192xf32, #tpu.memory_space<vmem>> -> memref<1024xf32, #tpu.memory_space<vmem>>
        %dma_wait3A_1047 = tpu.memref_slice %arg4[%mul3A_1043] : memref<52428800xf32, #tpu.memory_space<hbm>> -> memref<1024xf32, #tpu.memory_space<hbm>>
        %dma_wait3A_1048 = tpu.memref_slice %arg11[%dma_wait3A_1044] : memref<2x!tpu.dma_semaphore, #tpu.memory_space<semaphore_mem>> -> memref<1x!tpu.dma_semaphore, #tpu.memory_space<semaphore_mem>>
        %dma_wait3A_1049 = tpu.memref_squeeze %dma_wait3A_1048 : memref<1x!tpu.dma_semaphore, #tpu.memory_space<semaphore_mem>> -> memref<!tpu.dma_semaphore, #tpu.memory_space<semaphore_mem>>
        %dma_wait3A_1050 = tpu.memref_slice %arg4[%mul3A_1043] : memref<52428800xf32, #tpu.memory_space<hbm>> -> memref<1024xf32, #tpu.memory_space<hbm>>
        %dma_wait3A_1051 = arith.constant 0 : i32
        %dma_wait3A_1052 = tpu.memref_slice %arg8[%dma_wait3A_1051] : memref<8192xf32, #tpu.memory_space<vmem>> -> memref<1024xf32, #tpu.memory_space<vmem>>
        tpu.wait_dma2 semaphore(%dma_wait3A_1049 : memref<!tpu.dma_semaphore, #tpu.memory_space<semaphore_mem>>) src(%dma_wait3A_1052 : memref<1024xf32, #tpu.memory_space<vmem>>) dst(%dma_wait3A_1050 : memref<1024xf32, #tpu.memory_space<hbm>>)
        %mul3A_1053 = arith.constant 8 : i32
        %mul3A_1054 = arith.muli %sub3A_1034, %mul3A_1053 : i32
        %add3A_1055 = arith.constant 1 : i32
        %add3A_1056 = arith.addi %mul3A_1054, %add3A_1055 : i32
        %mul3A_1057 = arith.constant 32 : i32
        %mul3A_1058 = arith.muli %add3A_1056, %mul3A_1057 : i32
        %add3A_1059 = arith.addi %mul3A_1058, %add3A : i32
        %mul3A_1060 = arith.constant 1024 : i32
        %mul3A_1061 = arith.muli %add3A_1059, %mul3A_1060 : i32
        %dma_wait3A_1062 = arith.constant 0 : i32
        %dma_wait3A_1063 = arith.constant 1024 : i32
        %dma_wait3A_1064 = tpu.memref_slice %arg8[%dma_wait3A_1063] : memref<8192xf32, #tpu.memory_space<vmem>> -> memref<1024xf32, #tpu.memory_space<vmem>>
        %dma_wait3A_1065 = tpu.memref_slice %arg4[%mul3A_1061] : memref<52428800xf32, #tpu.memory_space<hbm>> -> memref<1024xf32, #tpu.memory_space<hbm>>
        %dma_wait3A_1066 = tpu.memref_slice %arg11[%dma_wait3A_1062] : memref<2x!tpu.dma_semaphore, #tpu.memory_space<semaphore_mem>> -> memref<1x!tpu.dma_semaphore, #tpu.memory_space<semaphore_mem>>
        %dma_wait3A_1067 = tpu.memref_squeeze %dma_wait3A_1066 : memref<1x!tpu.dma_semaphore, #tpu.memory_space<semaphore_mem>> -> memref<!tpu.dma_semaphore, #tpu.memory_space<semaphore_mem>>
        %dma_wait3A_1068 = tpu.memref_slice %arg4[%mul3A_1061] : memref<52428800xf32, #tpu.memory_space<hbm>> -> memref<1024xf32, #tpu.memory_space<hbm>>
        %dma_wait3A_1069 = arith.constant 1024 : i32
        %dma_wait3A_1070 = tpu.memref_slice %arg8[%dma_wait3A_1069] : memref<8192xf32, #tpu.memory_space<vmem>> -> memref<1024xf32, #tpu.memory_space<vmem>>
        tpu.wait_dma2 semaphore(%dma_wait3A_1067 : memref<!tpu.dma_semaphore, #tpu.memory_space<semaphore_mem>>) src(%dma_wait3A_1070 : memref<1024xf32, #tpu.memory_space<vmem>>) dst(%dma_wait3A_1068 : memref<1024xf32, #tpu.memory_space<hbm>>)
        %mul3A_1071 = arith.constant 8 : i32
        %mul3A_1072 = arith.muli %sub3A_1034, %mul3A_1071 : i32
        %add3A_1073 = arith.constant 2 : i32
        %add3A_1074 = arith.addi %mul3A_1072, %add3A_1073 : i32
        %mul3A_1075 = arith.constant 32 : i32
        %mul3A_1076 = arith.muli %add3A_1074, %mul3A_1075 : i32
        %add3A_1077 = arith.addi %mul3A_1076, %add3A : i32
        %mul3A_1078 = arith.constant 1024 : i32
        %mul3A_1079 = arith.muli %add3A_1077, %mul3A_1078 : i32
        %dma_wait3A_1080 = arith.constant 0 : i32
        %dma_wait3A_1081 = arith.constant 2048 : i32
        %dma_wait3A_1082 = tpu.memref_slice %arg8[%dma_wait3A_1081] : memref<8192xf32, #tpu.memory_space<vmem>> -> memref<1024xf32, #tpu.memory_space<vmem>>
        %dma_wait3A_1083 = tpu.memref_slice %arg4[%mul3A_1079] : memref<52428800xf32, #tpu.memory_space<hbm>> -> memref<1024xf32, #tpu.memory_space<hbm>>
        %dma_wait3A_1084 = tpu.memref_slice %arg11[%dma_wait3A_1080] : memref<2x!tpu.dma_semaphore, #tpu.memory_space<semaphore_mem>> -> memref<1x!tpu.dma_semaphore, #tpu.memory_space<semaphore_mem>>
        %dma_wait3A_1085 = tpu.memref_squeeze %dma_wait3A_1084 : memref<1x!tpu.dma_semaphore, #tpu.memory_space<semaphore_mem>> -> memref<!tpu.dma_semaphore, #tpu.memory_space<semaphore_mem>>
        %dma_wait3A_1086 = tpu.memref_slice %arg4[%mul3A_1079] : memref<52428800xf32, #tpu.memory_space<hbm>> -> memref<1024xf32, #tpu.memory_space<hbm>>
        %dma_wait3A_1087 = arith.constant 2048 : i32
        %dma_wait3A_1088 = tpu.memref_slice %arg8[%dma_wait3A_1087] : memref<8192xf32, #tpu.memory_space<vmem>> -> memref<1024xf32, #tpu.memory_space<vmem>>
        tpu.wait_dma2 semaphore(%dma_wait3A_1085 : memref<!tpu.dma_semaphore, #tpu.memory_space<semaphore_mem>>) src(%dma_wait3A_1088 : memref<1024xf32, #tpu.memory_space<vmem>>) dst(%dma_wait3A_1086 : memref<1024xf32, #tpu.memory_space<hbm>>)
        %mul3A_1089 = arith.constant 8 : i32
        %mul3A_1090 = arith.muli %sub3A_1034, %mul3A_1089 : i32
        %add3A_1091 = arith.constant 3 : i32
        %add3A_1092 = arith.addi %mul3A_1090, %add3A_1091 : i32
        %mul3A_1093 = arith.constant 32 : i32
        %mul3A_1094 = arith.muli %add3A_1092, %mul3A_1093 : i32
        %add3A_1095 = arith.addi %mul3A_1094, %add3A : i32
        %mul3A_1096 = arith.constant 1024 : i32
        %mul3A_1097 = arith.muli %add3A_1095, %mul3A_1096 : i32
        %dma_wait3A_1098 = arith.constant 0 : i32
        %dma_wait3A_1099 = arith.constant 3072 : i32
        %dma_wait3A_1100 = tpu.memref_slice %arg8[%dma_wait3A_1099] : memref<8192xf32, #tpu.memory_space<vmem>> -> memref<1024xf32, #tpu.memory_space<vmem>>
        %dma_wait3A_1101 = tpu.memref_slice %arg4[%mul3A_1097] : memref<52428800xf32, #tpu.memory_space<hbm>> -> memref<1024xf32, #tpu.memory_space<hbm>>
        %dma_wait3A_1102 = tpu.memref_slice %arg11[%dma_wait3A_1098] : memref<2x!tpu.dma_semaphore, #tpu.memory_space<semaphore_mem>> -> memref<1x!tpu.dma_semaphore, #tpu.memory_space<semaphore_mem>>
        %dma_wait3A_1103 = tpu.memref_squeeze %dma_wait3A_1102 : memref<1x!tpu.dma_semaphore, #tpu.memory_space<semaphore_mem>> -> memref<!tpu.dma_semaphore, #tpu.memory_space<semaphore_mem>>
        %dma_wait3A_1104 = tpu.memref_slice %arg4[%mul3A_1097] : memref<52428800xf32, #tpu.memory_space<hbm>> -> memref<1024xf32, #tpu.memory_space<hbm>>
        %dma_wait3A_1105 = arith.constant 3072 : i32
        %dma_wait3A_1106 = tpu.memref_slice %arg8[%dma_wait3A_1105] : memref<8192xf32, #tpu.memory_space<vmem>> -> memref<1024xf32, #tpu.memory_space<vmem>>
        tpu.wait_dma2 semaphore(%dma_wait3A_1103 : memref<!tpu.dma_semaphore, #tpu.memory_space<semaphore_mem>>) src(%dma_wait3A_1106 : memref<1024xf32, #tpu.memory_space<vmem>>) dst(%dma_wait3A_1104 : memref<1024xf32, #tpu.memory_space<hbm>>)
        %mul3A_1107 = arith.constant 8 : i32
        %mul3A_1108 = arith.muli %sub3A_1034, %mul3A_1107 : i32
        %add3A_1109 = arith.constant 4 : i32
        %add3A_1110 = arith.addi %mul3A_1108, %add3A_1109 : i32
        %mul3A_1111 = arith.constant 32 : i32
        %mul3A_1112 = arith.muli %add3A_1110, %mul3A_1111 : i32
        %add3A_1113 = arith.addi %mul3A_1112, %add3A : i32
        %mul3A_1114 = arith.constant 1024 : i32
        %mul3A_1115 = arith.muli %add3A_1113, %mul3A_1114 : i32
        %dma_wait3A_1116 = arith.constant 0 : i32
        %dma_wait3A_1117 = arith.constant 4096 : i32
        %dma_wait3A_1118 = tpu.memref_slice %arg8[%dma_wait3A_1117] : memref<8192xf32, #tpu.memory_space<vmem>> -> memref<1024xf32, #tpu.memory_space<vmem>>
        %dma_wait3A_1119 = tpu.memref_slice %arg4[%mul3A_1115] : memref<52428800xf32, #tpu.memory_space<hbm>> -> memref<1024xf32, #tpu.memory_space<hbm>>
        %dma_wait3A_1120 = tpu.memref_slice %arg11[%dma_wait3A_1116] : memref<2x!tpu.dma_semaphore, #tpu.memory_space<semaphore_mem>> -> memref<1x!tpu.dma_semaphore, #tpu.memory_space<semaphore_mem>>
        %dma_wait3A_1121 = tpu.memref_squeeze %dma_wait3A_1120 : memref<1x!tpu.dma_semaphore, #tpu.memory_space<semaphore_mem>> -> memref<!tpu.dma_semaphore, #tpu.memory_space<semaphore_mem>>
        %dma_wait3A_1122 = tpu.memref_slice %arg4[%mul3A_1115] : memref<52428800xf32, #tpu.memory_space<hbm>> -> memref<1024xf32, #tpu.memory_space<hbm>>
        %dma_wait3A_1123 = arith.constant 4096 : i32
        %dma_wait3A_1124 = tpu.memref_slice %arg8[%dma_wait3A_1123] : memref<8192xf32, #tpu.memory_space<vmem>> -> memref<1024xf32, #tpu.memory_space<vmem>>
        tpu.wait_dma2 semaphore(%dma_wait3A_1121 : memref<!tpu.dma_semaphore, #tpu.memory_space<semaphore_mem>>) src(%dma_wait3A_1124 : memref<1024xf32, #tpu.memory_space<vmem>>) dst(%dma_wait3A_1122 : memref<1024xf32, #tpu.memory_space<hbm>>)
        %mul3A_1125 = arith.constant 8 : i32
        %mul3A_1126 = arith.muli %sub3A_1034, %mul3A_1125 : i32
        %add3A_1127 = arith.constant 5 : i32
        %add3A_1128 = arith.addi %mul3A_1126, %add3A_1127 : i32
        %mul3A_1129 = arith.constant 32 : i32
        %mul3A_1130 = arith.muli %add3A_1128, %mul3A_1129 : i32
        %add3A_1131 = arith.addi %mul3A_1130, %add3A : i32
        %mul3A_1132 = arith.constant 1024 : i32
        %mul3A_1133 = arith.muli %add3A_1131, %mul3A_1132 : i32
        %dma_wait3A_1134 = arith.constant 0 : i32
        %dma_wait3A_1135 = arith.constant 5120 : i32
        %dma_wait3A_1136 = tpu.memref_slice %arg8[%dma_wait3A_1135] : memref<8192xf32, #tpu.memory_space<vmem>> -> memref<1024xf32, #tpu.memory_space<vmem>>
        %dma_wait3A_1137 = tpu.memref_slice %arg4[%mul3A_1133] : memref<52428800xf32, #tpu.memory_space<hbm>> -> memref<1024xf32, #tpu.memory_space<hbm>>
        %dma_wait3A_1138 = tpu.memref_slice %arg11[%dma_wait3A_1134] : memref<2x!tpu.dma_semaphore, #tpu.memory_space<semaphore_mem>> -> memref<1x!tpu.dma_semaphore, #tpu.memory_space<semaphore_mem>>
        %dma_wait3A_1139 = tpu.memref_squeeze %dma_wait3A_1138 : memref<1x!tpu.dma_semaphore, #tpu.memory_space<semaphore_mem>> -> memref<!tpu.dma_semaphore, #tpu.memory_space<semaphore_mem>>
        %dma_wait3A_1140 = tpu.memref_slice %arg4[%mul3A_1133] : memref<52428800xf32, #tpu.memory_space<hbm>> -> memref<1024xf32, #tpu.memory_space<hbm>>
        %dma_wait3A_1141 = arith.constant 5120 : i32
        %dma_wait3A_1142 = tpu.memref_slice %arg8[%dma_wait3A_1141] : memref<8192xf32, #tpu.memory_space<vmem>> -> memref<1024xf32, #tpu.memory_space<vmem>>
        tpu.wait_dma2 semaphore(%dma_wait3A_1139 : memref<!tpu.dma_semaphore, #tpu.memory_space<semaphore_mem>>) src(%dma_wait3A_1142 : memref<1024xf32, #tpu.memory_space<vmem>>) dst(%dma_wait3A_1140 : memref<1024xf32, #tpu.memory_space<hbm>>)
        %mul3A_1143 = arith.constant 8 : i32
        %mul3A_1144 = arith.muli %sub3A_1034, %mul3A_1143 : i32
        %add3A_1145 = arith.constant 6 : i32
        %add3A_1146 = arith.addi %mul3A_1144, %add3A_1145 : i32
        %mul3A_1147 = arith.constant 32 : i32
        %mul3A_1148 = arith.muli %add3A_1146, %mul3A_1147 : i32
        %add3A_1149 = arith.addi %mul3A_1148, %add3A : i32
        %mul3A_1150 = arith.constant 1024 : i32
        %mul3A_1151 = arith.muli %add3A_1149, %mul3A_1150 : i32
        %dma_wait3A_1152 = arith.constant 0 : i32
        %dma_wait3A_1153 = arith.constant 6144 : i32
        %dma_wait3A_1154 = tpu.memref_slice %arg8[%dma_wait3A_1153] : memref<8192xf32, #tpu.memory_space<vmem>> -> memref<1024xf32, #tpu.memory_space<vmem>>
        %dma_wait3A_1155 = tpu.memref_slice %arg4[%mul3A_1151] : memref<52428800xf32, #tpu.memory_space<hbm>> -> memref<1024xf32, #tpu.memory_space<hbm>>
        %dma_wait3A_1156 = tpu.memref_slice %arg11[%dma_wait3A_1152] : memref<2x!tpu.dma_semaphore, #tpu.memory_space<semaphore_mem>> -> memref<1x!tpu.dma_semaphore, #tpu.memory_space<semaphore_mem>>
        %dma_wait3A_1157 = tpu.memref_squeeze %dma_wait3A_1156 : memref<1x!tpu.dma_semaphore, #tpu.memory_space<semaphore_mem>> -> memref<!tpu.dma_semaphore, #tpu.memory_space<semaphore_mem>>
        %dma_wait3A_1158 = tpu.memref_slice %arg4[%mul3A_1151] : memref<52428800xf32, #tpu.memory_space<hbm>> -> memref<1024xf32, #tpu.memory_space<hbm>>
        %dma_wait3A_1159 = arith.constant 6144 : i32
        %dma_wait3A_1160 = tpu.memref_slice %arg8[%dma_wait3A_1159] : memref<8192xf32, #tpu.memory_space<vmem>> -> memref<1024xf32, #tpu.memory_space<vmem>>
        tpu.wait_dma2 semaphore(%dma_wait3A_1157 : memref<!tpu.dma_semaphore, #tpu.memory_space<semaphore_mem>>) src(%dma_wait3A_1160 : memref<1024xf32, #tpu.memory_space<vmem>>) dst(%dma_wait3A_1158 : memref<1024xf32, #tpu.memory_space<hbm>>)
        %mul3A_1161 = arith.constant 8 : i32
        %mul3A_1162 = arith.muli %sub3A_1034, %mul3A_1161 : i32
        %add3A_1163 = arith.constant 7 : i32
        %add3A_1164 = arith.addi %mul3A_1162, %add3A_1163 : i32
        %mul3A_1165 = arith.constant 32 : i32
        %mul3A_1166 = arith.muli %add3A_1164, %mul3A_1165 : i32
        %add3A_1167 = arith.addi %mul3A_1166, %add3A : i32
        %mul3A_1168 = arith.constant 1024 : i32
        %mul3A_1169 = arith.muli %add3A_1167, %mul3A_1168 : i32
        %dma_wait3A_1170 = arith.constant 0 : i32
        %dma_wait3A_1171 = arith.constant 7168 : i32
        %dma_wait3A_1172 = tpu.memref_slice %arg8[%dma_wait3A_1171] : memref<8192xf32, #tpu.memory_space<vmem>> -> memref<1024xf32, #tpu.memory_space<vmem>>
        %dma_wait3A_1173 = tpu.memref_slice %arg4[%mul3A_1169] : memref<52428800xf32, #tpu.memory_space<hbm>> -> memref<1024xf32, #tpu.memory_space<hbm>>
        %dma_wait3A_1174 = tpu.memref_slice %arg11[%dma_wait3A_1170] : memref<2x!tpu.dma_semaphore, #tpu.memory_space<semaphore_mem>> -> memref<1x!tpu.dma_semaphore, #tpu.memory_space<semaphore_mem>>
        %dma_wait3A_1175 = tpu.memref_squeeze %dma_wait3A_1174 : memref<1x!tpu.dma_semaphore, #tpu.memory_space<semaphore_mem>> -> memref<!tpu.dma_semaphore, #tpu.memory_space<semaphore_mem>>
        %dma_wait3A_1176 = tpu.memref_slice %arg4[%mul3A_1169] : memref<52428800xf32, #tpu.memory_space<hbm>> -> memref<1024xf32, #tpu.memory_space<hbm>>
        %dma_wait3A_1177 = arith.constant 7168 : i32
        %dma_wait3A_1178 = tpu.memref_slice %arg8[%dma_wait3A_1177] : memref<8192xf32, #tpu.memory_space<vmem>> -> memref<1024xf32, #tpu.memory_space<vmem>>
        tpu.wait_dma2 semaphore(%dma_wait3A_1175 : memref<!tpu.dma_semaphore, #tpu.memory_space<semaphore_mem>>) src(%dma_wait3A_1178 : memref<1024xf32, #tpu.memory_space<vmem>>) dst(%dma_wait3A_1176 : memref<1024xf32, #tpu.memory_space<hbm>>)
      } else {
      }
      %scan3A_707 = arith.constant 0 : i32
      %scan3A_708 = arith.constant 0 : i32
      %scan3A_709 = arith.constant 32 : i32
      %scan3A_710 = arith.addi %scan3A_708, %scan3A_709 : i32
      %scan3A_711 = arith.constant 1 : i32
      scf.for %scan3A_1034 = %scan3A_708 to %scan3A_710 step %scan3A_711  : i32 {
        %rem3A = arith.constant 8 : i32
        %rem3A_1035 = arith.remsi %scan3A_1034, %rem3A : i32
        %mul3A_1036 = arith.constant 16 : i32
        %mul3A_1037 = arith.muli %rem3A_1035, %mul3A_1036 : i32
        %div3A = arith.constant 8 : i32
        %div3A_1038 = arith.divsi %scan3A_1034, %div3A : i32
        %mul3A_1039 = arith.constant 16 : i32
        %mul3A_1040 = arith.muli %div3A_1038, %mul3A_1039 : i32
        %add3A_1041 = vector.broadcast %mul3A_1037 : i32 to vector<16xi32>
        %add3A_1042 = arith.addi %add3A_1041, %iota3A : vector<16xi32>
        %scan3A_1043 = arith.constant 0 : i32
        %scan3A_1044 = arith.constant 0 : i32
        %scan3A_1045 = arith.constant 2 : i32
        %scan3A_1046 = arith.addi %scan3A_1044, %scan3A_1045 : i32
        %scan3A_1047 = arith.constant 1 : i32
        scf.for %scan3A_1049 = %scan3A_1044 to %scan3A_1046 step %scan3A_1047  : i32 {
          %mul3A_1050 = arith.constant 8 : i32
          %mul3A_1051 = arith.muli %scan3A_1049, %mul3A_1050 : i32
          %add3A_1052 = arith.constant 0 : i32
          %add3A_1053 = arith.addi %mul3A_1051, %add3A_1052 : i32
          %add3A_1054 = vector.broadcast %add3A_1053 : i32 to vector<16xi32>
          %add3A_1055 = arith.addi %iota3A, %add3A_1054 : vector<16xi32>
          %and3A = arith.constant 15 : i32
          %and3A_1056 = vector.broadcast %and3A : i32 to vector<16xi32>
          %and3A_1057 = arith.andi %add3A_1055, %and3A_1056 : vector<16xi32>
          %add3A_1058 = vector.broadcast %mul3A_1040 : i32 to vector<16xi32>
          %add3A_1059 = arith.addi %add3A_1058, %and3A_1057 : vector<16xi32>
          %gather3A = tpu.vector_load_idx %arg6[%add3A_1042, %add3A_1059] : memref<128x64xf32, #tpu.memory_space<vmem>>[vector<16xi32>, vector<16xi32>], vector<16xf32>,
          %mul3A_1060 = arith.constant 128 : i32
          %mul3A_1061 = vector.broadcast %mul3A_1060 : i32 to vector<16xi32>
          %mul3A_1062 = arith.muli %add3A_1059, %mul3A_1061 : vector<16xi32>
          %add3A_1063 = arith.addi %mul3A_1062, %add3A_1042 : vector<16xi32>
          tpu.vector_store_idx %arg8[%add3A_1063], %gather3A : memref<8192xf32, #tpu.memory_space<vmem>>[vector<16xi32>], vector<16xf32>,
          %mul3A_1064 = arith.constant 8 : i32
          %mul3A_1065 = arith.muli %scan3A_1049, %mul3A_1064 : i32
          %add3A_1066 = arith.constant 1 : i32
          %add3A_1067 = arith.addi %mul3A_1065, %add3A_1066 : i32
          %add3A_1068 = vector.broadcast %add3A_1067 : i32 to vector<16xi32>
          %add3A_1069 = arith.addi %iota3A, %add3A_1068 : vector<16xi32>
          %and3A_1070 = arith.constant 15 : i32
          %and3A_1071 = vector.broadcast %and3A_1070 : i32 to vector<16xi32>
          %and3A_1072 = arith.andi %add3A_1069, %and3A_1071 : vector<16xi32>
          %add3A_1073 = vector.broadcast %mul3A_1040 : i32 to vector<16xi32>
          %add3A_1074 = arith.addi %add3A_1073, %and3A_1072 : vector<16xi32>
          %gather3A_1075 = tpu.vector_load_idx %arg6[%add3A_1042, %add3A_1074] : memref<128x64xf32, #tpu.memory_space<vmem>>[vector<16xi32>, vector<16xi32>], vector<16xf32>,
          %mul3A_1076 = arith.constant 128 : i32
          %mul3A_1077 = vector.broadcast %mul3A_1076 : i32 to vector<16xi32>
          %mul3A_1078 = arith.muli %add3A_1074, %mul3A_1077 : vector<16xi32>
          %add3A_1079 = arith.addi %mul3A_1078, %add3A_1042 : vector<16xi32>
          tpu.vector_store_idx %arg8[%add3A_1079], %gather3A_1075 : memref<8192xf32, #tpu.memory_space<vmem>>[vector<16xi32>], vector<16xf32>,
          %mul3A_1080 = arith.constant 8 : i32
          %mul3A_1081 = arith.muli %scan3A_1049, %mul3A_1080 : i32
          %add3A_1082 = arith.constant 2 : i32
          %add3A_1083 = arith.addi %mul3A_1081, %add3A_1082 : i32
          %add3A_1084 = vector.broadcast %add3A_1083 : i32 to vector<16xi32>
          %add3A_1085 = arith.addi %iota3A, %add3A_1084 : vector<16xi32>
          %and3A_1086 = arith.constant 15 : i32
          %and3A_1087 = vector.broadcast %and3A_1086 : i32 to vector<16xi32>
          %and3A_1088 = arith.andi %add3A_1085, %and3A_1087 : vector<16xi32>
          %add3A_1089 = vector.broadcast %mul3A_1040 : i32 to vector<16xi32>
          %add3A_1090 = arith.addi %add3A_1089, %and3A_1088 : vector<16xi32>
          %gather3A_1091 = tpu.vector_load_idx %arg6[%add3A_1042, %add3A_1090] : memref<128x64xf32, #tpu.memory_space<vmem>>[vector<16xi32>, vector<16xi32>], vector<16xf32>,
          %mul3A_1092 = arith.constant 128 : i32
          %mul3A_1093 = vector.broadcast %mul3A_1092 : i32 to vector<16xi32>
          %mul3A_1094 = arith.muli %add3A_1090, %mul3A_1093 : vector<16xi32>
          %add3A_1095 = arith.addi %mul3A_1094, %add3A_1042 : vector<16xi32>
          tpu.vector_store_idx %arg8[%add3A_1095], %gather3A_1091 : memref<8192xf32, #tpu.memory_space<vmem>>[vector<16xi32>], vector<16xf32>,
          %mul3A_1096 = arith.constant 8 : i32
          %mul3A_1097 = arith.muli %scan3A_1049, %mul3A_1096 : i32
          %add3A_1098 = arith.constant 3 : i32
          %add3A_1099 = arith.addi %mul3A_1097, %add3A_1098 : i32
          %add3A_1100 = vector.broadcast %add3A_1099 : i32 to vector<16xi32>
          %add3A_1101 = arith.addi %iota3A, %add3A_1100 : vector<16xi32>
          %and3A_1102 = arith.constant 15 : i32
          %and3A_1103 = vector.broadcast %and3A_1102 : i32 to vector<16xi32>
          %and3A_1104 = arith.andi %add3A_1101, %and3A_1103 : vector<16xi32>
          %add3A_1105 = vector.broadcast %mul3A_1040 : i32 to vector<16xi32>
          %add3A_1106 = arith.addi %add3A_1105, %and3A_1104 : vector<16xi32>
          %gather3A_1107 = tpu.vector_load_idx %arg6[%add3A_1042, %add3A_1106] : memref<128x64xf32, #tpu.memory_space<vmem>>[vector<16xi32>, vector<16xi32>], vector<16xf32>,
          %mul3A_1108 = arith.constant 128 : i32
          %mul3A_1109 = vector.broadcast %mul3A_1108 : i32 to vector<16xi32>
          %mul3A_1110 = arith.muli %add3A_1106, %mul3A_1109 : vector<16xi32>
          %add3A_1111 = arith.addi %mul3A_1110, %add3A_1042 : vector<16xi32>
          tpu.vector_store_idx %arg8[%add3A_1111], %gather3A_1107 : memref<8192xf32, #tpu.memory_space<vmem>>[vector<16xi32>], vector<16xf32>,
          %mul3A_1112 = arith.constant 8 : i32
          %mul3A_1113 = arith.muli %scan3A_1049, %mul3A_1112 : i32
          %add3A_1114 = arith.constant 4 : i32
          %add3A_1115 = arith.addi %mul3A_1113, %add3A_1114 : i32
          %add3A_1116 = vector.broadcast %add3A_1115 : i32 to vector<16xi32>
          %add3A_1117 = arith.addi %iota3A, %add3A_1116 : vector<16xi32>
          %and3A_1118 = arith.constant 15 : i32
          %and3A_1119 = vector.broadcast %and3A_1118 : i32 to vector<16xi32>
          %and3A_1120 = arith.andi %add3A_1117, %and3A_1119 : vector<16xi32>
          %add3A_1121 = vector.broadcast %mul3A_1040 : i32 to vector<16xi32>
          %add3A_1122 = arith.addi %add3A_1121, %and3A_1120 : vector<16xi32>
          %gather3A_1123 = tpu.vector_load_idx %arg6[%add3A_1042, %add3A_1122] : memref<128x64xf32, #tpu.memory_space<vmem>>[vector<16xi32>, vector<16xi32>], vector<16xf32>,
          %mul3A_1124 = arith.constant 128 : i32
          %mul3A_1125 = vector.broadcast %mul3A_1124 : i32 to vector<16xi32>
          %mul3A_1126 = arith.muli %add3A_1122, %mul3A_1125 : vector<16xi32>
          %add3A_1127 = arith.addi %mul3A_1126, %add3A_1042 : vector<16xi32>
          tpu.vector_store_idx %arg8[%add3A_1127], %gather3A_1123 : memref<8192xf32, #tpu.memory_space<vmem>>[vector<16xi32>], vector<16xf32>,
          %mul3A_1128 = arith.constant 8 : i32
          %mul3A_1129 = arith.muli %scan3A_1049, %mul3A_1128 : i32
          %add3A_1130 = arith.constant 5 : i32
          %add3A_1131 = arith.addi %mul3A_1129, %add3A_1130 : i32
          %add3A_1132 = vector.broadcast %add3A_1131 : i32 to vector<16xi32>
          %add3A_1133 = arith.addi %iota3A, %add3A_1132 : vector<16xi32>
          %and3A_1134 = arith.constant 15 : i32
          %and3A_1135 = vector.broadcast %and3A_1134 : i32 to vector<16xi32>
          %and3A_1136 = arith.andi %add3A_1133, %and3A_1135 : vector<16xi32>
          %add3A_1137 = vector.broadcast %mul3A_1040 : i32 to vector<16xi32>
          %add3A_1138 = arith.addi %add3A_1137, %and3A_1136 : vector<16xi32>
          %gather3A_1139 = tpu.vector_load_idx %arg6[%add3A_1042, %add3A_1138] : memref<128x64xf32, #tpu.memory_space<vmem>>[vector<16xi32>, vector<16xi32>], vector<16xf32>,
          %mul3A_1140 = arith.constant 128 : i32
          %mul3A_1141 = vector.broadcast %mul3A_1140 : i32 to vector<16xi32>
          %mul3A_1142 = arith.muli %add3A_1138, %mul3A_1141 : vector<16xi32>
          %add3A_1143 = arith.addi %mul3A_1142, %add3A_1042 : vector<16xi32>
          tpu.vector_store_idx %arg8[%add3A_1143], %gather3A_1139 : memref<8192xf32, #tpu.memory_space<vmem>>[vector<16xi32>], vector<16xf32>,
          %mul3A_1144 = arith.constant 8 : i32
          %mul3A_1145 = arith.muli %scan3A_1049, %mul3A_1144 : i32
          %add3A_1146 = arith.constant 6 : i32
          %add3A_1147 = arith.addi %mul3A_1145, %add3A_1146 : i32
          %add3A_1148 = vector.broadcast %add3A_1147 : i32 to vector<16xi32>
          %add3A_1149 = arith.addi %iota3A, %add3A_1148 : vector<16xi32>
          %and3A_1150 = arith.constant 15 : i32
          %and3A_1151 = vector.broadcast %and3A_1150 : i32 to vector<16xi32>
          %and3A_1152 = arith.andi %add3A_1149, %and3A_1151 : vector<16xi32>
          %add3A_1153 = vector.broadcast %mul3A_1040 : i32 to vector<16xi32>
          %add3A_1154 = arith.addi %add3A_1153, %and3A_1152 : vector<16xi32>
          %gather3A_1155 = tpu.vector_load_idx %arg6[%add3A_1042, %add3A_1154] : memref<128x64xf32, #tpu.memory_space<vmem>>[vector<16xi32>, vector<16xi32>], vector<16xf32>,
          %mul3A_1156 = arith.constant 128 : i32
          %mul3A_1157 = vector.broadcast %mul3A_1156 : i32 to vector<16xi32>
          %mul3A_1158 = arith.muli %add3A_1154, %mul3A_1157 : vector<16xi32>
          %add3A_1159 = arith.addi %mul3A_1158, %add3A_1042 : vector<16xi32>
          tpu.vector_store_idx %arg8[%add3A_1159], %gather3A_1155 : memref<8192xf32, #tpu.memory_space<vmem>>[vector<16xi32>], vector<16xf32>,
          %mul3A_1160 = arith.constant 8 : i32
          %mul3A_1161 = arith.muli %scan3A_1049, %mul3A_1160 : i32
          %add3A_1162 = arith.constant 7 : i32
          %add3A_1163 = arith.addi %mul3A_1161, %add3A_1162 : i32
          %add3A_1164 = vector.broadcast %add3A_1163 : i32 to vector<16xi32>
          %add3A_1165 = arith.addi %iota3A, %add3A_1164 : vector<16xi32>
          %and3A_1166 = arith.constant 15 : i32
          %and3A_1167 = vector.broadcast %and3A_1166 : i32 to vector<16xi32>
          %and3A_1168 = arith.andi %add3A_1165, %and3A_1167 : vector<16xi32>
          %add3A_1169 = vector.broadcast %mul3A_1040 : i32 to vector<16xi32>
          %add3A_1170 = arith.addi %add3A_1169, %and3A_1168 : vector<16xi32>
          %gather3A_1171 = tpu.vector_load_idx %arg6[%add3A_1042, %add3A_1170] : memref<128x64xf32, #tpu.memory_space<vmem>>[vector<16xi32>, vector<16xi32>], vector<16xf32>,
          %mul3A_1172 = arith.constant 128 : i32
          %mul3A_1173 = vector.broadcast %mul3A_1172 : i32 to vector<16xi32>
          %mul3A_1174 = arith.muli %add3A_1170, %mul3A_1173 : vector<16xi32>
          %add3A_1175 = arith.addi %mul3A_1174, %add3A_1042 : vector<16xi32>
          tpu.vector_store_idx %arg8[%add3A_1175], %gather3A_1171 : memref<8192xf32, #tpu.memory_space<vmem>>[vector<16xi32>], vector<16xf32>,
        }
        %scan3A_1048 = arith.constant 2 : i32
      }
      %scan3A_712 = arith.constant 32 : i32
      %mul3A_713 = arith.constant 8 : i32
      %mul3A_714 = arith.muli %mul3A_684, %mul3A_713 : i32
      %add3A_715 = arith.constant 0 : i32
      %add3A_716 = arith.addi %mul3A_714, %add3A_715 : i32
      %mul3A_717 = arith.constant 32 : i32
      %mul3A_718 = arith.muli %add3A_716, %mul3A_717 : i32
      %add3A_719 = arith.addi %mul3A_718, %add3A : i32
      %mul3A_720 = arith.constant 1024 : i32
      %mul3A_721 = arith.muli %add3A_719, %mul3A_720 : i32
      %dma_start3A_722 = arith.constant 0 : i32
      %dma_start3A_723 = arith.constant 0 : i32
      %dma_start3A_724 = tpu.memref_slice %arg8[%dma_start3A_723] : memref<8192xf32, #tpu.memory_space<vmem>> -> memref<1024xf32, #tpu.memory_space<vmem>>
      %dma_start3A_725 = tpu.memref_slice %arg4[%mul3A_721] : memref<52428800xf32, #tpu.memory_space<hbm>> -> memref<1024xf32, #tpu.memory_space<hbm>>
      %dma_start3A_726 = tpu.memref_slice %arg11[%dma_start3A_722] : memref<2x!tpu.dma_semaphore, #tpu.memory_space<semaphore_mem>> -> memref<1x!tpu.dma_semaphore, #tpu.memory_space<semaphore_mem>>
      %dma_start3A_727 = tpu.memref_squeeze %dma_start3A_726 : memref<1x!tpu.dma_semaphore, #tpu.memory_space<semaphore_mem>> -> memref<!tpu.dma_semaphore, #tpu.memory_space<semaphore_mem>>
      %dma_start3A_728 = tpu.memref_slice %arg4[%mul3A_721] : memref<52428800xf32, #tpu.memory_space<hbm>> -> memref<1024xf32, #tpu.memory_space<hbm>>
      %dma_start3A_729 = arith.constant 0 : i32
      %dma_start3A_730 = tpu.memref_slice %arg8[%dma_start3A_729] : memref<8192xf32, #tpu.memory_space<vmem>> -> memref<1024xf32, #tpu.memory_space<vmem>>
      tpu.enqueue_dma source(%dma_start3A_730 : memref<1024xf32, #tpu.memory_space<vmem>>) target(%dma_start3A_728 : memref<1024xf32, #tpu.memory_space<hbm>>) target_semaphore(%dma_start3A_727 : memref<!tpu.dma_semaphore, #tpu.memory_space<semaphore_mem>>)
      %mul3A_731 = arith.constant 8 : i32
      %mul3A_732 = arith.muli %mul3A_684, %mul3A_731 : i32
      %add3A_733 = arith.constant 1 : i32
      %add3A_734 = arith.addi %mul3A_732, %add3A_733 : i32
      %mul3A_735 = arith.constant 32 : i32
      %mul3A_736 = arith.muli %add3A_734, %mul3A_735 : i32
      %add3A_737 = arith.addi %mul3A_736, %add3A : i32
      %mul3A_738 = arith.constant 1024 : i32
      %mul3A_739 = arith.muli %add3A_737, %mul3A_738 : i32
      %dma_start3A_740 = arith.constant 0 : i32
      %dma_start3A_741 = arith.constant 1024 : i32
      %dma_start3A_742 = tpu.memref_slice %arg8[%dma_start3A_741] : memref<8192xf32, #tpu.memory_space<vmem>> -> memref<1024xf32, #tpu.memory_space<vmem>>
      %dma_start3A_743 = tpu.memref_slice %arg4[%mul3A_739] : memref<52428800xf32, #tpu.memory_space<hbm>> -> memref<1024xf32, #tpu.memory_space<hbm>>
      %dma_start3A_744 = tpu.memref_slice %arg11[%dma_start3A_740] : memref<2x!tpu.dma_semaphore, #tpu.memory_space<semaphore_mem>> -> memref<1x!tpu.dma_semaphore, #tpu.memory_space<semaphore_mem>>
      %dma_start3A_745 = tpu.memref_squeeze %dma_start3A_744 : memref<1x!tpu.dma_semaphore, #tpu.memory_space<semaphore_mem>> -> memref<!tpu.dma_semaphore, #tpu.memory_space<semaphore_mem>>
      %dma_start3A_746 = tpu.memref_slice %arg4[%mul3A_739] : memref<52428800xf32, #tpu.memory_space<hbm>> -> memref<1024xf32, #tpu.memory_space<hbm>>
      %dma_start3A_747 = arith.constant 1024 : i32
      %dma_start3A_748 = tpu.memref_slice %arg8[%dma_start3A_747] : memref<8192xf32, #tpu.memory_space<vmem>> -> memref<1024xf32, #tpu.memory_space<vmem>>
      tpu.enqueue_dma source(%dma_start3A_748 : memref<1024xf32, #tpu.memory_space<vmem>>) target(%dma_start3A_746 : memref<1024xf32, #tpu.memory_space<hbm>>) target_semaphore(%dma_start3A_745 : memref<!tpu.dma_semaphore, #tpu.memory_space<semaphore_mem>>)
      %mul3A_749 = arith.constant 8 : i32
      %mul3A_750 = arith.muli %mul3A_684, %mul3A_749 : i32
      %add3A_751 = arith.constant 2 : i32
      %add3A_752 = arith.addi %mul3A_750, %add3A_751 : i32
      %mul3A_753 = arith.constant 32 : i32
      %mul3A_754 = arith.muli %add3A_752, %mul3A_753 : i32
      %add3A_755 = arith.addi %mul3A_754, %add3A : i32
      %mul3A_756 = arith.constant 1024 : i32
      %mul3A_757 = arith.muli %add3A_755, %mul3A_756 : i32
      %dma_start3A_758 = arith.constant 0 : i32
      %dma_start3A_759 = arith.constant 2048 : i32
      %dma_start3A_760 = tpu.memref_slice %arg8[%dma_start3A_759] : memref<8192xf32, #tpu.memory_space<vmem>> -> memref<1024xf32, #tpu.memory_space<vmem>>
      %dma_start3A_761 = tpu.memref_slice %arg4[%mul3A_757] : memref<52428800xf32, #tpu.memory_space<hbm>> -> memref<1024xf32, #tpu.memory_space<hbm>>
      %dma_start3A_762 = tpu.memref_slice %arg11[%dma_start3A_758] : memref<2x!tpu.dma_semaphore, #tpu.memory_space<semaphore_mem>> -> memref<1x!tpu.dma_semaphore, #tpu.memory_space<semaphore_mem>>
      %dma_start3A_763 = tpu.memref_squeeze %dma_start3A_762 : memref<1x!tpu.dma_semaphore, #tpu.memory_space<semaphore_mem>> -> memref<!tpu.dma_semaphore, #tpu.memory_space<semaphore_mem>>
      %dma_start3A_764 = tpu.memref_slice %arg4[%mul3A_757] : memref<52428800xf32, #tpu.memory_space<hbm>> -> memref<1024xf32, #tpu.memory_space<hbm>>
      %dma_start3A_765 = arith.constant 2048 : i32
      %dma_start3A_766 = tpu.memref_slice %arg8[%dma_start3A_765] : memref<8192xf32, #tpu.memory_space<vmem>> -> memref<1024xf32, #tpu.memory_space<vmem>>
      tpu.enqueue_dma source(%dma_start3A_766 : memref<1024xf32, #tpu.memory_space<vmem>>) target(%dma_start3A_764 : memref<1024xf32, #tpu.memory_space<hbm>>) target_semaphore(%dma_start3A_763 : memref<!tpu.dma_semaphore, #tpu.memory_space<semaphore_mem>>)
      %mul3A_767 = arith.constant 8 : i32
      %mul3A_768 = arith.muli %mul3A_684, %mul3A_767 : i32
      %add3A_769 = arith.constant 3 : i32
      %add3A_770 = arith.addi %mul3A_768, %add3A_769 : i32
      %mul3A_771 = arith.constant 32 : i32
      %mul3A_772 = arith.muli %add3A_770, %mul3A_771 : i32
      %add3A_773 = arith.addi %mul3A_772, %add3A : i32
      %mul3A_774 = arith.constant 1024 : i32
      %mul3A_775 = arith.muli %add3A_773, %mul3A_774 : i32
      %dma_start3A_776 = arith.constant 0 : i32
      %dma_start3A_777 = arith.constant 3072 : i32
      %dma_start3A_778 = tpu.memref_slice %arg8[%dma_start3A_777] : memref<8192xf32, #tpu.memory_space<vmem>> -> memref<1024xf32, #tpu.memory_space<vmem>>
      %dma_start3A_779 = tpu.memref_slice %arg4[%mul3A_775] : memref<52428800xf32, #tpu.memory_space<hbm>> -> memref<1024xf32, #tpu.memory_space<hbm>>
      %dma_start3A_780 = tpu.memref_slice %arg11[%dma_start3A_776] : memref<2x!tpu.dma_semaphore, #tpu.memory_space<semaphore_mem>> -> memref<1x!tpu.dma_semaphore, #tpu.memory_space<semaphore_mem>>
      %dma_start3A_781 = tpu.memref_squeeze %dma_start3A_780 : memref<1x!tpu.dma_semaphore, #tpu.memory_space<semaphore_mem>> -> memref<!tpu.dma_semaphore, #tpu.memory_space<semaphore_mem>>
      %dma_start3A_782 = tpu.memref_slice %arg4[%mul3A_775] : memref<52428800xf32, #tpu.memory_space<hbm>> -> memref<1024xf32, #tpu.memory_space<hbm>>
      %dma_start3A_783 = arith.constant 3072 : i32
      %dma_start3A_784 = tpu.memref_slice %arg8[%dma_start3A_783] : memref<8192xf32, #tpu.memory_space<vmem>> -> memref<1024xf32, #tpu.memory_space<vmem>>
      tpu.enqueue_dma source(%dma_start3A_784 : memref<1024xf32, #tpu.memory_space<vmem>>) target(%dma_start3A_782 : memref<1024xf32, #tpu.memory_space<hbm>>) target_semaphore(%dma_start3A_781 : memref<!tpu.dma_semaphore, #tpu.memory_space<semaphore_mem>>)
      %mul3A_785 = arith.constant 8 : i32
      %mul3A_786 = arith.muli %mul3A_684, %mul3A_785 : i32
      %add3A_787 = arith.constant 4 : i32
      %add3A_788 = arith.addi %mul3A_786, %add3A_787 : i32
      %mul3A_789 = arith.constant 32 : i32
      %mul3A_790 = arith.muli %add3A_788, %mul3A_789 : i32
      %add3A_791 = arith.addi %mul3A_790, %add3A : i32
      %mul3A_792 = arith.constant 1024 : i32
      %mul3A_793 = arith.muli %add3A_791, %mul3A_792 : i32
      %dma_start3A_794 = arith.constant 0 : i32
      %dma_start3A_795 = arith.constant 4096 : i32
      %dma_start3A_796 = tpu.memref_slice %arg8[%dma_start3A_795] : memref<8192xf32, #tpu.memory_space<vmem>> -> memref<1024xf32, #tpu.memory_space<vmem>>
      %dma_start3A_797 = tpu.memref_slice %arg4[%mul3A_793] : memref<52428800xf32, #tpu.memory_space<hbm>> -> memref<1024xf32, #tpu.memory_space<hbm>>
      %dma_start3A_798 = tpu.memref_slice %arg11[%dma_start3A_794] : memref<2x!tpu.dma_semaphore, #tpu.memory_space<semaphore_mem>> -> memref<1x!tpu.dma_semaphore, #tpu.memory_space<semaphore_mem>>
      %dma_start3A_799 = tpu.memref_squeeze %dma_start3A_798 : memref<1x!tpu.dma_semaphore, #tpu.memory_space<semaphore_mem>> -> memref<!tpu.dma_semaphore, #tpu.memory_space<semaphore_mem>>
      %dma_start3A_800 = tpu.memref_slice %arg4[%mul3A_793] : memref<52428800xf32, #tpu.memory_space<hbm>> -> memref<1024xf32, #tpu.memory_space<hbm>>
      %dma_start3A_801 = arith.constant 4096 : i32
      %dma_start3A_802 = tpu.memref_slice %arg8[%dma_start3A_801] : memref<8192xf32, #tpu.memory_space<vmem>> -> memref<1024xf32, #tpu.memory_space<vmem>>
      tpu.enqueue_dma source(%dma_start3A_802 : memref<1024xf32, #tpu.memory_space<vmem>>) target(%dma_start3A_800 : memref<1024xf32, #tpu.memory_space<hbm>>) target_semaphore(%dma_start3A_799 : memref<!tpu.dma_semaphore, #tpu.memory_space<semaphore_mem>>)
      %mul3A_803 = arith.constant 8 : i32
      %mul3A_804 = arith.muli %mul3A_684, %mul3A_803 : i32
      %add3A_805 = arith.constant 5 : i32
      %add3A_806 = arith.addi %mul3A_804, %add3A_805 : i32
      %mul3A_807 = arith.constant 32 : i32
      %mul3A_808 = arith.muli %add3A_806, %mul3A_807 : i32
      %add3A_809 = arith.addi %mul3A_808, %add3A : i32
      %mul3A_810 = arith.constant 1024 : i32
      %mul3A_811 = arith.muli %add3A_809, %mul3A_810 : i32
      %dma_start3A_812 = arith.constant 0 : i32
      %dma_start3A_813 = arith.constant 5120 : i32
      %dma_start3A_814 = tpu.memref_slice %arg8[%dma_start3A_813] : memref<8192xf32, #tpu.memory_space<vmem>> -> memref<1024xf32, #tpu.memory_space<vmem>>
      %dma_start3A_815 = tpu.memref_slice %arg4[%mul3A_811] : memref<52428800xf32, #tpu.memory_space<hbm>> -> memref<1024xf32, #tpu.memory_space<hbm>>
      %dma_start3A_816 = tpu.memref_slice %arg11[%dma_start3A_812] : memref<2x!tpu.dma_semaphore, #tpu.memory_space<semaphore_mem>> -> memref<1x!tpu.dma_semaphore, #tpu.memory_space<semaphore_mem>>
      %dma_start3A_817 = tpu.memref_squeeze %dma_start3A_816 : memref<1x!tpu.dma_semaphore, #tpu.memory_space<semaphore_mem>> -> memref<!tpu.dma_semaphore, #tpu.memory_space<semaphore_mem>>
      %dma_start3A_818 = tpu.memref_slice %arg4[%mul3A_811] : memref<52428800xf32, #tpu.memory_space<hbm>> -> memref<1024xf32, #tpu.memory_space<hbm>>
      %dma_start3A_819 = arith.constant 5120 : i32
      %dma_start3A_820 = tpu.memref_slice %arg8[%dma_start3A_819] : memref<8192xf32, #tpu.memory_space<vmem>> -> memref<1024xf32, #tpu.memory_space<vmem>>
      tpu.enqueue_dma source(%dma_start3A_820 : memref<1024xf32, #tpu.memory_space<vmem>>) target(%dma_start3A_818 : memref<1024xf32, #tpu.memory_space<hbm>>) target_semaphore(%dma_start3A_817 : memref<!tpu.dma_semaphore, #tpu.memory_space<semaphore_mem>>)
      %mul3A_821 = arith.constant 8 : i32
      %mul3A_822 = arith.muli %mul3A_684, %mul3A_821 : i32
      %add3A_823 = arith.constant 6 : i32
      %add3A_824 = arith.addi %mul3A_822, %add3A_823 : i32
      %mul3A_825 = arith.constant 32 : i32
      %mul3A_826 = arith.muli %add3A_824, %mul3A_825 : i32
      %add3A_827 = arith.addi %mul3A_826, %add3A : i32
      %mul3A_828 = arith.constant 1024 : i32
      %mul3A_829 = arith.muli %add3A_827, %mul3A_828 : i32
      %dma_start3A_830 = arith.constant 0 : i32
      %dma_start3A_831 = arith.constant 6144 : i32
      %dma_start3A_832 = tpu.memref_slice %arg8[%dma_start3A_831] : memref<8192xf32, #tpu.memory_space<vmem>> -> memref<1024xf32, #tpu.memory_space<vmem>>
      %dma_start3A_833 = tpu.memref_slice %arg4[%mul3A_829] : memref<52428800xf32, #tpu.memory_space<hbm>> -> memref<1024xf32, #tpu.memory_space<hbm>>
      %dma_start3A_834 = tpu.memref_slice %arg11[%dma_start3A_830] : memref<2x!tpu.dma_semaphore, #tpu.memory_space<semaphore_mem>> -> memref<1x!tpu.dma_semaphore, #tpu.memory_space<semaphore_mem>>
      %dma_start3A_835 = tpu.memref_squeeze %dma_start3A_834 : memref<1x!tpu.dma_semaphore, #tpu.memory_space<semaphore_mem>> -> memref<!tpu.dma_semaphore, #tpu.memory_space<semaphore_mem>>
      %dma_start3A_836 = tpu.memref_slice %arg4[%mul3A_829] : memref<52428800xf32, #tpu.memory_space<hbm>> -> memref<1024xf32, #tpu.memory_space<hbm>>
      %dma_start3A_837 = arith.constant 6144 : i32
      %dma_start3A_838 = tpu.memref_slice %arg8[%dma_start3A_837] : memref<8192xf32, #tpu.memory_space<vmem>> -> memref<1024xf32, #tpu.memory_space<vmem>>
      tpu.enqueue_dma source(%dma_start3A_838 : memref<1024xf32, #tpu.memory_space<vmem>>) target(%dma_start3A_836 : memref<1024xf32, #tpu.memory_space<hbm>>) target_semaphore(%dma_start3A_835 : memref<!tpu.dma_semaphore, #tpu.memory_space<semaphore_mem>>)
      %mul3A_839 = arith.constant 8 : i32
      %mul3A_840 = arith.muli %mul3A_684, %mul3A_839 : i32
      %add3A_841 = arith.constant 7 : i32
      %add3A_842 = arith.addi %mul3A_840, %add3A_841 : i32
      %mul3A_843 = arith.constant 32 : i32
      %mul3A_844 = arith.muli %add3A_842, %mul3A_843 : i32
      %add3A_845 = arith.addi %mul3A_844, %add3A : i32
      %mul3A_846 = arith.constant 1024 : i32
      %mul3A_847 = arith.muli %add3A_845, %mul3A_846 : i32
      %dma_start3A_848 = arith.constant 0 : i32
      %dma_start3A_849 = arith.constant 7168 : i32
      %dma_start3A_850 = tpu.memref_slice %arg8[%dma_start3A_849] : memref<8192xf32, #tpu.memory_space<vmem>> -> memref<1024xf32, #tpu.memory_space<vmem>>
      %dma_start3A_851 = tpu.memref_slice %arg4[%mul3A_847] : memref<52428800xf32, #tpu.memory_space<hbm>> -> memref<1024xf32, #tpu.memory_space<hbm>>
      %dma_start3A_852 = tpu.memref_slice %arg11[%dma_start3A_848] : memref<2x!tpu.dma_semaphore, #tpu.memory_space<semaphore_mem>> -> memref<1x!tpu.dma_semaphore, #tpu.memory_space<semaphore_mem>>
      %dma_start3A_853 = tpu.memref_squeeze %dma_start3A_852 : memref<1x!tpu.dma_semaphore, #tpu.memory_space<semaphore_mem>> -> memref<!tpu.dma_semaphore, #tpu.memory_space<semaphore_mem>>
      %dma_start3A_854 = tpu.memref_slice %arg4[%mul3A_847] : memref<52428800xf32, #tpu.memory_space<hbm>> -> memref<1024xf32, #tpu.memory_space<hbm>>
      %dma_start3A_855 = arith.constant 7168 : i32
      %dma_start3A_856 = tpu.memref_slice %arg8[%dma_start3A_855] : memref<8192xf32, #tpu.memory_space<vmem>> -> memref<1024xf32, #tpu.memory_space<vmem>>
      tpu.enqueue_dma source(%dma_start3A_856 : memref<1024xf32, #tpu.memory_space<vmem>>) target(%dma_start3A_854 : memref<1024xf32, #tpu.memory_space<hbm>>) target_semaphore(%dma_start3A_853 : memref<!tpu.dma_semaphore, #tpu.memory_space<semaphore_mem>>)
      %add3A_857 = arith.constant 2 : i32
      %add3A_858 = arith.addi %mul3A_684, %add3A_857 : i32
      %dma_start3A_859 = arith.constant 0 : i32
      %dma_start3A_860 = arith.constant 0 : i32
      %dma_start3A_861 = tpu.memref_slice %arg5[%add3A_858, %dma_start3A_860] : memref<200x128xi32, #tpu.memory_space<vmem>> -> memref<1x128xi32, #tpu.memory_space<vmem>>
      %dma_start3A_862 = tpu.memref_squeeze %dma_start3A_861 : memref<1x128xi32, #tpu.memory_space<vmem>> -> memref<128xi32, #tpu.memory_space<vmem>>
      %dma_start3A_863 = arith.constant 0 : i32
      %dma_start3A_864 = arith.constant 0 : i32
      %dma_start3A_865 = tpu.memref_slice %arg3[%dma_start3A_863, %dma_start3A_864] : memref<1000016x64xf32, #tpu.memory_space<hbm>> -> memref<1000016x64xf32, #tpu.memory_space<hbm>>
      %dma_start3A_866 = tpu.memref_slice %arg10[%dma_start3A_859] : memref<2x!tpu.dma_semaphore, #tpu.memory_space<semaphore_mem>> -> memref<1x!tpu.dma_semaphore, #tpu.memory_space<semaphore_mem>>
      %dma_start3A_867 = tpu.memref_squeeze %dma_start3A_866 : memref<1x!tpu.dma_semaphore, #tpu.memory_space<semaphore_mem>> -> memref<!tpu.dma_semaphore, #tpu.memory_space<semaphore_mem>>
      tpu.enqueue_indirect_dma source(%dma_start3A_865 : memref<1000016x64xf32, #tpu.memory_space<hbm>>) target(%arg6 : memref<128x64xf32, #tpu.memory_space<vmem>>) offsets(%dma_start3A_862 : memref<128xi32, #tpu.memory_space<vmem>>) semaphore(%dma_start3A_867 : memref<!tpu.dma_semaphore, #tpu.memory_space<semaphore_mem>>)
      %add3A_868 = arith.constant 1 : i32
      %add3A_869 = arith.addi %mul3A_684, %add3A_868 : i32
      %dma_wait3A_870 = arith.constant 1 : i32
      %dma_wait3A_871 = arith.constant 0 : i32
      %dma_wait3A_872 = tpu.memref_slice %arg5[%add3A_869, %dma_wait3A_871] : memref<200x128xi32, #tpu.memory_space<vmem>> -> memref<1x128xi32, #tpu.memory_space<vmem>>
      %dma_wait3A_873 = tpu.memref_squeeze %dma_wait3A_872 : memref<1x128xi32, #tpu.memory_space<vmem>> -> memref<128xi32, #tpu.memory_space<vmem>>
      %dma_wait3A_874 = arith.constant 0 : i32
      %dma_wait3A_875 = arith.constant 0 : i32
      %dma_wait3A_876 = tpu.memref_slice %arg3[%dma_wait3A_874, %dma_wait3A_875] : memref<1000016x64xf32, #tpu.memory_space<hbm>> -> memref<1000016x64xf32, #tpu.memory_space<hbm>>
      %dma_wait3A_877 = tpu.memref_slice %arg10[%dma_wait3A_870] : memref<2x!tpu.dma_semaphore, #tpu.memory_space<semaphore_mem>> -> memref<1x!tpu.dma_semaphore, #tpu.memory_space<semaphore_mem>>
      %dma_wait3A_878 = tpu.memref_squeeze %dma_wait3A_877 : memref<1x!tpu.dma_semaphore, #tpu.memory_space<semaphore_mem>> -> memref<!tpu.dma_semaphore, #tpu.memory_space<semaphore_mem>>
      tpu.wait_indirect_dma semaphore(%dma_wait3A_878 : memref<!tpu.dma_semaphore, #tpu.memory_space<semaphore_mem>>) src(%dma_wait3A_876 : memref<1000016x64xf32, #tpu.memory_space<hbm>>) dst(%arg7 : memref<128x64xf32, #tpu.memory_space<vmem>>)
      %ge3A_879 = arith.constant 2 : i32
      %ge3A_880 = arith.cmpi sge, %add3A_869, %ge3A_879 : i32
      %convert_element_type3A_881 = arith.extui %ge3A_880 : i1 to i32
      %cond3A_882 = arith.constant 0 : i32
      %cond3A_883 = arith.cmpi ne, %convert_element_type3A_881, %cond3A_882 : i32
      scf.if %cond3A_883 {
        %sub3A = arith.constant 2 : i32
        %sub3A_1034 = arith.subi %add3A_869, %sub3A : i32
        %mul3A_1035 = arith.constant 8 : i32
        %mul3A_1036 = arith.muli %sub3A_1034, %mul3A_1035 : i32
        %add3A_1037 = arith.constant 0 : i32
        %add3A_1038 = arith.addi %mul3A_1036, %add3A_1037 : i32
        %mul3A_1039 = arith.constant 32 : i32
        %mul3A_1040 = arith.muli %add3A_1038, %mul3A_1039 : i32
        %add3A_1041 = arith.addi %mul3A_1040, %add3A : i32
        %mul3A_1042 = arith.constant 1024 : i32
        %mul3A_1043 = arith.muli %add3A_1041, %mul3A_1042 : i32
        %dma_wait3A_1044 = arith.constant 1 : i32
        %dma_wait3A_1045 = arith.constant 0 : i32
        %dma_wait3A_1046 = tpu.memref_slice %arg9[%dma_wait3A_1045] : memref<8192xf32, #tpu.memory_space<vmem>> -> memref<1024xf32, #tpu.memory_space<vmem>>
        %dma_wait3A_1047 = tpu.memref_slice %arg4[%mul3A_1043] : memref<52428800xf32, #tpu.memory_space<hbm>> -> memref<1024xf32, #tpu.memory_space<hbm>>
        %dma_wait3A_1048 = tpu.memref_slice %arg11[%dma_wait3A_1044] : memref<2x!tpu.dma_semaphore, #tpu.memory_space<semaphore_mem>> -> memref<1x!tpu.dma_semaphore, #tpu.memory_space<semaphore_mem>>
        %dma_wait3A_1049 = tpu.memref_squeeze %dma_wait3A_1048 : memref<1x!tpu.dma_semaphore, #tpu.memory_space<semaphore_mem>> -> memref<!tpu.dma_semaphore, #tpu.memory_space<semaphore_mem>>
        %dma_wait3A_1050 = tpu.memref_slice %arg4[%mul3A_1043] : memref<52428800xf32, #tpu.memory_space<hbm>> -> memref<1024xf32, #tpu.memory_space<hbm>>
        %dma_wait3A_1051 = arith.constant 0 : i32
        %dma_wait3A_1052 = tpu.memref_slice %arg9[%dma_wait3A_1051] : memref<8192xf32, #tpu.memory_space<vmem>> -> memref<1024xf32, #tpu.memory_space<vmem>>
        tpu.wait_dma2 semaphore(%dma_wait3A_1049 : memref<!tpu.dma_semaphore, #tpu.memory_space<semaphore_mem>>) src(%dma_wait3A_1052 : memref<1024xf32, #tpu.memory_space<vmem>>) dst(%dma_wait3A_1050 : memref<1024xf32, #tpu.memory_space<hbm>>)
        %mul3A_1053 = arith.constant 8 : i32
        %mul3A_1054 = arith.muli %sub3A_1034, %mul3A_1053 : i32
        %add3A_1055 = arith.constant 1 : i32
        %add3A_1056 = arith.addi %mul3A_1054, %add3A_1055 : i32
        %mul3A_1057 = arith.constant 32 : i32
        %mul3A_1058 = arith.muli %add3A_1056, %mul3A_1057 : i32
        %add3A_1059 = arith.addi %mul3A_1058, %add3A : i32
        %mul3A_1060 = arith.constant 1024 : i32
        %mul3A_1061 = arith.muli %add3A_1059, %mul3A_1060 : i32
        %dma_wait3A_1062 = arith.constant 1 : i32
        %dma_wait3A_1063 = arith.constant 1024 : i32
        %dma_wait3A_1064 = tpu.memref_slice %arg9[%dma_wait3A_1063] : memref<8192xf32, #tpu.memory_space<vmem>> -> memref<1024xf32, #tpu.memory_space<vmem>>
        %dma_wait3A_1065 = tpu.memref_slice %arg4[%mul3A_1061] : memref<52428800xf32, #tpu.memory_space<hbm>> -> memref<1024xf32, #tpu.memory_space<hbm>>
        %dma_wait3A_1066 = tpu.memref_slice %arg11[%dma_wait3A_1062] : memref<2x!tpu.dma_semaphore, #tpu.memory_space<semaphore_mem>> -> memref<1x!tpu.dma_semaphore, #tpu.memory_space<semaphore_mem>>
        %dma_wait3A_1067 = tpu.memref_squeeze %dma_wait3A_1066 : memref<1x!tpu.dma_semaphore, #tpu.memory_space<semaphore_mem>> -> memref<!tpu.dma_semaphore, #tpu.memory_space<semaphore_mem>>
        %dma_wait3A_1068 = tpu.memref_slice %arg4[%mul3A_1061] : memref<52428800xf32, #tpu.memory_space<hbm>> -> memref<1024xf32, #tpu.memory_space<hbm>>
        %dma_wait3A_1069 = arith.constant 1024 : i32
        %dma_wait3A_1070 = tpu.memref_slice %arg9[%dma_wait3A_1069] : memref<8192xf32, #tpu.memory_space<vmem>> -> memref<1024xf32, #tpu.memory_space<vmem>>
        tpu.wait_dma2 semaphore(%dma_wait3A_1067 : memref<!tpu.dma_semaphore, #tpu.memory_space<semaphore_mem>>) src(%dma_wait3A_1070 : memref<1024xf32, #tpu.memory_space<vmem>>) dst(%dma_wait3A_1068 : memref<1024xf32, #tpu.memory_space<hbm>>)
        %mul3A_1071 = arith.constant 8 : i32
        %mul3A_1072 = arith.muli %sub3A_1034, %mul3A_1071 : i32
        %add3A_1073 = arith.constant 2 : i32
        %add3A_1074 = arith.addi %mul3A_1072, %add3A_1073 : i32
        %mul3A_1075 = arith.constant 32 : i32
        %mul3A_1076 = arith.muli %add3A_1074, %mul3A_1075 : i32
        %add3A_1077 = arith.addi %mul3A_1076, %add3A : i32
        %mul3A_1078 = arith.constant 1024 : i32
        %mul3A_1079 = arith.muli %add3A_1077, %mul3A_1078 : i32
        %dma_wait3A_1080 = arith.constant 1 : i32
        %dma_wait3A_1081 = arith.constant 2048 : i32
        %dma_wait3A_1082 = tpu.memref_slice %arg9[%dma_wait3A_1081] : memref<8192xf32, #tpu.memory_space<vmem>> -> memref<1024xf32, #tpu.memory_space<vmem>>
        %dma_wait3A_1083 = tpu.memref_slice %arg4[%mul3A_1079] : memref<52428800xf32, #tpu.memory_space<hbm>> -> memref<1024xf32, #tpu.memory_space<hbm>>
        %dma_wait3A_1084 = tpu.memref_slice %arg11[%dma_wait3A_1080] : memref<2x!tpu.dma_semaphore, #tpu.memory_space<semaphore_mem>> -> memref<1x!tpu.dma_semaphore, #tpu.memory_space<semaphore_mem>>
        %dma_wait3A_1085 = tpu.memref_squeeze %dma_wait3A_1084 : memref<1x!tpu.dma_semaphore, #tpu.memory_space<semaphore_mem>> -> memref<!tpu.dma_semaphore, #tpu.memory_space<semaphore_mem>>
        %dma_wait3A_1086 = tpu.memref_slice %arg4[%mul3A_1079] : memref<52428800xf32, #tpu.memory_space<hbm>> -> memref<1024xf32, #tpu.memory_space<hbm>>
        %dma_wait3A_1087 = arith.constant 2048 : i32
        %dma_wait3A_1088 = tpu.memref_slice %arg9[%dma_wait3A_1087] : memref<8192xf32, #tpu.memory_space<vmem>> -> memref<1024xf32, #tpu.memory_space<vmem>>
        tpu.wait_dma2 semaphore(%dma_wait3A_1085 : memref<!tpu.dma_semaphore, #tpu.memory_space<semaphore_mem>>) src(%dma_wait3A_1088 : memref<1024xf32, #tpu.memory_space<vmem>>) dst(%dma_wait3A_1086 : memref<1024xf32, #tpu.memory_space<hbm>>)
        %mul3A_1089 = arith.constant 8 : i32
        %mul3A_1090 = arith.muli %sub3A_1034, %mul3A_1089 : i32
        %add3A_1091 = arith.constant 3 : i32
        %add3A_1092 = arith.addi %mul3A_1090, %add3A_1091 : i32
        %mul3A_1093 = arith.constant 32 : i32
        %mul3A_1094 = arith.muli %add3A_1092, %mul3A_1093 : i32
        %add3A_1095 = arith.addi %mul3A_1094, %add3A : i32
        %mul3A_1096 = arith.constant 1024 : i32
        %mul3A_1097 = arith.muli %add3A_1095, %mul3A_1096 : i32
        %dma_wait3A_1098 = arith.constant 1 : i32
        %dma_wait3A_1099 = arith.constant 3072 : i32
        %dma_wait3A_1100 = tpu.memref_slice %arg9[%dma_wait3A_1099] : memref<8192xf32, #tpu.memory_space<vmem>> -> memref<1024xf32, #tpu.memory_space<vmem>>
        %dma_wait3A_1101 = tpu.memref_slice %arg4[%mul3A_1097] : memref<52428800xf32, #tpu.memory_space<hbm>> -> memref<1024xf32, #tpu.memory_space<hbm>>
        %dma_wait3A_1102 = tpu.memref_slice %arg11[%dma_wait3A_1098] : memref<2x!tpu.dma_semaphore, #tpu.memory_space<semaphore_mem>> -> memref<1x!tpu.dma_semaphore, #tpu.memory_space<semaphore_mem>>
        %dma_wait3A_1103 = tpu.memref_squeeze %dma_wait3A_1102 : memref<1x!tpu.dma_semaphore, #tpu.memory_space<semaphore_mem>> -> memref<!tpu.dma_semaphore, #tpu.memory_space<semaphore_mem>>
        %dma_wait3A_1104 = tpu.memref_slice %arg4[%mul3A_1097] : memref<52428800xf32, #tpu.memory_space<hbm>> -> memref<1024xf32, #tpu.memory_space<hbm>>
        %dma_wait3A_1105 = arith.constant 3072 : i32
        %dma_wait3A_1106 = tpu.memref_slice %arg9[%dma_wait3A_1105] : memref<8192xf32, #tpu.memory_space<vmem>> -> memref<1024xf32, #tpu.memory_space<vmem>>
        tpu.wait_dma2 semaphore(%dma_wait3A_1103 : memref<!tpu.dma_semaphore, #tpu.memory_space<semaphore_mem>>) src(%dma_wait3A_1106 : memref<1024xf32, #tpu.memory_space<vmem>>) dst(%dma_wait3A_1104 : memref<1024xf32, #tpu.memory_space<hbm>>)
        %mul3A_1107 = arith.constant 8 : i32
        %mul3A_1108 = arith.muli %sub3A_1034, %mul3A_1107 : i32
        %add3A_1109 = arith.constant 4 : i32
        %add3A_1110 = arith.addi %mul3A_1108, %add3A_1109 : i32
        %mul3A_1111 = arith.constant 32 : i32
        %mul3A_1112 = arith.muli %add3A_1110, %mul3A_1111 : i32
        %add3A_1113 = arith.addi %mul3A_1112, %add3A : i32
        %mul3A_1114 = arith.constant 1024 : i32
        %mul3A_1115 = arith.muli %add3A_1113, %mul3A_1114 : i32
        %dma_wait3A_1116 = arith.constant 1 : i32
        %dma_wait3A_1117 = arith.constant 4096 : i32
        %dma_wait3A_1118 = tpu.memref_slice %arg9[%dma_wait3A_1117] : memref<8192xf32, #tpu.memory_space<vmem>> -> memref<1024xf32, #tpu.memory_space<vmem>>
        %dma_wait3A_1119 = tpu.memref_slice %arg4[%mul3A_1115] : memref<52428800xf32, #tpu.memory_space<hbm>> -> memref<1024xf32, #tpu.memory_space<hbm>>
        %dma_wait3A_1120 = tpu.memref_slice %arg11[%dma_wait3A_1116] : memref<2x!tpu.dma_semaphore, #tpu.memory_space<semaphore_mem>> -> memref<1x!tpu.dma_semaphore, #tpu.memory_space<semaphore_mem>>
        %dma_wait3A_1121 = tpu.memref_squeeze %dma_wait3A_1120 : memref<1x!tpu.dma_semaphore, #tpu.memory_space<semaphore_mem>> -> memref<!tpu.dma_semaphore, #tpu.memory_space<semaphore_mem>>
        %dma_wait3A_1122 = tpu.memref_slice %arg4[%mul3A_1115] : memref<52428800xf32, #tpu.memory_space<hbm>> -> memref<1024xf32, #tpu.memory_space<hbm>>
        %dma_wait3A_1123 = arith.constant 4096 : i32
        %dma_wait3A_1124 = tpu.memref_slice %arg9[%dma_wait3A_1123] : memref<8192xf32, #tpu.memory_space<vmem>> -> memref<1024xf32, #tpu.memory_space<vmem>>
        tpu.wait_dma2 semaphore(%dma_wait3A_1121 : memref<!tpu.dma_semaphore, #tpu.memory_space<semaphore_mem>>) src(%dma_wait3A_1124 : memref<1024xf32, #tpu.memory_space<vmem>>) dst(%dma_wait3A_1122 : memref<1024xf32, #tpu.memory_space<hbm>>)
        %mul3A_1125 = arith.constant 8 : i32
        %mul3A_1126 = arith.muli %sub3A_1034, %mul3A_1125 : i32
        %add3A_1127 = arith.constant 5 : i32
        %add3A_1128 = arith.addi %mul3A_1126, %add3A_1127 : i32
        %mul3A_1129 = arith.constant 32 : i32
        %mul3A_1130 = arith.muli %add3A_1128, %mul3A_1129 : i32
        %add3A_1131 = arith.addi %mul3A_1130, %add3A : i32
        %mul3A_1132 = arith.constant 1024 : i32
        %mul3A_1133 = arith.muli %add3A_1131, %mul3A_1132 : i32
        %dma_wait3A_1134 = arith.constant 1 : i32
        %dma_wait3A_1135 = arith.constant 5120 : i32
        %dma_wait3A_1136 = tpu.memref_slice %arg9[%dma_wait3A_1135] : memref<8192xf32, #tpu.memory_space<vmem>> -> memref<1024xf32, #tpu.memory_space<vmem>>
        %dma_wait3A_1137 = tpu.memref_slice %arg4[%mul3A_1133] : memref<52428800xf32, #tpu.memory_space<hbm>> -> memref<1024xf32, #tpu.memory_space<hbm>>
        %dma_wait3A_1138 = tpu.memref_slice %arg11[%dma_wait3A_1134] : memref<2x!tpu.dma_semaphore, #tpu.memory_space<semaphore_mem>> -> memref<1x!tpu.dma_semaphore, #tpu.memory_space<semaphore_mem>>
        %dma_wait3A_1139 = tpu.memref_squeeze %dma_wait3A_1138 : memref<1x!tpu.dma_semaphore, #tpu.memory_space<semaphore_mem>> -> memref<!tpu.dma_semaphore, #tpu.memory_space<semaphore_mem>>
        %dma_wait3A_1140 = tpu.memref_slice %arg4[%mul3A_1133] : memref<52428800xf32, #tpu.memory_space<hbm>> -> memref<1024xf32, #tpu.memory_space<hbm>>
        %dma_wait3A_1141 = arith.constant 5120 : i32
        %dma_wait3A_1142 = tpu.memref_slice %arg9[%dma_wait3A_1141] : memref<8192xf32, #tpu.memory_space<vmem>> -> memref<1024xf32, #tpu.memory_space<vmem>>
        tpu.wait_dma2 semaphore(%dma_wait3A_1139 : memref<!tpu.dma_semaphore, #tpu.memory_space<semaphore_mem>>) src(%dma_wait3A_1142 : memref<1024xf32, #tpu.memory_space<vmem>>) dst(%dma_wait3A_1140 : memref<1024xf32, #tpu.memory_space<hbm>>)
        %mul3A_1143 = arith.constant 8 : i32
        %mul3A_1144 = arith.muli %sub3A_1034, %mul3A_1143 : i32
        %add3A_1145 = arith.constant 6 : i32
        %add3A_1146 = arith.addi %mul3A_1144, %add3A_1145 : i32
        %mul3A_1147 = arith.constant 32 : i32
        %mul3A_1148 = arith.muli %add3A_1146, %mul3A_1147 : i32
        %add3A_1149 = arith.addi %mul3A_1148, %add3A : i32
        %mul3A_1150 = arith.constant 1024 : i32
        %mul3A_1151 = arith.muli %add3A_1149, %mul3A_1150 : i32
        %dma_wait3A_1152 = arith.constant 1 : i32
        %dma_wait3A_1153 = arith.constant 6144 : i32
        %dma_wait3A_1154 = tpu.memref_slice %arg9[%dma_wait3A_1153] : memref<8192xf32, #tpu.memory_space<vmem>> -> memref<1024xf32, #tpu.memory_space<vmem>>
        %dma_wait3A_1155 = tpu.memref_slice %arg4[%mul3A_1151] : memref<52428800xf32, #tpu.memory_space<hbm>> -> memref<1024xf32, #tpu.memory_space<hbm>>
        %dma_wait3A_1156 = tpu.memref_slice %arg11[%dma_wait3A_1152] : memref<2x!tpu.dma_semaphore, #tpu.memory_space<semaphore_mem>> -> memref<1x!tpu.dma_semaphore, #tpu.memory_space<semaphore_mem>>
        %dma_wait3A_1157 = tpu.memref_squeeze %dma_wait3A_1156 : memref<1x!tpu.dma_semaphore, #tpu.memory_space<semaphore_mem>> -> memref<!tpu.dma_semaphore, #tpu.memory_space<semaphore_mem>>
        %dma_wait3A_1158 = tpu.memref_slice %arg4[%mul3A_1151] : memref<52428800xf32, #tpu.memory_space<hbm>> -> memref<1024xf32, #tpu.memory_space<hbm>>
        %dma_wait3A_1159 = arith.constant 6144 : i32
        %dma_wait3A_1160 = tpu.memref_slice %arg9[%dma_wait3A_1159] : memref<8192xf32, #tpu.memory_space<vmem>> -> memref<1024xf32, #tpu.memory_space<vmem>>
        tpu.wait_dma2 semaphore(%dma_wait3A_1157 : memref<!tpu.dma_semaphore, #tpu.memory_space<semaphore_mem>>) src(%dma_wait3A_1160 : memref<1024xf32, #tpu.memory_space<vmem>>) dst(%dma_wait3A_1158 : memref<1024xf32, #tpu.memory_space<hbm>>)
        %mul3A_1161 = arith.constant 8 : i32
        %mul3A_1162 = arith.muli %sub3A_1034, %mul3A_1161 : i32
        %add3A_1163 = arith.constant 7 : i32
        %add3A_1164 = arith.addi %mul3A_1162, %add3A_1163 : i32
        %mul3A_1165 = arith.constant 32 : i32
        %mul3A_1166 = arith.muli %add3A_1164, %mul3A_1165 : i32
        %add3A_1167 = arith.addi %mul3A_1166, %add3A : i32
        %mul3A_1168 = arith.constant 1024 : i32
        %mul3A_1169 = arith.muli %add3A_1167, %mul3A_1168 : i32
        %dma_wait3A_1170 = arith.constant 1 : i32
        %dma_wait3A_1171 = arith.constant 7168 : i32
        %dma_wait3A_1172 = tpu.memref_slice %arg9[%dma_wait3A_1171] : memref<8192xf32, #tpu.memory_space<vmem>> -> memref<1024xf32, #tpu.memory_space<vmem>>
        %dma_wait3A_1173 = tpu.memref_slice %arg4[%mul3A_1169] : memref<52428800xf32, #tpu.memory_space<hbm>> -> memref<1024xf32, #tpu.memory_space<hbm>>
        %dma_wait3A_1174 = tpu.memref_slice %arg11[%dma_wait3A_1170] : memref<2x!tpu.dma_semaphore, #tpu.memory_space<semaphore_mem>> -> memref<1x!tpu.dma_semaphore, #tpu.memory_space<semaphore_mem>>
        %dma_wait3A_1175 = tpu.memref_squeeze %dma_wait3A_1174 : memref<1x!tpu.dma_semaphore, #tpu.memory_space<semaphore_mem>> -> memref<!tpu.dma_semaphore, #tpu.memory_space<semaphore_mem>>
        %dma_wait3A_1176 = tpu.memref_slice %arg4[%mul3A_1169] : memref<52428800xf32, #tpu.memory_space<hbm>> -> memref<1024xf32, #tpu.memory_space<hbm>>
        %dma_wait3A_1177 = arith.constant 7168 : i32
        %dma_wait3A_1178 = tpu.memref_slice %arg9[%dma_wait3A_1177] : memref<8192xf32, #tpu.memory_space<vmem>> -> memref<1024xf32, #tpu.memory_space<vmem>>
        tpu.wait_dma2 semaphore(%dma_wait3A_1175 : memref<!tpu.dma_semaphore, #tpu.memory_space<semaphore_mem>>) src(%dma_wait3A_1178 : memref<1024xf32, #tpu.memory_space<vmem>>) dst(%dma_wait3A_1176 : memref<1024xf32, #tpu.memory_space<hbm>>)
      } else {
      }
      %scan3A_884 = arith.constant 0 : i32
      %scan3A_885 = arith.constant 0 : i32
      %scan3A_886 = arith.constant 32 : i32
      %scan3A_887 = arith.addi %scan3A_885, %scan3A_886 : i32
      %scan3A_888 = arith.constant 1 : i32
      scf.for %scan3A_1034 = %scan3A_885 to %scan3A_887 step %scan3A_888  : i32 {
        %rem3A = arith.constant 8 : i32
        %rem3A_1035 = arith.remsi %scan3A_1034, %rem3A : i32
        %mul3A_1036 = arith.constant 16 : i32
        %mul3A_1037 = arith.muli %rem3A_1035, %mul3A_1036 : i32
        %div3A = arith.constant 8 : i32
        %div3A_1038 = arith.divsi %scan3A_1034, %div3A : i32
        %mul3A_1039 = arith.constant 16 : i32
        %mul3A_1040 = arith.muli %div3A_1038, %mul3A_1039 : i32
        %add3A_1041 = vector.broadcast %mul3A_1037 : i32 to vector<16xi32>
        %add3A_1042 = arith.addi %add3A_1041, %iota3A : vector<16xi32>
        %scan3A_1043 = arith.constant 0 : i32
        %scan3A_1044 = arith.constant 0 : i32
        %scan3A_1045 = arith.constant 2 : i32
        %scan3A_1046 = arith.addi %scan3A_1044, %scan3A_1045 : i32
        %scan3A_1047 = arith.constant 1 : i32
        scf.for %scan3A_1049 = %scan3A_1044 to %scan3A_1046 step %scan3A_1047  : i32 {
          %mul3A_1050 = arith.constant 8 : i32
          %mul3A_1051 = arith.muli %scan3A_1049, %mul3A_1050 : i32
          %add3A_1052 = arith.constant 0 : i32
          %add3A_1053 = arith.addi %mul3A_1051, %add3A_1052 : i32
          %add3A_1054 = vector.broadcast %add3A_1053 : i32 to vector<16xi32>
          %add3A_1055 = arith.addi %iota3A, %add3A_1054 : vector<16xi32>
          %and3A = arith.constant 15 : i32
          %and3A_1056 = vector.broadcast %and3A : i32 to vector<16xi32>
          %and3A_1057 = arith.andi %add3A_1055, %and3A_1056 : vector<16xi32>
          %add3A_1058 = vector.broadcast %mul3A_1040 : i32 to vector<16xi32>
          %add3A_1059 = arith.addi %add3A_1058, %and3A_1057 : vector<16xi32>
          %gather3A = tpu.vector_load_idx %arg7[%add3A_1042, %add3A_1059] : memref<128x64xf32, #tpu.memory_space<vmem>>[vector<16xi32>, vector<16xi32>], vector<16xf32>,
          %mul3A_1060 = arith.constant 128 : i32
          %mul3A_1061 = vector.broadcast %mul3A_1060 : i32 to vector<16xi32>
          %mul3A_1062 = arith.muli %add3A_1059, %mul3A_1061 : vector<16xi32>
          %add3A_1063 = arith.addi %mul3A_1062, %add3A_1042 : vector<16xi32>
          tpu.vector_store_idx %arg9[%add3A_1063], %gather3A : memref<8192xf32, #tpu.memory_space<vmem>>[vector<16xi32>], vector<16xf32>,
          %mul3A_1064 = arith.constant 8 : i32
          %mul3A_1065 = arith.muli %scan3A_1049, %mul3A_1064 : i32
          %add3A_1066 = arith.constant 1 : i32
          %add3A_1067 = arith.addi %mul3A_1065, %add3A_1066 : i32
          %add3A_1068 = vector.broadcast %add3A_1067 : i32 to vector<16xi32>
          %add3A_1069 = arith.addi %iota3A, %add3A_1068 : vector<16xi32>
          %and3A_1070 = arith.constant 15 : i32
          %and3A_1071 = vector.broadcast %and3A_1070 : i32 to vector<16xi32>
          %and3A_1072 = arith.andi %add3A_1069, %and3A_1071 : vector<16xi32>
          %add3A_1073 = vector.broadcast %mul3A_1040 : i32 to vector<16xi32>
          %add3A_1074 = arith.addi %add3A_1073, %and3A_1072 : vector<16xi32>
          %gather3A_1075 = tpu.vector_load_idx %arg7[%add3A_1042, %add3A_1074] : memref<128x64xf32, #tpu.memory_space<vmem>>[vector<16xi32>, vector<16xi32>], vector<16xf32>,
          %mul3A_1076 = arith.constant 128 : i32
          %mul3A_1077 = vector.broadcast %mul3A_1076 : i32 to vector<16xi32>
          %mul3A_1078 = arith.muli %add3A_1074, %mul3A_1077 : vector<16xi32>
          %add3A_1079 = arith.addi %mul3A_1078, %add3A_1042 : vector<16xi32>
          tpu.vector_store_idx %arg9[%add3A_1079], %gather3A_1075 : memref<8192xf32, #tpu.memory_space<vmem>>[vector<16xi32>], vector<16xf32>,
          %mul3A_1080 = arith.constant 8 : i32
          %mul3A_1081 = arith.muli %scan3A_1049, %mul3A_1080 : i32
          %add3A_1082 = arith.constant 2 : i32
          %add3A_1083 = arith.addi %mul3A_1081, %add3A_1082 : i32
          %add3A_1084 = vector.broadcast %add3A_1083 : i32 to vector<16xi32>
          %add3A_1085 = arith.addi %iota3A, %add3A_1084 : vector<16xi32>
          %and3A_1086 = arith.constant 15 : i32
          %and3A_1087 = vector.broadcast %and3A_1086 : i32 to vector<16xi32>
          %and3A_1088 = arith.andi %add3A_1085, %and3A_1087 : vector<16xi32>
          %add3A_1089 = vector.broadcast %mul3A_1040 : i32 to vector<16xi32>
          %add3A_1090 = arith.addi %add3A_1089, %and3A_1088 : vector<16xi32>
          %gather3A_1091 = tpu.vector_load_idx %arg7[%add3A_1042, %add3A_1090] : memref<128x64xf32, #tpu.memory_space<vmem>>[vector<16xi32>, vector<16xi32>], vector<16xf32>,
          %mul3A_1092 = arith.constant 128 : i32
          %mul3A_1093 = vector.broadcast %mul3A_1092 : i32 to vector<16xi32>
          %mul3A_1094 = arith.muli %add3A_1090, %mul3A_1093 : vector<16xi32>
          %add3A_1095 = arith.addi %mul3A_1094, %add3A_1042 : vector<16xi32>
          tpu.vector_store_idx %arg9[%add3A_1095], %gather3A_1091 : memref<8192xf32, #tpu.memory_space<vmem>>[vector<16xi32>], vector<16xf32>,
          %mul3A_1096 = arith.constant 8 : i32
          %mul3A_1097 = arith.muli %scan3A_1049, %mul3A_1096 : i32
          %add3A_1098 = arith.constant 3 : i32
          %add3A_1099 = arith.addi %mul3A_1097, %add3A_1098 : i32
          %add3A_1100 = vector.broadcast %add3A_1099 : i32 to vector<16xi32>
          %add3A_1101 = arith.addi %iota3A, %add3A_1100 : vector<16xi32>
          %and3A_1102 = arith.constant 15 : i32
          %and3A_1103 = vector.broadcast %and3A_1102 : i32 to vector<16xi32>
          %and3A_1104 = arith.andi %add3A_1101, %and3A_1103 : vector<16xi32>
          %add3A_1105 = vector.broadcast %mul3A_1040 : i32 to vector<16xi32>
          %add3A_1106 = arith.addi %add3A_1105, %and3A_1104 : vector<16xi32>
          %gather3A_1107 = tpu.vector_load_idx %arg7[%add3A_1042, %add3A_1106] : memref<128x64xf32, #tpu.memory_space<vmem>>[vector<16xi32>, vector<16xi32>], vector<16xf32>,
          %mul3A_1108 = arith.constant 128 : i32
          %mul3A_1109 = vector.broadcast %mul3A_1108 : i32 to vector<16xi32>
          %mul3A_1110 = arith.muli %add3A_1106, %mul3A_1109 : vector<16xi32>
          %add3A_1111 = arith.addi %mul3A_1110, %add3A_1042 : vector<16xi32>
          tpu.vector_store_idx %arg9[%add3A_1111], %gather3A_1107 : memref<8192xf32, #tpu.memory_space<vmem>>[vector<16xi32>], vector<16xf32>,
          %mul3A_1112 = arith.constant 8 : i32
          %mul3A_1113 = arith.muli %scan3A_1049, %mul3A_1112 : i32
          %add3A_1114 = arith.constant 4 : i32
          %add3A_1115 = arith.addi %mul3A_1113, %add3A_1114 : i32
          %add3A_1116 = vector.broadcast %add3A_1115 : i32 to vector<16xi32>
          %add3A_1117 = arith.addi %iota3A, %add3A_1116 : vector<16xi32>
          %and3A_1118 = arith.constant 15 : i32
          %and3A_1119 = vector.broadcast %and3A_1118 : i32 to vector<16xi32>
          %and3A_1120 = arith.andi %add3A_1117, %and3A_1119 : vector<16xi32>
          %add3A_1121 = vector.broadcast %mul3A_1040 : i32 to vector<16xi32>
          %add3A_1122 = arith.addi %add3A_1121, %and3A_1120 : vector<16xi32>
          %gather3A_1123 = tpu.vector_load_idx %arg7[%add3A_1042, %add3A_1122] : memref<128x64xf32, #tpu.memory_space<vmem>>[vector<16xi32>, vector<16xi32>], vector<16xf32>,
          %mul3A_1124 = arith.constant 128 : i32
          %mul3A_1125 = vector.broadcast %mul3A_1124 : i32 to vector<16xi32>
          %mul3A_1126 = arith.muli %add3A_1122, %mul3A_1125 : vector<16xi32>
          %add3A_1127 = arith.addi %mul3A_1126, %add3A_1042 : vector<16xi32>
          tpu.vector_store_idx %arg9[%add3A_1127], %gather3A_1123 : memref<8192xf32, #tpu.memory_space<vmem>>[vector<16xi32>], vector<16xf32>,
          %mul3A_1128 = arith.constant 8 : i32
          %mul3A_1129 = arith.muli %scan3A_1049, %mul3A_1128 : i32
          %add3A_1130 = arith.constant 5 : i32
          %add3A_1131 = arith.addi %mul3A_1129, %add3A_1130 : i32
          %add3A_1132 = vector.broadcast %add3A_1131 : i32 to vector<16xi32>
          %add3A_1133 = arith.addi %iota3A, %add3A_1132 : vector<16xi32>
          %and3A_1134 = arith.constant 15 : i32
          %and3A_1135 = vector.broadcast %and3A_1134 : i32 to vector<16xi32>
          %and3A_1136 = arith.andi %add3A_1133, %and3A_1135 : vector<16xi32>
          %add3A_1137 = vector.broadcast %mul3A_1040 : i32 to vector<16xi32>
          %add3A_1138 = arith.addi %add3A_1137, %and3A_1136 : vector<16xi32>
          %gather3A_1139 = tpu.vector_load_idx %arg7[%add3A_1042, %add3A_1138] : memref<128x64xf32, #tpu.memory_space<vmem>>[vector<16xi32>, vector<16xi32>], vector<16xf32>,
          %mul3A_1140 = arith.constant 128 : i32
          %mul3A_1141 = vector.broadcast %mul3A_1140 : i32 to vector<16xi32>
          %mul3A_1142 = arith.muli %add3A_1138, %mul3A_1141 : vector<16xi32>
          %add3A_1143 = arith.addi %mul3A_1142, %add3A_1042 : vector<16xi32>
          tpu.vector_store_idx %arg9[%add3A_1143], %gather3A_1139 : memref<8192xf32, #tpu.memory_space<vmem>>[vector<16xi32>], vector<16xf32>,
          %mul3A_1144 = arith.constant 8 : i32
          %mul3A_1145 = arith.muli %scan3A_1049, %mul3A_1144 : i32
          %add3A_1146 = arith.constant 6 : i32
          %add3A_1147 = arith.addi %mul3A_1145, %add3A_1146 : i32
          %add3A_1148 = vector.broadcast %add3A_1147 : i32 to vector<16xi32>
          %add3A_1149 = arith.addi %iota3A, %add3A_1148 : vector<16xi32>
          %and3A_1150 = arith.constant 15 : i32
          %and3A_1151 = vector.broadcast %and3A_1150 : i32 to vector<16xi32>
          %and3A_1152 = arith.andi %add3A_1149, %and3A_1151 : vector<16xi32>
          %add3A_1153 = vector.broadcast %mul3A_1040 : i32 to vector<16xi32>
          %add3A_1154 = arith.addi %add3A_1153, %and3A_1152 : vector<16xi32>
          %gather3A_1155 = tpu.vector_load_idx %arg7[%add3A_1042, %add3A_1154] : memref<128x64xf32, #tpu.memory_space<vmem>>[vector<16xi32>, vector<16xi32>], vector<16xf32>,
          %mul3A_1156 = arith.constant 128 : i32
          %mul3A_1157 = vector.broadcast %mul3A_1156 : i32 to vector<16xi32>
          %mul3A_1158 = arith.muli %add3A_1154, %mul3A_1157 : vector<16xi32>
          %add3A_1159 = arith.addi %mul3A_1158, %add3A_1042 : vector<16xi32>
          tpu.vector_store_idx %arg9[%add3A_1159], %gather3A_1155 : memref<8192xf32, #tpu.memory_space<vmem>>[vector<16xi32>], vector<16xf32>,
          %mul3A_1160 = arith.constant 8 : i32
          %mul3A_1161 = arith.muli %scan3A_1049, %mul3A_1160 : i32
          %add3A_1162 = arith.constant 7 : i32
          %add3A_1163 = arith.addi %mul3A_1161, %add3A_1162 : i32
          %add3A_1164 = vector.broadcast %add3A_1163 : i32 to vector<16xi32>
          %add3A_1165 = arith.addi %iota3A, %add3A_1164 : vector<16xi32>
          %and3A_1166 = arith.constant 15 : i32
          %and3A_1167 = vector.broadcast %and3A_1166 : i32 to vector<16xi32>
          %and3A_1168 = arith.andi %add3A_1165, %and3A_1167 : vector<16xi32>
          %add3A_1169 = vector.broadcast %mul3A_1040 : i32 to vector<16xi32>
          %add3A_1170 = arith.addi %add3A_1169, %and3A_1168 : vector<16xi32>
          %gather3A_1171 = tpu.vector_load_idx %arg7[%add3A_1042, %add3A_1170] : memref<128x64xf32, #tpu.memory_space<vmem>>[vector<16xi32>, vector<16xi32>], vector<16xf32>,
          %mul3A_1172 = arith.constant 128 : i32
          %mul3A_1173 = vector.broadcast %mul3A_1172 : i32 to vector<16xi32>
          %mul3A_1174 = arith.muli %add3A_1170, %mul3A_1173 : vector<16xi32>
          %add3A_1175 = arith.addi %mul3A_1174, %add3A_1042 : vector<16xi32>
          tpu.vector_store_idx %arg9[%add3A_1175], %gather3A_1171 : memref<8192xf32, #tpu.memory_space<vmem>>[vector<16xi32>], vector<16xf32>,
        }
        %scan3A_1048 = arith.constant 2 : i32
      }
      %scan3A_889 = arith.constant 32 : i32
      %mul3A_890 = arith.constant 8 : i32
      %mul3A_891 = arith.muli %add3A_869, %mul3A_890 : i32
      %add3A_892 = arith.constant 0 : i32
      %add3A_893 = arith.addi %mul3A_891, %add3A_892 : i32
      %mul3A_894 = arith.constant 32 : i32
      %mul3A_895 = arith.muli %add3A_893, %mul3A_894 : i32
      %add3A_896 = arith.addi %mul3A_895, %add3A : i32
      %mul3A_897 = arith.constant 1024 : i32
      %mul3A_898 = arith.muli %add3A_896, %mul3A_897 : i32
      %dma_start3A_899 = arith.constant 1 : i32
      %dma_start3A_900 = arith.constant 0 : i32
      %dma_start3A_901 = tpu.memref_slice %arg9[%dma_start3A_900] : memref<8192xf32, #tpu.memory_space<vmem>> -> memref<1024xf32, #tpu.memory_space<vmem>>
      %dma_start3A_902 = tpu.memref_slice %arg4[%mul3A_898] : memref<52428800xf32, #tpu.memory_space<hbm>> -> memref<1024xf32, #tpu.memory_space<hbm>>
      %dma_start3A_903 = tpu.memref_slice %arg11[%dma_start3A_899] : memref<2x!tpu.dma_semaphore, #tpu.memory_space<semaphore_mem>> -> memref<1x!tpu.dma_semaphore, #tpu.memory_space<semaphore_mem>>
      %dma_start3A_904 = tpu.memref_squeeze %dma_start3A_903 : memref<1x!tpu.dma_semaphore, #tpu.memory_space<semaphore_mem>> -> memref<!tpu.dma_semaphore, #tpu.memory_space<semaphore_mem>>
      %dma_start3A_905 = tpu.memref_slice %arg4[%mul3A_898] : memref<52428800xf32, #tpu.memory_space<hbm>> -> memref<1024xf32, #tpu.memory_space<hbm>>
      %dma_start3A_906 = arith.constant 0 : i32
      %dma_start3A_907 = tpu.memref_slice %arg9[%dma_start3A_906] : memref<8192xf32, #tpu.memory_space<vmem>> -> memref<1024xf32, #tpu.memory_space<vmem>>
      tpu.enqueue_dma source(%dma_start3A_907 : memref<1024xf32, #tpu.memory_space<vmem>>) target(%dma_start3A_905 : memref<1024xf32, #tpu.memory_space<hbm>>) target_semaphore(%dma_start3A_904 : memref<!tpu.dma_semaphore, #tpu.memory_space<semaphore_mem>>)
      %mul3A_908 = arith.constant 8 : i32
      %mul3A_909 = arith.muli %add3A_869, %mul3A_908 : i32
      %add3A_910 = arith.constant 1 : i32
      %add3A_911 = arith.addi %mul3A_909, %add3A_910 : i32
      %mul3A_912 = arith.constant 32 : i32
      %mul3A_913 = arith.muli %add3A_911, %mul3A_912 : i32
      %add3A_914 = arith.addi %mul3A_913, %add3A : i32
      %mul3A_915 = arith.constant 1024 : i32
      %mul3A_916 = arith.muli %add3A_914, %mul3A_915 : i32
      %dma_start3A_917 = arith.constant 1 : i32
      %dma_start3A_918 = arith.constant 1024 : i32
      %dma_start3A_919 = tpu.memref_slice %arg9[%dma_start3A_918] : memref<8192xf32, #tpu.memory_space<vmem>> -> memref<1024xf32, #tpu.memory_space<vmem>>
      %dma_start3A_920 = tpu.memref_slice %arg4[%mul3A_916] : memref<52428800xf32, #tpu.memory_space<hbm>> -> memref<1024xf32, #tpu.memory_space<hbm>>
      %dma_start3A_921 = tpu.memref_slice %arg11[%dma_start3A_917] : memref<2x!tpu.dma_semaphore, #tpu.memory_space<semaphore_mem>> -> memref<1x!tpu.dma_semaphore, #tpu.memory_space<semaphore_mem>>
      %dma_start3A_922 = tpu.memref_squeeze %dma_start3A_921 : memref<1x!tpu.dma_semaphore, #tpu.memory_space<semaphore_mem>> -> memref<!tpu.dma_semaphore, #tpu.memory_space<semaphore_mem>>
      %dma_start3A_923 = tpu.memref_slice %arg4[%mul3A_916] : memref<52428800xf32, #tpu.memory_space<hbm>> -> memref<1024xf32, #tpu.memory_space<hbm>>
      %dma_start3A_924 = arith.constant 1024 : i32
      %dma_start3A_925 = tpu.memref_slice %arg9[%dma_start3A_924] : memref<8192xf32, #tpu.memory_space<vmem>> -> memref<1024xf32, #tpu.memory_space<vmem>>
      tpu.enqueue_dma source(%dma_start3A_925 : memref<1024xf32, #tpu.memory_space<vmem>>) target(%dma_start3A_923 : memref<1024xf32, #tpu.memory_space<hbm>>) target_semaphore(%dma_start3A_922 : memref<!tpu.dma_semaphore, #tpu.memory_space<semaphore_mem>>)
      %mul3A_926 = arith.constant 8 : i32
      %mul3A_927 = arith.muli %add3A_869, %mul3A_926 : i32
      %add3A_928 = arith.constant 2 : i32
      %add3A_929 = arith.addi %mul3A_927, %add3A_928 : i32
      %mul3A_930 = arith.constant 32 : i32
      %mul3A_931 = arith.muli %add3A_929, %mul3A_930 : i32
      %add3A_932 = arith.addi %mul3A_931, %add3A : i32
      %mul3A_933 = arith.constant 1024 : i32
      %mul3A_934 = arith.muli %add3A_932, %mul3A_933 : i32
      %dma_start3A_935 = arith.constant 1 : i32
      %dma_start3A_936 = arith.constant 2048 : i32
      %dma_start3A_937 = tpu.memref_slice %arg9[%dma_start3A_936] : memref<8192xf32, #tpu.memory_space<vmem>> -> memref<1024xf32, #tpu.memory_space<vmem>>
      %dma_start3A_938 = tpu.memref_slice %arg4[%mul3A_934] : memref<52428800xf32, #tpu.memory_space<hbm>> -> memref<1024xf32, #tpu.memory_space<hbm>>
      %dma_start3A_939 = tpu.memref_slice %arg11[%dma_start3A_935] : memref<2x!tpu.dma_semaphore, #tpu.memory_space<semaphore_mem>> -> memref<1x!tpu.dma_semaphore, #tpu.memory_space<semaphore_mem>>
      %dma_start3A_940 = tpu.memref_squeeze %dma_start3A_939 : memref<1x!tpu.dma_semaphore, #tpu.memory_space<semaphore_mem>> -> memref<!tpu.dma_semaphore, #tpu.memory_space<semaphore_mem>>
      %dma_start3A_941 = tpu.memref_slice %arg4[%mul3A_934] : memref<52428800xf32, #tpu.memory_space<hbm>> -> memref<1024xf32, #tpu.memory_space<hbm>>
      %dma_start3A_942 = arith.constant 2048 : i32
      %dma_start3A_943 = tpu.memref_slice %arg9[%dma_start3A_942] : memref<8192xf32, #tpu.memory_space<vmem>> -> memref<1024xf32, #tpu.memory_space<vmem>>
      tpu.enqueue_dma source(%dma_start3A_943 : memref<1024xf32, #tpu.memory_space<vmem>>) target(%dma_start3A_941 : memref<1024xf32, #tpu.memory_space<hbm>>) target_semaphore(%dma_start3A_940 : memref<!tpu.dma_semaphore, #tpu.memory_space<semaphore_mem>>)
      %mul3A_944 = arith.constant 8 : i32
      %mul3A_945 = arith.muli %add3A_869, %mul3A_944 : i32
      %add3A_946 = arith.constant 3 : i32
      %add3A_947 = arith.addi %mul3A_945, %add3A_946 : i32
      %mul3A_948 = arith.constant 32 : i32
      %mul3A_949 = arith.muli %add3A_947, %mul3A_948 : i32
      %add3A_950 = arith.addi %mul3A_949, %add3A : i32
      %mul3A_951 = arith.constant 1024 : i32
      %mul3A_952 = arith.muli %add3A_950, %mul3A_951 : i32
      %dma_start3A_953 = arith.constant 1 : i32
      %dma_start3A_954 = arith.constant 3072 : i32
      %dma_start3A_955 = tpu.memref_slice %arg9[%dma_start3A_954] : memref<8192xf32, #tpu.memory_space<vmem>> -> memref<1024xf32, #tpu.memory_space<vmem>>
      %dma_start3A_956 = tpu.memref_slice %arg4[%mul3A_952] : memref<52428800xf32, #tpu.memory_space<hbm>> -> memref<1024xf32, #tpu.memory_space<hbm>>
      %dma_start3A_957 = tpu.memref_slice %arg11[%dma_start3A_953] : memref<2x!tpu.dma_semaphore, #tpu.memory_space<semaphore_mem>> -> memref<1x!tpu.dma_semaphore, #tpu.memory_space<semaphore_mem>>
      %dma_start3A_958 = tpu.memref_squeeze %dma_start3A_957 : memref<1x!tpu.dma_semaphore, #tpu.memory_space<semaphore_mem>> -> memref<!tpu.dma_semaphore, #tpu.memory_space<semaphore_mem>>
      %dma_start3A_959 = tpu.memref_slice %arg4[%mul3A_952] : memref<52428800xf32, #tpu.memory_space<hbm>> -> memref<1024xf32, #tpu.memory_space<hbm>>
      %dma_start3A_960 = arith.constant 3072 : i32
      %dma_start3A_961 = tpu.memref_slice %arg9[%dma_start3A_960] : memref<8192xf32, #tpu.memory_space<vmem>> -> memref<1024xf32, #tpu.memory_space<vmem>>
      tpu.enqueue_dma source(%dma_start3A_961 : memref<1024xf32, #tpu.memory_space<vmem>>) target(%dma_start3A_959 : memref<1024xf32, #tpu.memory_space<hbm>>) target_semaphore(%dma_start3A_958 : memref<!tpu.dma_semaphore, #tpu.memory_space<semaphore_mem>>)
      %mul3A_962 = arith.constant 8 : i32
      %mul3A_963 = arith.muli %add3A_869, %mul3A_962 : i32
      %add3A_964 = arith.constant 4 : i32
      %add3A_965 = arith.addi %mul3A_963, %add3A_964 : i32
      %mul3A_966 = arith.constant 32 : i32
      %mul3A_967 = arith.muli %add3A_965, %mul3A_966 : i32
      %add3A_968 = arith.addi %mul3A_967, %add3A : i32
      %mul3A_969 = arith.constant 1024 : i32
      %mul3A_970 = arith.muli %add3A_968, %mul3A_969 : i32
      %dma_start3A_971 = arith.constant 1 : i32
      %dma_start3A_972 = arith.constant 4096 : i32
      %dma_start3A_973 = tpu.memref_slice %arg9[%dma_start3A_972] : memref<8192xf32, #tpu.memory_space<vmem>> -> memref<1024xf32, #tpu.memory_space<vmem>>
      %dma_start3A_974 = tpu.memref_slice %arg4[%mul3A_970] : memref<52428800xf32, #tpu.memory_space<hbm>> -> memref<1024xf32, #tpu.memory_space<hbm>>
      %dma_start3A_975 = tpu.memref_slice %arg11[%dma_start3A_971] : memref<2x!tpu.dma_semaphore, #tpu.memory_space<semaphore_mem>> -> memref<1x!tpu.dma_semaphore, #tpu.memory_space<semaphore_mem>>
      %dma_start3A_976 = tpu.memref_squeeze %dma_start3A_975 : memref<1x!tpu.dma_semaphore, #tpu.memory_space<semaphore_mem>> -> memref<!tpu.dma_semaphore, #tpu.memory_space<semaphore_mem>>
      %dma_start3A_977 = tpu.memref_slice %arg4[%mul3A_970] : memref<52428800xf32, #tpu.memory_space<hbm>> -> memref<1024xf32, #tpu.memory_space<hbm>>
      %dma_start3A_978 = arith.constant 4096 : i32
      %dma_start3A_979 = tpu.memref_slice %arg9[%dma_start3A_978] : memref<8192xf32, #tpu.memory_space<vmem>> -> memref<1024xf32, #tpu.memory_space<vmem>>
      tpu.enqueue_dma source(%dma_start3A_979 : memref<1024xf32, #tpu.memory_space<vmem>>) target(%dma_start3A_977 : memref<1024xf32, #tpu.memory_space<hbm>>) target_semaphore(%dma_start3A_976 : memref<!tpu.dma_semaphore, #tpu.memory_space<semaphore_mem>>)
      %mul3A_980 = arith.constant 8 : i32
      %mul3A_981 = arith.muli %add3A_869, %mul3A_980 : i32
      %add3A_982 = arith.constant 5 : i32
      %add3A_983 = arith.addi %mul3A_981, %add3A_982 : i32
      %mul3A_984 = arith.constant 32 : i32
      %mul3A_985 = arith.muli %add3A_983, %mul3A_984 : i32
      %add3A_986 = arith.addi %mul3A_985, %add3A : i32
      %mul3A_987 = arith.constant 1024 : i32
      %mul3A_988 = arith.muli %add3A_986, %mul3A_987 : i32
      %dma_start3A_989 = arith.constant 1 : i32
      %dma_start3A_990 = arith.constant 5120 : i32
      %dma_start3A_991 = tpu.memref_slice %arg9[%dma_start3A_990] : memref<8192xf32, #tpu.memory_space<vmem>> -> memref<1024xf32, #tpu.memory_space<vmem>>
      %dma_start3A_992 = tpu.memref_slice %arg4[%mul3A_988] : memref<52428800xf32, #tpu.memory_space<hbm>> -> memref<1024xf32, #tpu.memory_space<hbm>>
      %dma_start3A_993 = tpu.memref_slice %arg11[%dma_start3A_989] : memref<2x!tpu.dma_semaphore, #tpu.memory_space<semaphore_mem>> -> memref<1x!tpu.dma_semaphore, #tpu.memory_space<semaphore_mem>>
      %dma_start3A_994 = tpu.memref_squeeze %dma_start3A_993 : memref<1x!tpu.dma_semaphore, #tpu.memory_space<semaphore_mem>> -> memref<!tpu.dma_semaphore, #tpu.memory_space<semaphore_mem>>
      %dma_start3A_995 = tpu.memref_slice %arg4[%mul3A_988] : memref<52428800xf32, #tpu.memory_space<hbm>> -> memref<1024xf32, #tpu.memory_space<hbm>>
      %dma_start3A_996 = arith.constant 5120 : i32
      %dma_start3A_997 = tpu.memref_slice %arg9[%dma_start3A_996] : memref<8192xf32, #tpu.memory_space<vmem>> -> memref<1024xf32, #tpu.memory_space<vmem>>
      tpu.enqueue_dma source(%dma_start3A_997 : memref<1024xf32, #tpu.memory_space<vmem>>) target(%dma_start3A_995 : memref<1024xf32, #tpu.memory_space<hbm>>) target_semaphore(%dma_start3A_994 : memref<!tpu.dma_semaphore, #tpu.memory_space<semaphore_mem>>)
      %mul3A_998 = arith.constant 8 : i32
      %mul3A_999 = arith.muli %add3A_869, %mul3A_998 : i32
      %add3A_1000 = arith.constant 6 : i32
      %add3A_1001 = arith.addi %mul3A_999, %add3A_1000 : i32
      %mul3A_1002 = arith.constant 32 : i32
      %mul3A_1003 = arith.muli %add3A_1001, %mul3A_1002 : i32
      %add3A_1004 = arith.addi %mul3A_1003, %add3A : i32
      %mul3A_1005 = arith.constant 1024 : i32
      %mul3A_1006 = arith.muli %add3A_1004, %mul3A_1005 : i32
      %dma_start3A_1007 = arith.constant 1 : i32
      %dma_start3A_1008 = arith.constant 6144 : i32
      %dma_start3A_1009 = tpu.memref_slice %arg9[%dma_start3A_1008] : memref<8192xf32, #tpu.memory_space<vmem>> -> memref<1024xf32, #tpu.memory_space<vmem>>
      %dma_start3A_1010 = tpu.memref_slice %arg4[%mul3A_1006] : memref<52428800xf32, #tpu.memory_space<hbm>> -> memref<1024xf32, #tpu.memory_space<hbm>>
      %dma_start3A_1011 = tpu.memref_slice %arg11[%dma_start3A_1007] : memref<2x!tpu.dma_semaphore, #tpu.memory_space<semaphore_mem>> -> memref<1x!tpu.dma_semaphore, #tpu.memory_space<semaphore_mem>>
      %dma_start3A_1012 = tpu.memref_squeeze %dma_start3A_1011 : memref<1x!tpu.dma_semaphore, #tpu.memory_space<semaphore_mem>> -> memref<!tpu.dma_semaphore, #tpu.memory_space<semaphore_mem>>
      %dma_start3A_1013 = tpu.memref_slice %arg4[%mul3A_1006] : memref<52428800xf32, #tpu.memory_space<hbm>> -> memref<1024xf32, #tpu.memory_space<hbm>>
      %dma_start3A_1014 = arith.constant 6144 : i32
      %dma_start3A_1015 = tpu.memref_slice %arg9[%dma_start3A_1014] : memref<8192xf32, #tpu.memory_space<vmem>> -> memref<1024xf32, #tpu.memory_space<vmem>>
      tpu.enqueue_dma source(%dma_start3A_1015 : memref<1024xf32, #tpu.memory_space<vmem>>) target(%dma_start3A_1013 : memref<1024xf32, #tpu.memory_space<hbm>>) target_semaphore(%dma_start3A_1012 : memref<!tpu.dma_semaphore, #tpu.memory_space<semaphore_mem>>)
      %mul3A_1016 = arith.constant 8 : i32
      %mul3A_1017 = arith.muli %add3A_869, %mul3A_1016 : i32
      %add3A_1018 = arith.constant 7 : i32
      %add3A_1019 = arith.addi %mul3A_1017, %add3A_1018 : i32
      %mul3A_1020 = arith.constant 32 : i32
      %mul3A_1021 = arith.muli %add3A_1019, %mul3A_1020 : i32
      %add3A_1022 = arith.addi %mul3A_1021, %add3A : i32
      %mul3A_1023 = arith.constant 1024 : i32
      %mul3A_1024 = arith.muli %add3A_1022, %mul3A_1023 : i32
      %dma_start3A_1025 = arith.constant 1 : i32
      %dma_start3A_1026 = arith.constant 7168 : i32
      %dma_start3A_1027 = tpu.memref_slice %arg9[%dma_start3A_1026] : memref<8192xf32, #tpu.memory_space<vmem>> -> memref<1024xf32, #tpu.memory_space<vmem>>
      %dma_start3A_1028 = tpu.memref_slice %arg4[%mul3A_1024] : memref<52428800xf32, #tpu.memory_space<hbm>> -> memref<1024xf32, #tpu.memory_space<hbm>>
      %dma_start3A_1029 = tpu.memref_slice %arg11[%dma_start3A_1025] : memref<2x!tpu.dma_semaphore, #tpu.memory_space<semaphore_mem>> -> memref<1x!tpu.dma_semaphore, #tpu.memory_space<semaphore_mem>>
      %dma_start3A_1030 = tpu.memref_squeeze %dma_start3A_1029 : memref<1x!tpu.dma_semaphore, #tpu.memory_space<semaphore_mem>> -> memref<!tpu.dma_semaphore, #tpu.memory_space<semaphore_mem>>
      %dma_start3A_1031 = tpu.memref_slice %arg4[%mul3A_1024] : memref<52428800xf32, #tpu.memory_space<hbm>> -> memref<1024xf32, #tpu.memory_space<hbm>>
      %dma_start3A_1032 = arith.constant 7168 : i32
      %dma_start3A_1033 = tpu.memref_slice %arg9[%dma_start3A_1032] : memref<8192xf32, #tpu.memory_space<vmem>> -> memref<1024xf32, #tpu.memory_space<vmem>>
      tpu.enqueue_dma source(%dma_start3A_1033 : memref<1024xf32, #tpu.memory_space<vmem>>) target(%dma_start3A_1031 : memref<1024xf32, #tpu.memory_space<hbm>>) target_semaphore(%dma_start3A_1030 : memref<!tpu.dma_semaphore, #tpu.memory_space<semaphore_mem>>)
    }
    %scan3A_16 = arith.constant 99 : i32
    %dma_start3A_17 = arith.constant 199 : i32
    %dma_start3A_18 = arith.constant 1 : i32
    %dma_start3A_19 = arith.constant 0 : i32
    %dma_start3A_20 = tpu.memref_slice %arg5[%dma_start3A_17, %dma_start3A_19] : memref<200x128xi32, #tpu.memory_space<vmem>> -> memref<1x128xi32, #tpu.memory_space<vmem>>
    %dma_start3A_21 = tpu.memref_squeeze %dma_start3A_20 : memref<1x128xi32, #tpu.memory_space<vmem>> -> memref<128xi32, #tpu.memory_space<vmem>>
    %dma_start3A_22 = arith.constant 0 : i32
    %dma_start3A_23 = arith.constant 0 : i32
    %dma_start3A_24 = tpu.memref_slice %arg3[%dma_start3A_22, %dma_start3A_23] : memref<1000016x64xf32, #tpu.memory_space<hbm>> -> memref<1000016x64xf32, #tpu.memory_space<hbm>>
    %dma_start3A_25 = tpu.memref_slice %arg10[%dma_start3A_18] : memref<2x!tpu.dma_semaphore, #tpu.memory_space<semaphore_mem>> -> memref<1x!tpu.dma_semaphore, #tpu.memory_space<semaphore_mem>>
    %dma_start3A_26 = tpu.memref_squeeze %dma_start3A_25 : memref<1x!tpu.dma_semaphore, #tpu.memory_space<semaphore_mem>> -> memref<!tpu.dma_semaphore, #tpu.memory_space<semaphore_mem>>
    tpu.enqueue_indirect_dma source(%dma_start3A_24 : memref<1000016x64xf32, #tpu.memory_space<hbm>>) target(%arg7 : memref<128x64xf32, #tpu.memory_space<vmem>>) offsets(%dma_start3A_21 : memref<128xi32, #tpu.memory_space<vmem>>) semaphore(%dma_start3A_26 : memref<!tpu.dma_semaphore, #tpu.memory_space<semaphore_mem>>)
    %dma_wait3A = arith.constant 198 : i32
    %dma_wait3A_27 = arith.constant 0 : i32
    %dma_wait3A_28 = arith.constant 0 : i32
    %dma_wait3A_29 = tpu.memref_slice %arg5[%dma_wait3A, %dma_wait3A_28] : memref<200x128xi32, #tpu.memory_space<vmem>> -> memref<1x128xi32, #tpu.memory_space<vmem>>
    %dma_wait3A_30 = tpu.memref_squeeze %dma_wait3A_29 : memref<1x128xi32, #tpu.memory_space<vmem>> -> memref<128xi32, #tpu.memory_space<vmem>>
    %dma_wait3A_31 = arith.constant 0 : i32
    %dma_wait3A_32 = arith.constant 0 : i32
    %dma_wait3A_33 = tpu.memref_slice %arg3[%dma_wait3A_31, %dma_wait3A_32] : memref<1000016x64xf32, #tpu.memory_space<hbm>> -> memref<1000016x64xf32, #tpu.memory_space<hbm>>
    %dma_wait3A_34 = tpu.memref_slice %arg10[%dma_wait3A_27] : memref<2x!tpu.dma_semaphore, #tpu.memory_space<semaphore_mem>> -> memref<1x!tpu.dma_semaphore, #tpu.memory_space<semaphore_mem>>
    %dma_wait3A_35 = tpu.memref_squeeze %dma_wait3A_34 : memref<1x!tpu.dma_semaphore, #tpu.memory_space<semaphore_mem>> -> memref<!tpu.dma_semaphore, #tpu.memory_space<semaphore_mem>>
    tpu.wait_indirect_dma semaphore(%dma_wait3A_35 : memref<!tpu.dma_semaphore, #tpu.memory_space<semaphore_mem>>) src(%dma_wait3A_33 : memref<1000016x64xf32, #tpu.memory_space<hbm>>) dst(%arg6 : memref<128x64xf32, #tpu.memory_space<vmem>>)
    %add3A_36 = arith.constant 50176 : i32
    %add3A_37 = arith.addi %add3A_36, %add3A : i32
    %mul3A_38 = arith.constant 1024 : i32
    %mul3A_39 = arith.muli %add3A_37, %mul3A_38 : i32
    %dma_wait3A_40 = arith.constant 0 : i32
    %dma_wait3A_41 = arith.constant 0 : i32
    %dma_wait3A_42 = tpu.memref_slice %arg8[%dma_wait3A_41] : memref<8192xf32, #tpu.memory_space<vmem>> -> memref<1024xf32, #tpu.memory_space<vmem>>
    %dma_wait3A_43 = tpu.memref_slice %arg4[%mul3A_39] : memref<52428800xf32, #tpu.memory_space<hbm>> -> memref<1024xf32, #tpu.memory_space<hbm>>
    %dma_wait3A_44 = tpu.memref_slice %arg11[%dma_wait3A_40] : memref<2x!tpu.dma_semaphore, #tpu.memory_space<semaphore_mem>> -> memref<1x!tpu.dma_semaphore, #tpu.memory_space<semaphore_mem>>
    %dma_wait3A_45 = tpu.memref_squeeze %dma_wait3A_44 : memref<1x!tpu.dma_semaphore, #tpu.memory_space<semaphore_mem>> -> memref<!tpu.dma_semaphore, #tpu.memory_space<semaphore_mem>>
    %dma_wait3A_46 = tpu.memref_slice %arg4[%mul3A_39] : memref<52428800xf32, #tpu.memory_space<hbm>> -> memref<1024xf32, #tpu.memory_space<hbm>>
    %dma_wait3A_47 = arith.constant 0 : i32
    %dma_wait3A_48 = tpu.memref_slice %arg8[%dma_wait3A_47] : memref<8192xf32, #tpu.memory_space<vmem>> -> memref<1024xf32, #tpu.memory_space<vmem>>
    tpu.wait_dma2 semaphore(%dma_wait3A_45 : memref<!tpu.dma_semaphore, #tpu.memory_space<semaphore_mem>>) src(%dma_wait3A_48 : memref<1024xf32, #tpu.memory_space<vmem>>) dst(%dma_wait3A_46 : memref<1024xf32, #tpu.memory_space<hbm>>)
    %add3A_49 = arith.constant 50208 : i32
    %add3A_50 = arith.addi %add3A_49, %add3A : i32
    %mul3A_51 = arith.constant 1024 : i32
    %mul3A_52 = arith.muli %add3A_50, %mul3A_51 : i32
    %dma_wait3A_53 = arith.constant 0 : i32
    %dma_wait3A_54 = arith.constant 1024 : i32
    %dma_wait3A_55 = tpu.memref_slice %arg8[%dma_wait3A_54] : memref<8192xf32, #tpu.memory_space<vmem>> -> memref<1024xf32, #tpu.memory_space<vmem>>
    %dma_wait3A_56 = tpu.memref_slice %arg4[%mul3A_52] : memref<52428800xf32, #tpu.memory_space<hbm>> -> memref<1024xf32, #tpu.memory_space<hbm>>
    %dma_wait3A_57 = tpu.memref_slice %arg11[%dma_wait3A_53] : memref<2x!tpu.dma_semaphore, #tpu.memory_space<semaphore_mem>> -> memref<1x!tpu.dma_semaphore, #tpu.memory_space<semaphore_mem>>
    %dma_wait3A_58 = tpu.memref_squeeze %dma_wait3A_57 : memref<1x!tpu.dma_semaphore, #tpu.memory_space<semaphore_mem>> -> memref<!tpu.dma_semaphore, #tpu.memory_space<semaphore_mem>>
    %dma_wait3A_59 = tpu.memref_slice %arg4[%mul3A_52] : memref<52428800xf32, #tpu.memory_space<hbm>> -> memref<1024xf32, #tpu.memory_space<hbm>>
    %dma_wait3A_60 = arith.constant 1024 : i32
    %dma_wait3A_61 = tpu.memref_slice %arg8[%dma_wait3A_60] : memref<8192xf32, #tpu.memory_space<vmem>> -> memref<1024xf32, #tpu.memory_space<vmem>>
    tpu.wait_dma2 semaphore(%dma_wait3A_58 : memref<!tpu.dma_semaphore, #tpu.memory_space<semaphore_mem>>) src(%dma_wait3A_61 : memref<1024xf32, #tpu.memory_space<vmem>>) dst(%dma_wait3A_59 : memref<1024xf32, #tpu.memory_space<hbm>>)
    %add3A_62 = arith.constant 50240 : i32
    %add3A_63 = arith.addi %add3A_62, %add3A : i32
    %mul3A_64 = arith.constant 1024 : i32
    %mul3A_65 = arith.muli %add3A_63, %mul3A_64 : i32
    %dma_wait3A_66 = arith.constant 0 : i32
    %dma_wait3A_67 = arith.constant 2048 : i32
    %dma_wait3A_68 = tpu.memref_slice %arg8[%dma_wait3A_67] : memref<8192xf32, #tpu.memory_space<vmem>> -> memref<1024xf32, #tpu.memory_space<vmem>>
    %dma_wait3A_69 = tpu.memref_slice %arg4[%mul3A_65] : memref<52428800xf32, #tpu.memory_space<hbm>> -> memref<1024xf32, #tpu.memory_space<hbm>>
    %dma_wait3A_70 = tpu.memref_slice %arg11[%dma_wait3A_66] : memref<2x!tpu.dma_semaphore, #tpu.memory_space<semaphore_mem>> -> memref<1x!tpu.dma_semaphore, #tpu.memory_space<semaphore_mem>>
    %dma_wait3A_71 = tpu.memref_squeeze %dma_wait3A_70 : memref<1x!tpu.dma_semaphore, #tpu.memory_space<semaphore_mem>> -> memref<!tpu.dma_semaphore, #tpu.memory_space<semaphore_mem>>
    %dma_wait3A_72 = tpu.memref_slice %arg4[%mul3A_65] : memref<52428800xf32, #tpu.memory_space<hbm>> -> memref<1024xf32, #tpu.memory_space<hbm>>
    %dma_wait3A_73 = arith.constant 2048 : i32
    %dma_wait3A_74 = tpu.memref_slice %arg8[%dma_wait3A_73] : memref<8192xf32, #tpu.memory_space<vmem>> -> memref<1024xf32, #tpu.memory_space<vmem>>
    tpu.wait_dma2 semaphore(%dma_wait3A_71 : memref<!tpu.dma_semaphore, #tpu.memory_space<semaphore_mem>>) src(%dma_wait3A_74 : memref<1024xf32, #tpu.memory_space<vmem>>) dst(%dma_wait3A_72 : memref<1024xf32, #tpu.memory_space<hbm>>)
    %add3A_75 = arith.constant 50272 : i32
    %add3A_76 = arith.addi %add3A_75, %add3A : i32
    %mul3A_77 = arith.constant 1024 : i32
    %mul3A_78 = arith.muli %add3A_76, %mul3A_77 : i32
    %dma_wait3A_79 = arith.constant 0 : i32
    %dma_wait3A_80 = arith.constant 3072 : i32
    %dma_wait3A_81 = tpu.memref_slice %arg8[%dma_wait3A_80] : memref<8192xf32, #tpu.memory_space<vmem>> -> memref<1024xf32, #tpu.memory_space<vmem>>
    %dma_wait3A_82 = tpu.memref_slice %arg4[%mul3A_78] : memref<52428800xf32, #tpu.memory_space<hbm>> -> memref<1024xf32, #tpu.memory_space<hbm>>
    %dma_wait3A_83 = tpu.memref_slice %arg11[%dma_wait3A_79] : memref<2x!tpu.dma_semaphore, #tpu.memory_space<semaphore_mem>> -> memref<1x!tpu.dma_semaphore, #tpu.memory_space<semaphore_mem>>
    %dma_wait3A_84 = tpu.memref_squeeze %dma_wait3A_83 : memref<1x!tpu.dma_semaphore, #tpu.memory_space<semaphore_mem>> -> memref<!tpu.dma_semaphore, #tpu.memory_space<semaphore_mem>>
    %dma_wait3A_85 = tpu.memref_slice %arg4[%mul3A_78] : memref<52428800xf32, #tpu.memory_space<hbm>> -> memref<1024xf32, #tpu.memory_space<hbm>>
    %dma_wait3A_86 = arith.constant 3072 : i32
    %dma_wait3A_87 = tpu.memref_slice %arg8[%dma_wait3A_86] : memref<8192xf32, #tpu.memory_space<vmem>> -> memref<1024xf32, #tpu.memory_space<vmem>>
    tpu.wait_dma2 semaphore(%dma_wait3A_84 : memref<!tpu.dma_semaphore, #tpu.memory_space<semaphore_mem>>) src(%dma_wait3A_87 : memref<1024xf32, #tpu.memory_space<vmem>>) dst(%dma_wait3A_85 : memref<1024xf32, #tpu.memory_space<hbm>>)
    %add3A_88 = arith.constant 50304 : i32
    %add3A_89 = arith.addi %add3A_88, %add3A : i32
    %mul3A_90 = arith.constant 1024 : i32
    %mul3A_91 = arith.muli %add3A_89, %mul3A_90 : i32
    %dma_wait3A_92 = arith.constant 0 : i32
    %dma_wait3A_93 = arith.constant 4096 : i32
    %dma_wait3A_94 = tpu.memref_slice %arg8[%dma_wait3A_93] : memref<8192xf32, #tpu.memory_space<vmem>> -> memref<1024xf32, #tpu.memory_space<vmem>>
    %dma_wait3A_95 = tpu.memref_slice %arg4[%mul3A_91] : memref<52428800xf32, #tpu.memory_space<hbm>> -> memref<1024xf32, #tpu.memory_space<hbm>>
    %dma_wait3A_96 = tpu.memref_slice %arg11[%dma_wait3A_92] : memref<2x!tpu.dma_semaphore, #tpu.memory_space<semaphore_mem>> -> memref<1x!tpu.dma_semaphore, #tpu.memory_space<semaphore_mem>>
    %dma_wait3A_97 = tpu.memref_squeeze %dma_wait3A_96 : memref<1x!tpu.dma_semaphore, #tpu.memory_space<semaphore_mem>> -> memref<!tpu.dma_semaphore, #tpu.memory_space<semaphore_mem>>
    %dma_wait3A_98 = tpu.memref_slice %arg4[%mul3A_91] : memref<52428800xf32, #tpu.memory_space<hbm>> -> memref<1024xf32, #tpu.memory_space<hbm>>
    %dma_wait3A_99 = arith.constant 4096 : i32
    %dma_wait3A_100 = tpu.memref_slice %arg8[%dma_wait3A_99] : memref<8192xf32, #tpu.memory_space<vmem>> -> memref<1024xf32, #tpu.memory_space<vmem>>
    tpu.wait_dma2 semaphore(%dma_wait3A_97 : memref<!tpu.dma_semaphore, #tpu.memory_space<semaphore_mem>>) src(%dma_wait3A_100 : memref<1024xf32, #tpu.memory_space<vmem>>) dst(%dma_wait3A_98 : memref<1024xf32, #tpu.memory_space<hbm>>)
    %add3A_101 = arith.constant 50336 : i32
    %add3A_102 = arith.addi %add3A_101, %add3A : i32
    %mul3A_103 = arith.constant 1024 : i32
    %mul3A_104 = arith.muli %add3A_102, %mul3A_103 : i32
    %dma_wait3A_105 = arith.constant 0 : i32
    %dma_wait3A_106 = arith.constant 5120 : i32
    %dma_wait3A_107 = tpu.memref_slice %arg8[%dma_wait3A_106] : memref<8192xf32, #tpu.memory_space<vmem>> -> memref<1024xf32, #tpu.memory_space<vmem>>
    %dma_wait3A_108 = tpu.memref_slice %arg4[%mul3A_104] : memref<52428800xf32, #tpu.memory_space<hbm>> -> memref<1024xf32, #tpu.memory_space<hbm>>
    %dma_wait3A_109 = tpu.memref_slice %arg11[%dma_wait3A_105] : memref<2x!tpu.dma_semaphore, #tpu.memory_space<semaphore_mem>> -> memref<1x!tpu.dma_semaphore, #tpu.memory_space<semaphore_mem>>
    %dma_wait3A_110 = tpu.memref_squeeze %dma_wait3A_109 : memref<1x!tpu.dma_semaphore, #tpu.memory_space<semaphore_mem>> -> memref<!tpu.dma_semaphore, #tpu.memory_space<semaphore_mem>>
    %dma_wait3A_111 = tpu.memref_slice %arg4[%mul3A_104] : memref<52428800xf32, #tpu.memory_space<hbm>> -> memref<1024xf32, #tpu.memory_space<hbm>>
    %dma_wait3A_112 = arith.constant 5120 : i32
    %dma_wait3A_113 = tpu.memref_slice %arg8[%dma_wait3A_112] : memref<8192xf32, #tpu.memory_space<vmem>> -> memref<1024xf32, #tpu.memory_space<vmem>>
    tpu.wait_dma2 semaphore(%dma_wait3A_110 : memref<!tpu.dma_semaphore, #tpu.memory_space<semaphore_mem>>) src(%dma_wait3A_113 : memref<1024xf32, #tpu.memory_space<vmem>>) dst(%dma_wait3A_111 : memref<1024xf32, #tpu.memory_space<hbm>>)
    %add3A_114 = arith.constant 50368 : i32
    %add3A_115 = arith.addi %add3A_114, %add3A : i32
    %mul3A_116 = arith.constant 1024 : i32
    %mul3A_117 = arith.muli %add3A_115, %mul3A_116 : i32
    %dma_wait3A_118 = arith.constant 0 : i32
    %dma_wait3A_119 = arith.constant 6144 : i32
    %dma_wait3A_120 = tpu.memref_slice %arg8[%dma_wait3A_119] : memref<8192xf32, #tpu.memory_space<vmem>> -> memref<1024xf32, #tpu.memory_space<vmem>>
    %dma_wait3A_121 = tpu.memref_slice %arg4[%mul3A_117] : memref<52428800xf32, #tpu.memory_space<hbm>> -> memref<1024xf32, #tpu.memory_space<hbm>>
    %dma_wait3A_122 = tpu.memref_slice %arg11[%dma_wait3A_118] : memref<2x!tpu.dma_semaphore, #tpu.memory_space<semaphore_mem>> -> memref<1x!tpu.dma_semaphore, #tpu.memory_space<semaphore_mem>>
    %dma_wait3A_123 = tpu.memref_squeeze %dma_wait3A_122 : memref<1x!tpu.dma_semaphore, #tpu.memory_space<semaphore_mem>> -> memref<!tpu.dma_semaphore, #tpu.memory_space<semaphore_mem>>
    %dma_wait3A_124 = tpu.memref_slice %arg4[%mul3A_117] : memref<52428800xf32, #tpu.memory_space<hbm>> -> memref<1024xf32, #tpu.memory_space<hbm>>
    %dma_wait3A_125 = arith.constant 6144 : i32
    %dma_wait3A_126 = tpu.memref_slice %arg8[%dma_wait3A_125] : memref<8192xf32, #tpu.memory_space<vmem>> -> memref<1024xf32, #tpu.memory_space<vmem>>
    tpu.wait_dma2 semaphore(%dma_wait3A_123 : memref<!tpu.dma_semaphore, #tpu.memory_space<semaphore_mem>>) src(%dma_wait3A_126 : memref<1024xf32, #tpu.memory_space<vmem>>) dst(%dma_wait3A_124 : memref<1024xf32, #tpu.memory_space<hbm>>)
    %add3A_127 = arith.constant 50400 : i32
    %add3A_128 = arith.addi %add3A_127, %add3A : i32
    %mul3A_129 = arith.constant 1024 : i32
    %mul3A_130 = arith.muli %add3A_128, %mul3A_129 : i32
    %dma_wait3A_131 = arith.constant 0 : i32
    %dma_wait3A_132 = arith.constant 7168 : i32
    %dma_wait3A_133 = tpu.memref_slice %arg8[%dma_wait3A_132] : memref<8192xf32, #tpu.memory_space<vmem>> -> memref<1024xf32, #tpu.memory_space<vmem>>
    %dma_wait3A_134 = tpu.memref_slice %arg4[%mul3A_130] : memref<52428800xf32, #tpu.memory_space<hbm>> -> memref<1024xf32, #tpu.memory_space<hbm>>
    %dma_wait3A_135 = tpu.memref_slice %arg11[%dma_wait3A_131] : memref<2x!tpu.dma_semaphore, #tpu.memory_space<semaphore_mem>> -> memref<1x!tpu.dma_semaphore, #tpu.memory_space<semaphore_mem>>
    %dma_wait3A_136 = tpu.memref_squeeze %dma_wait3A_135 : memref<1x!tpu.dma_semaphore, #tpu.memory_space<semaphore_mem>> -> memref<!tpu.dma_semaphore, #tpu.memory_space<semaphore_mem>>
    %dma_wait3A_137 = tpu.memref_slice %arg4[%mul3A_130] : memref<52428800xf32, #tpu.memory_space<hbm>> -> memref<1024xf32, #tpu.memory_space<hbm>>
    %dma_wait3A_138 = arith.constant 7168 : i32
    %dma_wait3A_139 = tpu.memref_slice %arg8[%dma_wait3A_138] : memref<8192xf32, #tpu.memory_space<vmem>> -> memref<1024xf32, #tpu.memory_space<vmem>>
    tpu.wait_dma2 semaphore(%dma_wait3A_136 : memref<!tpu.dma_semaphore, #tpu.memory_space<semaphore_mem>>) src(%dma_wait3A_139 : memref<1024xf32, #tpu.memory_space<vmem>>) dst(%dma_wait3A_137 : memref<1024xf32, #tpu.memory_space<hbm>>)
    %scan3A_140 = arith.constant 0 : i32
    %scan3A_141 = arith.constant 0 : i32
    %scan3A_142 = arith.constant 32 : i32
    %scan3A_143 = arith.addi %scan3A_141, %scan3A_142 : i32
    %scan3A_144 = arith.constant 1 : i32
    scf.for %scan3A_682 = %scan3A_141 to %scan3A_143 step %scan3A_144  : i32 {
      %rem3A = arith.constant 8 : i32
      %rem3A_683 = arith.remsi %scan3A_682, %rem3A : i32
      %mul3A_684 = arith.constant 16 : i32
      %mul3A_685 = arith.muli %rem3A_683, %mul3A_684 : i32
      %div3A = arith.constant 8 : i32
      %div3A_686 = arith.divsi %scan3A_682, %div3A : i32
      %mul3A_687 = arith.constant 16 : i32
      %mul3A_688 = arith.muli %div3A_686, %mul3A_687 : i32
      %add3A_689 = vector.broadcast %mul3A_685 : i32 to vector<16xi32>
      %add3A_690 = arith.addi %add3A_689, %iota3A : vector<16xi32>
      %scan3A_691 = arith.constant 0 : i32
      %scan3A_692 = arith.constant 0 : i32
      %scan3A_693 = arith.constant 2 : i32
      %scan3A_694 = arith.addi %scan3A_692, %scan3A_693 : i32
      %scan3A_695 = arith.constant 1 : i32
      scf.for %scan3A_697 = %scan3A_692 to %scan3A_694 step %scan3A_695  : i32 {
        %mul3A_698 = arith.constant 8 : i32
        %mul3A_699 = arith.muli %scan3A_697, %mul3A_698 : i32
        %add3A_700 = arith.constant 0 : i32
        %add3A_701 = arith.addi %mul3A_699, %add3A_700 : i32
        %add3A_702 = vector.broadcast %add3A_701 : i32 to vector<16xi32>
        %add3A_703 = arith.addi %iota3A, %add3A_702 : vector<16xi32>
        %and3A = arith.constant 15 : i32
        %and3A_704 = vector.broadcast %and3A : i32 to vector<16xi32>
        %and3A_705 = arith.andi %add3A_703, %and3A_704 : vector<16xi32>
        %add3A_706 = vector.broadcast %mul3A_688 : i32 to vector<16xi32>
        %add3A_707 = arith.addi %add3A_706, %and3A_705 : vector<16xi32>
        %gather3A = tpu.vector_load_idx %arg6[%add3A_690, %add3A_707] : memref<128x64xf32, #tpu.memory_space<vmem>>[vector<16xi32>, vector<16xi32>], vector<16xf32>,
        %mul3A_708 = arith.constant 128 : i32
        %mul3A_709 = vector.broadcast %mul3A_708 : i32 to vector<16xi32>
        %mul3A_710 = arith.muli %add3A_707, %mul3A_709 : vector<16xi32>
        %add3A_711 = arith.addi %mul3A_710, %add3A_690 : vector<16xi32>
        tpu.vector_store_idx %arg8[%add3A_711], %gather3A : memref<8192xf32, #tpu.memory_space<vmem>>[vector<16xi32>], vector<16xf32>,
        %mul3A_712 = arith.constant 8 : i32
        %mul3A_713 = arith.muli %scan3A_697, %mul3A_712 : i32
        %add3A_714 = arith.constant 1 : i32
        %add3A_715 = arith.addi %mul3A_713, %add3A_714 : i32
        %add3A_716 = vector.broadcast %add3A_715 : i32 to vector<16xi32>
        %add3A_717 = arith.addi %iota3A, %add3A_716 : vector<16xi32>
        %and3A_718 = arith.constant 15 : i32
        %and3A_719 = vector.broadcast %and3A_718 : i32 to vector<16xi32>
        %and3A_720 = arith.andi %add3A_717, %and3A_719 : vector<16xi32>
        %add3A_721 = vector.broadcast %mul3A_688 : i32 to vector<16xi32>
        %add3A_722 = arith.addi %add3A_721, %and3A_720 : vector<16xi32>
        %gather3A_723 = tpu.vector_load_idx %arg6[%add3A_690, %add3A_722] : memref<128x64xf32, #tpu.memory_space<vmem>>[vector<16xi32>, vector<16xi32>], vector<16xf32>,
        %mul3A_724 = arith.constant 128 : i32
        %mul3A_725 = vector.broadcast %mul3A_724 : i32 to vector<16xi32>
        %mul3A_726 = arith.muli %add3A_722, %mul3A_725 : vector<16xi32>
        %add3A_727 = arith.addi %mul3A_726, %add3A_690 : vector<16xi32>
        tpu.vector_store_idx %arg8[%add3A_727], %gather3A_723 : memref<8192xf32, #tpu.memory_space<vmem>>[vector<16xi32>], vector<16xf32>,
        %mul3A_728 = arith.constant 8 : i32
        %mul3A_729 = arith.muli %scan3A_697, %mul3A_728 : i32
        %add3A_730 = arith.constant 2 : i32
        %add3A_731 = arith.addi %mul3A_729, %add3A_730 : i32
        %add3A_732 = vector.broadcast %add3A_731 : i32 to vector<16xi32>
        %add3A_733 = arith.addi %iota3A, %add3A_732 : vector<16xi32>
        %and3A_734 = arith.constant 15 : i32
        %and3A_735 = vector.broadcast %and3A_734 : i32 to vector<16xi32>
        %and3A_736 = arith.andi %add3A_733, %and3A_735 : vector<16xi32>
        %add3A_737 = vector.broadcast %mul3A_688 : i32 to vector<16xi32>
        %add3A_738 = arith.addi %add3A_737, %and3A_736 : vector<16xi32>
        %gather3A_739 = tpu.vector_load_idx %arg6[%add3A_690, %add3A_738] : memref<128x64xf32, #tpu.memory_space<vmem>>[vector<16xi32>, vector<16xi32>], vector<16xf32>,
        %mul3A_740 = arith.constant 128 : i32
        %mul3A_741 = vector.broadcast %mul3A_740 : i32 to vector<16xi32>
        %mul3A_742 = arith.muli %add3A_738, %mul3A_741 : vector<16xi32>
        %add3A_743 = arith.addi %mul3A_742, %add3A_690 : vector<16xi32>
        tpu.vector_store_idx %arg8[%add3A_743], %gather3A_739 : memref<8192xf32, #tpu.memory_space<vmem>>[vector<16xi32>], vector<16xf32>,
        %mul3A_744 = arith.constant 8 : i32
        %mul3A_745 = arith.muli %scan3A_697, %mul3A_744 : i32
        %add3A_746 = arith.constant 3 : i32
        %add3A_747 = arith.addi %mul3A_745, %add3A_746 : i32
        %add3A_748 = vector.broadcast %add3A_747 : i32 to vector<16xi32>
        %add3A_749 = arith.addi %iota3A, %add3A_748 : vector<16xi32>
        %and3A_750 = arith.constant 15 : i32
        %and3A_751 = vector.broadcast %and3A_750 : i32 to vector<16xi32>
        %and3A_752 = arith.andi %add3A_749, %and3A_751 : vector<16xi32>
        %add3A_753 = vector.broadcast %mul3A_688 : i32 to vector<16xi32>
        %add3A_754 = arith.addi %add3A_753, %and3A_752 : vector<16xi32>
        %gather3A_755 = tpu.vector_load_idx %arg6[%add3A_690, %add3A_754] : memref<128x64xf32, #tpu.memory_space<vmem>>[vector<16xi32>, vector<16xi32>], vector<16xf32>,
        %mul3A_756 = arith.constant 128 : i32
        %mul3A_757 = vector.broadcast %mul3A_756 : i32 to vector<16xi32>
        %mul3A_758 = arith.muli %add3A_754, %mul3A_757 : vector<16xi32>
        %add3A_759 = arith.addi %mul3A_758, %add3A_690 : vector<16xi32>
        tpu.vector_store_idx %arg8[%add3A_759], %gather3A_755 : memref<8192xf32, #tpu.memory_space<vmem>>[vector<16xi32>], vector<16xf32>,
        %mul3A_760 = arith.constant 8 : i32
        %mul3A_761 = arith.muli %scan3A_697, %mul3A_760 : i32
        %add3A_762 = arith.constant 4 : i32
        %add3A_763 = arith.addi %mul3A_761, %add3A_762 : i32
        %add3A_764 = vector.broadcast %add3A_763 : i32 to vector<16xi32>
        %add3A_765 = arith.addi %iota3A, %add3A_764 : vector<16xi32>
        %and3A_766 = arith.constant 15 : i32
        %and3A_767 = vector.broadcast %and3A_766 : i32 to vector<16xi32>
        %and3A_768 = arith.andi %add3A_765, %and3A_767 : vector<16xi32>
        %add3A_769 = vector.broadcast %mul3A_688 : i32 to vector<16xi32>
        %add3A_770 = arith.addi %add3A_769, %and3A_768 : vector<16xi32>
        %gather3A_771 = tpu.vector_load_idx %arg6[%add3A_690, %add3A_770] : memref<128x64xf32, #tpu.memory_space<vmem>>[vector<16xi32>, vector<16xi32>], vector<16xf32>,
        %mul3A_772 = arith.constant 128 : i32
        %mul3A_773 = vector.broadcast %mul3A_772 : i32 to vector<16xi32>
        %mul3A_774 = arith.muli %add3A_770, %mul3A_773 : vector<16xi32>
        %add3A_775 = arith.addi %mul3A_774, %add3A_690 : vector<16xi32>
        tpu.vector_store_idx %arg8[%add3A_775], %gather3A_771 : memref<8192xf32, #tpu.memory_space<vmem>>[vector<16xi32>], vector<16xf32>,
        %mul3A_776 = arith.constant 8 : i32
        %mul3A_777 = arith.muli %scan3A_697, %mul3A_776 : i32
        %add3A_778 = arith.constant 5 : i32
        %add3A_779 = arith.addi %mul3A_777, %add3A_778 : i32
        %add3A_780 = vector.broadcast %add3A_779 : i32 to vector<16xi32>
        %add3A_781 = arith.addi %iota3A, %add3A_780 : vector<16xi32>
        %and3A_782 = arith.constant 15 : i32
        %and3A_783 = vector.broadcast %and3A_782 : i32 to vector<16xi32>
        %and3A_784 = arith.andi %add3A_781, %and3A_783 : vector<16xi32>
        %add3A_785 = vector.broadcast %mul3A_688 : i32 to vector<16xi32>
        %add3A_786 = arith.addi %add3A_785, %and3A_784 : vector<16xi32>
        %gather3A_787 = tpu.vector_load_idx %arg6[%add3A_690, %add3A_786] : memref<128x64xf32, #tpu.memory_space<vmem>>[vector<16xi32>, vector<16xi32>], vector<16xf32>,
        %mul3A_788 = arith.constant 128 : i32
        %mul3A_789 = vector.broadcast %mul3A_788 : i32 to vector<16xi32>
        %mul3A_790 = arith.muli %add3A_786, %mul3A_789 : vector<16xi32>
        %add3A_791 = arith.addi %mul3A_790, %add3A_690 : vector<16xi32>
        tpu.vector_store_idx %arg8[%add3A_791], %gather3A_787 : memref<8192xf32, #tpu.memory_space<vmem>>[vector<16xi32>], vector<16xf32>,
        %mul3A_792 = arith.constant 8 : i32
        %mul3A_793 = arith.muli %scan3A_697, %mul3A_792 : i32
        %add3A_794 = arith.constant 6 : i32
        %add3A_795 = arith.addi %mul3A_793, %add3A_794 : i32
        %add3A_796 = vector.broadcast %add3A_795 : i32 to vector<16xi32>
        %add3A_797 = arith.addi %iota3A, %add3A_796 : vector<16xi32>
        %and3A_798 = arith.constant 15 : i32
        %and3A_799 = vector.broadcast %and3A_798 : i32 to vector<16xi32>
        %and3A_800 = arith.andi %add3A_797, %and3A_799 : vector<16xi32>
        %add3A_801 = vector.broadcast %mul3A_688 : i32 to vector<16xi32>
        %add3A_802 = arith.addi %add3A_801, %and3A_800 : vector<16xi32>
        %gather3A_803 = tpu.vector_load_idx %arg6[%add3A_690, %add3A_802] : memref<128x64xf32, #tpu.memory_space<vmem>>[vector<16xi32>, vector<16xi32>], vector<16xf32>,
        %mul3A_804 = arith.constant 128 : i32
        %mul3A_805 = vector.broadcast %mul3A_804 : i32 to vector<16xi32>
        %mul3A_806 = arith.muli %add3A_802, %mul3A_805 : vector<16xi32>
        %add3A_807 = arith.addi %mul3A_806, %add3A_690 : vector<16xi32>
        tpu.vector_store_idx %arg8[%add3A_807], %gather3A_803 : memref<8192xf32, #tpu.memory_space<vmem>>[vector<16xi32>], vector<16xf32>,
        %mul3A_808 = arith.constant 8 : i32
        %mul3A_809 = arith.muli %scan3A_697, %mul3A_808 : i32
        %add3A_810 = arith.constant 7 : i32
        %add3A_811 = arith.addi %mul3A_809, %add3A_810 : i32
        %add3A_812 = vector.broadcast %add3A_811 : i32 to vector<16xi32>
        %add3A_813 = arith.addi %iota3A, %add3A_812 : vector<16xi32>
        %and3A_814 = arith.constant 15 : i32
        %and3A_815 = vector.broadcast %and3A_814 : i32 to vector<16xi32>
        %and3A_816 = arith.andi %add3A_813, %and3A_815 : vector<16xi32>
        %add3A_817 = vector.broadcast %mul3A_688 : i32 to vector<16xi32>
        %add3A_818 = arith.addi %add3A_817, %and3A_816 : vector<16xi32>
        %gather3A_819 = tpu.vector_load_idx %arg6[%add3A_690, %add3A_818] : memref<128x64xf32, #tpu.memory_space<vmem>>[vector<16xi32>, vector<16xi32>], vector<16xf32>,
        %mul3A_820 = arith.constant 128 : i32
        %mul3A_821 = vector.broadcast %mul3A_820 : i32 to vector<16xi32>
        %mul3A_822 = arith.muli %add3A_818, %mul3A_821 : vector<16xi32>
        %add3A_823 = arith.addi %mul3A_822, %add3A_690 : vector<16xi32>
        tpu.vector_store_idx %arg8[%add3A_823], %gather3A_819 : memref<8192xf32, #tpu.memory_space<vmem>>[vector<16xi32>], vector<16xf32>,
      }
      %scan3A_696 = arith.constant 2 : i32
    }
    %scan3A_145 = arith.constant 32 : i32
    %add3A_146 = arith.constant 50688 : i32
    %add3A_147 = arith.addi %add3A_146, %add3A : i32
    %mul3A_148 = arith.constant 1024 : i32
    %mul3A_149 = arith.muli %add3A_147, %mul3A_148 : i32
    %dma_start3A_150 = arith.constant 0 : i32
    %dma_start3A_151 = arith.constant 0 : i32
    %dma_start3A_152 = tpu.memref_slice %arg8[%dma_start3A_151] : memref<8192xf32, #tpu.memory_space<vmem>> -> memref<1024xf32, #tpu.memory_space<vmem>>
    %dma_start3A_153 = tpu.memref_slice %arg4[%mul3A_149] : memref<52428800xf32, #tpu.memory_space<hbm>> -> memref<1024xf32, #tpu.memory_space<hbm>>
    %dma_start3A_154 = tpu.memref_slice %arg11[%dma_start3A_150] : memref<2x!tpu.dma_semaphore, #tpu.memory_space<semaphore_mem>> -> memref<1x!tpu.dma_semaphore, #tpu.memory_space<semaphore_mem>>
    %dma_start3A_155 = tpu.memref_squeeze %dma_start3A_154 : memref<1x!tpu.dma_semaphore, #tpu.memory_space<semaphore_mem>> -> memref<!tpu.dma_semaphore, #tpu.memory_space<semaphore_mem>>
    %dma_start3A_156 = tpu.memref_slice %arg4[%mul3A_149] : memref<52428800xf32, #tpu.memory_space<hbm>> -> memref<1024xf32, #tpu.memory_space<hbm>>
    %dma_start3A_157 = arith.constant 0 : i32
    %dma_start3A_158 = tpu.memref_slice %arg8[%dma_start3A_157] : memref<8192xf32, #tpu.memory_space<vmem>> -> memref<1024xf32, #tpu.memory_space<vmem>>
    tpu.enqueue_dma source(%dma_start3A_158 : memref<1024xf32, #tpu.memory_space<vmem>>) target(%dma_start3A_156 : memref<1024xf32, #tpu.memory_space<hbm>>) target_semaphore(%dma_start3A_155 : memref<!tpu.dma_semaphore, #tpu.memory_space<semaphore_mem>>)
    %add3A_159 = arith.constant 50720 : i32
    %add3A_160 = arith.addi %add3A_159, %add3A : i32
    %mul3A_161 = arith.constant 1024 : i32
    %mul3A_162 = arith.muli %add3A_160, %mul3A_161 : i32
    %dma_start3A_163 = arith.constant 0 : i32
    %dma_start3A_164 = arith.constant 1024 : i32
    %dma_start3A_165 = tpu.memref_slice %arg8[%dma_start3A_164] : memref<8192xf32, #tpu.memory_space<vmem>> -> memref<1024xf32, #tpu.memory_space<vmem>>
    %dma_start3A_166 = tpu.memref_slice %arg4[%mul3A_162] : memref<52428800xf32, #tpu.memory_space<hbm>> -> memref<1024xf32, #tpu.memory_space<hbm>>
    %dma_start3A_167 = tpu.memref_slice %arg11[%dma_start3A_163] : memref<2x!tpu.dma_semaphore, #tpu.memory_space<semaphore_mem>> -> memref<1x!tpu.dma_semaphore, #tpu.memory_space<semaphore_mem>>
    %dma_start3A_168 = tpu.memref_squeeze %dma_start3A_167 : memref<1x!tpu.dma_semaphore, #tpu.memory_space<semaphore_mem>> -> memref<!tpu.dma_semaphore, #tpu.memory_space<semaphore_mem>>
    %dma_start3A_169 = tpu.memref_slice %arg4[%mul3A_162] : memref<52428800xf32, #tpu.memory_space<hbm>> -> memref<1024xf32, #tpu.memory_space<hbm>>
    %dma_start3A_170 = arith.constant 1024 : i32
    %dma_start3A_171 = tpu.memref_slice %arg8[%dma_start3A_170] : memref<8192xf32, #tpu.memory_space<vmem>> -> memref<1024xf32, #tpu.memory_space<vmem>>
    tpu.enqueue_dma source(%dma_start3A_171 : memref<1024xf32, #tpu.memory_space<vmem>>) target(%dma_start3A_169 : memref<1024xf32, #tpu.memory_space<hbm>>) target_semaphore(%dma_start3A_168 : memref<!tpu.dma_semaphore, #tpu.memory_space<semaphore_mem>>)
    %add3A_172 = arith.constant 50752 : i32
    %add3A_173 = arith.addi %add3A_172, %add3A : i32
    %mul3A_174 = arith.constant 1024 : i32
    %mul3A_175 = arith.muli %add3A_173, %mul3A_174 : i32
    %dma_start3A_176 = arith.constant 0 : i32
    %dma_start3A_177 = arith.constant 2048 : i32
    %dma_start3A_178 = tpu.memref_slice %arg8[%dma_start3A_177] : memref<8192xf32, #tpu.memory_space<vmem>> -> memref<1024xf32, #tpu.memory_space<vmem>>
    %dma_start3A_179 = tpu.memref_slice %arg4[%mul3A_175] : memref<52428800xf32, #tpu.memory_space<hbm>> -> memref<1024xf32, #tpu.memory_space<hbm>>
    %dma_start3A_180 = tpu.memref_slice %arg11[%dma_start3A_176] : memref<2x!tpu.dma_semaphore, #tpu.memory_space<semaphore_mem>> -> memref<1x!tpu.dma_semaphore, #tpu.memory_space<semaphore_mem>>
    %dma_start3A_181 = tpu.memref_squeeze %dma_start3A_180 : memref<1x!tpu.dma_semaphore, #tpu.memory_space<semaphore_mem>> -> memref<!tpu.dma_semaphore, #tpu.memory_space<semaphore_mem>>
    %dma_start3A_182 = tpu.memref_slice %arg4[%mul3A_175] : memref<52428800xf32, #tpu.memory_space<hbm>> -> memref<1024xf32, #tpu.memory_space<hbm>>
    %dma_start3A_183 = arith.constant 2048 : i32
    %dma_start3A_184 = tpu.memref_slice %arg8[%dma_start3A_183] : memref<8192xf32, #tpu.memory_space<vmem>> -> memref<1024xf32, #tpu.memory_space<vmem>>
    tpu.enqueue_dma source(%dma_start3A_184 : memref<1024xf32, #tpu.memory_space<vmem>>) target(%dma_start3A_182 : memref<1024xf32, #tpu.memory_space<hbm>>) target_semaphore(%dma_start3A_181 : memref<!tpu.dma_semaphore, #tpu.memory_space<semaphore_mem>>)
    %add3A_185 = arith.constant 50784 : i32
    %add3A_186 = arith.addi %add3A_185, %add3A : i32
    %mul3A_187 = arith.constant 1024 : i32
    %mul3A_188 = arith.muli %add3A_186, %mul3A_187 : i32
    %dma_start3A_189 = arith.constant 0 : i32
    %dma_start3A_190 = arith.constant 3072 : i32
    %dma_start3A_191 = tpu.memref_slice %arg8[%dma_start3A_190] : memref<8192xf32, #tpu.memory_space<vmem>> -> memref<1024xf32, #tpu.memory_space<vmem>>
    %dma_start3A_192 = tpu.memref_slice %arg4[%mul3A_188] : memref<52428800xf32, #tpu.memory_space<hbm>> -> memref<1024xf32, #tpu.memory_space<hbm>>
    %dma_start3A_193 = tpu.memref_slice %arg11[%dma_start3A_189] : memref<2x!tpu.dma_semaphore, #tpu.memory_space<semaphore_mem>> -> memref<1x!tpu.dma_semaphore, #tpu.memory_space<semaphore_mem>>
    %dma_start3A_194 = tpu.memref_squeeze %dma_start3A_193 : memref<1x!tpu.dma_semaphore, #tpu.memory_space<semaphore_mem>> -> memref<!tpu.dma_semaphore, #tpu.memory_space<semaphore_mem>>
    %dma_start3A_195 = tpu.memref_slice %arg4[%mul3A_188] : memref<52428800xf32, #tpu.memory_space<hbm>> -> memref<1024xf32, #tpu.memory_space<hbm>>
    %dma_start3A_196 = arith.constant 3072 : i32
    %dma_start3A_197 = tpu.memref_slice %arg8[%dma_start3A_196] : memref<8192xf32, #tpu.memory_space<vmem>> -> memref<1024xf32, #tpu.memory_space<vmem>>
    tpu.enqueue_dma source(%dma_start3A_197 : memref<1024xf32, #tpu.memory_space<vmem>>) target(%dma_start3A_195 : memref<1024xf32, #tpu.memory_space<hbm>>) target_semaphore(%dma_start3A_194 : memref<!tpu.dma_semaphore, #tpu.memory_space<semaphore_mem>>)
    %add3A_198 = arith.constant 50816 : i32
    %add3A_199 = arith.addi %add3A_198, %add3A : i32
    %mul3A_200 = arith.constant 1024 : i32
    %mul3A_201 = arith.muli %add3A_199, %mul3A_200 : i32
    %dma_start3A_202 = arith.constant 0 : i32
    %dma_start3A_203 = arith.constant 4096 : i32
    %dma_start3A_204 = tpu.memref_slice %arg8[%dma_start3A_203] : memref<8192xf32, #tpu.memory_space<vmem>> -> memref<1024xf32, #tpu.memory_space<vmem>>
    %dma_start3A_205 = tpu.memref_slice %arg4[%mul3A_201] : memref<52428800xf32, #tpu.memory_space<hbm>> -> memref<1024xf32, #tpu.memory_space<hbm>>
    %dma_start3A_206 = tpu.memref_slice %arg11[%dma_start3A_202] : memref<2x!tpu.dma_semaphore, #tpu.memory_space<semaphore_mem>> -> memref<1x!tpu.dma_semaphore, #tpu.memory_space<semaphore_mem>>
    %dma_start3A_207 = tpu.memref_squeeze %dma_start3A_206 : memref<1x!tpu.dma_semaphore, #tpu.memory_space<semaphore_mem>> -> memref<!tpu.dma_semaphore, #tpu.memory_space<semaphore_mem>>
    %dma_start3A_208 = tpu.memref_slice %arg4[%mul3A_201] : memref<52428800xf32, #tpu.memory_space<hbm>> -> memref<1024xf32, #tpu.memory_space<hbm>>
    %dma_start3A_209 = arith.constant 4096 : i32
    %dma_start3A_210 = tpu.memref_slice %arg8[%dma_start3A_209] : memref<8192xf32, #tpu.memory_space<vmem>> -> memref<1024xf32, #tpu.memory_space<vmem>>
    tpu.enqueue_dma source(%dma_start3A_210 : memref<1024xf32, #tpu.memory_space<vmem>>) target(%dma_start3A_208 : memref<1024xf32, #tpu.memory_space<hbm>>) target_semaphore(%dma_start3A_207 : memref<!tpu.dma_semaphore, #tpu.memory_space<semaphore_mem>>)
    %add3A_211 = arith.constant 50848 : i32
    %add3A_212 = arith.addi %add3A_211, %add3A : i32
    %mul3A_213 = arith.constant 1024 : i32
    %mul3A_214 = arith.muli %add3A_212, %mul3A_213 : i32
    %dma_start3A_215 = arith.constant 0 : i32
    %dma_start3A_216 = arith.constant 5120 : i32
    %dma_start3A_217 = tpu.memref_slice %arg8[%dma_start3A_216] : memref<8192xf32, #tpu.memory_space<vmem>> -> memref<1024xf32, #tpu.memory_space<vmem>>
    %dma_start3A_218 = tpu.memref_slice %arg4[%mul3A_214] : memref<52428800xf32, #tpu.memory_space<hbm>> -> memref<1024xf32, #tpu.memory_space<hbm>>
    %dma_start3A_219 = tpu.memref_slice %arg11[%dma_start3A_215] : memref<2x!tpu.dma_semaphore, #tpu.memory_space<semaphore_mem>> -> memref<1x!tpu.dma_semaphore, #tpu.memory_space<semaphore_mem>>
    %dma_start3A_220 = tpu.memref_squeeze %dma_start3A_219 : memref<1x!tpu.dma_semaphore, #tpu.memory_space<semaphore_mem>> -> memref<!tpu.dma_semaphore, #tpu.memory_space<semaphore_mem>>
    %dma_start3A_221 = tpu.memref_slice %arg4[%mul3A_214] : memref<52428800xf32, #tpu.memory_space<hbm>> -> memref<1024xf32, #tpu.memory_space<hbm>>
    %dma_start3A_222 = arith.constant 5120 : i32
    %dma_start3A_223 = tpu.memref_slice %arg8[%dma_start3A_222] : memref<8192xf32, #tpu.memory_space<vmem>> -> memref<1024xf32, #tpu.memory_space<vmem>>
    tpu.enqueue_dma source(%dma_start3A_223 : memref<1024xf32, #tpu.memory_space<vmem>>) target(%dma_start3A_221 : memref<1024xf32, #tpu.memory_space<hbm>>) target_semaphore(%dma_start3A_220 : memref<!tpu.dma_semaphore, #tpu.memory_space<semaphore_mem>>)
    %add3A_224 = arith.constant 50880 : i32
    %add3A_225 = arith.addi %add3A_224, %add3A : i32
    %mul3A_226 = arith.constant 1024 : i32
    %mul3A_227 = arith.muli %add3A_225, %mul3A_226 : i32
    %dma_start3A_228 = arith.constant 0 : i32
    %dma_start3A_229 = arith.constant 6144 : i32
    %dma_start3A_230 = tpu.memref_slice %arg8[%dma_start3A_229] : memref<8192xf32, #tpu.memory_space<vmem>> -> memref<1024xf32, #tpu.memory_space<vmem>>
    %dma_start3A_231 = tpu.memref_slice %arg4[%mul3A_227] : memref<52428800xf32, #tpu.memory_space<hbm>> -> memref<1024xf32, #tpu.memory_space<hbm>>
    %dma_start3A_232 = tpu.memref_slice %arg11[%dma_start3A_228] : memref<2x!tpu.dma_semaphore, #tpu.memory_space<semaphore_mem>> -> memref<1x!tpu.dma_semaphore, #tpu.memory_space<semaphore_mem>>
    %dma_start3A_233 = tpu.memref_squeeze %dma_start3A_232 : memref<1x!tpu.dma_semaphore, #tpu.memory_space<semaphore_mem>> -> memref<!tpu.dma_semaphore, #tpu.memory_space<semaphore_mem>>
    %dma_start3A_234 = tpu.memref_slice %arg4[%mul3A_227] : memref<52428800xf32, #tpu.memory_space<hbm>> -> memref<1024xf32, #tpu.memory_space<hbm>>
    %dma_start3A_235 = arith.constant 6144 : i32
    %dma_start3A_236 = tpu.memref_slice %arg8[%dma_start3A_235] : memref<8192xf32, #tpu.memory_space<vmem>> -> memref<1024xf32, #tpu.memory_space<vmem>>
    tpu.enqueue_dma source(%dma_start3A_236 : memref<1024xf32, #tpu.memory_space<vmem>>) target(%dma_start3A_234 : memref<1024xf32, #tpu.memory_space<hbm>>) target_semaphore(%dma_start3A_233 : memref<!tpu.dma_semaphore, #tpu.memory_space<semaphore_mem>>)
    %add3A_237 = arith.constant 50912 : i32
    %add3A_238 = arith.addi %add3A_237, %add3A : i32
    %mul3A_239 = arith.constant 1024 : i32
    %mul3A_240 = arith.muli %add3A_238, %mul3A_239 : i32
    %dma_start3A_241 = arith.constant 0 : i32
    %dma_start3A_242 = arith.constant 7168 : i32
    %dma_start3A_243 = tpu.memref_slice %arg8[%dma_start3A_242] : memref<8192xf32, #tpu.memory_space<vmem>> -> memref<1024xf32, #tpu.memory_space<vmem>>
    %dma_start3A_244 = tpu.memref_slice %arg4[%mul3A_240] : memref<52428800xf32, #tpu.memory_space<hbm>> -> memref<1024xf32, #tpu.memory_space<hbm>>
    %dma_start3A_245 = tpu.memref_slice %arg11[%dma_start3A_241] : memref<2x!tpu.dma_semaphore, #tpu.memory_space<semaphore_mem>> -> memref<1x!tpu.dma_semaphore, #tpu.memory_space<semaphore_mem>>
    %dma_start3A_246 = tpu.memref_squeeze %dma_start3A_245 : memref<1x!tpu.dma_semaphore, #tpu.memory_space<semaphore_mem>> -> memref<!tpu.dma_semaphore, #tpu.memory_space<semaphore_mem>>
    %dma_start3A_247 = tpu.memref_slice %arg4[%mul3A_240] : memref<52428800xf32, #tpu.memory_space<hbm>> -> memref<1024xf32, #tpu.memory_space<hbm>>
    %dma_start3A_248 = arith.constant 7168 : i32
    %dma_start3A_249 = tpu.memref_slice %arg8[%dma_start3A_248] : memref<8192xf32, #tpu.memory_space<vmem>> -> memref<1024xf32, #tpu.memory_space<vmem>>
    tpu.enqueue_dma source(%dma_start3A_249 : memref<1024xf32, #tpu.memory_space<vmem>>) target(%dma_start3A_247 : memref<1024xf32, #tpu.memory_space<hbm>>) target_semaphore(%dma_start3A_246 : memref<!tpu.dma_semaphore, #tpu.memory_space<semaphore_mem>>)
    %dma_wait3A_250 = arith.constant 199 : i32
    %dma_wait3A_251 = arith.constant 1 : i32
    %dma_wait3A_252 = arith.constant 0 : i32
    %dma_wait3A_253 = tpu.memref_slice %arg5[%dma_wait3A_250, %dma_wait3A_252] : memref<200x128xi32, #tpu.memory_space<vmem>> -> memref<1x128xi32, #tpu.memory_space<vmem>>
    %dma_wait3A_254 = tpu.memref_squeeze %dma_wait3A_253 : memref<1x128xi32, #tpu.memory_space<vmem>> -> memref<128xi32, #tpu.memory_space<vmem>>
    %dma_wait3A_255 = arith.constant 0 : i32
    %dma_wait3A_256 = arith.constant 0 : i32
    %dma_wait3A_257 = tpu.memref_slice %arg3[%dma_wait3A_255, %dma_wait3A_256] : memref<1000016x64xf32, #tpu.memory_space<hbm>> -> memref<1000016x64xf32, #tpu.memory_space<hbm>>
    %dma_wait3A_258 = tpu.memref_slice %arg10[%dma_wait3A_251] : memref<2x!tpu.dma_semaphore, #tpu.memory_space<semaphore_mem>> -> memref<1x!tpu.dma_semaphore, #tpu.memory_space<semaphore_mem>>
    %dma_wait3A_259 = tpu.memref_squeeze %dma_wait3A_258 : memref<1x!tpu.dma_semaphore, #tpu.memory_space<semaphore_mem>> -> memref<!tpu.dma_semaphore, #tpu.memory_space<semaphore_mem>>
    tpu.wait_indirect_dma semaphore(%dma_wait3A_259 : memref<!tpu.dma_semaphore, #tpu.memory_space<semaphore_mem>>) src(%dma_wait3A_257 : memref<1000016x64xf32, #tpu.memory_space<hbm>>) dst(%arg7 : memref<128x64xf32, #tpu.memory_space<vmem>>)
    %add3A_260 = arith.constant 50432 : i32
    %add3A_261 = arith.addi %add3A_260, %add3A : i32
    %mul3A_262 = arith.constant 1024 : i32
    %mul3A_263 = arith.muli %add3A_261, %mul3A_262 : i32
    %dma_wait3A_264 = arith.constant 1 : i32
    %dma_wait3A_265 = arith.constant 0 : i32
    %dma_wait3A_266 = tpu.memref_slice %arg9[%dma_wait3A_265] : memref<8192xf32, #tpu.memory_space<vmem>> -> memref<1024xf32, #tpu.memory_space<vmem>>
    %dma_wait3A_267 = tpu.memref_slice %arg4[%mul3A_263] : memref<52428800xf32, #tpu.memory_space<hbm>> -> memref<1024xf32, #tpu.memory_space<hbm>>
    %dma_wait3A_268 = tpu.memref_slice %arg11[%dma_wait3A_264] : memref<2x!tpu.dma_semaphore, #tpu.memory_space<semaphore_mem>> -> memref<1x!tpu.dma_semaphore, #tpu.memory_space<semaphore_mem>>
    %dma_wait3A_269 = tpu.memref_squeeze %dma_wait3A_268 : memref<1x!tpu.dma_semaphore, #tpu.memory_space<semaphore_mem>> -> memref<!tpu.dma_semaphore, #tpu.memory_space<semaphore_mem>>
    %dma_wait3A_270 = tpu.memref_slice %arg4[%mul3A_263] : memref<52428800xf32, #tpu.memory_space<hbm>> -> memref<1024xf32, #tpu.memory_space<hbm>>
    %dma_wait3A_271 = arith.constant 0 : i32
    %dma_wait3A_272 = tpu.memref_slice %arg9[%dma_wait3A_271] : memref<8192xf32, #tpu.memory_space<vmem>> -> memref<1024xf32, #tpu.memory_space<vmem>>
    tpu.wait_dma2 semaphore(%dma_wait3A_269 : memref<!tpu.dma_semaphore, #tpu.memory_space<semaphore_mem>>) src(%dma_wait3A_272 : memref<1024xf32, #tpu.memory_space<vmem>>) dst(%dma_wait3A_270 : memref<1024xf32, #tpu.memory_space<hbm>>)
    %add3A_273 = arith.constant 50464 : i32
    %add3A_274 = arith.addi %add3A_273, %add3A : i32
    %mul3A_275 = arith.constant 1024 : i32
    %mul3A_276 = arith.muli %add3A_274, %mul3A_275 : i32
    %dma_wait3A_277 = arith.constant 1 : i32
    %dma_wait3A_278 = arith.constant 1024 : i32
    %dma_wait3A_279 = tpu.memref_slice %arg9[%dma_wait3A_278] : memref<8192xf32, #tpu.memory_space<vmem>> -> memref<1024xf32, #tpu.memory_space<vmem>>
    %dma_wait3A_280 = tpu.memref_slice %arg4[%mul3A_276] : memref<52428800xf32, #tpu.memory_space<hbm>> -> memref<1024xf32, #tpu.memory_space<hbm>>
    %dma_wait3A_281 = tpu.memref_slice %arg11[%dma_wait3A_277] : memref<2x!tpu.dma_semaphore, #tpu.memory_space<semaphore_mem>> -> memref<1x!tpu.dma_semaphore, #tpu.memory_space<semaphore_mem>>
    %dma_wait3A_282 = tpu.memref_squeeze %dma_wait3A_281 : memref<1x!tpu.dma_semaphore, #tpu.memory_space<semaphore_mem>> -> memref<!tpu.dma_semaphore, #tpu.memory_space<semaphore_mem>>
    %dma_wait3A_283 = tpu.memref_slice %arg4[%mul3A_276] : memref<52428800xf32, #tpu.memory_space<hbm>> -> memref<1024xf32, #tpu.memory_space<hbm>>
    %dma_wait3A_284 = arith.constant 1024 : i32
    %dma_wait3A_285 = tpu.memref_slice %arg9[%dma_wait3A_284] : memref<8192xf32, #tpu.memory_space<vmem>> -> memref<1024xf32, #tpu.memory_space<vmem>>
    tpu.wait_dma2 semaphore(%dma_wait3A_282 : memref<!tpu.dma_semaphore, #tpu.memory_space<semaphore_mem>>) src(%dma_wait3A_285 : memref<1024xf32, #tpu.memory_space<vmem>>) dst(%dma_wait3A_283 : memref<1024xf32, #tpu.memory_space<hbm>>)
    %add3A_286 = arith.constant 50496 : i32
    %add3A_287 = arith.addi %add3A_286, %add3A : i32
    %mul3A_288 = arith.constant 1024 : i32
    %mul3A_289 = arith.muli %add3A_287, %mul3A_288 : i32
    %dma_wait3A_290 = arith.constant 1 : i32
    %dma_wait3A_291 = arith.constant 2048 : i32
    %dma_wait3A_292 = tpu.memref_slice %arg9[%dma_wait3A_291] : memref<8192xf32, #tpu.memory_space<vmem>> -> memref<1024xf32, #tpu.memory_space<vmem>>
    %dma_wait3A_293 = tpu.memref_slice %arg4[%mul3A_289] : memref<52428800xf32, #tpu.memory_space<hbm>> -> memref<1024xf32, #tpu.memory_space<hbm>>
    %dma_wait3A_294 = tpu.memref_slice %arg11[%dma_wait3A_290] : memref<2x!tpu.dma_semaphore, #tpu.memory_space<semaphore_mem>> -> memref<1x!tpu.dma_semaphore, #tpu.memory_space<semaphore_mem>>
    %dma_wait3A_295 = tpu.memref_squeeze %dma_wait3A_294 : memref<1x!tpu.dma_semaphore, #tpu.memory_space<semaphore_mem>> -> memref<!tpu.dma_semaphore, #tpu.memory_space<semaphore_mem>>
    %dma_wait3A_296 = tpu.memref_slice %arg4[%mul3A_289] : memref<52428800xf32, #tpu.memory_space<hbm>> -> memref<1024xf32, #tpu.memory_space<hbm>>
    %dma_wait3A_297 = arith.constant 2048 : i32
    %dma_wait3A_298 = tpu.memref_slice %arg9[%dma_wait3A_297] : memref<8192xf32, #tpu.memory_space<vmem>> -> memref<1024xf32, #tpu.memory_space<vmem>>
    tpu.wait_dma2 semaphore(%dma_wait3A_295 : memref<!tpu.dma_semaphore, #tpu.memory_space<semaphore_mem>>) src(%dma_wait3A_298 : memref<1024xf32, #tpu.memory_space<vmem>>) dst(%dma_wait3A_296 : memref<1024xf32, #tpu.memory_space<hbm>>)
    %add3A_299 = arith.constant 50528 : i32
    %add3A_300 = arith.addi %add3A_299, %add3A : i32
    %mul3A_301 = arith.constant 1024 : i32
    %mul3A_302 = arith.muli %add3A_300, %mul3A_301 : i32
    %dma_wait3A_303 = arith.constant 1 : i32
    %dma_wait3A_304 = arith.constant 3072 : i32
    %dma_wait3A_305 = tpu.memref_slice %arg9[%dma_wait3A_304] : memref<8192xf32, #tpu.memory_space<vmem>> -> memref<1024xf32, #tpu.memory_space<vmem>>
    %dma_wait3A_306 = tpu.memref_slice %arg4[%mul3A_302] : memref<52428800xf32, #tpu.memory_space<hbm>> -> memref<1024xf32, #tpu.memory_space<hbm>>
    %dma_wait3A_307 = tpu.memref_slice %arg11[%dma_wait3A_303] : memref<2x!tpu.dma_semaphore, #tpu.memory_space<semaphore_mem>> -> memref<1x!tpu.dma_semaphore, #tpu.memory_space<semaphore_mem>>
    %dma_wait3A_308 = tpu.memref_squeeze %dma_wait3A_307 : memref<1x!tpu.dma_semaphore, #tpu.memory_space<semaphore_mem>> -> memref<!tpu.dma_semaphore, #tpu.memory_space<semaphore_mem>>
    %dma_wait3A_309 = tpu.memref_slice %arg4[%mul3A_302] : memref<52428800xf32, #tpu.memory_space<hbm>> -> memref<1024xf32, #tpu.memory_space<hbm>>
    %dma_wait3A_310 = arith.constant 3072 : i32
    %dma_wait3A_311 = tpu.memref_slice %arg9[%dma_wait3A_310] : memref<8192xf32, #tpu.memory_space<vmem>> -> memref<1024xf32, #tpu.memory_space<vmem>>
    tpu.wait_dma2 semaphore(%dma_wait3A_308 : memref<!tpu.dma_semaphore, #tpu.memory_space<semaphore_mem>>) src(%dma_wait3A_311 : memref<1024xf32, #tpu.memory_space<vmem>>) dst(%dma_wait3A_309 : memref<1024xf32, #tpu.memory_space<hbm>>)
    %add3A_312 = arith.constant 50560 : i32
    %add3A_313 = arith.addi %add3A_312, %add3A : i32
    %mul3A_314 = arith.constant 1024 : i32
    %mul3A_315 = arith.muli %add3A_313, %mul3A_314 : i32
    %dma_wait3A_316 = arith.constant 1 : i32
    %dma_wait3A_317 = arith.constant 4096 : i32
    %dma_wait3A_318 = tpu.memref_slice %arg9[%dma_wait3A_317] : memref<8192xf32, #tpu.memory_space<vmem>> -> memref<1024xf32, #tpu.memory_space<vmem>>
    %dma_wait3A_319 = tpu.memref_slice %arg4[%mul3A_315] : memref<52428800xf32, #tpu.memory_space<hbm>> -> memref<1024xf32, #tpu.memory_space<hbm>>
    %dma_wait3A_320 = tpu.memref_slice %arg11[%dma_wait3A_316] : memref<2x!tpu.dma_semaphore, #tpu.memory_space<semaphore_mem>> -> memref<1x!tpu.dma_semaphore, #tpu.memory_space<semaphore_mem>>
    %dma_wait3A_321 = tpu.memref_squeeze %dma_wait3A_320 : memref<1x!tpu.dma_semaphore, #tpu.memory_space<semaphore_mem>> -> memref<!tpu.dma_semaphore, #tpu.memory_space<semaphore_mem>>
    %dma_wait3A_322 = tpu.memref_slice %arg4[%mul3A_315] : memref<52428800xf32, #tpu.memory_space<hbm>> -> memref<1024xf32, #tpu.memory_space<hbm>>
    %dma_wait3A_323 = arith.constant 4096 : i32
    %dma_wait3A_324 = tpu.memref_slice %arg9[%dma_wait3A_323] : memref<8192xf32, #tpu.memory_space<vmem>> -> memref<1024xf32, #tpu.memory_space<vmem>>
    tpu.wait_dma2 semaphore(%dma_wait3A_321 : memref<!tpu.dma_semaphore, #tpu.memory_space<semaphore_mem>>) src(%dma_wait3A_324 : memref<1024xf32, #tpu.memory_space<vmem>>) dst(%dma_wait3A_322 : memref<1024xf32, #tpu.memory_space<hbm>>)
    %add3A_325 = arith.constant 50592 : i32
    %add3A_326 = arith.addi %add3A_325, %add3A : i32
    %mul3A_327 = arith.constant 1024 : i32
    %mul3A_328 = arith.muli %add3A_326, %mul3A_327 : i32
    %dma_wait3A_329 = arith.constant 1 : i32
    %dma_wait3A_330 = arith.constant 5120 : i32
    %dma_wait3A_331 = tpu.memref_slice %arg9[%dma_wait3A_330] : memref<8192xf32, #tpu.memory_space<vmem>> -> memref<1024xf32, #tpu.memory_space<vmem>>
    %dma_wait3A_332 = tpu.memref_slice %arg4[%mul3A_328] : memref<52428800xf32, #tpu.memory_space<hbm>> -> memref<1024xf32, #tpu.memory_space<hbm>>
    %dma_wait3A_333 = tpu.memref_slice %arg11[%dma_wait3A_329] : memref<2x!tpu.dma_semaphore, #tpu.memory_space<semaphore_mem>> -> memref<1x!tpu.dma_semaphore, #tpu.memory_space<semaphore_mem>>
    %dma_wait3A_334 = tpu.memref_squeeze %dma_wait3A_333 : memref<1x!tpu.dma_semaphore, #tpu.memory_space<semaphore_mem>> -> memref<!tpu.dma_semaphore, #tpu.memory_space<semaphore_mem>>
    %dma_wait3A_335 = tpu.memref_slice %arg4[%mul3A_328] : memref<52428800xf32, #tpu.memory_space<hbm>> -> memref<1024xf32, #tpu.memory_space<hbm>>
    %dma_wait3A_336 = arith.constant 5120 : i32
    %dma_wait3A_337 = tpu.memref_slice %arg9[%dma_wait3A_336] : memref<8192xf32, #tpu.memory_space<vmem>> -> memref<1024xf32, #tpu.memory_space<vmem>>
    tpu.wait_dma2 semaphore(%dma_wait3A_334 : memref<!tpu.dma_semaphore, #tpu.memory_space<semaphore_mem>>) src(%dma_wait3A_337 : memref<1024xf32, #tpu.memory_space<vmem>>) dst(%dma_wait3A_335 : memref<1024xf32, #tpu.memory_space<hbm>>)
    %add3A_338 = arith.constant 50624 : i32
    %add3A_339 = arith.addi %add3A_338, %add3A : i32
    %mul3A_340 = arith.constant 1024 : i32
    %mul3A_341 = arith.muli %add3A_339, %mul3A_340 : i32
    %dma_wait3A_342 = arith.constant 1 : i32
    %dma_wait3A_343 = arith.constant 6144 : i32
    %dma_wait3A_344 = tpu.memref_slice %arg9[%dma_wait3A_343] : memref<8192xf32, #tpu.memory_space<vmem>> -> memref<1024xf32, #tpu.memory_space<vmem>>
    %dma_wait3A_345 = tpu.memref_slice %arg4[%mul3A_341] : memref<52428800xf32, #tpu.memory_space<hbm>> -> memref<1024xf32, #tpu.memory_space<hbm>>
    %dma_wait3A_346 = tpu.memref_slice %arg11[%dma_wait3A_342] : memref<2x!tpu.dma_semaphore, #tpu.memory_space<semaphore_mem>> -> memref<1x!tpu.dma_semaphore, #tpu.memory_space<semaphore_mem>>
    %dma_wait3A_347 = tpu.memref_squeeze %dma_wait3A_346 : memref<1x!tpu.dma_semaphore, #tpu.memory_space<semaphore_mem>> -> memref<!tpu.dma_semaphore, #tpu.memory_space<semaphore_mem>>
    %dma_wait3A_348 = tpu.memref_slice %arg4[%mul3A_341] : memref<52428800xf32, #tpu.memory_space<hbm>> -> memref<1024xf32, #tpu.memory_space<hbm>>
    %dma_wait3A_349 = arith.constant 6144 : i32
    %dma_wait3A_350 = tpu.memref_slice %arg9[%dma_wait3A_349] : memref<8192xf32, #tpu.memory_space<vmem>> -> memref<1024xf32, #tpu.memory_space<vmem>>
    tpu.wait_dma2 semaphore(%dma_wait3A_347 : memref<!tpu.dma_semaphore, #tpu.memory_space<semaphore_mem>>) src(%dma_wait3A_350 : memref<1024xf32, #tpu.memory_space<vmem>>) dst(%dma_wait3A_348 : memref<1024xf32, #tpu.memory_space<hbm>>)
    %add3A_351 = arith.constant 50656 : i32
    %add3A_352 = arith.addi %add3A_351, %add3A : i32
    %mul3A_353 = arith.constant 1024 : i32
    %mul3A_354 = arith.muli %add3A_352, %mul3A_353 : i32
    %dma_wait3A_355 = arith.constant 1 : i32
    %dma_wait3A_356 = arith.constant 7168 : i32
    %dma_wait3A_357 = tpu.memref_slice %arg9[%dma_wait3A_356] : memref<8192xf32, #tpu.memory_space<vmem>> -> memref<1024xf32, #tpu.memory_space<vmem>>
    %dma_wait3A_358 = tpu.memref_slice %arg4[%mul3A_354] : memref<52428800xf32, #tpu.memory_space<hbm>> -> memref<1024xf32, #tpu.memory_space<hbm>>
    %dma_wait3A_359 = tpu.memref_slice %arg11[%dma_wait3A_355] : memref<2x!tpu.dma_semaphore, #tpu.memory_space<semaphore_mem>> -> memref<1x!tpu.dma_semaphore, #tpu.memory_space<semaphore_mem>>
    %dma_wait3A_360 = tpu.memref_squeeze %dma_wait3A_359 : memref<1x!tpu.dma_semaphore, #tpu.memory_space<semaphore_mem>> -> memref<!tpu.dma_semaphore, #tpu.memory_space<semaphore_mem>>
    %dma_wait3A_361 = tpu.memref_slice %arg4[%mul3A_354] : memref<52428800xf32, #tpu.memory_space<hbm>> -> memref<1024xf32, #tpu.memory_space<hbm>>
    %dma_wait3A_362 = arith.constant 7168 : i32
    %dma_wait3A_363 = tpu.memref_slice %arg9[%dma_wait3A_362] : memref<8192xf32, #tpu.memory_space<vmem>> -> memref<1024xf32, #tpu.memory_space<vmem>>
    tpu.wait_dma2 semaphore(%dma_wait3A_360 : memref<!tpu.dma_semaphore, #tpu.memory_space<semaphore_mem>>) src(%dma_wait3A_363 : memref<1024xf32, #tpu.memory_space<vmem>>) dst(%dma_wait3A_361 : memref<1024xf32, #tpu.memory_space<hbm>>)
    %scan3A_364 = arith.constant 0 : i32
    %scan3A_365 = arith.constant 0 : i32
    %scan3A_366 = arith.constant 32 : i32
    %scan3A_367 = arith.addi %scan3A_365, %scan3A_366 : i32
    %scan3A_368 = arith.constant 1 : i32
    scf.for %scan3A_682 = %scan3A_365 to %scan3A_367 step %scan3A_368  : i32 {
      %rem3A = arith.constant 8 : i32
      %rem3A_683 = arith.remsi %scan3A_682, %rem3A : i32
      %mul3A_684 = arith.constant 16 : i32
      %mul3A_685 = arith.muli %rem3A_683, %mul3A_684 : i32
      %div3A = arith.constant 8 : i32
      %div3A_686 = arith.divsi %scan3A_682, %div3A : i32
      %mul3A_687 = arith.constant 16 : i32
      %mul3A_688 = arith.muli %div3A_686, %mul3A_687 : i32
      %add3A_689 = vector.broadcast %mul3A_685 : i32 to vector<16xi32>
      %add3A_690 = arith.addi %add3A_689, %iota3A : vector<16xi32>
      %scan3A_691 = arith.constant 0 : i32
      %scan3A_692 = arith.constant 0 : i32
      %scan3A_693 = arith.constant 2 : i32
      %scan3A_694 = arith.addi %scan3A_692, %scan3A_693 : i32
      %scan3A_695 = arith.constant 1 : i32
      scf.for %scan3A_697 = %scan3A_692 to %scan3A_694 step %scan3A_695  : i32 {
        %mul3A_698 = arith.constant 8 : i32
        %mul3A_699 = arith.muli %scan3A_697, %mul3A_698 : i32
        %add3A_700 = arith.constant 0 : i32
        %add3A_701 = arith.addi %mul3A_699, %add3A_700 : i32
        %add3A_702 = vector.broadcast %add3A_701 : i32 to vector<16xi32>
        %add3A_703 = arith.addi %iota3A, %add3A_702 : vector<16xi32>
        %and3A = arith.constant 15 : i32
        %and3A_704 = vector.broadcast %and3A : i32 to vector<16xi32>
        %and3A_705 = arith.andi %add3A_703, %and3A_704 : vector<16xi32>
        %add3A_706 = vector.broadcast %mul3A_688 : i32 to vector<16xi32>
        %add3A_707 = arith.addi %add3A_706, %and3A_705 : vector<16xi32>
        %gather3A = tpu.vector_load_idx %arg7[%add3A_690, %add3A_707] : memref<128x64xf32, #tpu.memory_space<vmem>>[vector<16xi32>, vector<16xi32>], vector<16xf32>,
        %mul3A_708 = arith.constant 128 : i32
        %mul3A_709 = vector.broadcast %mul3A_708 : i32 to vector<16xi32>
        %mul3A_710 = arith.muli %add3A_707, %mul3A_709 : vector<16xi32>
        %add3A_711 = arith.addi %mul3A_710, %add3A_690 : vector<16xi32>
        tpu.vector_store_idx %arg9[%add3A_711], %gather3A : memref<8192xf32, #tpu.memory_space<vmem>>[vector<16xi32>], vector<16xf32>,
        %mul3A_712 = arith.constant 8 : i32
        %mul3A_713 = arith.muli %scan3A_697, %mul3A_712 : i32
        %add3A_714 = arith.constant 1 : i32
        %add3A_715 = arith.addi %mul3A_713, %add3A_714 : i32
        %add3A_716 = vector.broadcast %add3A_715 : i32 to vector<16xi32>
        %add3A_717 = arith.addi %iota3A, %add3A_716 : vector<16xi32>
        %and3A_718 = arith.constant 15 : i32
        %and3A_719 = vector.broadcast %and3A_718 : i32 to vector<16xi32>
        %and3A_720 = arith.andi %add3A_717, %and3A_719 : vector<16xi32>
        %add3A_721 = vector.broadcast %mul3A_688 : i32 to vector<16xi32>
        %add3A_722 = arith.addi %add3A_721, %and3A_720 : vector<16xi32>
        %gather3A_723 = tpu.vector_load_idx %arg7[%add3A_690, %add3A_722] : memref<128x64xf32, #tpu.memory_space<vmem>>[vector<16xi32>, vector<16xi32>], vector<16xf32>,
        %mul3A_724 = arith.constant 128 : i32
        %mul3A_725 = vector.broadcast %mul3A_724 : i32 to vector<16xi32>
        %mul3A_726 = arith.muli %add3A_722, %mul3A_725 : vector<16xi32>
        %add3A_727 = arith.addi %mul3A_726, %add3A_690 : vector<16xi32>
        tpu.vector_store_idx %arg9[%add3A_727], %gather3A_723 : memref<8192xf32, #tpu.memory_space<vmem>>[vector<16xi32>], vector<16xf32>,
        %mul3A_728 = arith.constant 8 : i32
        %mul3A_729 = arith.muli %scan3A_697, %mul3A_728 : i32
        %add3A_730 = arith.constant 2 : i32
        %add3A_731 = arith.addi %mul3A_729, %add3A_730 : i32
        %add3A_732 = vector.broadcast %add3A_731 : i32 to vector<16xi32>
        %add3A_733 = arith.addi %iota3A, %add3A_732 : vector<16xi32>
        %and3A_734 = arith.constant 15 : i32
        %and3A_735 = vector.broadcast %and3A_734 : i32 to vector<16xi32>
        %and3A_736 = arith.andi %add3A_733, %and3A_735 : vector<16xi32>
        %add3A_737 = vector.broadcast %mul3A_688 : i32 to vector<16xi32>
        %add3A_738 = arith.addi %add3A_737, %and3A_736 : vector<16xi32>
        %gather3A_739 = tpu.vector_load_idx %arg7[%add3A_690, %add3A_738] : memref<128x64xf32, #tpu.memory_space<vmem>>[vector<16xi32>, vector<16xi32>], vector<16xf32>,
        %mul3A_740 = arith.constant 128 : i32
        %mul3A_741 = vector.broadcast %mul3A_740 : i32 to vector<16xi32>
        %mul3A_742 = arith.muli %add3A_738, %mul3A_741 : vector<16xi32>
        %add3A_743 = arith.addi %mul3A_742, %add3A_690 : vector<16xi32>
        tpu.vector_store_idx %arg9[%add3A_743], %gather3A_739 : memref<8192xf32, #tpu.memory_space<vmem>>[vector<16xi32>], vector<16xf32>,
        %mul3A_744 = arith.constant 8 : i32
        %mul3A_745 = arith.muli %scan3A_697, %mul3A_744 : i32
        %add3A_746 = arith.constant 3 : i32
        %add3A_747 = arith.addi %mul3A_745, %add3A_746 : i32
        %add3A_748 = vector.broadcast %add3A_747 : i32 to vector<16xi32>
        %add3A_749 = arith.addi %iota3A, %add3A_748 : vector<16xi32>
        %and3A_750 = arith.constant 15 : i32
        %and3A_751 = vector.broadcast %and3A_750 : i32 to vector<16xi32>
        %and3A_752 = arith.andi %add3A_749, %and3A_751 : vector<16xi32>
        %add3A_753 = vector.broadcast %mul3A_688 : i32 to vector<16xi32>
        %add3A_754 = arith.addi %add3A_753, %and3A_752 : vector<16xi32>
        %gather3A_755 = tpu.vector_load_idx %arg7[%add3A_690, %add3A_754] : memref<128x64xf32, #tpu.memory_space<vmem>>[vector<16xi32>, vector<16xi32>], vector<16xf32>,
        %mul3A_756 = arith.constant 128 : i32
        %mul3A_757 = vector.broadcast %mul3A_756 : i32 to vector<16xi32>
        %mul3A_758 = arith.muli %add3A_754, %mul3A_757 : vector<16xi32>
        %add3A_759 = arith.addi %mul3A_758, %add3A_690 : vector<16xi32>
        tpu.vector_store_idx %arg9[%add3A_759], %gather3A_755 : memref<8192xf32, #tpu.memory_space<vmem>>[vector<16xi32>], vector<16xf32>,
        %mul3A_760 = arith.constant 8 : i32
        %mul3A_761 = arith.muli %scan3A_697, %mul3A_760 : i32
        %add3A_762 = arith.constant 4 : i32
        %add3A_763 = arith.addi %mul3A_761, %add3A_762 : i32
        %add3A_764 = vector.broadcast %add3A_763 : i32 to vector<16xi32>
        %add3A_765 = arith.addi %iota3A, %add3A_764 : vector<16xi32>
        %and3A_766 = arith.constant 15 : i32
        %and3A_767 = vector.broadcast %and3A_766 : i32 to vector<16xi32>
        %and3A_768 = arith.andi %add3A_765, %and3A_767 : vector<16xi32>
        %add3A_769 = vector.broadcast %mul3A_688 : i32 to vector<16xi32>
        %add3A_770 = arith.addi %add3A_769, %and3A_768 : vector<16xi32>
        %gather3A_771 = tpu.vector_load_idx %arg7[%add3A_690, %add3A_770] : memref<128x64xf32, #tpu.memory_space<vmem>>[vector<16xi32>, vector<16xi32>], vector<16xf32>,
        %mul3A_772 = arith.constant 128 : i32
        %mul3A_773 = vector.broadcast %mul3A_772 : i32 to vector<16xi32>
        %mul3A_774 = arith.muli %add3A_770, %mul3A_773 : vector<16xi32>
        %add3A_775 = arith.addi %mul3A_774, %add3A_690 : vector<16xi32>
        tpu.vector_store_idx %arg9[%add3A_775], %gather3A_771 : memref<8192xf32, #tpu.memory_space<vmem>>[vector<16xi32>], vector<16xf32>,
        %mul3A_776 = arith.constant 8 : i32
        %mul3A_777 = arith.muli %scan3A_697, %mul3A_776 : i32
        %add3A_778 = arith.constant 5 : i32
        %add3A_779 = arith.addi %mul3A_777, %add3A_778 : i32
        %add3A_780 = vector.broadcast %add3A_779 : i32 to vector<16xi32>
        %add3A_781 = arith.addi %iota3A, %add3A_780 : vector<16xi32>
        %and3A_782 = arith.constant 15 : i32
        %and3A_783 = vector.broadcast %and3A_782 : i32 to vector<16xi32>
        %and3A_784 = arith.andi %add3A_781, %and3A_783 : vector<16xi32>
        %add3A_785 = vector.broadcast %mul3A_688 : i32 to vector<16xi32>
        %add3A_786 = arith.addi %add3A_785, %and3A_784 : vector<16xi32>
        %gather3A_787 = tpu.vector_load_idx %arg7[%add3A_690, %add3A_786] : memref<128x64xf32, #tpu.memory_space<vmem>>[vector<16xi32>, vector<16xi32>], vector<16xf32>,
        %mul3A_788 = arith.constant 128 : i32
        %mul3A_789 = vector.broadcast %mul3A_788 : i32 to vector<16xi32>
        %mul3A_790 = arith.muli %add3A_786, %mul3A_789 : vector<16xi32>
        %add3A_791 = arith.addi %mul3A_790, %add3A_690 : vector<16xi32>
        tpu.vector_store_idx %arg9[%add3A_791], %gather3A_787 : memref<8192xf32, #tpu.memory_space<vmem>>[vector<16xi32>], vector<16xf32>,
        %mul3A_792 = arith.constant 8 : i32
        %mul3A_793 = arith.muli %scan3A_697, %mul3A_792 : i32
        %add3A_794 = arith.constant 6 : i32
        %add3A_795 = arith.addi %mul3A_793, %add3A_794 : i32
        %add3A_796 = vector.broadcast %add3A_795 : i32 to vector<16xi32>
        %add3A_797 = arith.addi %iota3A, %add3A_796 : vector<16xi32>
        %and3A_798 = arith.constant 15 : i32
        %and3A_799 = vector.broadcast %and3A_798 : i32 to vector<16xi32>
        %and3A_800 = arith.andi %add3A_797, %and3A_799 : vector<16xi32>
        %add3A_801 = vector.broadcast %mul3A_688 : i32 to vector<16xi32>
        %add3A_802 = arith.addi %add3A_801, %and3A_800 : vector<16xi32>
        %gather3A_803 = tpu.vector_load_idx %arg7[%add3A_690, %add3A_802] : memref<128x64xf32, #tpu.memory_space<vmem>>[vector<16xi32>, vector<16xi32>], vector<16xf32>,
        %mul3A_804 = arith.constant 128 : i32
        %mul3A_805 = vector.broadcast %mul3A_804 : i32 to vector<16xi32>
        %mul3A_806 = arith.muli %add3A_802, %mul3A_805 : vector<16xi32>
        %add3A_807 = arith.addi %mul3A_806, %add3A_690 : vector<16xi32>
        tpu.vector_store_idx %arg9[%add3A_807], %gather3A_803 : memref<8192xf32, #tpu.memory_space<vmem>>[vector<16xi32>], vector<16xf32>,
        %mul3A_808 = arith.constant 8 : i32
        %mul3A_809 = arith.muli %scan3A_697, %mul3A_808 : i32
        %add3A_810 = arith.constant 7 : i32
        %add3A_811 = arith.addi %mul3A_809, %add3A_810 : i32
        %add3A_812 = vector.broadcast %add3A_811 : i32 to vector<16xi32>
        %add3A_813 = arith.addi %iota3A, %add3A_812 : vector<16xi32>
        %and3A_814 = arith.constant 15 : i32
        %and3A_815 = vector.broadcast %and3A_814 : i32 to vector<16xi32>
        %and3A_816 = arith.andi %add3A_813, %and3A_815 : vector<16xi32>
        %add3A_817 = vector.broadcast %mul3A_688 : i32 to vector<16xi32>
        %add3A_818 = arith.addi %add3A_817, %and3A_816 : vector<16xi32>
        %gather3A_819 = tpu.vector_load_idx %arg7[%add3A_690, %add3A_818] : memref<128x64xf32, #tpu.memory_space<vmem>>[vector<16xi32>, vector<16xi32>], vector<16xf32>,
        %mul3A_820 = arith.constant 128 : i32
        %mul3A_821 = vector.broadcast %mul3A_820 : i32 to vector<16xi32>
        %mul3A_822 = arith.muli %add3A_818, %mul3A_821 : vector<16xi32>
        %add3A_823 = arith.addi %mul3A_822, %add3A_690 : vector<16xi32>
        tpu.vector_store_idx %arg9[%add3A_823], %gather3A_819 : memref<8192xf32, #tpu.memory_space<vmem>>[vector<16xi32>], vector<16xf32>,
      }
      %scan3A_696 = arith.constant 2 : i32
    }
    %scan3A_369 = arith.constant 32 : i32
    %add3A_370 = arith.constant 50944 : i32
    %add3A_371 = arith.addi %add3A_370, %add3A : i32
    %mul3A_372 = arith.constant 1024 : i32
    %mul3A_373 = arith.muli %add3A_371, %mul3A_372 : i32
    %dma_start3A_374 = arith.constant 1 : i32
    %dma_start3A_375 = arith.constant 0 : i32
    %dma_start3A_376 = tpu.memref_slice %arg9[%dma_start3A_375] : memref<8192xf32, #tpu.memory_space<vmem>> -> memref<1024xf32, #tpu.memory_space<vmem>>
    %dma_start3A_377 = tpu.memref_slice %arg4[%mul3A_373] : memref<52428800xf32, #tpu.memory_space<hbm>> -> memref<1024xf32, #tpu.memory_space<hbm>>
    %dma_start3A_378 = tpu.memref_slice %arg11[%dma_start3A_374] : memref<2x!tpu.dma_semaphore, #tpu.memory_space<semaphore_mem>> -> memref<1x!tpu.dma_semaphore, #tpu.memory_space<semaphore_mem>>
    %dma_start3A_379 = tpu.memref_squeeze %dma_start3A_378 : memref<1x!tpu.dma_semaphore, #tpu.memory_space<semaphore_mem>> -> memref<!tpu.dma_semaphore, #tpu.memory_space<semaphore_mem>>
    %dma_start3A_380 = tpu.memref_slice %arg4[%mul3A_373] : memref<52428800xf32, #tpu.memory_space<hbm>> -> memref<1024xf32, #tpu.memory_space<hbm>>
    %dma_start3A_381 = arith.constant 0 : i32
    %dma_start3A_382 = tpu.memref_slice %arg9[%dma_start3A_381] : memref<8192xf32, #tpu.memory_space<vmem>> -> memref<1024xf32, #tpu.memory_space<vmem>>
    tpu.enqueue_dma source(%dma_start3A_382 : memref<1024xf32, #tpu.memory_space<vmem>>) target(%dma_start3A_380 : memref<1024xf32, #tpu.memory_space<hbm>>) target_semaphore(%dma_start3A_379 : memref<!tpu.dma_semaphore, #tpu.memory_space<semaphore_mem>>)
    %add3A_383 = arith.constant 50976 : i32
    %add3A_384 = arith.addi %add3A_383, %add3A : i32
    %mul3A_385 = arith.constant 1024 : i32
    %mul3A_386 = arith.muli %add3A_384, %mul3A_385 : i32
    %dma_start3A_387 = arith.constant 1 : i32
    %dma_start3A_388 = arith.constant 1024 : i32
    %dma_start3A_389 = tpu.memref_slice %arg9[%dma_start3A_388] : memref<8192xf32, #tpu.memory_space<vmem>> -> memref<1024xf32, #tpu.memory_space<vmem>>
    %dma_start3A_390 = tpu.memref_slice %arg4[%mul3A_386] : memref<52428800xf32, #tpu.memory_space<hbm>> -> memref<1024xf32, #tpu.memory_space<hbm>>
    %dma_start3A_391 = tpu.memref_slice %arg11[%dma_start3A_387] : memref<2x!tpu.dma_semaphore, #tpu.memory_space<semaphore_mem>> -> memref<1x!tpu.dma_semaphore, #tpu.memory_space<semaphore_mem>>
    %dma_start3A_392 = tpu.memref_squeeze %dma_start3A_391 : memref<1x!tpu.dma_semaphore, #tpu.memory_space<semaphore_mem>> -> memref<!tpu.dma_semaphore, #tpu.memory_space<semaphore_mem>>
    %dma_start3A_393 = tpu.memref_slice %arg4[%mul3A_386] : memref<52428800xf32, #tpu.memory_space<hbm>> -> memref<1024xf32, #tpu.memory_space<hbm>>
    %dma_start3A_394 = arith.constant 1024 : i32
    %dma_start3A_395 = tpu.memref_slice %arg9[%dma_start3A_394] : memref<8192xf32, #tpu.memory_space<vmem>> -> memref<1024xf32, #tpu.memory_space<vmem>>
    tpu.enqueue_dma source(%dma_start3A_395 : memref<1024xf32, #tpu.memory_space<vmem>>) target(%dma_start3A_393 : memref<1024xf32, #tpu.memory_space<hbm>>) target_semaphore(%dma_start3A_392 : memref<!tpu.dma_semaphore, #tpu.memory_space<semaphore_mem>>)
    %add3A_396 = arith.constant 51008 : i32
    %add3A_397 = arith.addi %add3A_396, %add3A : i32
    %mul3A_398 = arith.constant 1024 : i32
    %mul3A_399 = arith.muli %add3A_397, %mul3A_398 : i32
    %dma_start3A_400 = arith.constant 1 : i32
    %dma_start3A_401 = arith.constant 2048 : i32
    %dma_start3A_402 = tpu.memref_slice %arg9[%dma_start3A_401] : memref<8192xf32, #tpu.memory_space<vmem>> -> memref<1024xf32, #tpu.memory_space<vmem>>
    %dma_start3A_403 = tpu.memref_slice %arg4[%mul3A_399] : memref<52428800xf32, #tpu.memory_space<hbm>> -> memref<1024xf32, #tpu.memory_space<hbm>>
    %dma_start3A_404 = tpu.memref_slice %arg11[%dma_start3A_400] : memref<2x!tpu.dma_semaphore, #tpu.memory_space<semaphore_mem>> -> memref<1x!tpu.dma_semaphore, #tpu.memory_space<semaphore_mem>>
    %dma_start3A_405 = tpu.memref_squeeze %dma_start3A_404 : memref<1x!tpu.dma_semaphore, #tpu.memory_space<semaphore_mem>> -> memref<!tpu.dma_semaphore, #tpu.memory_space<semaphore_mem>>
    %dma_start3A_406 = tpu.memref_slice %arg4[%mul3A_399] : memref<52428800xf32, #tpu.memory_space<hbm>> -> memref<1024xf32, #tpu.memory_space<hbm>>
    %dma_start3A_407 = arith.constant 2048 : i32
    %dma_start3A_408 = tpu.memref_slice %arg9[%dma_start3A_407] : memref<8192xf32, #tpu.memory_space<vmem>> -> memref<1024xf32, #tpu.memory_space<vmem>>
    tpu.enqueue_dma source(%dma_start3A_408 : memref<1024xf32, #tpu.memory_space<vmem>>) target(%dma_start3A_406 : memref<1024xf32, #tpu.memory_space<hbm>>) target_semaphore(%dma_start3A_405 : memref<!tpu.dma_semaphore, #tpu.memory_space<semaphore_mem>>)
    %add3A_409 = arith.constant 51040 : i32
    %add3A_410 = arith.addi %add3A_409, %add3A : i32
    %mul3A_411 = arith.constant 1024 : i32
    %mul3A_412 = arith.muli %add3A_410, %mul3A_411 : i32
    %dma_start3A_413 = arith.constant 1 : i32
    %dma_start3A_414 = arith.constant 3072 : i32
    %dma_start3A_415 = tpu.memref_slice %arg9[%dma_start3A_414] : memref<8192xf32, #tpu.memory_space<vmem>> -> memref<1024xf32, #tpu.memory_space<vmem>>
    %dma_start3A_416 = tpu.memref_slice %arg4[%mul3A_412] : memref<52428800xf32, #tpu.memory_space<hbm>> -> memref<1024xf32, #tpu.memory_space<hbm>>
    %dma_start3A_417 = tpu.memref_slice %arg11[%dma_start3A_413] : memref<2x!tpu.dma_semaphore, #tpu.memory_space<semaphore_mem>> -> memref<1x!tpu.dma_semaphore, #tpu.memory_space<semaphore_mem>>
    %dma_start3A_418 = tpu.memref_squeeze %dma_start3A_417 : memref<1x!tpu.dma_semaphore, #tpu.memory_space<semaphore_mem>> -> memref<!tpu.dma_semaphore, #tpu.memory_space<semaphore_mem>>
    %dma_start3A_419 = tpu.memref_slice %arg4[%mul3A_412] : memref<52428800xf32, #tpu.memory_space<hbm>> -> memref<1024xf32, #tpu.memory_space<hbm>>
    %dma_start3A_420 = arith.constant 3072 : i32
    %dma_start3A_421 = tpu.memref_slice %arg9[%dma_start3A_420] : memref<8192xf32, #tpu.memory_space<vmem>> -> memref<1024xf32, #tpu.memory_space<vmem>>
    tpu.enqueue_dma source(%dma_start3A_421 : memref<1024xf32, #tpu.memory_space<vmem>>) target(%dma_start3A_419 : memref<1024xf32, #tpu.memory_space<hbm>>) target_semaphore(%dma_start3A_418 : memref<!tpu.dma_semaphore, #tpu.memory_space<semaphore_mem>>)
    %add3A_422 = arith.constant 51072 : i32
    %add3A_423 = arith.addi %add3A_422, %add3A : i32
    %mul3A_424 = arith.constant 1024 : i32
    %mul3A_425 = arith.muli %add3A_423, %mul3A_424 : i32
    %dma_start3A_426 = arith.constant 1 : i32
    %dma_start3A_427 = arith.constant 4096 : i32
    %dma_start3A_428 = tpu.memref_slice %arg9[%dma_start3A_427] : memref<8192xf32, #tpu.memory_space<vmem>> -> memref<1024xf32, #tpu.memory_space<vmem>>
    %dma_start3A_429 = tpu.memref_slice %arg4[%mul3A_425] : memref<52428800xf32, #tpu.memory_space<hbm>> -> memref<1024xf32, #tpu.memory_space<hbm>>
    %dma_start3A_430 = tpu.memref_slice %arg11[%dma_start3A_426] : memref<2x!tpu.dma_semaphore, #tpu.memory_space<semaphore_mem>> -> memref<1x!tpu.dma_semaphore, #tpu.memory_space<semaphore_mem>>
    %dma_start3A_431 = tpu.memref_squeeze %dma_start3A_430 : memref<1x!tpu.dma_semaphore, #tpu.memory_space<semaphore_mem>> -> memref<!tpu.dma_semaphore, #tpu.memory_space<semaphore_mem>>
    %dma_start3A_432 = tpu.memref_slice %arg4[%mul3A_425] : memref<52428800xf32, #tpu.memory_space<hbm>> -> memref<1024xf32, #tpu.memory_space<hbm>>
    %dma_start3A_433 = arith.constant 4096 : i32
    %dma_start3A_434 = tpu.memref_slice %arg9[%dma_start3A_433] : memref<8192xf32, #tpu.memory_space<vmem>> -> memref<1024xf32, #tpu.memory_space<vmem>>
    tpu.enqueue_dma source(%dma_start3A_434 : memref<1024xf32, #tpu.memory_space<vmem>>) target(%dma_start3A_432 : memref<1024xf32, #tpu.memory_space<hbm>>) target_semaphore(%dma_start3A_431 : memref<!tpu.dma_semaphore, #tpu.memory_space<semaphore_mem>>)
    %add3A_435 = arith.constant 51104 : i32
    %add3A_436 = arith.addi %add3A_435, %add3A : i32
    %mul3A_437 = arith.constant 1024 : i32
    %mul3A_438 = arith.muli %add3A_436, %mul3A_437 : i32
    %dma_start3A_439 = arith.constant 1 : i32
    %dma_start3A_440 = arith.constant 5120 : i32
    %dma_start3A_441 = tpu.memref_slice %arg9[%dma_start3A_440] : memref<8192xf32, #tpu.memory_space<vmem>> -> memref<1024xf32, #tpu.memory_space<vmem>>
    %dma_start3A_442 = tpu.memref_slice %arg4[%mul3A_438] : memref<52428800xf32, #tpu.memory_space<hbm>> -> memref<1024xf32, #tpu.memory_space<hbm>>
    %dma_start3A_443 = tpu.memref_slice %arg11[%dma_start3A_439] : memref<2x!tpu.dma_semaphore, #tpu.memory_space<semaphore_mem>> -> memref<1x!tpu.dma_semaphore, #tpu.memory_space<semaphore_mem>>
    %dma_start3A_444 = tpu.memref_squeeze %dma_start3A_443 : memref<1x!tpu.dma_semaphore, #tpu.memory_space<semaphore_mem>> -> memref<!tpu.dma_semaphore, #tpu.memory_space<semaphore_mem>>
    %dma_start3A_445 = tpu.memref_slice %arg4[%mul3A_438] : memref<52428800xf32, #tpu.memory_space<hbm>> -> memref<1024xf32, #tpu.memory_space<hbm>>
    %dma_start3A_446 = arith.constant 5120 : i32
    %dma_start3A_447 = tpu.memref_slice %arg9[%dma_start3A_446] : memref<8192xf32, #tpu.memory_space<vmem>> -> memref<1024xf32, #tpu.memory_space<vmem>>
    tpu.enqueue_dma source(%dma_start3A_447 : memref<1024xf32, #tpu.memory_space<vmem>>) target(%dma_start3A_445 : memref<1024xf32, #tpu.memory_space<hbm>>) target_semaphore(%dma_start3A_444 : memref<!tpu.dma_semaphore, #tpu.memory_space<semaphore_mem>>)
    %add3A_448 = arith.constant 51136 : i32
    %add3A_449 = arith.addi %add3A_448, %add3A : i32
    %mul3A_450 = arith.constant 1024 : i32
    %mul3A_451 = arith.muli %add3A_449, %mul3A_450 : i32
    %dma_start3A_452 = arith.constant 1 : i32
    %dma_start3A_453 = arith.constant 6144 : i32
    %dma_start3A_454 = tpu.memref_slice %arg9[%dma_start3A_453] : memref<8192xf32, #tpu.memory_space<vmem>> -> memref<1024xf32, #tpu.memory_space<vmem>>
    %dma_start3A_455 = tpu.memref_slice %arg4[%mul3A_451] : memref<52428800xf32, #tpu.memory_space<hbm>> -> memref<1024xf32, #tpu.memory_space<hbm>>
    %dma_start3A_456 = tpu.memref_slice %arg11[%dma_start3A_452] : memref<2x!tpu.dma_semaphore, #tpu.memory_space<semaphore_mem>> -> memref<1x!tpu.dma_semaphore, #tpu.memory_space<semaphore_mem>>
    %dma_start3A_457 = tpu.memref_squeeze %dma_start3A_456 : memref<1x!tpu.dma_semaphore, #tpu.memory_space<semaphore_mem>> -> memref<!tpu.dma_semaphore, #tpu.memory_space<semaphore_mem>>
    %dma_start3A_458 = tpu.memref_slice %arg4[%mul3A_451] : memref<52428800xf32, #tpu.memory_space<hbm>> -> memref<1024xf32, #tpu.memory_space<hbm>>
    %dma_start3A_459 = arith.constant 6144 : i32
    %dma_start3A_460 = tpu.memref_slice %arg9[%dma_start3A_459] : memref<8192xf32, #tpu.memory_space<vmem>> -> memref<1024xf32, #tpu.memory_space<vmem>>
    tpu.enqueue_dma source(%dma_start3A_460 : memref<1024xf32, #tpu.memory_space<vmem>>) target(%dma_start3A_458 : memref<1024xf32, #tpu.memory_space<hbm>>) target_semaphore(%dma_start3A_457 : memref<!tpu.dma_semaphore, #tpu.memory_space<semaphore_mem>>)
    %add3A_461 = arith.constant 51168 : i32
    %add3A_462 = arith.addi %add3A_461, %add3A : i32
    %mul3A_463 = arith.constant 1024 : i32
    %mul3A_464 = arith.muli %add3A_462, %mul3A_463 : i32
    %dma_start3A_465 = arith.constant 1 : i32
    %dma_start3A_466 = arith.constant 7168 : i32
    %dma_start3A_467 = tpu.memref_slice %arg9[%dma_start3A_466] : memref<8192xf32, #tpu.memory_space<vmem>> -> memref<1024xf32, #tpu.memory_space<vmem>>
    %dma_start3A_468 = tpu.memref_slice %arg4[%mul3A_464] : memref<52428800xf32, #tpu.memory_space<hbm>> -> memref<1024xf32, #tpu.memory_space<hbm>>
    %dma_start3A_469 = tpu.memref_slice %arg11[%dma_start3A_465] : memref<2x!tpu.dma_semaphore, #tpu.memory_space<semaphore_mem>> -> memref<1x!tpu.dma_semaphore, #tpu.memory_space<semaphore_mem>>
    %dma_start3A_470 = tpu.memref_squeeze %dma_start3A_469 : memref<1x!tpu.dma_semaphore, #tpu.memory_space<semaphore_mem>> -> memref<!tpu.dma_semaphore, #tpu.memory_space<semaphore_mem>>
    %dma_start3A_471 = tpu.memref_slice %arg4[%mul3A_464] : memref<52428800xf32, #tpu.memory_space<hbm>> -> memref<1024xf32, #tpu.memory_space<hbm>>
    %dma_start3A_472 = arith.constant 7168 : i32
    %dma_start3A_473 = tpu.memref_slice %arg9[%dma_start3A_472] : memref<8192xf32, #tpu.memory_space<vmem>> -> memref<1024xf32, #tpu.memory_space<vmem>>
    tpu.enqueue_dma source(%dma_start3A_473 : memref<1024xf32, #tpu.memory_space<vmem>>) target(%dma_start3A_471 : memref<1024xf32, #tpu.memory_space<hbm>>) target_semaphore(%dma_start3A_470 : memref<!tpu.dma_semaphore, #tpu.memory_space<semaphore_mem>>)
    %add3A_474 = arith.constant 50688 : i32
    %add3A_475 = arith.addi %add3A_474, %add3A : i32
    %mul3A_476 = arith.constant 1024 : i32
    %mul3A_477 = arith.muli %add3A_475, %mul3A_476 : i32
    %dma_wait3A_478 = arith.constant 0 : i32
    %dma_wait3A_479 = arith.constant 0 : i32
    %dma_wait3A_480 = tpu.memref_slice %arg8[%dma_wait3A_479] : memref<8192xf32, #tpu.memory_space<vmem>> -> memref<1024xf32, #tpu.memory_space<vmem>>
    %dma_wait3A_481 = tpu.memref_slice %arg4[%mul3A_477] : memref<52428800xf32, #tpu.memory_space<hbm>> -> memref<1024xf32, #tpu.memory_space<hbm>>
    %dma_wait3A_482 = tpu.memref_slice %arg11[%dma_wait3A_478] : memref<2x!tpu.dma_semaphore, #tpu.memory_space<semaphore_mem>> -> memref<1x!tpu.dma_semaphore, #tpu.memory_space<semaphore_mem>>
    %dma_wait3A_483 = tpu.memref_squeeze %dma_wait3A_482 : memref<1x!tpu.dma_semaphore, #tpu.memory_space<semaphore_mem>> -> memref<!tpu.dma_semaphore, #tpu.memory_space<semaphore_mem>>
    %dma_wait3A_484 = tpu.memref_slice %arg4[%mul3A_477] : memref<52428800xf32, #tpu.memory_space<hbm>> -> memref<1024xf32, #tpu.memory_space<hbm>>
    %dma_wait3A_485 = arith.constant 0 : i32
    %dma_wait3A_486 = tpu.memref_slice %arg8[%dma_wait3A_485] : memref<8192xf32, #tpu.memory_space<vmem>> -> memref<1024xf32, #tpu.memory_space<vmem>>
    tpu.wait_dma2 semaphore(%dma_wait3A_483 : memref<!tpu.dma_semaphore, #tpu.memory_space<semaphore_mem>>) src(%dma_wait3A_486 : memref<1024xf32, #tpu.memory_space<vmem>>) dst(%dma_wait3A_484 : memref<1024xf32, #tpu.memory_space<hbm>>)
    %add3A_487 = arith.constant 50720 : i32
    %add3A_488 = arith.addi %add3A_487, %add3A : i32
    %mul3A_489 = arith.constant 1024 : i32
    %mul3A_490 = arith.muli %add3A_488, %mul3A_489 : i32
    %dma_wait3A_491 = arith.constant 0 : i32
    %dma_wait3A_492 = arith.constant 1024 : i32
    %dma_wait3A_493 = tpu.memref_slice %arg8[%dma_wait3A_492] : memref<8192xf32, #tpu.memory_space<vmem>> -> memref<1024xf32, #tpu.memory_space<vmem>>
    %dma_wait3A_494 = tpu.memref_slice %arg4[%mul3A_490] : memref<52428800xf32, #tpu.memory_space<hbm>> -> memref<1024xf32, #tpu.memory_space<hbm>>
    %dma_wait3A_495 = tpu.memref_slice %arg11[%dma_wait3A_491] : memref<2x!tpu.dma_semaphore, #tpu.memory_space<semaphore_mem>> -> memref<1x!tpu.dma_semaphore, #tpu.memory_space<semaphore_mem>>
    %dma_wait3A_496 = tpu.memref_squeeze %dma_wait3A_495 : memref<1x!tpu.dma_semaphore, #tpu.memory_space<semaphore_mem>> -> memref<!tpu.dma_semaphore, #tpu.memory_space<semaphore_mem>>
    %dma_wait3A_497 = tpu.memref_slice %arg4[%mul3A_490] : memref<52428800xf32, #tpu.memory_space<hbm>> -> memref<1024xf32, #tpu.memory_space<hbm>>
    %dma_wait3A_498 = arith.constant 1024 : i32
    %dma_wait3A_499 = tpu.memref_slice %arg8[%dma_wait3A_498] : memref<8192xf32, #tpu.memory_space<vmem>> -> memref<1024xf32, #tpu.memory_space<vmem>>
    tpu.wait_dma2 semaphore(%dma_wait3A_496 : memref<!tpu.dma_semaphore, #tpu.memory_space<semaphore_mem>>) src(%dma_wait3A_499 : memref<1024xf32, #tpu.memory_space<vmem>>) dst(%dma_wait3A_497 : memref<1024xf32, #tpu.memory_space<hbm>>)
    %add3A_500 = arith.constant 50752 : i32
    %add3A_501 = arith.addi %add3A_500, %add3A : i32
    %mul3A_502 = arith.constant 1024 : i32
    %mul3A_503 = arith.muli %add3A_501, %mul3A_502 : i32
    %dma_wait3A_504 = arith.constant 0 : i32
    %dma_wait3A_505 = arith.constant 2048 : i32
    %dma_wait3A_506 = tpu.memref_slice %arg8[%dma_wait3A_505] : memref<8192xf32, #tpu.memory_space<vmem>> -> memref<1024xf32, #tpu.memory_space<vmem>>
    %dma_wait3A_507 = tpu.memref_slice %arg4[%mul3A_503] : memref<52428800xf32, #tpu.memory_space<hbm>> -> memref<1024xf32, #tpu.memory_space<hbm>>
    %dma_wait3A_508 = tpu.memref_slice %arg11[%dma_wait3A_504] : memref<2x!tpu.dma_semaphore, #tpu.memory_space<semaphore_mem>> -> memref<1x!tpu.dma_semaphore, #tpu.memory_space<semaphore_mem>>
    %dma_wait3A_509 = tpu.memref_squeeze %dma_wait3A_508 : memref<1x!tpu.dma_semaphore, #tpu.memory_space<semaphore_mem>> -> memref<!tpu.dma_semaphore, #tpu.memory_space<semaphore_mem>>
    %dma_wait3A_510 = tpu.memref_slice %arg4[%mul3A_503] : memref<52428800xf32, #tpu.memory_space<hbm>> -> memref<1024xf32, #tpu.memory_space<hbm>>
    %dma_wait3A_511 = arith.constant 2048 : i32
    %dma_wait3A_512 = tpu.memref_slice %arg8[%dma_wait3A_511] : memref<8192xf32, #tpu.memory_space<vmem>> -> memref<1024xf32, #tpu.memory_space<vmem>>
    tpu.wait_dma2 semaphore(%dma_wait3A_509 : memref<!tpu.dma_semaphore, #tpu.memory_space<semaphore_mem>>) src(%dma_wait3A_512 : memref<1024xf32, #tpu.memory_space<vmem>>) dst(%dma_wait3A_510 : memref<1024xf32, #tpu.memory_space<hbm>>)
    %add3A_513 = arith.constant 50784 : i32
    %add3A_514 = arith.addi %add3A_513, %add3A : i32
    %mul3A_515 = arith.constant 1024 : i32
    %mul3A_516 = arith.muli %add3A_514, %mul3A_515 : i32
    %dma_wait3A_517 = arith.constant 0 : i32
    %dma_wait3A_518 = arith.constant 3072 : i32
    %dma_wait3A_519 = tpu.memref_slice %arg8[%dma_wait3A_518] : memref<8192xf32, #tpu.memory_space<vmem>> -> memref<1024xf32, #tpu.memory_space<vmem>>
    %dma_wait3A_520 = tpu.memref_slice %arg4[%mul3A_516] : memref<52428800xf32, #tpu.memory_space<hbm>> -> memref<1024xf32, #tpu.memory_space<hbm>>
    %dma_wait3A_521 = tpu.memref_slice %arg11[%dma_wait3A_517] : memref<2x!tpu.dma_semaphore, #tpu.memory_space<semaphore_mem>> -> memref<1x!tpu.dma_semaphore, #tpu.memory_space<semaphore_mem>>
    %dma_wait3A_522 = tpu.memref_squeeze %dma_wait3A_521 : memref<1x!tpu.dma_semaphore, #tpu.memory_space<semaphore_mem>> -> memref<!tpu.dma_semaphore, #tpu.memory_space<semaphore_mem>>
    %dma_wait3A_523 = tpu.memref_slice %arg4[%mul3A_516] : memref<52428800xf32, #tpu.memory_space<hbm>> -> memref<1024xf32, #tpu.memory_space<hbm>>
    %dma_wait3A_524 = arith.constant 3072 : i32
    %dma_wait3A_525 = tpu.memref_slice %arg8[%dma_wait3A_524] : memref<8192xf32, #tpu.memory_space<vmem>> -> memref<1024xf32, #tpu.memory_space<vmem>>
    tpu.wait_dma2 semaphore(%dma_wait3A_522 : memref<!tpu.dma_semaphore, #tpu.memory_space<semaphore_mem>>) src(%dma_wait3A_525 : memref<1024xf32, #tpu.memory_space<vmem>>) dst(%dma_wait3A_523 : memref<1024xf32, #tpu.memory_space<hbm>>)
    %add3A_526 = arith.constant 50816 : i32
    %add3A_527 = arith.addi %add3A_526, %add3A : i32
    %mul3A_528 = arith.constant 1024 : i32
    %mul3A_529 = arith.muli %add3A_527, %mul3A_528 : i32
    %dma_wait3A_530 = arith.constant 0 : i32
    %dma_wait3A_531 = arith.constant 4096 : i32
    %dma_wait3A_532 = tpu.memref_slice %arg8[%dma_wait3A_531] : memref<8192xf32, #tpu.memory_space<vmem>> -> memref<1024xf32, #tpu.memory_space<vmem>>
    %dma_wait3A_533 = tpu.memref_slice %arg4[%mul3A_529] : memref<52428800xf32, #tpu.memory_space<hbm>> -> memref<1024xf32, #tpu.memory_space<hbm>>
    %dma_wait3A_534 = tpu.memref_slice %arg11[%dma_wait3A_530] : memref<2x!tpu.dma_semaphore, #tpu.memory_space<semaphore_mem>> -> memref<1x!tpu.dma_semaphore, #tpu.memory_space<semaphore_mem>>
    %dma_wait3A_535 = tpu.memref_squeeze %dma_wait3A_534 : memref<1x!tpu.dma_semaphore, #tpu.memory_space<semaphore_mem>> -> memref<!tpu.dma_semaphore, #tpu.memory_space<semaphore_mem>>
    %dma_wait3A_536 = tpu.memref_slice %arg4[%mul3A_529] : memref<52428800xf32, #tpu.memory_space<hbm>> -> memref<1024xf32, #tpu.memory_space<hbm>>
    %dma_wait3A_537 = arith.constant 4096 : i32
    %dma_wait3A_538 = tpu.memref_slice %arg8[%dma_wait3A_537] : memref<8192xf32, #tpu.memory_space<vmem>> -> memref<1024xf32, #tpu.memory_space<vmem>>
    tpu.wait_dma2 semaphore(%dma_wait3A_535 : memref<!tpu.dma_semaphore, #tpu.memory_space<semaphore_mem>>) src(%dma_wait3A_538 : memref<1024xf32, #tpu.memory_space<vmem>>) dst(%dma_wait3A_536 : memref<1024xf32, #tpu.memory_space<hbm>>)
    %add3A_539 = arith.constant 50848 : i32
    %add3A_540 = arith.addi %add3A_539, %add3A : i32
    %mul3A_541 = arith.constant 1024 : i32
    %mul3A_542 = arith.muli %add3A_540, %mul3A_541 : i32
    %dma_wait3A_543 = arith.constant 0 : i32
    %dma_wait3A_544 = arith.constant 5120 : i32
    %dma_wait3A_545 = tpu.memref_slice %arg8[%dma_wait3A_544] : memref<8192xf32, #tpu.memory_space<vmem>> -> memref<1024xf32, #tpu.memory_space<vmem>>
    %dma_wait3A_546 = tpu.memref_slice %arg4[%mul3A_542] : memref<52428800xf32, #tpu.memory_space<hbm>> -> memref<1024xf32, #tpu.memory_space<hbm>>
    %dma_wait3A_547 = tpu.memref_slice %arg11[%dma_wait3A_543] : memref<2x!tpu.dma_semaphore, #tpu.memory_space<semaphore_mem>> -> memref<1x!tpu.dma_semaphore, #tpu.memory_space<semaphore_mem>>
    %dma_wait3A_548 = tpu.memref_squeeze %dma_wait3A_547 : memref<1x!tpu.dma_semaphore, #tpu.memory_space<semaphore_mem>> -> memref<!tpu.dma_semaphore, #tpu.memory_space<semaphore_mem>>
    %dma_wait3A_549 = tpu.memref_slice %arg4[%mul3A_542] : memref<52428800xf32, #tpu.memory_space<hbm>> -> memref<1024xf32, #tpu.memory_space<hbm>>
    %dma_wait3A_550 = arith.constant 5120 : i32
    %dma_wait3A_551 = tpu.memref_slice %arg8[%dma_wait3A_550] : memref<8192xf32, #tpu.memory_space<vmem>> -> memref<1024xf32, #tpu.memory_space<vmem>>
    tpu.wait_dma2 semaphore(%dma_wait3A_548 : memref<!tpu.dma_semaphore, #tpu.memory_space<semaphore_mem>>) src(%dma_wait3A_551 : memref<1024xf32, #tpu.memory_space<vmem>>) dst(%dma_wait3A_549 : memref<1024xf32, #tpu.memory_space<hbm>>)
    %add3A_552 = arith.constant 50880 : i32
    %add3A_553 = arith.addi %add3A_552, %add3A : i32
    %mul3A_554 = arith.constant 1024 : i32
    %mul3A_555 = arith.muli %add3A_553, %mul3A_554 : i32
    %dma_wait3A_556 = arith.constant 0 : i32
    %dma_wait3A_557 = arith.constant 6144 : i32
    %dma_wait3A_558 = tpu.memref_slice %arg8[%dma_wait3A_557] : memref<8192xf32, #tpu.memory_space<vmem>> -> memref<1024xf32, #tpu.memory_space<vmem>>
    %dma_wait3A_559 = tpu.memref_slice %arg4[%mul3A_555] : memref<52428800xf32, #tpu.memory_space<hbm>> -> memref<1024xf32, #tpu.memory_space<hbm>>
    %dma_wait3A_560 = tpu.memref_slice %arg11[%dma_wait3A_556] : memref<2x!tpu.dma_semaphore, #tpu.memory_space<semaphore_mem>> -> memref<1x!tpu.dma_semaphore, #tpu.memory_space<semaphore_mem>>
    %dma_wait3A_561 = tpu.memref_squeeze %dma_wait3A_560 : memref<1x!tpu.dma_semaphore, #tpu.memory_space<semaphore_mem>> -> memref<!tpu.dma_semaphore, #tpu.memory_space<semaphore_mem>>
    %dma_wait3A_562 = tpu.memref_slice %arg4[%mul3A_555] : memref<52428800xf32, #tpu.memory_space<hbm>> -> memref<1024xf32, #tpu.memory_space<hbm>>
    %dma_wait3A_563 = arith.constant 6144 : i32
    %dma_wait3A_564 = tpu.memref_slice %arg8[%dma_wait3A_563] : memref<8192xf32, #tpu.memory_space<vmem>> -> memref<1024xf32, #tpu.memory_space<vmem>>
    tpu.wait_dma2 semaphore(%dma_wait3A_561 : memref<!tpu.dma_semaphore, #tpu.memory_space<semaphore_mem>>) src(%dma_wait3A_564 : memref<1024xf32, #tpu.memory_space<vmem>>) dst(%dma_wait3A_562 : memref<1024xf32, #tpu.memory_space<hbm>>)
    %add3A_565 = arith.constant 50912 : i32
    %add3A_566 = arith.addi %add3A_565, %add3A : i32
    %mul3A_567 = arith.constant 1024 : i32
    %mul3A_568 = arith.muli %add3A_566, %mul3A_567 : i32
    %dma_wait3A_569 = arith.constant 0 : i32
    %dma_wait3A_570 = arith.constant 7168 : i32
    %dma_wait3A_571 = tpu.memref_slice %arg8[%dma_wait3A_570] : memref<8192xf32, #tpu.memory_space<vmem>> -> memref<1024xf32, #tpu.memory_space<vmem>>
    %dma_wait3A_572 = tpu.memref_slice %arg4[%mul3A_568] : memref<52428800xf32, #tpu.memory_space<hbm>> -> memref<1024xf32, #tpu.memory_space<hbm>>
    %dma_wait3A_573 = tpu.memref_slice %arg11[%dma_wait3A_569] : memref<2x!tpu.dma_semaphore, #tpu.memory_space<semaphore_mem>> -> memref<1x!tpu.dma_semaphore, #tpu.memory_space<semaphore_mem>>
    %dma_wait3A_574 = tpu.memref_squeeze %dma_wait3A_573 : memref<1x!tpu.dma_semaphore, #tpu.memory_space<semaphore_mem>> -> memref<!tpu.dma_semaphore, #tpu.memory_space<semaphore_mem>>
    %dma_wait3A_575 = tpu.memref_slice %arg4[%mul3A_568] : memref<52428800xf32, #tpu.memory_space<hbm>> -> memref<1024xf32, #tpu.memory_space<hbm>>
    %dma_wait3A_576 = arith.constant 7168 : i32
    %dma_wait3A_577 = tpu.memref_slice %arg8[%dma_wait3A_576] : memref<8192xf32, #tpu.memory_space<vmem>> -> memref<1024xf32, #tpu.memory_space<vmem>>
    tpu.wait_dma2 semaphore(%dma_wait3A_574 : memref<!tpu.dma_semaphore, #tpu.memory_space<semaphore_mem>>) src(%dma_wait3A_577 : memref<1024xf32, #tpu.memory_space<vmem>>) dst(%dma_wait3A_575 : memref<1024xf32, #tpu.memory_space<hbm>>)
    %add3A_578 = arith.constant 50944 : i32
    %add3A_579 = arith.addi %add3A_578, %add3A : i32
    %mul3A_580 = arith.constant 1024 : i32
    %mul3A_581 = arith.muli %add3A_579, %mul3A_580 : i32
    %dma_wait3A_582 = arith.constant 1 : i32
    %dma_wait3A_583 = arith.constant 0 : i32
    %dma_wait3A_584 = tpu.memref_slice %arg9[%dma_wait3A_583] : memref<8192xf32, #tpu.memory_space<vmem>> -> memref<1024xf32, #tpu.memory_space<vmem>>
    %dma_wait3A_585 = tpu.memref_slice %arg4[%mul3A_581] : memref<52428800xf32, #tpu.memory_space<hbm>> -> memref<1024xf32, #tpu.memory_space<hbm>>
    %dma_wait3A_586 = tpu.memref_slice %arg11[%dma_wait3A_582] : memref<2x!tpu.dma_semaphore, #tpu.memory_space<semaphore_mem>> -> memref<1x!tpu.dma_semaphore, #tpu.memory_space<semaphore_mem>>
    %dma_wait3A_587 = tpu.memref_squeeze %dma_wait3A_586 : memref<1x!tpu.dma_semaphore, #tpu.memory_space<semaphore_mem>> -> memref<!tpu.dma_semaphore, #tpu.memory_space<semaphore_mem>>
    %dma_wait3A_588 = tpu.memref_slice %arg4[%mul3A_581] : memref<52428800xf32, #tpu.memory_space<hbm>> -> memref<1024xf32, #tpu.memory_space<hbm>>
    %dma_wait3A_589 = arith.constant 0 : i32
    %dma_wait3A_590 = tpu.memref_slice %arg9[%dma_wait3A_589] : memref<8192xf32, #tpu.memory_space<vmem>> -> memref<1024xf32, #tpu.memory_space<vmem>>
    tpu.wait_dma2 semaphore(%dma_wait3A_587 : memref<!tpu.dma_semaphore, #tpu.memory_space<semaphore_mem>>) src(%dma_wait3A_590 : memref<1024xf32, #tpu.memory_space<vmem>>) dst(%dma_wait3A_588 : memref<1024xf32, #tpu.memory_space<hbm>>)
    %add3A_591 = arith.constant 50976 : i32
    %add3A_592 = arith.addi %add3A_591, %add3A : i32
    %mul3A_593 = arith.constant 1024 : i32
    %mul3A_594 = arith.muli %add3A_592, %mul3A_593 : i32
    %dma_wait3A_595 = arith.constant 1 : i32
    %dma_wait3A_596 = arith.constant 1024 : i32
    %dma_wait3A_597 = tpu.memref_slice %arg9[%dma_wait3A_596] : memref<8192xf32, #tpu.memory_space<vmem>> -> memref<1024xf32, #tpu.memory_space<vmem>>
    %dma_wait3A_598 = tpu.memref_slice %arg4[%mul3A_594] : memref<52428800xf32, #tpu.memory_space<hbm>> -> memref<1024xf32, #tpu.memory_space<hbm>>
    %dma_wait3A_599 = tpu.memref_slice %arg11[%dma_wait3A_595] : memref<2x!tpu.dma_semaphore, #tpu.memory_space<semaphore_mem>> -> memref<1x!tpu.dma_semaphore, #tpu.memory_space<semaphore_mem>>
    %dma_wait3A_600 = tpu.memref_squeeze %dma_wait3A_599 : memref<1x!tpu.dma_semaphore, #tpu.memory_space<semaphore_mem>> -> memref<!tpu.dma_semaphore, #tpu.memory_space<semaphore_mem>>
    %dma_wait3A_601 = tpu.memref_slice %arg4[%mul3A_594] : memref<52428800xf32, #tpu.memory_space<hbm>> -> memref<1024xf32, #tpu.memory_space<hbm>>
    %dma_wait3A_602 = arith.constant 1024 : i32
    %dma_wait3A_603 = tpu.memref_slice %arg9[%dma_wait3A_602] : memref<8192xf32, #tpu.memory_space<vmem>> -> memref<1024xf32, #tpu.memory_space<vmem>>
    tpu.wait_dma2 semaphore(%dma_wait3A_600 : memref<!tpu.dma_semaphore, #tpu.memory_space<semaphore_mem>>) src(%dma_wait3A_603 : memref<1024xf32, #tpu.memory_space<vmem>>) dst(%dma_wait3A_601 : memref<1024xf32, #tpu.memory_space<hbm>>)
    %add3A_604 = arith.constant 51008 : i32
    %add3A_605 = arith.addi %add3A_604, %add3A : i32
    %mul3A_606 = arith.constant 1024 : i32
    %mul3A_607 = arith.muli %add3A_605, %mul3A_606 : i32
    %dma_wait3A_608 = arith.constant 1 : i32
    %dma_wait3A_609 = arith.constant 2048 : i32
    %dma_wait3A_610 = tpu.memref_slice %arg9[%dma_wait3A_609] : memref<8192xf32, #tpu.memory_space<vmem>> -> memref<1024xf32, #tpu.memory_space<vmem>>
    %dma_wait3A_611 = tpu.memref_slice %arg4[%mul3A_607] : memref<52428800xf32, #tpu.memory_space<hbm>> -> memref<1024xf32, #tpu.memory_space<hbm>>
    %dma_wait3A_612 = tpu.memref_slice %arg11[%dma_wait3A_608] : memref<2x!tpu.dma_semaphore, #tpu.memory_space<semaphore_mem>> -> memref<1x!tpu.dma_semaphore, #tpu.memory_space<semaphore_mem>>
    %dma_wait3A_613 = tpu.memref_squeeze %dma_wait3A_612 : memref<1x!tpu.dma_semaphore, #tpu.memory_space<semaphore_mem>> -> memref<!tpu.dma_semaphore, #tpu.memory_space<semaphore_mem>>
    %dma_wait3A_614 = tpu.memref_slice %arg4[%mul3A_607] : memref<52428800xf32, #tpu.memory_space<hbm>> -> memref<1024xf32, #tpu.memory_space<hbm>>
    %dma_wait3A_615 = arith.constant 2048 : i32
    %dma_wait3A_616 = tpu.memref_slice %arg9[%dma_wait3A_615] : memref<8192xf32, #tpu.memory_space<vmem>> -> memref<1024xf32, #tpu.memory_space<vmem>>
    tpu.wait_dma2 semaphore(%dma_wait3A_613 : memref<!tpu.dma_semaphore, #tpu.memory_space<semaphore_mem>>) src(%dma_wait3A_616 : memref<1024xf32, #tpu.memory_space<vmem>>) dst(%dma_wait3A_614 : memref<1024xf32, #tpu.memory_space<hbm>>)
    %add3A_617 = arith.constant 51040 : i32
    %add3A_618 = arith.addi %add3A_617, %add3A : i32
    %mul3A_619 = arith.constant 1024 : i32
    %mul3A_620 = arith.muli %add3A_618, %mul3A_619 : i32
    %dma_wait3A_621 = arith.constant 1 : i32
    %dma_wait3A_622 = arith.constant 3072 : i32
    %dma_wait3A_623 = tpu.memref_slice %arg9[%dma_wait3A_622] : memref<8192xf32, #tpu.memory_space<vmem>> -> memref<1024xf32, #tpu.memory_space<vmem>>
    %dma_wait3A_624 = tpu.memref_slice %arg4[%mul3A_620] : memref<52428800xf32, #tpu.memory_space<hbm>> -> memref<1024xf32, #tpu.memory_space<hbm>>
    %dma_wait3A_625 = tpu.memref_slice %arg11[%dma_wait3A_621] : memref<2x!tpu.dma_semaphore, #tpu.memory_space<semaphore_mem>> -> memref<1x!tpu.dma_semaphore, #tpu.memory_space<semaphore_mem>>
    %dma_wait3A_626 = tpu.memref_squeeze %dma_wait3A_625 : memref<1x!tpu.dma_semaphore, #tpu.memory_space<semaphore_mem>> -> memref<!tpu.dma_semaphore, #tpu.memory_space<semaphore_mem>>
    %dma_wait3A_627 = tpu.memref_slice %arg4[%mul3A_620] : memref<52428800xf32, #tpu.memory_space<hbm>> -> memref<1024xf32, #tpu.memory_space<hbm>>
    %dma_wait3A_628 = arith.constant 3072 : i32
    %dma_wait3A_629 = tpu.memref_slice %arg9[%dma_wait3A_628] : memref<8192xf32, #tpu.memory_space<vmem>> -> memref<1024xf32, #tpu.memory_space<vmem>>
    tpu.wait_dma2 semaphore(%dma_wait3A_626 : memref<!tpu.dma_semaphore, #tpu.memory_space<semaphore_mem>>) src(%dma_wait3A_629 : memref<1024xf32, #tpu.memory_space<vmem>>) dst(%dma_wait3A_627 : memref<1024xf32, #tpu.memory_space<hbm>>)
    %add3A_630 = arith.constant 51072 : i32
    %add3A_631 = arith.addi %add3A_630, %add3A : i32
    %mul3A_632 = arith.constant 1024 : i32
    %mul3A_633 = arith.muli %add3A_631, %mul3A_632 : i32
    %dma_wait3A_634 = arith.constant 1 : i32
    %dma_wait3A_635 = arith.constant 4096 : i32
    %dma_wait3A_636 = tpu.memref_slice %arg9[%dma_wait3A_635] : memref<8192xf32, #tpu.memory_space<vmem>> -> memref<1024xf32, #tpu.memory_space<vmem>>
    %dma_wait3A_637 = tpu.memref_slice %arg4[%mul3A_633] : memref<52428800xf32, #tpu.memory_space<hbm>> -> memref<1024xf32, #tpu.memory_space<hbm>>
    %dma_wait3A_638 = tpu.memref_slice %arg11[%dma_wait3A_634] : memref<2x!tpu.dma_semaphore, #tpu.memory_space<semaphore_mem>> -> memref<1x!tpu.dma_semaphore, #tpu.memory_space<semaphore_mem>>
    %dma_wait3A_639 = tpu.memref_squeeze %dma_wait3A_638 : memref<1x!tpu.dma_semaphore, #tpu.memory_space<semaphore_mem>> -> memref<!tpu.dma_semaphore, #tpu.memory_space<semaphore_mem>>
    %dma_wait3A_640 = tpu.memref_slice %arg4[%mul3A_633] : memref<52428800xf32, #tpu.memory_space<hbm>> -> memref<1024xf32, #tpu.memory_space<hbm>>
    %dma_wait3A_641 = arith.constant 4096 : i32
    %dma_wait3A_642 = tpu.memref_slice %arg9[%dma_wait3A_641] : memref<8192xf32, #tpu.memory_space<vmem>> -> memref<1024xf32, #tpu.memory_space<vmem>>
    tpu.wait_dma2 semaphore(%dma_wait3A_639 : memref<!tpu.dma_semaphore, #tpu.memory_space<semaphore_mem>>) src(%dma_wait3A_642 : memref<1024xf32, #tpu.memory_space<vmem>>) dst(%dma_wait3A_640 : memref<1024xf32, #tpu.memory_space<hbm>>)
    %add3A_643 = arith.constant 51104 : i32
    %add3A_644 = arith.addi %add3A_643, %add3A : i32
    %mul3A_645 = arith.constant 1024 : i32
    %mul3A_646 = arith.muli %add3A_644, %mul3A_645 : i32
    %dma_wait3A_647 = arith.constant 1 : i32
    %dma_wait3A_648 = arith.constant 5120 : i32
    %dma_wait3A_649 = tpu.memref_slice %arg9[%dma_wait3A_648] : memref<8192xf32, #tpu.memory_space<vmem>> -> memref<1024xf32, #tpu.memory_space<vmem>>
    %dma_wait3A_650 = tpu.memref_slice %arg4[%mul3A_646] : memref<52428800xf32, #tpu.memory_space<hbm>> -> memref<1024xf32, #tpu.memory_space<hbm>>
    %dma_wait3A_651 = tpu.memref_slice %arg11[%dma_wait3A_647] : memref<2x!tpu.dma_semaphore, #tpu.memory_space<semaphore_mem>> -> memref<1x!tpu.dma_semaphore, #tpu.memory_space<semaphore_mem>>
    %dma_wait3A_652 = tpu.memref_squeeze %dma_wait3A_651 : memref<1x!tpu.dma_semaphore, #tpu.memory_space<semaphore_mem>> -> memref<!tpu.dma_semaphore, #tpu.memory_space<semaphore_mem>>
    %dma_wait3A_653 = tpu.memref_slice %arg4[%mul3A_646] : memref<52428800xf32, #tpu.memory_space<hbm>> -> memref<1024xf32, #tpu.memory_space<hbm>>
    %dma_wait3A_654 = arith.constant 5120 : i32
    %dma_wait3A_655 = tpu.memref_slice %arg9[%dma_wait3A_654] : memref<8192xf32, #tpu.memory_space<vmem>> -> memref<1024xf32, #tpu.memory_space<vmem>>
    tpu.wait_dma2 semaphore(%dma_wait3A_652 : memref<!tpu.dma_semaphore, #tpu.memory_space<semaphore_mem>>) src(%dma_wait3A_655 : memref<1024xf32, #tpu.memory_space<vmem>>) dst(%dma_wait3A_653 : memref<1024xf32, #tpu.memory_space<hbm>>)
    %add3A_656 = arith.constant 51136 : i32
    %add3A_657 = arith.addi %add3A_656, %add3A : i32
    %mul3A_658 = arith.constant 1024 : i32
    %mul3A_659 = arith.muli %add3A_657, %mul3A_658 : i32
    %dma_wait3A_660 = arith.constant 1 : i32
    %dma_wait3A_661 = arith.constant 6144 : i32
    %dma_wait3A_662 = tpu.memref_slice %arg9[%dma_wait3A_661] : memref<8192xf32, #tpu.memory_space<vmem>> -> memref<1024xf32, #tpu.memory_space<vmem>>
    %dma_wait3A_663 = tpu.memref_slice %arg4[%mul3A_659] : memref<52428800xf32, #tpu.memory_space<hbm>> -> memref<1024xf32, #tpu.memory_space<hbm>>
    %dma_wait3A_664 = tpu.memref_slice %arg11[%dma_wait3A_660] : memref<2x!tpu.dma_semaphore, #tpu.memory_space<semaphore_mem>> -> memref<1x!tpu.dma_semaphore, #tpu.memory_space<semaphore_mem>>
    %dma_wait3A_665 = tpu.memref_squeeze %dma_wait3A_664 : memref<1x!tpu.dma_semaphore, #tpu.memory_space<semaphore_mem>> -> memref<!tpu.dma_semaphore, #tpu.memory_space<semaphore_mem>>
    %dma_wait3A_666 = tpu.memref_slice %arg4[%mul3A_659] : memref<52428800xf32, #tpu.memory_space<hbm>> -> memref<1024xf32, #tpu.memory_space<hbm>>
    %dma_wait3A_667 = arith.constant 6144 : i32
    %dma_wait3A_668 = tpu.memref_slice %arg9[%dma_wait3A_667] : memref<8192xf32, #tpu.memory_space<vmem>> -> memref<1024xf32, #tpu.memory_space<vmem>>
    tpu.wait_dma2 semaphore(%dma_wait3A_665 : memref<!tpu.dma_semaphore, #tpu.memory_space<semaphore_mem>>) src(%dma_wait3A_668 : memref<1024xf32, #tpu.memory_space<vmem>>) dst(%dma_wait3A_666 : memref<1024xf32, #tpu.memory_space<hbm>>)
    %add3A_669 = arith.constant 51168 : i32
    %add3A_670 = arith.addi %add3A_669, %add3A : i32
    %mul3A_671 = arith.constant 1024 : i32
    %mul3A_672 = arith.muli %add3A_670, %mul3A_671 : i32
    %dma_wait3A_673 = arith.constant 1 : i32
    %dma_wait3A_674 = arith.constant 7168 : i32
    %dma_wait3A_675 = tpu.memref_slice %arg9[%dma_wait3A_674] : memref<8192xf32, #tpu.memory_space<vmem>> -> memref<1024xf32, #tpu.memory_space<vmem>>
    %dma_wait3A_676 = tpu.memref_slice %arg4[%mul3A_672] : memref<52428800xf32, #tpu.memory_space<hbm>> -> memref<1024xf32, #tpu.memory_space<hbm>>
    %dma_wait3A_677 = tpu.memref_slice %arg11[%dma_wait3A_673] : memref<2x!tpu.dma_semaphore, #tpu.memory_space<semaphore_mem>> -> memref<1x!tpu.dma_semaphore, #tpu.memory_space<semaphore_mem>>
    %dma_wait3A_678 = tpu.memref_squeeze %dma_wait3A_677 : memref<1x!tpu.dma_semaphore, #tpu.memory_space<semaphore_mem>> -> memref<!tpu.dma_semaphore, #tpu.memory_space<semaphore_mem>>
    %dma_wait3A_679 = tpu.memref_slice %arg4[%mul3A_672] : memref<52428800xf32, #tpu.memory_space<hbm>> -> memref<1024xf32, #tpu.memory_space<hbm>>
    %dma_wait3A_680 = arith.constant 7168 : i32
    %dma_wait3A_681 = tpu.memref_slice %arg9[%dma_wait3A_680] : memref<8192xf32, #tpu.memory_space<vmem>> -> memref<1024xf32, #tpu.memory_space<vmem>>
    tpu.wait_dma2 semaphore(%dma_wait3A_678 : memref<!tpu.dma_semaphore, #tpu.memory_space<semaphore_mem>>) src(%dma_wait3A_681 : memref<1024xf32, #tpu.memory_space<vmem>>) dst(%dma_wait3A_679 : memref<1024xf32, #tpu.memory_space<hbm>>)
    return
  }
}

</mosaic_0001>

<sc_bundles>
// kernel: kernel.4.cloned.1.call-start
scs
__scs_entry_jumppad:
0x0: {  	(pc) =	sbr.rel $0x88, $3  }
0x1: {  	(tag) =	ssettag $0x0;
	lr =	simm.s32 $0x1  }
0x2: {  	[smem:$0x3F9F] =	sst lr;
	_ =	strace $0xD0000000  }
0x3: {  	_ = 	snop  }
0x4: {  	_ = 	snop  }
0x5: {  	_ = 	snop  }
0x6: {  	_ = 	snop  }
0x7: {  	_ = 	snop  }
__scs_overlays_trampoline_lowered:
0x8: {  	[smem:$0x3FAE] =	sst s0  }
0x9: {  	[smem:$0x3FAF] =	sst s1  }
0xa: {  	[smem:$0x3FB0] =	sst s2  }
0xb: {  	[smem:$0x3FB1] =	sst s3  }
0xc: {  	[smem:$0x3FB2] =	sst s4  }
0xd: {  	[smem:$0x3FB3] =	sst s5  }
0xe: {  	[smem:$0x3FB4] =	sst s6  }
0xf: {  	[smem:$0x3FB5] =	sst s7  }
0x10: {  	[smem:$0x3FB6] =	sst s8  }
0x11: {  	[smem:$0x3FB7] =	sst s9;
	s0 =	simm.s32 @!p0 $0x0  }
0x12: {  	s1 =	sld [smem:$0x3F9D];
	s0 =	simm.s32 @p0 $0x1  }
0x13: {  	[smem:$0x3FB8] =	sst s0;
	s0 =	simm.s32 @!p1 $0x0  }
0x14: {  	s2 =	sld [smem:$0x3F9C];
	s0 =	simm.s32 @p1 $0x1  }
0x15: {  	[smem:$0x3FB9] =	sst s0;
	s0 =	simm.s32 @!p2 $0x0  }
0x16: {  	s3 =	sld [smem:$0x3FDB];
	s0 =	simm.s32 @p2 $0x1  }
0x17: {  	s4 =	simm.s32 $0x1BF5;
	[smem:$0x3FBB] =	sst s0  }
0x18: {  	s0 =	sld [smem:$0x3F9E];
	_ =	swait.ge [sflag:s4], $0x0  }
0x19: {  	s7 =	sld [smem:$0x3F9F]  }
0x1a: {  	s8 =	sadd.s32 $0xFFFFE003, lr  }
0x1b: {  	s9 =	sadd.s32 $0xFFFFFEF7, lr;
	s5 =	simm.s32 $0xFFFFFFFF;
	p2 =	slt.u32 s8, $0xFFFFF086  }
0x1c: {  	p1 =	slt.u32 s9, $0xF7A;
	s5 =	simm.s32 @!p2 $0x0  }
0x1d: {  	s5 =	simm.s32 @p1 $0x1;
	p0 =	seq.s32 s7, s2  }
0x1e: {  	s7 =	smul.u32 @!p0 $0xF7A, s2;
	p2 =	seq.s32 @!p0 s5, $0x0  }
0x1f: {  	s9 =	smul.u32 $0xF7A, s1;
	s8 =	simm.s32 @!p0 $0x1BF5;
	p2 =	por !p2, p0  }
0x20: {  	[sflag:s8] =	ssyncset.s32 @!p0 $0xFFFFF086;
	s6 =	sadd.s32 @!p0 s3, s7;
	s7 =	simm.s32 @!p0 $0x108  }
0x21: {  	s3 =	sadd.s32 s3, s9;
	s6 =	sadd.s32 @!p0 $0x88, s6;
	s7 =	simm.s32 @p2 $0x1082  }
0x22: {  	[simem:s7], [sflag:s8] =	dma.local @!p0 [hbm:s6], $0xF7A  }
0x23: {  	s9 =	sor.u32 $0xD0000000, s2;
	s6 =	simm.s32 $0x108;
	_ =	swait.ge @!p0 [sflag:s8], $0x0  }
0x24: {  	s3 =	sadd.s32 $0x88, s3;
	s6 =	simm.s32 @!p1 $0x1082;
	[sflag:s4] =	ssyncset.s32 $0xFFFFF086  }
0x25: {  	[simem:s6], [sflag:s4] =	dma.local [hbm:s3], $0xF7A  }
0x26: {  	[smem:$0x3F9F] =	sst s1;
	(tag) =	ssettag s2;
	_ =	strace s9  }
0x27: {  	s1 =	sld [smem:$0x3FAF]  }
0x28: {  	s2 =	sld [smem:$0x3FB0]  }
0x29: {  	s4 =	sld [smem:$0x3FB2]  }
0x2a: {  	p0 =	seq.s32 s5, $0x0;
	s5 =	sld [smem:$0x3FB3]  }
0x2b: {  	s6 =	sld [smem:$0x3FB4]  }
0x2c: {  	s7 =	sld [smem:$0x3FB5]  }
0x2d: {  	s3 =	simm.s32 $0x108;
	s8 =	sld [smem:$0x3FB6]  }
0x2e: {  	s3 =	simm.s32 @!p0 $0x1082;
	s9 =	sld [smem:$0x3FB7]  }
0x2f: {  	lr =	sadd.s32 s0, s3;
	s0 =	sld [smem:$0x3FAE]  }
0x30: {  	s3 =	sld [smem:$0x3FB1]  }
0x31: {  	[smem:$0x3FBA] =	sst s10  }
0x32: {  	s10 =	sld [smem:$0x3FB8];
	_ =	sdelay $0x3  }
0x33: {  	p0 =	seq.s32 s10, $0x1;
	s10 =	sld [smem:$0x3FBA];
	_ =	sdelay $0x3  }
0x34: {  	[smem:$0x3FBA] =	sst s10  }
0x35: {  	s10 =	sld [smem:$0x3FB9];
	_ =	sdelay $0x3  }
0x36: {  	p1 =	seq.s32 s10, $0x1;
	s10 =	sld [smem:$0x3FBA];
	_ =	sdelay $0x3  }
0x37: {  	[smem:$0x3FBA] =	sst s10  }
0x38: {  	s10 =	sld [smem:$0x3FBB]  }
0x39: {  	_ = 	snop;
	(pc) =	sbr.ind lr, $3  }
0x3a: {  	_ = 	snop  }
0x3b: {  	_ = 	snop  }
0x3c: {  	p2 =	seq.s32 s10, $0x1;
	s10 =	sld [smem:$0x3FBA]  }
0x3d: {  	_ =	shalt  }
0x3e: {  	_ =	shalt  }
0x3f: {  	_ =	shalt  }
0x40: {  	_ =	shalt  }
0x41: {  	_ =	shalt  }
0x42: {  	_ =	shalt  }
0x43: {  	_ =	shalt  }
0x44: {  	_ =	shalt  }
0x45: {  	_ =	shalt  }
0x46: {  	_ =	shalt  }
0x47: {  	_ =	shalt  }
0x48: {  	_ =	shalt  }
0x49: {  	_ =	shalt  }
0x4a: {  	_ =	shalt  }
0x4b: {  	_ =	shalt  }
0x4c: {  	_ =	shalt  }
0x4d: {  	_ =	shalt  }
0x4e: {  	_ =	shalt  }
0x4f: {  	_ =	shalt  }
0x50: {  	_ =	shalt  }
0x51: {  	_ =	shalt  }
0x52: {  	_ =	shalt  }
0x53: {  	_ =	shalt  }
0x54: {  	_ =	shalt  }
0x55: {  	_ =	shalt  }
0x56: {  	_ =	shalt  }
0x57: {  	_ =	shalt  }
0x58: {  	_ =	shalt  }
0x59: {  	_ =	shalt  }
0x5a: {  	_ =	shalt  }
0x5b: {  	_ =	shalt  }
0x5c: {  	_ =	shalt  }
0x5d: {  	_ =	shalt  }
0x5e: {  	_ =	shalt  }
0x5f: {  	_ =	shalt  }
0x60: {  	_ =	shalt  }
0x61: {  	_ =	shalt  }
0x62: {  	_ =	shalt  }
0x63: {  	_ =	shalt  }
0x64: {  	_ =	shalt  }
0x65: {  	_ =	shalt  }
0x66: {  	_ =	shalt  }
0x67: {  	_ =	shalt  }
0x68: {  	_ =	shalt  }
0x69: {  	_ =	shalt  }
0x6a: {  	_ =	shalt  }
0x6b: {  	_ =	shalt  }
0x6c: {  	_ =	shalt  }
0x6d: {  	_ =	shalt  }
0x6e: {  	_ =	shalt  }
0x6f: {  	_ =	shalt  }
0x70: {  	_ =	shalt  }
0x71: {  	_ =	shalt  }
0x72: {  	_ =	shalt  }
0x73: {  	_ =	shalt  }
0x74: {  	_ =	shalt  }
0x75: {  	_ =	shalt  }
0x76: {  	_ =	shalt  }
0x77: {  	_ =	shalt  }
0x78: {  	_ =	shalt  }
0x79: {  	_ =	shalt  }
0x7a: {  	_ =	shalt  }
0x7b: {  	_ =	shalt  }
0x7c: {  	_ =	shalt  }
0x7d: {  	_ =	shalt  }
0x7e: {  	_ =	shalt  }
0x7f: {  	_ =	shalt  }
0x80: {  	_ =	shalt  }
0x81: {  	_ =	shalt  }
0x82: {  	_ =	shalt  }
0x83: {  	_ =	shalt  }
0x84: {  	_ =	shalt  }
0x85: {  	_ =	shalt  }
0x86: {  	_ =	shalt  }
0x87: {  	_ =	shalt  }
.Lfunc_end0:
.L_simem_size_0:
called_computation_lowered:
.L_overlay_start_0:
0x88: {  	s2 =	sld [smem:$0x3FD9]  }
0x89: {  	s3 =	sld [smem:$0x3FFE];
	_ =	sdelay $0x1  }
0x8a: {  	s1 =	srdreg.scid  }
0x8b: {  	s0 =	sand.u32 $0x1, s1  }
0x8c: {  	s17 =	sshll.u32 s0, $0xA;
	s2 =	sadd.s32 s3, s2  }
0x8d: {  	s2 =	sadd.s32 s2, s17  }
0x8e: {  	[smem:$0x3FC6] =	sst s2  }
0x8f: {  	_ = 	snop  }
0x90: {  	s2 =	sld [smem:$0x3FC8]  }
0x91: {  	s18 =	sld [smem:$0x3FD0];
	(tm) =	ssettm $0x1  }
0x92: {  	s4 =	sld [smem:$0x3FFB];
	_ =	sdelay $0x3  }
0x93: {  	_ =	strace s4  }
0x94: {  	s4 =	sld [smem:$0x3FFC];
	_ =	sdelay $0x3  }
0x95: {  	_ =	strace s4  }
0x96: {  	s4 =	sld [smem:$0x3FFD];
	_ =	sdelay $0x3  }
0x97: {  	_ =	strace s4  }
0x98: {  	_ =	strace $0x8FFFFFFF  }
0x99: {  	s19 =	sld [smem:$0x3FDB];
	_ =	sdelay $0x1  }
0x9a: {  	s5 =	simm.s32 $_scs_section_size  }
0x9b: {  	s6 =	simm.s32 $_size__tile_overlayer_lowered;
	s7 =	simm.s32 $_tile_overlayer_lowered  }
0x9c: {  	s22 =	simm.s32 $0x1BFF;
	s21 =	sshll.u32 s7, $0x1;
	s4 =	sadd.s32 s5, s19  }
0x9d: {  	s8 =	simm.s32 $0x0;
	s20 =	sshll.u32 s6, $0x1;
	s6 =	sadd.s32 s21, s4  }
0x9e: {  	[timem:s8], [sflag:s22] =	dma.local [hbm:s6], s20  }
0x9f: {  	_ =	swait.ge [sflag:s22], s20  }
0xa0: {  	s5 =	ssub.s32 $0x0, s20;
	[sflag:s22] =	ssyncset.done $0x0  }
0xa1: {  	[sflag:s22] =	ssyncadd.s32 s5;
	_ =	sdelay $0x1  }
0xa2: {  	s23 =	simm.s32 $0x1B8B  }
0xa3: {  	_ =	swait.ge [sflag:s23], $0x1  }
0xa4: {  	[sflag:s23] =	ssyncset.done $0x0  }
0xa5: {  	s25 =	simm.s32 $0x1B8E;
	s24 =	sld [smem:$0x3FFE];
	[sflag:s23] =	ssyncadd.s32 $0xFFFFFFFF  }
0xa6: {  	s26 =	simm.s32 $execute0_lowered;
	[smem:$0x3FD2] =	sst s25  }
0xa7: {  	s6 =	sshll.u32 s26, $0x1;
	_ =	strace $0x80000046;
	[dreg:$0x1] =	wrdreg $0xFFFFFFFF  }
0xa8: {  	s28 =	simm.s32 $_size_execute0_lowered;
	s4 =	sadd.s32 s4, s6;
	[dreg:$0x0] =	wrdreg $0x0  }
0xa9: {  	s6 =	sshll.u32 s28, $0x1;
	[dreg:$0x2] =	wrdreg s4  }
0xaa: {  	[dreg:$0x3] =	wrdreg s6  }
0xab: {  	[dreg:$0x4] =	wrdreg $0xC0  }
0xac: {  	_ =	task [dreg:s8], $0x5FFFF  }
0xad: {  	[dreg:$0x1] =	wrdreg $0xFFFFFFFF  }
0xae: {  	[dreg:$0x0] =	wrdreg $0x60  }
0xaf: {  	[dreg:$0x2] =	wrdreg s2  }
0xb0: {  	[dreg:$0x3] =	wrdreg s18  }
0xb1: {  	[dreg:$0x4] =	wrdreg s24  }
0xb2: {  	[dreg:$0x5] =	wrdreg $0x9  }
0xb3: {  	_ =	task.clear_ibuf [dreg:s8], $0x6FFFF;
	_ =	strace $0x90000046  }
0xb4: {  	s29 =	simm.s32 $0x9;
	_ =	strace $0x80000048  }
0xb5: {  	_ =	swait.ge [sflag:s29], $0x1  }
0xb6: {  	[sflag:s29] =	ssyncadd.s32 $0xFFFFFFFF  }
0xb7: {  	_ =	strace $0x90000048  }
0xb8: {  	_ =	sfence  }
0xb9: {  	s30 =	sld [smem:$0x0];
	_ =	sdelay $0x2  }
0xba: {  	s31 =	sshll.u32 s1, $0xD;
	s1 =	sshrl.u32 s1, $0x2  }
0xbb: {  	s3 =	sand.u32 $0x4000, s31;
	s1 =	sadd.s32 s1, s30  }
0xbc: {  	s0 =	sor.u32 s3, s0;
	s1 =	sshll.u32 s1, $0x11  }
0xbd: {  	s0 =	sor.u32 s1, s0  }
0xbe: {  	s0 =	sadd.s32 $0x8F2B, s0  }
0xbf: {  	[sflag:s0] =	ssyncadd.remote.s32 $0x1  }
0xc0: {  	_ =	sfence.sel $0xFFFF  }
0xc1: {  	[dreg:$0x0] =	wrdreg $0xFFFFFFFF;
	(pc) =	sbr.abs _section_cstart, $3  }
0xc2: {  	[dreg:$0x1] =	wrdreg $0xFFFFFFFF  }
0xc3: {  	_ =	task.clear_ibuf [dreg:s8], $0x2FFFF;
	_ =	strace $0x9FFFFFFF  }
0xc4: {  	(tm) =	ssettm $0x7FFFFFFF  }
0xc5: {  	_ =	shalt  }
tec
execute0_lowered:
.L_overlay_start_1:
0x0: {  	(tag) =	ssettag $0x1  }
0x1: {  	s1 =	rddreg [dreg:$0x0]  }
0x2: {  	s0 =	rddreg [dreg:$0x2]  }
0x3: {  	s4 =	simm.s32 $0x0;
	s3 =	srdreg.scid;
	s2 =	stileid.u32  }
0x4: {  	s17 =	simm.s32 $0x400;
	s18 =	simm.s32 $0x7A1400;
	s19 =	simm.s32 $0x2000  }
0x5: {  	s20 =	simm.s32 $0x1;
	s21 =	simm.s32 $0x4000;
	s22 =	simm.s32 $0x2  }
0x6: {  	s23 =	simm.s32 $0x6000;
	s24 =	simm.s32 $0x3;
	s25 =	simm.s32 $0x4  }
0x7: {  	s26 =	simm.s32 $0x5;
	s28 =	simm.s32 $0x0;
	[smem:$0x7FF] =	sst s4  }
0x8: {  	s3 =	sand.u32 $0x1, s3;
	s7 =	sshll.u32 s2, $0x1;
	s5 =	sadd.s32 $0xA00, s0  }
0x9: {  	p1 =	sgt.u32 s2, $0x1;
	s6 =	ssub.s32 $0x2, s3;
	s3 =	sor.u32 s3, s7  }
0xa: {  	_ =	strace $0x80000047;
	s8 =	sshrl.u32 s6, $0x1;
	s30 =	sshll.u32 s3, $0x7  }
0xb: {  	s11 =	sor.u32 $0x1E60, s3;
	s31 =	sshll.u32 s3, $0xA;
	s7 =	sor.u32 $0x40, s3  }
0xc: {  	s12 =	sor.u32 $0x1E80, s3;
	s16 =	sor.u32 $0x20, s3;
	p0 =	sne.s32 s3, $0x4  }
.Ltmp0:
0xd: {  	s15 =	ssub.s32 s6, s8;
	s6 =	sadd.s32 s1, s30;
	(pc) =	sbr.rel .LBB2_1-.Ltmp0, $4  }
0xe: {  	s9 =	sshll.u32 s11, $0x7;
	s8 =	sadd.s32 s5, s31;
	s11 =	sshll.u32 s11, $0xA  }
0xf: {  	s13 =	sshll.u32 s12, $0x7;
	s14 =	sshll.u32 s12, $0xA;
	s9 =	sadd.s32 s1, s9  }
0x10: {  	s10 =	sadd.s32 $0x790000, s8;
	s11 =	sadd.s32 s5, s11;
	s12 =	sadd.s32 s1, s13  }
0x11: {  	v0 =	vlaneseq.u32;
	s13 =	sadd.s32 s5, s14;
	s14 =	sadd.s32 $0x7A1A00, s0;
	s15 =	smax.u32 s15, $0x1  }
.LBB2_25:
0x12: {  	s0 =	simm.s32 @!p0 $0x0;
	s2 =	simm.s32 @!p0 $0x8000;
	s3 =	rddreg [dreg:$0x1]  }
0x13: {  	[tilespmem:s2], [sflag:$0x5] =	stream.linear.gather @!p0 [hbm4b:s3+s0], $0x1400, $0x38;
	[tilespmem:$0x9400] =	vst v63  }
0x14: {  	s3 =	simm.s32 @!p0 $0x5  }
0x15: {  	s28 =	sadd.s32 $0x1, s28;
	_ =	swait.ge @!p0 [sflag:s3], $0x1400  }
0x16: {  	p2 =	sne.s32 s28, s15;
	[sflag:s3] =	ssyncset.done @!p0 $0x0  }
.Ltmp1:
0x17: {  	[sflag:s3] =	ssyncadd.s32 @!p0 $0xFFFFEC00;
	(pc) =	sbr.rel @!p2 .LBB2_26-.Ltmp1, $4  }
0x18: {  	[hbm4b:s14+s0] =	stream.linear.scatter @!p0 [tilespmem:s2], [sflag:$0x5], $0x1400, $0x38;
	[tilespmem:$0x9400] =	vst v63  }
0x19: {  	_ =	swait.ge @!p0 [sflag:s3], $0x1400  }
0x1a: {  	[sflag:s3] =	ssyncset.done @!p0 $0x0  }
0x1b: {  	[sflag:s3] =	ssyncadd.s32 @!p0 $0xFFFFEC00  }
.LBB2_1:
0x1c: {  	[tilespmem:s4], [sflag:$0x1] =	stream.strided.gather [hbm4b:s6+s17], $0x2000, s18, s17, $0x38;
	[tilespmem:$0x9400] =	vst v63  }
0x1d: {  	s29 =	simm.s32 $0x0  }
.LBB2_2:
0x1e: {  	s31 =	sshll.u32 s29, $0x6  }
0x1f: {  	s30 =	sor.u32 s16, s31  }
0x20: {  	s0 =	sshll.u32 s30, $0x7  }
0x21: {  	s0 =	sand.u32 $0x1FFFFF80, s0  }
0x22: {  	s0 =	sadd.s32 s1, s0  }
0x23: {  	[tilespmem:s19], [sflag:$0x2] =	stream.strided.gather [hbm4b:s0+s17], $0x2000, s18, s17, $0x38;
	[tilespmem:$0x9400] =	vst v63  }
0x24: {  	_ =	swait.ge [sflag:s20], $0x2000  }
0x25: {  	p2 =	seq.s32 s29, $0x0;
	[sflag:s20] =	ssyncset.done $0x0  }
0x26: {  	s0 =	simm.s32 @!p2 $0x3;
	[sflag:s20] =	ssyncadd.s32 $0xFFFFE000  }
0x27: {  	_ =	swait.ge @!p2 [sflag:s0], $0x2000  }
0x28: {  	[sflag:s0] =	ssyncset.done @!p2 $0x0  }
0x29: {  	[sflag:s0] =	ssyncadd.s32 @!p2 $0xFFFFE000;
	s0 =	simm.s32 $0x0  }
.LBB2_3:
0x2a: {  	s3 =	sshll.u32 s0, $0x4  }
0x2b: {  	s3 =	sand.u32 $0x30, s3  }
0x2c: {  	s2 =	sshll.u32 s0, $0x2;
	v1 =	vor.u32 s3, v0  }
0x2d: {  	s2 =	sand.u32 $0x70, s2;
	v3 =	vshll.u32 v1, $0x7  }
0x2e: {  	p3 =	por $0x1, $0x1;
	v2 =	vmov s2;
	s3 =	simm.s32 $0x0;
	v3 =	vor.u32 s2, v3  }
.LBB2_4:
0x2f: {  	v4 =	vadd.s32 s3, v0  }
0x30: {  	v4 =	vand.u32 $0xF, v4  }
0x31: {  	v5 =	vor.u32 v3, v4;
	_ =	sdelay $0x2  }
0x32: {  	s2 =	sor.u32 $0x1, s3;
	v4 =	vor.u32 v2, v4  }
0x33: {  	v6 =	vadd.s32 s2, v0;
	v4 =	vshll.u32 v4, $0x6  }
0x34: {  	v6 =	vand.u32 $0xF, v6;
	v4 =	vor.u32 v1, v4;
	v5 =	vld.idx.msk [tilespmem:v5+s4+$0x0], $0xffff  }
0x35: {  	v7 =	vor.u32 v3, v6;
	_ =	sdelay $0x2  }
0x36: {  	s2 =	sor.u32 $0x2, s3;
	v6 =	vor.u32 v2, v6  }
0x37: {  	[tilespmem:v4+s21+$0x0] =	vst.idx.msk $0xffff, v5;
	v4 =	vshll.u32 v6, $0x6;
	v5 =	vadd.s32 s2, v0  }
0x38: {  	v57 =	vld.idx.msk [tilespmem:v7+s4+$0x0], $0xffff;
	v4 =	vor.u32 v1, v4;
	v5 =	vand.u32 $0xF, v5  }
0x39: {  	v58 =	vor.u32 v3, v5;
	_ =	sdelay $0x2  }
0x3a: {  	s2 =	sor.u32 $0x3, s3;
	v5 =	vor.u32 v2, v5  }
0x3b: {  	[tilespmem:v4+s21+$0x0] =	vst.idx.msk $0xffff, v57;
	v4 =	vshll.u32 v5, $0x6;
	v5 =	vadd.s32 s2, v0  }
0x3c: {  	v6 =	vld.idx.msk [tilespmem:v58+s4+$0x0], $0xffff;
	v4 =	vor.u32 v1, v4;
	v5 =	vand.u32 $0xF, v5  }
0x3d: {  	v59 =	vor.u32 v3, v5;
	_ =	sdelay $0x2  }
0x3e: {  	s2 =	sor.u32 $0x4, s3;
	v5 =	vor.u32 v2, v5  }
0x3f: {  	[tilespmem:v4+s21+$0x0] =	vst.idx.msk $0xffff, v6;
	v4 =	vshll.u32 v5, $0x6;
	v5 =	vadd.s32 s2, v0  }
0x40: {  	v6 =	vld.idx.msk [tilespmem:v59+s4+$0x0], $0xffff;
	v4 =	vor.u32 v1, v4;
	v5 =	vand.u32 $0xF, v5  }
0x41: {  	v60 =	vor.u32 v3, v5;
	_ =	sdelay $0x2  }
0x42: {  	s2 =	sor.u32 $0x5, s3;
	v5 =	vor.u32 v2, v5  }
0x43: {  	[tilespmem:v4+s21+$0x0] =	vst.idx.msk $0xffff, v6;
	v4 =	vshll.u32 v5, $0x6;
	v5 =	vadd.s32 s2, v0  }
0x44: {  	v6 =	vld.idx.msk [tilespmem:v60+s4+$0x0], $0xffff;
	v4 =	vor.u32 v1, v4;
	v5 =	vand.u32 $0xF, v5  }
0x45: {  	v61 =	vor.u32 v3, v5;
	_ =	sdelay $0x2  }
0x46: {  	s2 =	sor.u32 $0x6, s3;
	v5 =	vor.u32 v2, v5  }
0x47: {  	[tilespmem:v4+s21+$0x0] =	vst.idx.msk $0xffff, v6;
	v4 =	vshll.u32 v5, $0x6;
	v5 =	vadd.s32 s2, v0  }
0x48: {  	v6 =	vld.idx.msk [tilespmem:v61+s4+$0x0], $0xffff;
	v4 =	vor.u32 v1, v4;
	v5 =	vand.u32 $0xF, v5  }
0x49: {  	v62 =	vor.u32 v3, v5;
	_ =	sdelay $0x2  }
0x4a: {  	s3 =	sor.u32 $0x7, s3;
	v5 =	vor.u32 v2, v5  }
0x4b: {  	[tilespmem:v4+s21+$0x0] =	vst.idx.msk $0xffff, v6;
	v4 =	vshll.u32 v5, $0x6;
	v5 =	vadd.s32 s3, v0  }
0x4c: {  	v6 =	vld.idx.msk [tilespmem:v62+s4+$0x0], $0xffff;
	v4 =	vor.u32 v1, v4;
	v5 =	vand.u32 $0xF, v5  }
0x4d: {  	v63 =	vor.u32 v3, v5;
	_ =	sdelay $0x2  }
0x4e: {  	v5 =	vor.u32 v2, v5  }
0x4f: {  	[tilespmem:v4+s21+$0x0] =	vst.idx.msk $0xffff, v6;
	v4 =	vshll.u32 v5, $0x6  }
0x50: {  	p4 =	por p3, p3;
	v5 =	vld.idx.msk [tilespmem:v63+s4+$0x0], $0xffff;
	v4 =	vor.u32 v1, v4  }
.Ltmp2:
0x51: {  	_ = 	snop;
	(pc) =	sbr.rel @p4 .LBB2_4-.Ltmp2, $2  }
0x52: {  	_ =	sdelay $0x2  }
0x53: {  	p3 =	por $0x0, $0x0;
	s3 =	simm.s32 $0x8;
	[tilespmem:v4+s21+$0x0] =	vst.idx.msk $0xffff, v5  }
0x54: {  	s0 =	sadd.s32 $0x1, s0  }
0x55: {  	p3 =	sne.s32 s0, $0x20  }
.Ltmp3:
0x56: {  	_ = 	snop;
	(pc) =	sbr.rel @p3 .LBB2_3-.Ltmp3, $1  }
0x57: {  	_ =	sdelay $0x3  }
0x58: {  	s0 =	sshll.u32 s29, $0x10  }
0x59: {  	s31 =	sadd.s32 s7, s31;
	s0 =	sadd.s32 s0, s8  }
0x5a: {  	[hbm4b:s0+s4] =	stream.linear.scatter [tilespmem:s21], [sflag:$0x3], $0x2000, $0x38;
	[tilespmem:$0x9400] =	vst v63  }
0x5b: {  	s0 =	sshll.u32 s31, $0x7  }
0x5c: {  	s0 =	sadd.s32 s1, s0  }
0x5d: {  	[tilespmem:s4], [sflag:$0x1] =	stream.strided.gather [hbm4b:s0+s17], $0x2000, s18, s17, $0x38;
	[tilespmem:$0x9400] =	vst v63  }
0x5e: {  	_ =	swait.ge [sflag:s22], $0x2000  }
0x5f: {  	[sflag:s22] =	ssyncset.done $0x0  }
0x60: {  	s0 =	simm.s32 @!p2 $0x4;
	[sflag:s22] =	ssyncadd.s32 $0xFFFFE000  }
0x61: {  	_ =	swait.ge @!p2 [sflag:s0], $0x2000  }
0x62: {  	[sflag:s0] =	ssyncset.done @!p2 $0x0  }
0x63: {  	[sflag:s0] =	ssyncadd.s32 @!p2 $0xFFFFE000;
	s0 =	simm.s32 $0x0  }
.LBB2_7:
0x64: {  	s2 =	sshll.u32 s0, $0x4  }
0x65: {  	s2 =	sand.u32 $0x30, s2  }
0x66: {  	s3 =	sshll.u32 s0, $0x2;
	v1 =	vor.u32 s2, v0  }
0x67: {  	s31 =	sand.u32 $0x70, s3;
	v3 =	vshll.u32 v1, $0x7  }
0x68: {  	p2 =	por $0x1, $0x1;
	s3 =	simm.s32 $0x0;
	v2 =	vmov s31;
	v3 =	vor.u32 s31, v3  }
.LBB2_8:
0x69: {  	v4 =	vadd.s32 s3, v0  }
0x6a: {  	v4 =	vand.u32 $0xF, v4  }
0x6b: {  	v5 =	vor.u32 v3, v4;
	_ =	sdelay $0x2  }
0x6c: {  	s2 =	sor.u32 $0x1, s3;
	v4 =	vor.u32 v2, v4  }
0x6d: {  	v6 =	vadd.s32 s2, v0;
	v4 =	vshll.u32 v4, $0x6  }
0x6e: {  	v6 =	vand.u32 $0xF, v6;
	v4 =	vor.u32 v1, v4;
	v5 =	vld.idx.msk [tilespmem:v5+s19+$0x0], $0xffff  }
0x6f: {  	v7 =	vor.u32 v3, v6;
	_ =	sdelay $0x2  }
0x70: {  	s31 =	sor.u32 $0x2, s3;
	v6 =	vor.u32 v2, v6  }
0x71: {  	[tilespmem:v4+s23+$0x0] =	vst.idx.msk $0xffff, v5;
	v4 =	vshll.u32 v6, $0x6;
	v5 =	vadd.s32 s31, v0  }
0x72: {  	v57 =	vld.idx.msk [tilespmem:v7+s19+$0x0], $0xffff;
	v4 =	vor.u32 v1, v4;
	v5 =	vand.u32 $0xF, v5  }
0x73: {  	v58 =	vor.u32 v3, v5;
	_ =	sdelay $0x2  }
0x74: {  	s31 =	sor.u32 $0x3, s3;
	v5 =	vor.u32 v2, v5  }
0x75: {  	[tilespmem:v4+s23+$0x0] =	vst.idx.msk $0xffff, v57;
	v4 =	vshll.u32 v5, $0x6;
	v5 =	vadd.s32 s31, v0  }
0x76: {  	v6 =	vld.idx.msk [tilespmem:v58+s19+$0x0], $0xffff;
	v4 =	vor.u32 v1, v4;
	v5 =	vand.u32 $0xF, v5  }
0x77: {  	v59 =	vor.u32 v3, v5;
	_ =	sdelay $0x2  }
0x78: {  	s31 =	sor.u32 $0x4, s3;
	v5 =	vor.u32 v2, v5  }
0x79: {  	[tilespmem:v4+s23+$0x0] =	vst.idx.msk $0xffff, v6;
	v4 =	vshll.u32 v5, $0x6;
	v5 =	vadd.s32 s31, v0  }
0x7a: {  	v6 =	vld.idx.msk [tilespmem:v59+s19+$0x0], $0xffff;
	v4 =	vor.u32 v1, v4;
	v5 =	vand.u32 $0xF, v5  }
0x7b: {  	v60 =	vor.u32 v3, v5;
	_ =	sdelay $0x2  }
0x7c: {  	s31 =	sor.u32 $0x5, s3;
	v5 =	vor.u32 v2, v5  }
0x7d: {  	[tilespmem:v4+s23+$0x0] =	vst.idx.msk $0xffff, v6;
	v4 =	vshll.u32 v5, $0x6;
	v5 =	vadd.s32 s31, v0  }
0x7e: {  	v6 =	vld.idx.msk [tilespmem:v60+s19+$0x0], $0xffff;
	v4 =	vor.u32 v1, v4;
	v5 =	vand.u32 $0xF, v5  }
0x7f: {  	v61 =	vor.u32 v3, v5;
	_ =	sdelay $0x2  }
0x80: {  	s31 =	sor.u32 $0x6, s3;
	v5 =	vor.u32 v2, v5  }
0x81: {  	[tilespmem:v4+s23+$0x0] =	vst.idx.msk $0xffff, v6;
	v4 =	vshll.u32 v5, $0x6;
	v5 =	vadd.s32 s31, v0  }
0x82: {  	v6 =	vld.idx.msk [tilespmem:v61+s19+$0x0], $0xffff;
	v4 =	vor.u32 v1, v4;
	v5 =	vand.u32 $0xF, v5  }
0x83: {  	v62 =	vor.u32 v3, v5;
	_ =	sdelay $0x2  }
0x84: {  	s31 =	sor.u32 $0x7, s3;
	v5 =	vor.u32 v2, v5  }
0x85: {  	[tilespmem:v4+s23+$0x0] =	vst.idx.msk $0xffff, v6;
	v4 =	vshll.u32 v5, $0x6;
	v5 =	vadd.s32 s31, v0  }
0x86: {  	v6 =	vld.idx.msk [tilespmem:v62+s19+$0x0], $0xffff;
	v4 =	vor.u32 v1, v4;
	v5 =	vand.u32 $0xF, v5  }
0x87: {  	v63 =	vor.u32 v3, v5;
	_ =	sdelay $0x2  }
0x88: {  	v5 =	vor.u32 v2, v5  }
0x89: {  	[tilespmem:v4+s23+$0x0] =	vst.idx.msk $0xffff, v6;
	v4 =	vshll.u32 v5, $0x6  }
0x8a: {  	p3 =	por p2, p2;
	v5 =	vld.idx.msk [tilespmem:v63+s19+$0x0], $0xffff;
	v4 =	vor.u32 v1, v4  }
.Ltmp4:
0x8b: {  	_ = 	snop;
	(pc) =	sbr.rel @p3 .LBB2_8-.Ltmp4, $2  }
0x8c: {  	_ =	sdelay $0x2  }
0x8d: {  	p2 =	por $0x0, $0x0;
	s3 =	simm.s32 $0x8;
	[tilespmem:v4+s23+$0x0] =	vst.idx.msk $0xffff, v5  }
0x8e: {  	s0 =	sadd.s32 $0x1, s0  }
0x8f: {  	p2 =	sne.s32 s0, $0x20  }
.Ltmp5:
0x90: {  	_ = 	snop;
	(pc) =	sbr.rel @p2 .LBB2_7-.Ltmp5, $1  }
0x91: {  	_ =	sdelay $0x3  }
0x92: {  	s29 =	sadd.s32 $0x1, s29  }
0x93: {  	p2 =	sne.s32 s29, $0x79  }
.Ltmp6:
0x94: {  	_ = 	snop;
	(pc) =	sbr.rel @p2 .LBB2_2-.Ltmp6, $4  }
0x95: {  	s0 =	sshll.u32 s30, $0xA  }
0x96: {  	s0 =	sand.u32 $0x1FFFFC00, s0  }
0x97: {  	s0 =	sadd.s32 s5, s0  }
0x98: {  	[hbm4b:s0+s4] =	stream.linear.scatter [tilespmem:s23], [sflag:$0x4], $0x2000, $0x38;
	[tilespmem:$0x9400] =	vst v63  }
0x99: {  	[tilespmem:s19], [sflag:$0x2] =	stream.strided.gather [hbm4b:s9+s17], $0x2000, s18, s17, $0x38;
	[tilespmem:$0x9400] =	vst v63  }
0x9a: {  	_ =	swait.ge [sflag:s20], $0x2000  }
0x9b: {  	[sflag:s20] =	ssyncset.done $0x0  }
0x9c: {  	[sflag:s20] =	ssyncadd.s32 $0xFFFFE000  }
0x9d: {  	_ =	swait.ge [sflag:s24], $0x2000  }
0x9e: {  	[sflag:s24] =	ssyncset.done $0x0  }
0x9f: {  	s0 =	simm.s32 $0x0;
	[sflag:s24] =	ssyncadd.s32 $0xFFFFE000  }
.LBB2_12:
0xa0: {  	s2 =	sshll.u32 s0, $0x4  }
0xa1: {  	s2 =	sand.u32 $0x30, s2  }
0xa2: {  	s3 =	sshll.u32 s0, $0x2;
	v1 =	vor.u32 s2, v0  }
0xa3: {  	s31 =	sand.u32 $0x70, s3;
	v3 =	vshll.u32 v1, $0x7  }
0xa4: {  	p2 =	por $0x1, $0x1;
	s3 =	simm.s32 $0x0;
	v2 =	vmov s31;
	v3 =	vor.u32 s31, v3  }
.LBB2_13:
0xa5: {  	v4 =	vadd.s32 s3, v0  }
0xa6: {  	v4 =	vand.u32 $0xF, v4  }
0xa7: {  	v5 =	vor.u32 v3, v4;
	_ =	sdelay $0x2  }
0xa8: {  	s2 =	sor.u32 $0x1, s3;
	v4 =	vor.u32 v2, v4  }
0xa9: {  	v6 =	vadd.s32 s2, v0;
	v4 =	vshll.u32 v4, $0x6  }
0xaa: {  	v6 =	vand.u32 $0xF, v6;
	v4 =	vor.u32 v1, v4;
	v5 =	vld.idx.msk [tilespmem:v5+s4+$0x0], $0xffff  }
0xab: {  	v7 =	vor.u32 v3, v6;
	_ =	sdelay $0x2  }
0xac: {  	s29 =	sor.u32 $0x2, s3;
	v6 =	vor.u32 v2, v6  }
0xad: {  	[tilespmem:v4+s21+$0x0] =	vst.idx.msk $0xffff, v5;
	v4 =	vshll.u32 v6, $0x6;
	v5 =	vadd.s32 s29, v0  }
0xae: {  	v57 =	vld.idx.msk [tilespmem:v7+s4+$0x0], $0xffff;
	v4 =	vor.u32 v1, v4;
	v5 =	vand.u32 $0xF, v5  }
0xaf: {  	v58 =	vor.u32 v3, v5;
	_ =	sdelay $0x2  }
0xb0: {  	s30 =	sor.u32 $0x3, s3;
	v5 =	vor.u32 v2, v5  }
0xb1: {  	[tilespmem:v4+s21+$0x0] =	vst.idx.msk $0xffff, v57;
	v4 =	vshll.u32 v5, $0x6;
	v5 =	vadd.s32 s30, v0  }
0xb2: {  	v6 =	vld.idx.msk [tilespmem:v58+s4+$0x0], $0xffff;
	v4 =	vor.u32 v1, v4;
	v5 =	vand.u32 $0xF, v5  }
0xb3: {  	v59 =	vor.u32 v3, v5;
	_ =	sdelay $0x2  }
0xb4: {  	s31 =	sor.u32 $0x4, s3;
	v5 =	vor.u32 v2, v5  }
0xb5: {  	[tilespmem:v4+s21+$0x0] =	vst.idx.msk $0xffff, v6;
	v4 =	vshll.u32 v5, $0x6;
	v5 =	vadd.s32 s31, v0  }
0xb6: {  	v6 =	vld.idx.msk [tilespmem:v59+s4+$0x0], $0xffff;
	v4 =	vor.u32 v1, v4;
	v5 =	vand.u32 $0xF, v5  }
0xb7: {  	v60 =	vor.u32 v3, v5;
	_ =	sdelay $0x2  }
0xb8: {  	s29 =	sor.u32 $0x5, s3;
	v5 =	vor.u32 v2, v5  }
0xb9: {  	[tilespmem:v4+s21+$0x0] =	vst.idx.msk $0xffff, v6;
	v4 =	vshll.u32 v5, $0x6;
	v5 =	vadd.s32 s29, v0  }
0xba: {  	v6 =	vld.idx.msk [tilespmem:v60+s4+$0x0], $0xffff;
	v4 =	vor.u32 v1, v4;
	v5 =	vand.u32 $0xF, v5  }
0xbb: {  	v61 =	vor.u32 v3, v5;
	_ =	sdelay $0x2  }
0xbc: {  	s30 =	sor.u32 $0x6, s3;
	v5 =	vor.u32 v2, v5  }
0xbd: {  	[tilespmem:v4+s21+$0x0] =	vst.idx.msk $0xffff, v6;
	v4 =	vshll.u32 v5, $0x6;
	v5 =	vadd.s32 s30, v0  }
0xbe: {  	v6 =	vld.idx.msk [tilespmem:v61+s4+$0x0], $0xffff;
	v4 =	vor.u32 v1, v4;
	v5 =	vand.u32 $0xF, v5  }
0xbf: {  	v62 =	vor.u32 v3, v5;
	_ =	sdelay $0x2  }
0xc0: {  	s31 =	sor.u32 $0x7, s3;
	v5 =	vor.u32 v2, v5  }
0xc1: {  	[tilespmem:v4+s21+$0x0] =	vst.idx.msk $0xffff, v6;
	v4 =	vshll.u32 v5, $0x6;
	v5 =	vadd.s32 s31, v0  }
0xc2: {  	v6 =	vld.idx.msk [tilespmem:v62+s4+$0x0], $0xffff;
	v4 =	vor.u32 v1, v4;
	v5 =	vand.u32 $0xF, v5  }
0xc3: {  	v63 =	vor.u32 v3, v5;
	_ =	sdelay $0x2  }
0xc4: {  	v5 =	vor.u32 v2, v5  }
0xc5: {  	[tilespmem:v4+s21+$0x0] =	vst.idx.msk $0xffff, v6;
	v4 =	vshll.u32 v5, $0x6  }
0xc6: {  	p3 =	por p2, p2;
	v5 =	vld.idx.msk [tilespmem:v63+s4+$0x0], $0xffff;
	v4 =	vor.u32 v1, v4  }
.Ltmp7:
0xc7: {  	_ = 	snop;
	(pc) =	sbr.rel @p3 .LBB2_13-.Ltmp7, $2  }
0xc8: {  	_ =	sdelay $0x2  }
0xc9: {  	p2 =	por $0x0, $0x0;
	s3 =	simm.s32 $0x8;
	[tilespmem:v4+s21+$0x0] =	vst.idx.msk $0xffff, v5  }
0xca: {  	s0 =	sadd.s32 $0x1, s0  }
0xcb: {  	p2 =	sne.s32 s0, $0x20  }
.Ltmp8:
0xcc: {  	_ = 	snop;
	(pc) =	sbr.rel @p2 .LBB2_12-.Ltmp8, $1  }
0xcd: {  	_ =	sdelay $0x3  }
0xce: {  	s29 =	simm.s32 $0x0  }
0xcf: {  	[hbm4b:s10+s29] =	stream.linear.scatter [tilespmem:s21], [sflag:$0x3], $0x2000, $0x38;
	[tilespmem:$0x9400] =	vst v63  }
0xd0: {  	_ =	swait.ge [sflag:s22], $0x2000  }
0xd1: {  	[sflag:s22] =	ssyncset.done $0x0  }
0xd2: {  	[sflag:s22] =	ssyncadd.s32 $0xFFFFE000  }
0xd3: {  	_ =	swait.ge [sflag:s25], $0x2000  }
0xd4: {  	[sflag:s25] =	ssyncset.done $0x0  }
0xd5: {  	[sflag:s25] =	ssyncadd.s32 $0xFFFFE000  }
.LBB2_16:
0xd6: {  	s0 =	sshll.u32 s29, $0x4  }
0xd7: {  	s0 =	sand.u32 $0x30, s0  }
0xd8: {  	s2 =	sshll.u32 s29, $0x2;
	v1 =	vor.u32 s0, v0  }
0xd9: {  	s31 =	sand.u32 $0x70, s2;
	v3 =	vshll.u32 v1, $0x7  }
0xda: {  	p2 =	por $0x1, $0x1;
	v2 =	vmov s31;
	s0 =	simm.s32 $0x0;
	v3 =	vor.u32 s31, v3  }
.LBB2_17:
0xdb: {  	v4 =	vadd.s32 s0, v0  }
0xdc: {  	v4 =	vand.u32 $0xF, v4  }
0xdd: {  	v5 =	vor.u32 v3, v4;
	_ =	sdelay $0x2  }
0xde: {  	s2 =	sor.u32 $0x1, s0;
	v4 =	vor.u32 v2, v4  }
0xdf: {  	v6 =	vadd.s32 s2, v0;
	v4 =	vshll.u32 v4, $0x6  }
0xe0: {  	v6 =	vand.u32 $0xF, v6;
	v4 =	vor.u32 v1, v4;
	v5 =	vld.idx.msk [tilespmem:v5+s19+$0x0], $0xffff  }
0xe1: {  	v7 =	vor.u32 v3, v6;
	_ =	sdelay $0x2  }
0xe2: {  	s3 =	sor.u32 $0x2, s0;
	v6 =	vor.u32 v2, v6  }
0xe3: {  	[tilespmem:v4+s23+$0x0] =	vst.idx.msk $0xffff, v5;
	v4 =	vshll.u32 v6, $0x6;
	v5 =	vadd.s32 s3, v0  }
0xe4: {  	v57 =	vld.idx.msk [tilespmem:v7+s19+$0x0], $0xffff;
	v4 =	vor.u32 v1, v4;
	v5 =	vand.u32 $0xF, v5  }
0xe5: {  	v58 =	vor.u32 v3, v5;
	_ =	sdelay $0x2  }
0xe6: {  	s30 =	sor.u32 $0x3, s0;
	v5 =	vor.u32 v2, v5  }
0xe7: {  	[tilespmem:v4+s23+$0x0] =	vst.idx.msk $0xffff, v57;
	v4 =	vshll.u32 v5, $0x6;
	v5 =	vadd.s32 s30, v0  }
0xe8: {  	v6 =	vld.idx.msk [tilespmem:v58+s19+$0x0], $0xffff;
	v4 =	vor.u32 v1, v4;
	v5 =	vand.u32 $0xF, v5  }
0xe9: {  	v59 =	vor.u32 v3, v5;
	_ =	sdelay $0x2  }
0xea: {  	s31 =	sor.u32 $0x4, s0;
	v5 =	vor.u32 v2, v5  }
0xeb: {  	[tilespmem:v4+s23+$0x0] =	vst.idx.msk $0xffff, v6;
	v4 =	vshll.u32 v5, $0x6;
	v5 =	vadd.s32 s31, v0  }
0xec: {  	v6 =	vld.idx.msk [tilespmem:v59+s19+$0x0], $0xffff;
	v4 =	vor.u32 v1, v4;
	v5 =	vand.u32 $0xF, v5  }
0xed: {  	v60 =	vor.u32 v3, v5;
	_ =	sdelay $0x2  }
0xee: {  	s3 =	sor.u32 $0x5, s0;
	v5 =	vor.u32 v2, v5  }
0xef: {  	[tilespmem:v4+s23+$0x0] =	vst.idx.msk $0xffff, v6;
	v4 =	vshll.u32 v5, $0x6;
	v5 =	vadd.s32 s3, v0  }
0xf0: {  	v6 =	vld.idx.msk [tilespmem:v60+s19+$0x0], $0xffff;
	v4 =	vor.u32 v1, v4;
	v5 =	vand.u32 $0xF, v5  }
0xf1: {  	v61 =	vor.u32 v3, v5;
	_ =	sdelay $0x2  }
0xf2: {  	s30 =	sor.u32 $0x6, s0;
	v5 =	vor.u32 v2, v5  }
0xf3: {  	[tilespmem:v4+s23+$0x0] =	vst.idx.msk $0xffff, v6;
	v4 =	vshll.u32 v5, $0x6;
	v5 =	vadd.s32 s30, v0  }
0xf4: {  	v6 =	vld.idx.msk [tilespmem:v61+s19+$0x0], $0xffff;
	v4 =	vor.u32 v1, v4;
	v5 =	vand.u32 $0xF, v5  }
0xf5: {  	v62 =	vor.u32 v3, v5;
	_ =	sdelay $0x2  }
0xf6: {  	s31 =	sor.u32 $0x7, s0;
	v5 =	vor.u32 v2, v5  }
0xf7: {  	[tilespmem:v4+s23+$0x0] =	vst.idx.msk $0xffff, v6;
	v4 =	vshll.u32 v5, $0x6;
	v5 =	vadd.s32 s31, v0  }
0xf8: {  	v6 =	vld.idx.msk [tilespmem:v62+s19+$0x0], $0xffff;
	v4 =	vor.u32 v1, v4;
	v5 =	vand.u32 $0xF, v5  }
0xf9: {  	v63 =	vor.u32 v3, v5;
	_ =	sdelay $0x2  }
0xfa: {  	v5 =	vor.u32 v2, v5  }
0xfb: {  	[tilespmem:v4+s23+$0x0] =	vst.idx.msk $0xffff, v6;
	v4 =	vshll.u32 v5, $0x6  }
0xfc: {  	p3 =	por p2, p2;
	v5 =	vld.idx.msk [tilespmem:v63+s19+$0x0], $0xffff;
	v4 =	vor.u32 v1, v4  }
.Ltmp9:
0xfd: {  	_ = 	snop;
	(pc) =	sbr.rel @p3 .LBB2_17-.Ltmp9, $2  }
0xfe: {  	_ =	sdelay $0x2  }
0xff: {  	p2 =	por $0x0, $0x0;
	s0 =	simm.s32 $0x8;
	[tilespmem:v4+s23+$0x0] =	vst.idx.msk $0xffff, v5  }
0x100: {  	s29 =	sadd.s32 $0x1, s29  }
0x101: {  	p2 =	sne.s32 s29, $0x20  }
.Ltmp10:
0x102: {  	_ = 	snop;
	(pc) =	sbr.rel @p2 .LBB2_16-.Ltmp10, $1  }
0x103: {  	_ =	sdelay $0x3  }
0x104: {  	[hbm4b:s11+s4] =	stream.linear.scatter [tilespmem:s23], [sflag:$0x4], $0x2000, $0x38;
	[tilespmem:$0x9400] =	vst v63  }
0x105: {  	_ =	swait.ge [sflag:s24], $0x2000  }
.Ltmp11:
0x106: {  	[sflag:s24] =	ssyncset.done $0x0;
	(pc) =	sbr.rel @p1 .LBB2_25-.Ltmp11, $4  }
0x107: {  	[sflag:s24] =	ssyncadd.s32 $0xFFFFE000  }
0x108: {  	_ =	swait.ge [sflag:s25], $0x2000  }
0x109: {  	[sflag:s25] =	ssyncset.done $0x0  }
0x10a: {  	[sflag:s25] =	ssyncadd.s32 $0xFFFFE000  }
0x10b: {  	s29 =	simm.s32 $0x0  }
0x10c: {  	[tilespmem:s29], [sflag:$0x5] =	stream.strided.gather [hbm4b:s12+s17], $0x2000, s18, s17, $0x38;
	[tilespmem:$0x9400] =	vst v63  }
0x10d: {  	_ =	swait.ge [sflag:s26], $0x2000  }
0x10e: {  	[sflag:s26] =	ssyncset.done $0x0  }
0x10f: {  	[sflag:s26] =	ssyncadd.s32 $0xFFFFE000  }
.LBB2_21:
0x110: {  	s0 =	sshll.u32 s29, $0x4  }
0x111: {  	s0 =	sand.u32 $0x30, s0  }
0x112: {  	s2 =	sshll.u32 s29, $0x2;
	v1 =	vor.u32 s0, v0  }
0x113: {  	s31 =	sand.u32 $0x70, s2;
	v3 =	vshll.u32 v1, $0x7  }
0x114: {  	p2 =	por $0x1, $0x1;
	v2 =	vmov s31;
	s0 =	simm.s32 $0x0;
	v3 =	vor.u32 s31, v3  }
.LBB2_22:
0x115: {  	v4 =	vadd.s32 s0, v0  }
0x116: {  	v4 =	vand.u32 $0xF, v4  }
0x117: {  	v5 =	vor.u32 v3, v4;
	_ =	sdelay $0x2  }
0x118: {  	s2 =	sor.u32 $0x1, s0;
	v4 =	vor.u32 v2, v4  }
0x119: {  	v6 =	vadd.s32 s2, v0;
	v4 =	vshll.u32 v4, $0x6  }
0x11a: {  	v6 =	vand.u32 $0xF, v6;
	v4 =	vor.u32 v1, v4;
	v5 =	vld.idx.msk [tilespmem:v5+s4+$0x0], $0xffff  }
0x11b: {  	v7 =	vor.u32 v3, v6;
	_ =	sdelay $0x2  }
0x11c: {  	s3 =	sor.u32 $0x2, s0;
	v6 =	vor.u32 v2, v6  }
0x11d: {  	[tilespmem:v4+s21+$0x0] =	vst.idx.msk $0xffff, v5;
	v4 =	vshll.u32 v6, $0x6;
	v5 =	vadd.s32 s3, v0  }
0x11e: {  	v57 =	vld.idx.msk [tilespmem:v7+s4+$0x0], $0xffff;
	v4 =	vor.u32 v1, v4;
	v5 =	vand.u32 $0xF, v5  }
0x11f: {  	v58 =	vor.u32 v3, v5;
	_ =	sdelay $0x2  }
0x120: {  	s30 =	sor.u32 $0x3, s0;
	v5 =	vor.u32 v2, v5  }
0x121: {  	[tilespmem:v4+s21+$0x0] =	vst.idx.msk $0xffff, v57;
	v4 =	vshll.u32 v5, $0x6;
	v5 =	vadd.s32 s30, v0  }
0x122: {  	v6 =	vld.idx.msk [tilespmem:v58+s4+$0x0], $0xffff;
	v4 =	vor.u32 v1, v4;
	v5 =	vand.u32 $0xF, v5  }
0x123: {  	v59 =	vor.u32 v3, v5;
	_ =	sdelay $0x2  }
0x124: {  	s31 =	sor.u32 $0x4, s0;
	v5 =	vor.u32 v2, v5  }
0x125: {  	[tilespmem:v4+s21+$0x0] =	vst.idx.msk $0xffff, v6;
	v4 =	vshll.u32 v5, $0x6;
	v5 =	vadd.s32 s31, v0  }
0x126: {  	v6 =	vld.idx.msk [tilespmem:v59+s4+$0x0], $0xffff;
	v4 =	vor.u32 v1, v4;
	v5 =	vand.u32 $0xF, v5  }
0x127: {  	v60 =	vor.u32 v3, v5;
	_ =	sdelay $0x2  }
0x128: {  	s3 =	sor.u32 $0x5, s0;
	v5 =	vor.u32 v2, v5  }
0x129: {  	[tilespmem:v4+s21+$0x0] =	vst.idx.msk $0xffff, v6;
	v4 =	vshll.u32 v5, $0x6;
	v5 =	vadd.s32 s3, v0  }
0x12a: {  	v6 =	vld.idx.msk [tilespmem:v60+s4+$0x0], $0xffff;
	v4 =	vor.u32 v1, v4;
	v5 =	vand.u32 $0xF, v5  }
0x12b: {  	v61 =	vor.u32 v3, v5;
	_ =	sdelay $0x2  }
0x12c: {  	s30 =	sor.u32 $0x6, s0;
	v5 =	vor.u32 v2, v5  }
0x12d: {  	[tilespmem:v4+s21+$0x0] =	vst.idx.msk $0xffff, v6;
	v4 =	vshll.u32 v5, $0x6;
	v5 =	vadd.s32 s30, v0  }
0x12e: {  	v6 =	vld.idx.msk [tilespmem:v61+s4+$0x0], $0xffff;
	v4 =	vor.u32 v1, v4;
	v5 =	vand.u32 $0xF, v5  }
0x12f: {  	v62 =	vor.u32 v3, v5;
	_ =	sdelay $0x2  }
0x130: {  	s31 =	sor.u32 $0x7, s0;
	v5 =	vor.u32 v2, v5  }
0x131: {  	[tilespmem:v4+s21+$0x0] =	vst.idx.msk $0xffff, v6;
	v4 =	vshll.u32 v5, $0x6;
	v5 =	vadd.s32 s31, v0  }
0x132: {  	v6 =	vld.idx.msk [tilespmem:v62+s4+$0x0], $0xffff;
	v4 =	vor.u32 v1, v4;
	v5 =	vand.u32 $0xF, v5  }
0x133: {  	v63 =	vor.u32 v3, v5;
	_ =	sdelay $0x2  }
0x134: {  	v5 =	vor.u32 v2, v5  }
0x135: {  	[tilespmem:v4+s21+$0x0] =	vst.idx.msk $0xffff, v6;
	v4 =	vshll.u32 v5, $0x6  }
0x136: {  	p3 =	por p2, p2;
	v5 =	vld.idx.msk [tilespmem:v63+s4+$0x0], $0xffff;
	v4 =	vor.u32 v1, v4  }
.Ltmp12:
0x137: {  	_ = 	snop;
	(pc) =	sbr.rel @p3 .LBB2_22-.Ltmp12, $2  }
0x138: {  	_ =	sdelay $0x2  }
0x139: {  	p2 =	por $0x0, $0x0;
	s0 =	simm.s32 $0x8;
	[tilespmem:v4+s21+$0x0] =	vst.idx.msk $0xffff, v5  }
0x13a: {  	s29 =	sadd.s32 $0x1, s29  }
0x13b: {  	p2 =	sne.s32 s29, $0x20  }
.Ltmp13:
0x13c: {  	_ = 	snop;
	(pc) =	sbr.rel @p2 .LBB2_21-.Ltmp13, $1  }
0x13d: {  	_ =	sdelay $0x3  }
.Ltmp14:
0x13e: {  	(pc) =	sbr.rel .LBB2_25-.Ltmp14, $4  }
0x13f: {  	[hbm4b:s13+s4] =	stream.linear.scatter [tilespmem:s21], [sflag:$0x5], $0x2000, $0x38;
	[tilespmem:$0x9400] =	vst v63  }
0x140: {  	_ =	swait.ge [sflag:s26], $0x2000  }
0x141: {  	[sflag:s26] =	ssyncset.done $0x0  }
0x142: {  	[sflag:s26] =	ssyncadd.s32 $0xFFFFE000  }
.LBB2_26:
0x143: {  	_ =	sfence.sel $0x180000  }
0x144: {  	[bflag:$0x0] =	sbarrier.arrive $0xFFFF  }
0x145: {  	_ =	strace $0x90000047  }
0x146: {  	s0 =	stileid.u32;
	[bflag:$0x2] =	sbarrier.arrive $0xFFFF  }
0x147: {  	p0 =	sne.s32 s0, $0x0;
	s0 =	rddreg [dreg:$0x3]  }
0x148: {  	s0 =	sadd.s32 @!p0 $0x100000, s0  }
0x149: {  	[sflag:s0] =	ssyncadd.tile.s32 @!p0 $0x1;
	_ =	shalt  }
.Lfunc_end2:
_tile_overlayer_lowered:
.L_overlay_start_2:
0x14a: {  	(tag) =	ssettag $0x2  }
0x14b: {  	s0 =	rddreg [dreg:$0x0];
	s2 =	stileid.u32  }
0x14c: {  	s1 =	rddreg [dreg:$0x1];
	p0 =	sne.s32 s2, $0x0  }
0x14d: {  	s3 =	rddreg [dreg:$0x2];
	[bflag:$0x3] =	sbarrier.arrive $0xFFFF;
	s2 =	simm.s32 @!p0 $0x1C05  }
0x14e: {  	[timem:s3], [sflag:s2] =	dma.local @!p0 [hbm:s0], s1  }
0x14f: {  	s0 =	simm.s32 @!p0 $0x5  }
0x150: {  	_ =	swait.ge @!p0 [sflag:s0], s1  }
0x151: {  	s1 =	ssub.s32 @!p0 $0x0, s1;
	[sflag:s0] =	ssyncset.done @!p0 $0x0  }
0x152: {  	[sflag:s0] =	ssyncadd.s32 @!p0 s1  }
0x153: {  	[bflag:$0x3] =	sbarrier.arrive $0xFFFF  }
0x154: {  	_ =	shalt  }

// kernel: kernel.7.cloned.1.call-start
scs
__scs_entry_jumppad:
0x0: {  	(pc) =	sbr.rel $0x88, $3  }
0x1: {  	(tag) =	ssettag $0x0;
	lr =	simm.s32 $0x1  }
0x2: {  	[smem:$0x3F9F] =	sst lr;
	_ =	strace $0xD0000000  }
0x3: {  	_ = 	snop  }
0x4: {  	_ = 	snop  }
0x5: {  	_ = 	snop  }
0x6: {  	_ = 	snop  }
0x7: {  	_ = 	snop  }
__scs_overlays_trampoline_lowered:
0x8: {  	[smem:$0x3FAE] =	sst s0  }
0x9: {  	[smem:$0x3FAF] =	sst s1  }
0xa: {  	[smem:$0x3FB0] =	sst s2  }
0xb: {  	[smem:$0x3FB1] =	sst s3  }
0xc: {  	[smem:$0x3FB2] =	sst s4  }
0xd: {  	[smem:$0x3FB3] =	sst s5  }
0xe: {  	[smem:$0x3FB4] =	sst s6  }
0xf: {  	[smem:$0x3FB5] =	sst s7  }
0x10: {  	[smem:$0x3FB6] =	sst s8  }
0x11: {  	[smem:$0x3FB7] =	sst s9;
	s0 =	simm.s32 @!p0 $0x0  }
0x12: {  	s1 =	sld [smem:$0x3F9D];
	s0 =	simm.s32 @p0 $0x1  }
0x13: {  	[smem:$0x3FB8] =	sst s0;
	s0 =	simm.s32 @!p1 $0x0  }
0x14: {  	s2 =	sld [smem:$0x3F9C];
	s0 =	simm.s32 @p1 $0x1  }
0x15: {  	[smem:$0x3FB9] =	sst s0;
	s0 =	simm.s32 @!p2 $0x0  }
0x16: {  	s3 =	sld [smem:$0x3FDB];
	s0 =	simm.s32 @p2 $0x1  }
0x17: {  	s4 =	simm.s32 $0x1BF5;
	[smem:$0x3FBB] =	sst s0  }
0x18: {  	s0 =	sld [smem:$0x3F9E];
	_ =	swait.ge [sflag:s4], $0x0  }
0x19: {  	s7 =	sld [smem:$0x3F9F]  }
0x1a: {  	s8 =	sadd.s32 $0xFFFFE003, lr  }
0x1b: {  	s9 =	sadd.s32 $0xFFFFFEF7, lr;
	s5 =	simm.s32 $0xFFFFFFFF;
	p2 =	slt.u32 s8, $0xFFFFF086  }
0x1c: {  	p1 =	slt.u32 s9, $0xF7A;
	s5 =	simm.s32 @!p2 $0x0  }
0x1d: {  	s5 =	simm.s32 @p1 $0x1;
	p0 =	seq.s32 s7, s2  }
0x1e: {  	s7 =	smul.u32 @!p0 $0xF7A, s2;
	p2 =	seq.s32 @!p0 s5, $0x0  }
0x1f: {  	s9 =	smul.u32 $0xF7A, s1;
	s8 =	simm.s32 @!p0 $0x1BF5;
	p2 =	por !p2, p0  }
0x20: {  	[sflag:s8] =	ssyncset.s32 @!p0 $0xFFFFF086;
	s6 =	sadd.s32 @!p0 s3, s7;
	s7 =	simm.s32 @!p0 $0x108  }
0x21: {  	s3 =	sadd.s32 s3, s9;
	s6 =	sadd.s32 @!p0 $0x88, s6;
	s7 =	simm.s32 @p2 $0x1082  }
0x22: {  	[simem:s7], [sflag:s8] =	dma.local @!p0 [hbm:s6], $0xF7A  }
0x23: {  	s9 =	sor.u32 $0xD0000000, s2;
	s6 =	simm.s32 $0x108;
	_ =	swait.ge @!p0 [sflag:s8], $0x0  }
0x24: {  	s3 =	sadd.s32 $0x88, s3;
	s6 =	simm.s32 @!p1 $0x1082;
	[sflag:s4] =	ssyncset.s32 $0xFFFFF086  }
0x25: {  	[simem:s6], [sflag:s4] =	dma.local [hbm:s3], $0xF7A  }
0x26: {  	[smem:$0x3F9F] =	sst s1;
	(tag) =	ssettag s2;
	_ =	strace s9  }
0x27: {  	s1 =	sld [smem:$0x3FAF]  }
0x28: {  	s2 =	sld [smem:$0x3FB0]  }
0x29: {  	s4 =	sld [smem:$0x3FB2]  }
0x2a: {  	p0 =	seq.s32 s5, $0x0;
	s5 =	sld [smem:$0x3FB3]  }
0x2b: {  	s6 =	sld [smem:$0x3FB4]  }
0x2c: {  	s7 =	sld [smem:$0x3FB5]  }
0x2d: {  	s3 =	simm.s32 $0x108;
	s8 =	sld [smem:$0x3FB6]  }
0x2e: {  	s3 =	simm.s32 @!p0 $0x1082;
	s9 =	sld [smem:$0x3FB7]  }
0x2f: {  	lr =	sadd.s32 s0, s3;
	s0 =	sld [smem:$0x3FAE]  }
0x30: {  	s3 =	sld [smem:$0x3FB1]  }
0x31: {  	[smem:$0x3FBA] =	sst s10  }
0x32: {  	s10 =	sld [smem:$0x3FB8];
	_ =	sdelay $0x3  }
0x33: {  	p0 =	seq.s32 s10, $0x1;
	s10 =	sld [smem:$0x3FBA];
	_ =	sdelay $0x3  }
0x34: {  	[smem:$0x3FBA] =	sst s10  }
0x35: {  	s10 =	sld [smem:$0x3FB9];
	_ =	sdelay $0x3  }
0x36: {  	p1 =	seq.s32 s10, $0x1;
	s10 =	sld [smem:$0x3FBA];
	_ =	sdelay $0x3  }
0x37: {  	[smem:$0x3FBA] =	sst s10  }
0x38: {  	s10 =	sld [smem:$0x3FBB]  }
0x39: {  	_ = 	snop;
	(pc) =	sbr.ind lr, $3  }
0x3a: {  	_ = 	snop  }
0x3b: {  	_ = 	snop  }
0x3c: {  	p2 =	seq.s32 s10, $0x1;
	s10 =	sld [smem:$0x3FBA]  }
0x3d: {  	_ =	shalt  }
0x3e: {  	_ =	shalt  }
0x3f: {  	_ =	shalt  }
0x40: {  	_ =	shalt  }
0x41: {  	_ =	shalt  }
0x42: {  	_ =	shalt  }
0x43: {  	_ =	shalt  }
0x44: {  	_ =	shalt  }
0x45: {  	_ =	shalt  }
0x46: {  	_ =	shalt  }
0x47: {  	_ =	shalt  }
0x48: {  	_ =	shalt  }
0x49: {  	_ =	shalt  }
0x4a: {  	_ =	shalt  }
0x4b: {  	_ =	shalt  }
0x4c: {  	_ =	shalt  }
0x4d: {  	_ =	shalt  }
0x4e: {  	_ =	shalt  }
0x4f: {  	_ =	shalt  }
0x50: {  	_ =	shalt  }
0x51: {  	_ =	shalt  }
0x52: {  	_ =	shalt  }
0x53: {  	_ =	shalt  }
0x54: {  	_ =	shalt  }
0x55: {  	_ =	shalt  }
0x56: {  	_ =	shalt  }
0x57: {  	_ =	shalt  }
0x58: {  	_ =	shalt  }
0x59: {  	_ =	shalt  }
0x5a: {  	_ =	shalt  }
0x5b: {  	_ =	shalt  }
0x5c: {  	_ =	shalt  }
0x5d: {  	_ =	shalt  }
0x5e: {  	_ =	shalt  }
0x5f: {  	_ =	shalt  }
0x60: {  	_ =	shalt  }
0x61: {  	_ =	shalt  }
0x62: {  	_ =	shalt  }
0x63: {  	_ =	shalt  }
0x64: {  	_ =	shalt  }
0x65: {  	_ =	shalt  }
0x66: {  	_ =	shalt  }
0x67: {  	_ =	shalt  }
0x68: {  	_ =	shalt  }
0x69: {  	_ =	shalt  }
0x6a: {  	_ =	shalt  }
0x6b: {  	_ =	shalt  }
0x6c: {  	_ =	shalt  }
0x6d: {  	_ =	shalt  }
0x6e: {  	_ =	shalt  }
0x6f: {  	_ =	shalt  }
0x70: {  	_ =	shalt  }
0x71: {  	_ =	shalt  }
0x72: {  	_ =	shalt  }
0x73: {  	_ =	shalt  }
0x74: {  	_ =	shalt  }
0x75: {  	_ =	shalt  }
0x76: {  	_ =	shalt  }
0x77: {  	_ =	shalt  }
0x78: {  	_ =	shalt  }
0x79: {  	_ =	shalt  }
0x7a: {  	_ =	shalt  }
0x7b: {  	_ =	shalt  }
0x7c: {  	_ =	shalt  }
0x7d: {  	_ =	shalt  }
0x7e: {  	_ =	shalt  }
0x7f: {  	_ =	shalt  }
0x80: {  	_ =	shalt  }
0x81: {  	_ =	shalt  }
0x82: {  	_ =	shalt  }
0x83: {  	_ =	shalt  }
0x84: {  	_ =	shalt  }
0x85: {  	_ =	shalt  }
0x86: {  	_ =	shalt  }
0x87: {  	_ =	shalt  }
.Lfunc_end0:
.L_simem_size_0:
called_computation.1_lowered:
.L_overlay_start_0:
0x88: {  	s2 =	sld [smem:$0x3FD9]  }
0x89: {  	s3 =	sld [smem:$0x3FFE];
	_ =	sdelay $0x1  }
0x8a: {  	s1 =	srdreg.scid  }
0x8b: {  	s0 =	sand.u32 $0x1, s1  }
0x8c: {  	s17 =	sshll.u32 s0, $0xA;
	s2 =	sadd.s32 s3, s2  }
0x8d: {  	s2 =	sadd.s32 s2, s17  }
0x8e: {  	[smem:$0x3FC6] =	sst s2  }
0x8f: {  	_ = 	snop  }
0x90: {  	s2 =	sld [smem:$0x3FD0];
	(tm) =	ssettm $0x1  }
0x91: {  	s18 =	sld [smem:$0x3FFB];
	_ =	sdelay $0x3  }
0x92: {  	_ =	strace s18  }
0x93: {  	s3 =	sld [smem:$0x3FFC];
	_ =	sdelay $0x3  }
0x94: {  	_ =	strace s3  }
0x95: {  	s3 =	sld [smem:$0x3FFD];
	_ =	sdelay $0x3  }
0x96: {  	_ =	strace s3  }
0x97: {  	_ =	strace $0x8FFFFFFF  }
0x98: {  	s19 =	sld [smem:$0x3FDB];
	_ =	sdelay $0x1  }
0x99: {  	s4 =	simm.s32 $_scs_section_size  }
0x9a: {  	s5 =	simm.s32 $_size__tile_overlayer_lowered;
	s6 =	simm.s32 $_tile_overlayer_lowered  }
0x9b: {  	s22 =	simm.s32 $0x1BFF;
	s21 =	sshll.u32 s6, $0x1;
	s3 =	sadd.s32 s4, s19  }
0x9c: {  	s7 =	simm.s32 $0x0;
	s20 =	sshll.u32 s5, $0x1;
	s5 =	sadd.s32 s21, s3  }
0x9d: {  	[timem:s7], [sflag:s22] =	dma.local [hbm:s5], s20  }
0x9e: {  	_ =	swait.ge [sflag:s22], s20  }
0x9f: {  	s4 =	ssub.s32 $0x0, s20;
	[sflag:s22] =	ssyncset.done $0x0  }
0xa0: {  	[sflag:s22] =	ssyncadd.s32 s4;
	_ =	sdelay $0x1  }
0xa1: {  	s23 =	simm.s32 $0x1B8B  }
0xa2: {  	_ =	swait.ge [sflag:s23], $0x1  }
0xa3: {  	[sflag:s23] =	ssyncset.done $0x0  }
0xa4: {  	s25 =	simm.s32 $0x1B8E;
	s24 =	sld [smem:$0x3FFE];
	[sflag:s23] =	ssyncadd.s32 $0xFFFFFFFF  }
0xa5: {  	s26 =	simm.s32 $execute0_lowered;
	[smem:$0x3FD2] =	sst s25  }
0xa6: {  	s5 =	sshll.u32 s26, $0x1;
	_ =	strace $0x80000049;
	[dreg:$0x1] =	wrdreg $0xFFFFFFFF  }
0xa7: {  	s28 =	simm.s32 $_size_execute0_lowered;
	s3 =	sadd.s32 s3, s5;
	[dreg:$0x0] =	wrdreg $0x0  }
0xa8: {  	s5 =	sshll.u32 s28, $0x1;
	[dreg:$0x2] =	wrdreg s3  }
0xa9: {  	[dreg:$0x3] =	wrdreg s5  }
0xaa: {  	[dreg:$0x4] =	wrdreg $0xC0  }
0xab: {  	_ =	task [dreg:s7], $0x5FFFF  }
0xac: {  	[dreg:$0x1] =	wrdreg $0xFFFFFFFF  }
0xad: {  	[dreg:$0x0] =	wrdreg $0x60  }
0xae: {  	[dreg:$0x2] =	wrdreg s24  }
0xaf: {  	[dreg:$0x3] =	wrdreg s2  }
0xb0: {  	[dreg:$0x4] =	wrdreg $0x9  }
0xb1: {  	_ =	task.clear_ibuf [dreg:s7], $0x5FFFF;
	_ =	strace $0x90000049  }
0xb2: {  	s29 =	simm.s32 $0x9;
	_ =	strace $0x8000004B  }
0xb3: {  	_ =	swait.ge [sflag:s29], $0x1  }
0xb4: {  	[sflag:s29] =	ssyncadd.s32 $0xFFFFFFFF  }
0xb5: {  	_ =	strace $0x9000004B  }
0xb6: {  	_ =	sfence  }
0xb7: {  	s30 =	sld [smem:$0x0];
	_ =	sdelay $0x2  }
0xb8: {  	s31 =	sshll.u32 s1, $0xD;
	s1 =	sshrl.u32 s1, $0x2  }
0xb9: {  	s3 =	sand.u32 $0x4000, s31;
	s1 =	sadd.s32 s1, s30  }
0xba: {  	s0 =	sor.u32 s3, s0;
	s1 =	sshll.u32 s1, $0x11  }
0xbb: {  	s0 =	sor.u32 s1, s0  }
0xbc: {  	s0 =	sadd.s32 $0x8F2B, s0  }
0xbd: {  	[sflag:s0] =	ssyncadd.remote.s32 $0x1  }
0xbe: {  	_ =	sfence.sel $0xFFFF  }
0xbf: {  	[dreg:$0x0] =	wrdreg $0xFFFFFFFF;
	(pc) =	sbr.abs _section_cstart, $3  }
0xc0: {  	[dreg:$0x1] =	wrdreg $0xFFFFFFFF  }
0xc1: {  	_ =	task.clear_ibuf [dreg:s7], $0x2FFFF;
	_ =	strace $0x9FFFFFFF  }
0xc2: {  	(tm) =	ssettm $0x7FFFFFFF  }
0xc3: {  	_ =	shalt  }
tec
execute0_lowered:
.L_overlay_start_1:
0x0: {  	(tag) =	ssettag $0x1  }
0x1: {  	s1 =	srdreg.scid;
	s3 =	stileid.u32  }
0x2: {  	s1 =	sand.u32 $0x1, s1;
	s4 =	sshll.u32 s3, $0x1  }
0x3: {  	s0 =	rddreg [dreg:$0x0];
	s5 =	sor.u32 s1, s4  }
0x4: {  	s2 =	rddreg [dreg:$0x1];
	s4 =	sshll.u32 s5, $0x4  }
0x5: {  	s3 =	simm.s32 $0x0;
	s5 =	sshll.u32 s5, $0x7;
	s6 =	sadd.s32 s4, s0  }
0x6: {  	[smem:$0x7FF] =	sst s3;
	s11 =	sadd.s32 s5, s2;
	s10 =	sadd.s32 $0x7A1E00, s6  }
0x7: {  	_ =	strace $0x8000004A;
	s12 =	sadd.s32 $0x630000, s11;
	[dreg:$0x3] =	wrdreg s10  }
0x8: {  	s13 =	sadd.s32 $0x631000, s11;
	[dreg:$0x4] =	wrdreg s12  }
0x9: {  	s14 =	sadd.s32 $0x632000, s11;
	[dreg:$0x5] =	wrdreg s13  }
0xa: {  	s15 =	sadd.s32 $0x633000, s11;
	[dreg:$0x6] =	wrdreg s14  }
0xb: {  	s7 =	sadd.s32 $0x1000, s2;
	s16 =	sadd.s32 $0x634000, s11;
	[dreg:$0x7] =	wrdreg s15  }
0xc: {  	s8 =	sadd.s32 $0x2000, s2;
	s17 =	sadd.s32 $0x635000, s11;
	[dreg:$0x8] =	wrdreg s16  }
0xd: {  	s28 =	sadd.s32 $0x4000, s2;
	s18 =	sadd.s32 $0x636000, s11;
	[dreg:$0x9] =	wrdreg s17  }
0xe: {  	s29 =	sadd.s32 $0x5000, s2;
	s19 =	sadd.s32 $0x637000, s11;
	[dreg:$0xa] =	wrdreg s18  }
0xf: {  	s30 =	sadd.s32 $0x6000, s2;
	s20 =	sadd.s32 $0x638000, s11;
	[dreg:$0xb] =	wrdreg s19  }
0x10: {  	s31 =	sadd.s32 $0x7000, s2;
	s21 =	sadd.s32 $0x639000, s11;
	[dreg:$0xc] =	wrdreg s20  }
0x11: {  	s1 =	ssub.s32 $0x2, s1;
	s22 =	sadd.s32 $0x63A000, s11;
	[dreg:$0xd] =	wrdreg s21  }
0x12: {  	s9 =	sshrl.u32 s1, $0x1;
	s23 =	sadd.s32 $0x63B000, s11;
	[dreg:$0xe] =	wrdreg s22  }
0x13: {  	s4 =	sadd.s32 $0xA00, s0;
	s24 =	sadd.s32 $0x63C000, s11;
	[dreg:$0xf] =	wrdreg s23  }
0x14: {  	s0 =	ssub.s32 s1, s9;
	s25 =	sadd.s32 $0x63D000, s11;
	[dreg:$0x10] =	wrdreg s24  }
0x15: {  	s9 =	simm.s32 $0x8400;
	s26 =	sadd.s32 $0x63E000, s11;
	[dreg:$0x11] =	wrdreg s25  }
0x16: {  	s1 =	sadd.s32 $0x63F000, s11;
	s0 =	smax.u32 s0, $0x1;
	[dreg:$0x12] =	wrdreg s26  }
0x17: {  	s6 =	simm.s32 $0x6400;
	s11 =	simm.s32 $0xA400;
	[dreg:$0x13] =	wrdreg s1  }
0x18: {  	[dreg:$0x14] =	wrdreg s0;
	s26 =	sadd.s32 $0x3000, s2;
	s1 =	simm.s32 $0x80  }
0x19: {  	s10 =	simm.s32 $0x1;
	s19 =	simm.s32 $0x2;
	s20 =	simm.s32 $0xC400  }
0x1a: {  	s22 =	simm.s32 $0xCC00;
	s23 =	simm.s32 $0xD000;
	s24 =	simm.s32 $0xD400  }
0x1b: {  	v0 =	vlaneseq.u32;
	s25 =	simm.s32 $0xD800;
	s0 =	simm.s32 $0xDC00;
	s12 =	simm.s32 $0xE000  }
0x1c: {  	v1 =	vand.u32 $0x7, v0;
	v2 =	vor.u32 $0x78, v0;
	s13 =	simm.s32 $0x3;
	s14 =	simm.s32 $0x4;
	s16 =	simm.s32 $0x0  }
.LBB2_1:
0x1d: {  	[dreg:$0x15] =	wrdreg s16  }
0x1e: {  	s15 =	rddreg [dreg:$0x3];
	s18 =	simm.s32 $0x1000;
	s21 =	simm.s32 $0x5  }
0x1f: {  	[tilespmem:s3], [sflag:$0x5] =	stream.strided.gather [hbm4b:s15+s1], $0x6400, s18, s1, $0x38;
	[tilespmem:$0xE400] =	vst v63  }
0x20: {  	_ =	swait.ge [sflag:s21], $0x6400  }
0x21: {  	[sflag:s21] =	ssyncset.done $0x0  }
0x22: {  	s15 =	simm.s32 $0x0;
	[sflag:s21] =	ssyncadd.s32 $0xFFFF9C00  }
0x23: {  	[tilespmem:s6], [sflag:$0x1] =	stream.indirect.gather [hbm4b:s4+s1], $0x40, s3, s1, $0xb8;
	[tilespmem:$0xE400] =	vst v63  }
.LBB2_2:
0x24: {  	s16 =	sshllo.u32 s15, $0x1  }
0x25: {  	s17 =	sshll.u32 s16, $0x7  }
0x26: {  	s17 =	sand.u32 $0x3FFFFF80, s17  }
0x27: {  	[tilespmem:s9], [sflag:$0x2] =	stream.indirect.gather [hbm4b:s4+s1], $0x40, s17, s1, $0xb8;
	[tilespmem:$0xE400] =	vst v63  }
0x28: {  	_ =	swait.ge [sflag:s10], $0x2000  }
0x29: {  	p0 =	seq.s32 s15, $0x0;
	[sflag:s10] =	ssyncset.done $0x0  }
0x2a: {  	s17 =	simm.s32 @!p0 $0x3;
	[sflag:s10] =	ssyncadd.s32 $0xFFFFE000  }
0x2b: {  	_ =	swait.ge @!p0 [sflag:s17], $0x400  }
0x2c: {  	[sflag:s17] =	ssyncset.done @!p0 $0x0  }
0x2d: {  	[sflag:s17] =	ssyncadd.s32 @!p0 $0xFFFFFC00  }
0x2e: {  	_ =	swait.ge @!p0 [sflag:s17], $0x400  }
0x2f: {  	[sflag:s17] =	ssyncset.done @!p0 $0x0  }
0x30: {  	[sflag:s17] =	ssyncadd.s32 @!p0 $0xFFFFFC00  }
0x31: {  	_ =	swait.ge @!p0 [sflag:s17], $0x400  }
0x32: {  	[sflag:s17] =	ssyncset.done @!p0 $0x0  }
0x33: {  	[sflag:s17] =	ssyncadd.s32 @!p0 $0xFFFFFC00  }
0x34: {  	_ =	swait.ge @!p0 [sflag:s17], $0x400  }
0x35: {  	[sflag:s17] =	ssyncset.done @!p0 $0x0  }
0x36: {  	[sflag:s17] =	ssyncadd.s32 @!p0 $0xFFFFFC00  }
0x37: {  	_ =	swait.ge @!p0 [sflag:s17], $0x400  }
0x38: {  	[sflag:s17] =	ssyncset.done @!p0 $0x0  }
0x39: {  	[sflag:s17] =	ssyncadd.s32 @!p0 $0xFFFFFC00  }
0x3a: {  	_ =	swait.ge @!p0 [sflag:s17], $0x400  }
0x3b: {  	[sflag:s17] =	ssyncset.done @!p0 $0x0  }
0x3c: {  	[sflag:s17] =	ssyncadd.s32 @!p0 $0xFFFFFC00  }
0x3d: {  	_ =	swait.ge @!p0 [sflag:s17], $0x400  }
0x3e: {  	[sflag:s17] =	ssyncset.done @!p0 $0x0  }
0x3f: {  	[sflag:s17] =	ssyncadd.s32 @!p0 $0xFFFFFC00  }
0x40: {  	_ =	swait.ge @!p0 [sflag:s17], $0x400  }
0x41: {  	[sflag:s17] =	ssyncset.done @!p0 $0x0  }
0x42: {  	[sflag:s17] =	ssyncadd.s32 @!p0 $0xFFFFFC00;
	s17 =	simm.s32 $0x0  }
.LBB2_3:
0x43: {  	s18 =	sshll.u32 s17, $0x4  }
0x44: {  	s18 =	sand.u32 $0x70, s18  }
0x45: {  	s21 =	sshll.u32 s17, $0x1;
	v6 =	vor.u32 s18, v0  }
0x46: {  	s21 =	sand.u32 $0x30, s21;
	v3 =	vshll.u32 v6, $0x6  }
0x47: {  	p1 =	por $0x1, $0x1;
	v4 =	vmov s21;
	s18 =	simm.s32 $0x0;
	v6 =	vand.u32 v2, v6;
	v5 =	vor.u32 v1, v3  }
.LBB2_4:
0x48: {  	v7 =	vadd.s32 s18, v0  }
0x49: {  	v7 =	vand.u32 $0xF, v7  }
0x4a: {  	v7 =	vor.u32 v4, v7  }
0x4b: {  	v8 =	vand.u32 $0x38, v7  }
0x4c: {  	s21 =	sor.u32 $0x1, s18;
	v8 =	vor.u32 v8, v5  }
0x4d: {  	v9 =	vadd.s32 s21, v0  }
0x4e: {  	v10 =	vand.u32 $0xF, v9  }
0x4f: {  	v10 =	vor.u32 v4, v10  }
0x50: {  	v9 =	vand.u32 $0x7, v9;
	v7 =	vshll.u32 v7, $0x7;
	v11 =	vand.u32 $0x38, v10  }
0x51: {  	v7 =	vor.u32 v6, v7;
	v9 =	vor.u32 v11, v9;
	v8 =	vld.idx.msk [tilespmem:v8+s6+$0x0], $0xffff  }
0x52: {  	s21 =	sor.u32 $0x2, s18;
	v9 =	vor.u32 v3, v9  }
0x53: {  	v49 =	vadd.s32 s21, v0  }
0x54: {  	v12 =	vand.u32 $0xF, v49  }
0x55: {  	v12 =	vor.u32 v4, v12  }
0x56: {  	v50 =	vand.u32 $0x7, v49;
	[tilespmem:v7+s11+$0x0] =	vst.idx.msk $0xffff, v8;
	v7 =	vshll.u32 v10, $0x7;
	v8 =	vand.u32 $0x38, v12  }
0x57: {  	v9 =	vld.idx.msk [tilespmem:v9+s6+$0x0], $0xffff;
	v7 =	vor.u32 v6, v7;
	v8 =	vor.u32 v8, v50  }
0x58: {  	s21 =	sor.u32 $0x3, s18;
	v8 =	vor.u32 v3, v8  }
0x59: {  	v51 =	vadd.s32 s21, v0  }
0x5a: {  	v52 =	vand.u32 $0xF, v51  }
0x5b: {  	v11 =	vor.u32 v4, v52  }
0x5c: {  	v53 =	vand.u32 $0x38, v11;
	v10 =	vand.u32 $0x7, v51;
	[tilespmem:v7+s11+$0x0] =	vst.idx.msk $0xffff, v9;
	v7 =	vshll.u32 v12, $0x7  }
0x5d: {  	v9 =	vor.u32 v53, v10;
	v8 =	vld.idx.msk [tilespmem:v8+s6+$0x0], $0xffff;
	v7 =	vor.u32 v6, v7  }
0x5e: {  	s21 =	sor.u32 $0x4, s18;
	v9 =	vor.u32 v3, v9  }
0x5f: {  	v54 =	vadd.s32 s21, v0  }
0x60: {  	v55 =	vand.u32 $0xF, v54  }
0x61: {  	v12 =	vor.u32 v4, v55  }
0x62: {  	v10 =	vand.u32 $0x7, v54;
	[tilespmem:v7+s11+$0x0] =	vst.idx.msk $0xffff, v8;
	v7 =	vshll.u32 v11, $0x7;
	v8 =	vand.u32 $0x38, v12  }
0x63: {  	v9 =	vld.idx.msk [tilespmem:v9+s6+$0x0], $0xffff;
	v7 =	vor.u32 v6, v7;
	v8 =	vor.u32 v8, v10  }
0x64: {  	s21 =	sor.u32 $0x5, s18;
	v8 =	vor.u32 v3, v8  }
0x65: {  	v56 =	vadd.s32 s21, v0  }
0x66: {  	v57 =	vand.u32 $0xF, v56  }
0x67: {  	v11 =	vor.u32 v4, v57  }
0x68: {  	v58 =	vand.u32 $0x38, v11;
	v10 =	vand.u32 $0x7, v56;
	[tilespmem:v7+s11+$0x0] =	vst.idx.msk $0xffff, v9;
	v7 =	vshll.u32 v12, $0x7  }
0x69: {  	v9 =	vor.u32 v58, v10;
	v8 =	vld.idx.msk [tilespmem:v8+s6+$0x0], $0xffff;
	v7 =	vor.u32 v6, v7  }
0x6a: {  	s21 =	sor.u32 $0x6, s18;
	v9 =	vor.u32 v3, v9  }
0x6b: {  	v59 =	vadd.s32 s21, v0  }
0x6c: {  	v60 =	vand.u32 $0xF, v59  }
0x6d: {  	v12 =	vor.u32 v4, v60  }
0x6e: {  	v10 =	vand.u32 $0x7, v59;
	[tilespmem:v7+s11+$0x0] =	vst.idx.msk $0xffff, v8;
	v7 =	vshll.u32 v11, $0x7;
	v8 =	vand.u32 $0x38, v12  }
0x6f: {  	v9 =	vld.idx.msk [tilespmem:v9+s6+$0x0], $0xffff;
	v7 =	vor.u32 v6, v7;
	v8 =	vor.u32 v8, v10  }
0x70: {  	s21 =	sor.u32 $0x7, s18;
	v8 =	vor.u32 v3, v8  }
0x71: {  	v61 =	vadd.s32 s21, v0  }
0x72: {  	v62 =	vand.u32 $0xF, v61  }
0x73: {  	v11 =	vor.u32 v4, v62  }
0x74: {  	v63 =	vand.u32 $0x38, v11;
	v10 =	vand.u32 $0x7, v61;
	[tilespmem:v7+s11+$0x0] =	vst.idx.msk $0xffff, v9;
	v7 =	vshll.u32 v12, $0x7  }
0x75: {  	v9 =	vor.u32 v63, v10;
	v8 =	vld.idx.msk [tilespmem:v8+s6+$0x0], $0xffff;
	v7 =	vor.u32 v6, v7  }
0x76: {  	v9 =	vor.u32 v3, v9;
	_ =	sdelay $0x3  }
0x77: {  	[tilespmem:v7+s11+$0x0] =	vst.idx.msk $0xffff, v8;
	v7 =	vshll.u32 v11, $0x7  }
0x78: {  	p2 =	por p1, p1;
	v8 =	vld.idx.msk [tilespmem:v9+s6+$0x0], $0xffff;
	v7 =	vor.u32 v6, v7  }
.Ltmp0:
0x79: {  	_ = 	snop;
	(pc) =	sbr.rel @p2 .LBB2_4-.Ltmp0, $2  }
0x7a: {  	_ =	sdelay $0x2  }
0x7b: {  	p1 =	por $0x0, $0x0;
	s18 =	simm.s32 $0x8;
	[tilespmem:v7+s11+$0x0] =	vst.idx.msk $0xffff, v8  }
0x7c: {  	s17 =	sadd.s32 $0x1, s17  }
0x7d: {  	p1 =	sne.s32 s17, $0x20  }
.Ltmp1:
0x7e: {  	_ = 	snop;
	(pc) =	sbr.rel @p1 .LBB2_3-.Ltmp1, $1  }
0x7f: {  	_ =	sdelay $0x3  }
0x80: {  	s17 =	sshll.u32 s15, $0x10  }
0x81: {  	s17 =	sor.u32 s5, s17  }
0x82: {  	s18 =	sadd.s32 s2, s17  }
0x83: {  	[hbm4b:s18+s3] =	stream.linear.scatter [tilespmem:s11], [sflag:$0x3], $0x400, $0x38;
	[tilespmem:$0xE400] =	vst v63  }
0x84: {  	s21 =	simm.s32 $0xA800;
	s18 =	sadd.s32 s17, s7  }
0x85: {  	[hbm4b:s18+s3] =	stream.linear.scatter [tilespmem:s21], [sflag:$0x3], $0x400, $0x38;
	[tilespmem:$0xE400] =	vst v63  }
0x86: {  	s18 =	sadd.s32 s17, s8;
	s21 =	simm.s32 $0xAC00  }
0x87: {  	[hbm4b:s18+s3] =	stream.linear.scatter [tilespmem:s21], [sflag:$0x3], $0x400, $0x38;
	[tilespmem:$0xE400] =	vst v63  }
0x88: {  	s18 =	sadd.s32 s17, s26;
	s21 =	simm.s32 $0xB000  }
0x89: {  	[hbm4b:s18+s3] =	stream.linear.scatter [tilespmem:s21], [sflag:$0x3], $0x400, $0x38;
	[tilespmem:$0xE400] =	vst v63  }
0x8a: {  	s18 =	sadd.s32 s17, s28;
	s21 =	simm.s32 $0xB400  }
0x8b: {  	[hbm4b:s18+s3] =	stream.linear.scatter [tilespmem:s21], [sflag:$0x3], $0x400, $0x38;
	[tilespmem:$0xE400] =	vst v63  }
0x8c: {  	s18 =	sadd.s32 s17, s29;
	s21 =	simm.s32 $0xB800  }
0x8d: {  	[hbm4b:s18+s3] =	stream.linear.scatter [tilespmem:s21], [sflag:$0x3], $0x400, $0x38;
	[tilespmem:$0xE400] =	vst v63  }
0x8e: {  	s18 =	sadd.s32 s17, s30;
	s21 =	simm.s32 $0xBC00  }
0x8f: {  	[hbm4b:s18+s3] =	stream.linear.scatter [tilespmem:s21], [sflag:$0x3], $0x400, $0x38;
	[tilespmem:$0xE400] =	vst v63  }
0x90: {  	s17 =	sadd.s32 s17, s31;
	s21 =	simm.s32 $0xC000  }
0x91: {  	[hbm4b:s17+s3] =	stream.linear.scatter [tilespmem:s21], [sflag:$0x3], $0x400, $0x38;
	[tilespmem:$0xE400] =	vst v63  }
0x92: {  	s21 =	sshll.u32 s15, $0x8  }
0x93: {  	s17 =	sand.u32 $0x3FFFFF00, s21  }
0x94: {  	s17 =	sadd.s32 $0x100, s17  }
0x95: {  	[tilespmem:s6], [sflag:$0x1] =	stream.indirect.gather [hbm4b:s4+s1], $0x40, s17, s1, $0xb8;
	[tilespmem:$0xE400] =	vst v63  }
0x96: {  	_ =	swait.ge [sflag:s19], $0x2000  }
0x97: {  	[sflag:s19] =	ssyncset.done $0x0  }
0x98: {  	s17 =	simm.s32 @!p0 $0x4;
	[sflag:s19] =	ssyncadd.s32 $0xFFFFE000  }
0x99: {  	_ =	swait.ge @!p0 [sflag:s17], $0x400  }
0x9a: {  	[sflag:s17] =	ssyncset.done @!p0 $0x0  }
0x9b: {  	[sflag:s17] =	ssyncadd.s32 @!p0 $0xFFFFFC00  }
0x9c: {  	_ =	swait.ge @!p0 [sflag:s17], $0x400  }
0x9d: {  	[sflag:s17] =	ssyncset.done @!p0 $0x0  }
0x9e: {  	[sflag:s17] =	ssyncadd.s32 @!p0 $0xFFFFFC00  }
0x9f: {  	_ =	swait.ge @!p0 [sflag:s17], $0x400  }
0xa0: {  	[sflag:s17] =	ssyncset.done @!p0 $0x0  }
0xa1: {  	[sflag:s17] =	ssyncadd.s32 @!p0 $0xFFFFFC00  }
0xa2: {  	_ =	swait.ge @!p0 [sflag:s17], $0x400  }
0xa3: {  	[sflag:s17] =	ssyncset.done @!p0 $0x0  }
0xa4: {  	[sflag:s17] =	ssyncadd.s32 @!p0 $0xFFFFFC00  }
0xa5: {  	_ =	swait.ge @!p0 [sflag:s17], $0x400  }
0xa6: {  	[sflag:s17] =	ssyncset.done @!p0 $0x0  }
0xa7: {  	[sflag:s17] =	ssyncadd.s32 @!p0 $0xFFFFFC00  }
0xa8: {  	_ =	swait.ge @!p0 [sflag:s17], $0x400  }
0xa9: {  	[sflag:s17] =	ssyncset.done @!p0 $0x0  }
0xaa: {  	[sflag:s17] =	ssyncadd.s32 @!p0 $0xFFFFFC00  }
0xab: {  	_ =	swait.ge @!p0 [sflag:s17], $0x400  }
0xac: {  	[sflag:s17] =	ssyncset.done @!p0 $0x0  }
0xad: {  	[sflag:s17] =	ssyncadd.s32 @!p0 $0xFFFFFC00  }
0xae: {  	_ =	swait.ge @!p0 [sflag:s17], $0x400  }
0xaf: {  	[sflag:s17] =	ssyncset.done @!p0 $0x0  }
0xb0: {  	[sflag:s17] =	ssyncadd.s32 @!p0 $0xFFFFFC00;
	s17 =	simm.s32 $0x0  }
.LBB2_7:
0xb1: {  	s18 =	sshll.u32 s17, $0x4  }
0xb2: {  	s18 =	sand.u32 $0x70, s18  }
0xb3: {  	s21 =	sshll.u32 s17, $0x1;
	v6 =	vor.u32 s18, v0  }
0xb4: {  	s21 =	sand.u32 $0x30, s21;
	v3 =	vshll.u32 v6, $0x6  }
0xb5: {  	p0 =	por $0x1, $0x1;
	v4 =	vmov s21;
	s18 =	simm.s32 $0x0;
	v6 =	vand.u32 v2, v6;
	v5 =	vor.u32 v1, v3  }
.LBB2_8:
0xb6: {  	v7 =	vadd.s32 s18, v0  }
0xb7: {  	v7 =	vand.u32 $0xF, v7  }
0xb8: {  	v7 =	vor.u32 v4, v7  }
0xb9: {  	v8 =	vand.u32 $0x38, v7  }
0xba: {  	s21 =	sor.u32 $0x1, s18;
	v8 =	vor.u32 v8, v5  }
0xbb: {  	v9 =	vadd.s32 s21, v0  }
0xbc: {  	v10 =	vand.u32 $0xF, v9  }
0xbd: {  	v10 =	vor.u32 v4, v10  }
0xbe: {  	v9 =	vand.u32 $0x7, v9;
	v7 =	vshll.u32 v7, $0x7;
	v11 =	vand.u32 $0x38, v10  }
0xbf: {  	v7 =	vor.u32 v6, v7;
	v9 =	vor.u32 v11, v9;
	v8 =	vld.idx.msk [tilespmem:v8+s9+$0x0], $0xffff  }
0xc0: {  	s21 =	sor.u32 $0x2, s18;
	v9 =	vor.u32 v3, v9  }
0xc1: {  	v49 =	vadd.s32 s21, v0  }
0xc2: {  	v12 =	vand.u32 $0xF, v49  }
0xc3: {  	v12 =	vor.u32 v4, v12  }
0xc4: {  	v50 =	vand.u32 $0x7, v49;
	[tilespmem:v7+s20+$0x0] =	vst.idx.msk $0xffff, v8;
	v7 =	vshll.u32 v10, $0x7;
	v8 =	vand.u32 $0x38, v12  }
0xc5: {  	v9 =	vld.idx.msk [tilespmem:v9+s9+$0x0], $0xffff;
	v7 =	vor.u32 v6, v7;
	v8 =	vor.u32 v8, v50  }
0xc6: {  	s21 =	sor.u32 $0x3, s18;
	v8 =	vor.u32 v3, v8  }
0xc7: {  	v51 =	vadd.s32 s21, v0  }
0xc8: {  	v52 =	vand.u32 $0xF, v51  }
0xc9: {  	v11 =	vor.u32 v4, v52  }
0xca: {  	v53 =	vand.u32 $0x38, v11;
	v10 =	vand.u32 $0x7, v51;
	[tilespmem:v7+s20+$0x0] =	vst.idx.msk $0xffff, v9;
	v7 =	vshll.u32 v12, $0x7  }
0xcb: {  	v9 =	vor.u32 v53, v10;
	v8 =	vld.idx.msk [tilespmem:v8+s9+$0x0], $0xffff;
	v7 =	vor.u32 v6, v7  }
0xcc: {  	s21 =	sor.u32 $0x4, s18;
	v9 =	vor.u32 v3, v9  }
0xcd: {  	v54 =	vadd.s32 s21, v0  }
0xce: {  	v55 =	vand.u32 $0xF, v54  }
0xcf: {  	v12 =	vor.u32 v4, v55  }
0xd0: {  	v10 =	vand.u32 $0x7, v54;
	[tilespmem:v7+s20+$0x0] =	vst.idx.msk $0xffff, v8;
	v7 =	vshll.u32 v11, $0x7;
	v8 =	vand.u32 $0x38, v12  }
0xd1: {  	v9 =	vld.idx.msk [tilespmem:v9+s9+$0x0], $0xffff;
	v7 =	vor.u32 v6, v7;
	v8 =	vor.u32 v8, v10  }
0xd2: {  	s21 =	sor.u32 $0x5, s18;
	v8 =	vor.u32 v3, v8  }
0xd3: {  	v56 =	vadd.s32 s21, v0  }
0xd4: {  	v57 =	vand.u32 $0xF, v56  }
0xd5: {  	v11 =	vor.u32 v4, v57  }
0xd6: {  	v58 =	vand.u32 $0x38, v11;
	v10 =	vand.u32 $0x7, v56;
	[tilespmem:v7+s20+$0x0] =	vst.idx.msk $0xffff, v9;
	v7 =	vshll.u32 v12, $0x7  }
0xd7: {  	v9 =	vor.u32 v58, v10;
	v8 =	vld.idx.msk [tilespmem:v8+s9+$0x0], $0xffff;
	v7 =	vor.u32 v6, v7  }
0xd8: {  	s21 =	sor.u32 $0x6, s18;
	v9 =	vor.u32 v3, v9  }
0xd9: {  	v59 =	vadd.s32 s21, v0  }
0xda: {  	v60 =	vand.u32 $0xF, v59  }
0xdb: {  	v12 =	vor.u32 v4, v60  }
0xdc: {  	v10 =	vand.u32 $0x7, v59;
	[tilespmem:v7+s20+$0x0] =	vst.idx.msk $0xffff, v8;
	v7 =	vshll.u32 v11, $0x7;
	v8 =	vand.u32 $0x38, v12  }
0xdd: {  	v9 =	vld.idx.msk [tilespmem:v9+s9+$0x0], $0xffff;
	v7 =	vor.u32 v6, v7;
	v8 =	vor.u32 v8, v10  }
0xde: {  	s21 =	sor.u32 $0x7, s18;
	v8 =	vor.u32 v3, v8  }
0xdf: {  	v61 =	vadd.s32 s21, v0  }
0xe0: {  	v62 =	vand.u32 $0xF, v61  }
0xe1: {  	v11 =	vor.u32 v4, v62  }
0xe2: {  	v63 =	vand.u32 $0x38, v11;
	v10 =	vand.u32 $0x7, v61;
	[tilespmem:v7+s20+$0x0] =	vst.idx.msk $0xffff, v9;
	v7 =	vshll.u32 v12, $0x7  }
0xe3: {  	v9 =	vor.u32 v63, v10;
	v8 =	vld.idx.msk [tilespmem:v8+s9+$0x0], $0xffff;
	v7 =	vor.u32 v6, v7  }
0xe4: {  	v9 =	vor.u32 v3, v9;
	_ =	sdelay $0x3  }
0xe5: {  	[tilespmem:v7+s20+$0x0] =	vst.idx.msk $0xffff, v8;
	v7 =	vshll.u32 v11, $0x7  }
0xe6: {  	p1 =	por p0, p0;
	v8 =	vld.idx.msk [tilespmem:v9+s9+$0x0], $0xffff;
	v7 =	vor.u32 v6, v7  }
.Ltmp2:
0xe7: {  	_ = 	snop;
	(pc) =	sbr.rel @p1 .LBB2_8-.Ltmp2, $2  }
0xe8: {  	_ =	sdelay $0x2  }
0xe9: {  	p0 =	por $0x0, $0x0;
	s18 =	simm.s32 $0x8;
	[tilespmem:v7+s20+$0x0] =	vst.idx.msk $0xffff, v8  }
0xea: {  	s17 =	sadd.s32 $0x1, s17  }
0xeb: {  	p0 =	sne.s32 s17, $0x20  }
.Ltmp3:
0xec: {  	_ = 	snop;
	(pc) =	sbr.rel @p0 .LBB2_7-.Ltmp3, $1  }
0xed: {  	_ =	sdelay $0x3  }
0xee: {  	s16 =	sshll.u32 s16, $0xF  }
0xef: {  	s16 =	sor.u32 s5, s16  }
0xf0: {  	s17 =	sadd.s32 s2, s16  }
0xf1: {  	[hbm4b:s17+s3] =	stream.linear.scatter [tilespmem:s20], [sflag:$0x4], $0x400, $0x38;
	[tilespmem:$0xE400] =	vst v63  }
0xf2: {  	s18 =	simm.s32 $0xC800;
	s21 =	sadd.s32 s16, s7  }
0xf3: {  	[hbm4b:s21+s3] =	stream.linear.scatter [tilespmem:s18], [sflag:$0x4], $0x400, $0x38;
	[tilespmem:$0xE400] =	vst v63  }
0xf4: {  	s21 =	sadd.s32 s16, s8  }
0xf5: {  	[hbm4b:s21+s3] =	stream.linear.scatter [tilespmem:s22], [sflag:$0x4], $0x400, $0x38;
	[tilespmem:$0xE400] =	vst v63  }
0xf6: {  	s18 =	sadd.s32 s16, s26  }
0xf7: {  	[hbm4b:s18+s3] =	stream.linear.scatter [tilespmem:s23], [sflag:$0x4], $0x400, $0x38;
	[tilespmem:$0xE400] =	vst v63  }
0xf8: {  	s15 =	sadd.s32 $0x1, s15;
	s21 =	sadd.s32 s16, s28  }
0xf9: {  	[hbm4b:s21+s3] =	stream.linear.scatter [tilespmem:s24], [sflag:$0x4], $0x400, $0x38;
	[tilespmem:$0xE400] =	vst v63  }
0xfa: {  	p0 =	sne.s32 s15, $0x63;
	s18 =	sadd.s32 s16, s29  }
0xfb: {  	[hbm4b:s18+s3] =	stream.linear.scatter [tilespmem:s25], [sflag:$0x4], $0x400, $0x38;
	[tilespmem:$0xE400] =	vst v63  }
.Ltmp4:
0xfc: {  	_ = 	snop;
	(pc) =	sbr.rel @p0 .LBB2_2-.Ltmp4, $4  }
0xfd: {  	s21 =	sadd.s32 s16, s30  }
0xfe: {  	[hbm4b:s21+s3] =	stream.linear.scatter [tilespmem:s0], [sflag:$0x4], $0x400, $0x38;
	[tilespmem:$0xE400] =	vst v63  }
0xff: {  	s16 =	sadd.s32 s16, s31  }
0x100: {  	[hbm4b:s16+s3] =	stream.linear.scatter [tilespmem:s12], [sflag:$0x4], $0x400, $0x38;
	[tilespmem:$0xE400] =	vst v63  }
0x101: {  	s15 =	simm.s32 $0x6380  }
0x102: {  	[tilespmem:s9], [sflag:$0x2] =	stream.indirect.gather [hbm4b:s4+s1], $0x40, s15, s1, $0xb8;
	[tilespmem:$0xE400] =	vst v63  }
0x103: {  	_ =	swait.ge [sflag:s10], $0x2000  }
0x104: {  	[sflag:s10] =	ssyncset.done $0x0  }
0x105: {  	[sflag:s10] =	ssyncadd.s32 $0xFFFFE000  }
0x106: {  	_ =	swait.ge [sflag:s13], $0x400  }
0x107: {  	[sflag:s13] =	ssyncset.done $0x0  }
0x108: {  	[sflag:s13] =	ssyncadd.s32 $0xFFFFFC00  }
0x109: {  	_ =	swait.ge [sflag:s13], $0x400  }
0x10a: {  	[sflag:s13] =	ssyncset.done $0x0  }
0x10b: {  	[sflag:s13] =	ssyncadd.s32 $0xFFFFFC00  }
0x10c: {  	_ =	swait.ge [sflag:s13], $0x400  }
0x10d: {  	[sflag:s13] =	ssyncset.done $0x0  }
0x10e: {  	[sflag:s13] =	ssyncadd.s32 $0xFFFFFC00  }
0x10f: {  	_ =	swait.ge [sflag:s13], $0x400  }
0x110: {  	[sflag:s13] =	ssyncset.done $0x0  }
0x111: {  	[sflag:s13] =	ssyncadd.s32 $0xFFFFFC00  }
0x112: {  	_ =	swait.ge [sflag:s13], $0x400  }
0x113: {  	[sflag:s13] =	ssyncset.done $0x0  }
0x114: {  	[sflag:s13] =	ssyncadd.s32 $0xFFFFFC00  }
0x115: {  	_ =	swait.ge [sflag:s13], $0x400  }
0x116: {  	[sflag:s13] =	ssyncset.done $0x0  }
0x117: {  	[sflag:s13] =	ssyncadd.s32 $0xFFFFFC00  }
0x118: {  	_ =	swait.ge [sflag:s13], $0x400  }
0x119: {  	[sflag:s13] =	ssyncset.done $0x0  }
0x11a: {  	[sflag:s13] =	ssyncadd.s32 $0xFFFFFC00  }
0x11b: {  	_ =	swait.ge [sflag:s13], $0x400  }
0x11c: {  	[sflag:s13] =	ssyncset.done $0x0  }
0x11d: {  	s15 =	simm.s32 $0x0;
	[sflag:s13] =	ssyncadd.s32 $0xFFFFFC00  }
.LBB2_12:
0x11e: {  	s16 =	sshll.u32 s15, $0x4  }
0x11f: {  	s16 =	sand.u32 $0x70, s16  }
0x120: {  	s17 =	sshll.u32 s15, $0x1;
	v6 =	vor.u32 s16, v0  }
0x121: {  	s21 =	sand.u32 $0x30, s17;
	v3 =	vshll.u32 v6, $0x6  }
0x122: {  	p0 =	por $0x1, $0x1;
	v4 =	vmov s21;
	s16 =	simm.s32 $0x0;
	v6 =	vand.u32 v2, v6;
	v5 =	vor.u32 v1, v3  }
.LBB2_13:
0x123: {  	v7 =	vadd.s32 s16, v0  }
0x124: {  	v7 =	vand.u32 $0xF, v7  }
0x125: {  	v7 =	vor.u32 v4, v7  }
0x126: {  	v8 =	vand.u32 $0x38, v7  }
0x127: {  	s17 =	sor.u32 $0x1, s16;
	v8 =	vor.u32 v8, v5  }
0x128: {  	v9 =	vadd.s32 s17, v0  }
0x129: {  	v10 =	vand.u32 $0xF, v9  }
0x12a: {  	v10 =	vor.u32 v4, v10  }
0x12b: {  	v9 =	vand.u32 $0x7, v9;
	v7 =	vshll.u32 v7, $0x7;
	v11 =	vand.u32 $0x38, v10  }
0x12c: {  	v7 =	vor.u32 v6, v7;
	v9 =	vor.u32 v11, v9;
	v8 =	vld.idx.msk [tilespmem:v8+s6+$0x0], $0xffff  }
0x12d: {  	s18 =	sor.u32 $0x2, s16;
	v9 =	vor.u32 v3, v9  }
0x12e: {  	v49 =	vadd.s32 s18, v0  }
0x12f: {  	v12 =	vand.u32 $0xF, v49  }
0x130: {  	v12 =	vor.u32 v4, v12  }
0x131: {  	v50 =	vand.u32 $0x7, v49;
	[tilespmem:v7+s11+$0x0] =	vst.idx.msk $0xffff, v8;
	v7 =	vshll.u32 v10, $0x7;
	v8 =	vand.u32 $0x38, v12  }
0x132: {  	v9 =	vld.idx.msk [tilespmem:v9+s6+$0x0], $0xffff;
	v7 =	vor.u32 v6, v7;
	v8 =	vor.u32 v8, v50  }
0x133: {  	s21 =	sor.u32 $0x3, s16;
	v8 =	vor.u32 v3, v8  }
0x134: {  	v51 =	vadd.s32 s21, v0  }
0x135: {  	v52 =	vand.u32 $0xF, v51  }
0x136: {  	v11 =	vor.u32 v4, v52  }
0x137: {  	v53 =	vand.u32 $0x38, v11;
	v10 =	vand.u32 $0x7, v51;
	[tilespmem:v7+s11+$0x0] =	vst.idx.msk $0xffff, v9;
	v7 =	vshll.u32 v12, $0x7  }
0x138: {  	v9 =	vor.u32 v53, v10;
	v8 =	vld.idx.msk [tilespmem:v8+s6+$0x0], $0xffff;
	v7 =	vor.u32 v6, v7  }
0x139: {  	s18 =	sor.u32 $0x4, s16;
	v9 =	vor.u32 v3, v9  }
0x13a: {  	v54 =	vadd.s32 s18, v0  }
0x13b: {  	v55 =	vand.u32 $0xF, v54  }
0x13c: {  	v12 =	vor.u32 v4, v55  }
0x13d: {  	v10 =	vand.u32 $0x7, v54;
	[tilespmem:v7+s11+$0x0] =	vst.idx.msk $0xffff, v8;
	v7 =	vshll.u32 v11, $0x7;
	v8 =	vand.u32 $0x38, v12  }
0x13e: {  	v9 =	vld.idx.msk [tilespmem:v9+s6+$0x0], $0xffff;
	v7 =	vor.u32 v6, v7;
	v8 =	vor.u32 v8, v10  }
0x13f: {  	s21 =	sor.u32 $0x5, s16;
	v8 =	vor.u32 v3, v8  }
0x140: {  	v56 =	vadd.s32 s21, v0  }
0x141: {  	v57 =	vand.u32 $0xF, v56  }
0x142: {  	v11 =	vor.u32 v4, v57  }
0x143: {  	v58 =	vand.u32 $0x38, v11;
	v10 =	vand.u32 $0x7, v56;
	[tilespmem:v7+s11+$0x0] =	vst.idx.msk $0xffff, v9;
	v7 =	vshll.u32 v12, $0x7  }
0x144: {  	v9 =	vor.u32 v58, v10;
	v8 =	vld.idx.msk [tilespmem:v8+s6+$0x0], $0xffff;
	v7 =	vor.u32 v6, v7  }
0x145: {  	s18 =	sor.u32 $0x6, s16;
	v9 =	vor.u32 v3, v9  }
0x146: {  	v59 =	vadd.s32 s18, v0  }
0x147: {  	v60 =	vand.u32 $0xF, v59  }
0x148: {  	v12 =	vor.u32 v4, v60  }
0x149: {  	v10 =	vand.u32 $0x7, v59;
	[tilespmem:v7+s11+$0x0] =	vst.idx.msk $0xffff, v8;
	v7 =	vshll.u32 v11, $0x7;
	v8 =	vand.u32 $0x38, v12  }
0x14a: {  	v9 =	vld.idx.msk [tilespmem:v9+s6+$0x0], $0xffff;
	v7 =	vor.u32 v6, v7;
	v8 =	vor.u32 v8, v10  }
0x14b: {  	s21 =	sor.u32 $0x7, s16;
	v8 =	vor.u32 v3, v8  }
0x14c: {  	v61 =	vadd.s32 s21, v0  }
0x14d: {  	v62 =	vand.u32 $0xF, v61  }
0x14e: {  	v11 =	vor.u32 v4, v62  }
0x14f: {  	v63 =	vand.u32 $0x38, v11;
	v10 =	vand.u32 $0x7, v61;
	[tilespmem:v7+s11+$0x0] =	vst.idx.msk $0xffff, v9;
	v7 =	vshll.u32 v12, $0x7  }
0x150: {  	v9 =	vor.u32 v63, v10;
	v8 =	vld.idx.msk [tilespmem:v8+s6+$0x0], $0xffff;
	v7 =	vor.u32 v6, v7  }
0x151: {  	v9 =	vor.u32 v3, v9;
	_ =	sdelay $0x3  }
0x152: {  	[tilespmem:v7+s11+$0x0] =	vst.idx.msk $0xffff, v8;
	v7 =	vshll.u32 v11, $0x7  }
0x153: {  	p1 =	por p0, p0;
	v8 =	vld.idx.msk [tilespmem:v9+s6+$0x0], $0xffff;
	v7 =	vor.u32 v6, v7  }
.Ltmp5:
0x154: {  	_ = 	snop;
	(pc) =	sbr.rel @p1 .LBB2_13-.Ltmp5, $2  }
0x155: {  	_ =	sdelay $0x2  }
0x156: {  	p0 =	por $0x0, $0x0;
	s16 =	simm.s32 $0x8;
	[tilespmem:v7+s11+$0x0] =	vst.idx.msk $0xffff, v8  }
0x157: {  	s15 =	sadd.s32 $0x1, s15  }
0x158: {  	p0 =	sne.s32 s15, $0x20  }
.Ltmp6:
0x159: {  	_ = 	snop;
	(pc) =	sbr.rel @p0 .LBB2_12-.Ltmp6, $1  }
0x15a: {  	_ =	sdelay $0x3  }
0x15b: {  	s15 =	simm.s32 $0x0;
	s16 =	rddreg [dreg:$0x4]  }
0x15c: {  	[hbm4b:s16+s15] =	stream.linear.scatter [tilespmem:s11], [sflag:$0x3], $0x400, $0x38;
	[tilespmem:$0xE400] =	vst v63  }
0x15d: {  	s21 =	rddreg [dreg:$0x5];
	s17 =	simm.s32 $0xA800  }
0x15e: {  	[hbm4b:s21+s15] =	stream.linear.scatter [tilespmem:s17], [sflag:$0x3], $0x400, $0x38;
	[tilespmem:$0xE400] =	vst v63  }
0x15f: {  	s18 =	rddreg [dreg:$0x6];
	s21 =	simm.s32 $0xAC00  }
0x160: {  	[hbm4b:s18+s15] =	stream.linear.scatter [tilespmem:s21], [sflag:$0x3], $0x400, $0x38;
	[tilespmem:$0xE400] =	vst v63  }
0x161: {  	s18 =	rddreg [dreg:$0x7];
	s21 =	simm.s32 $0xB000  }
0x162: {  	[hbm4b:s18+s15] =	stream.linear.scatter [tilespmem:s21], [sflag:$0x3], $0x400, $0x38;
	[tilespmem:$0xE400] =	vst v63  }
0x163: {  	s18 =	rddreg [dreg:$0x8];
	s21 =	simm.s32 $0xB400  }
0x164: {  	[hbm4b:s18+s15] =	stream.linear.scatter [tilespmem:s21], [sflag:$0x3], $0x400, $0x38;
	[tilespmem:$0xE400] =	vst v63  }
0x165: {  	s18 =	rddreg [dreg:$0x9];
	s21 =	simm.s32 $0xB800  }
0x166: {  	[hbm4b:s18+s15] =	stream.linear.scatter [tilespmem:s21], [sflag:$0x3], $0x400, $0x38;
	[tilespmem:$0xE400] =	vst v63  }
0x167: {  	s18 =	rddreg [dreg:$0xa];
	s21 =	simm.s32 $0xBC00  }
0x168: {  	[hbm4b:s18+s15] =	stream.linear.scatter [tilespmem:s21], [sflag:$0x3], $0x400, $0x38;
	[tilespmem:$0xE400] =	vst v63  }
0x169: {  	s18 =	rddreg [dreg:$0xb];
	s21 =	simm.s32 $0xC000  }
0x16a: {  	[hbm4b:s18+s15] =	stream.linear.scatter [tilespmem:s21], [sflag:$0x3], $0x400, $0x38;
	[tilespmem:$0xE400] =	vst v63  }
0x16b: {  	_ =	swait.ge [sflag:s19], $0x2000  }
0x16c: {  	[sflag:s19] =	ssyncset.done $0x0  }
0x16d: {  	[sflag:s19] =	ssyncadd.s32 $0xFFFFE000  }
0x16e: {  	_ =	swait.ge [sflag:s14], $0x400  }
0x16f: {  	[sflag:s14] =	ssyncset.done $0x0  }
0x170: {  	[sflag:s14] =	ssyncadd.s32 $0xFFFFFC00  }
0x171: {  	_ =	swait.ge [sflag:s14], $0x400  }
0x172: {  	[sflag:s14] =	ssyncset.done $0x0  }
0x173: {  	[sflag:s14] =	ssyncadd.s32 $0xFFFFFC00  }
0x174: {  	_ =	swait.ge [sflag:s14], $0x400  }
0x175: {  	[sflag:s14] =	ssyncset.done $0x0  }
0x176: {  	[sflag:s14] =	ssyncadd.s32 $0xFFFFFC00  }
0x177: {  	_ =	swait.ge [sflag:s14], $0x400  }
0x178: {  	[sflag:s14] =	ssyncset.done $0x0  }
0x179: {  	[sflag:s14] =	ssyncadd.s32 $0xFFFFFC00  }
0x17a: {  	_ =	swait.ge [sflag:s14], $0x400  }
0x17b: {  	[sflag:s14] =	ssyncset.done $0x0  }
0x17c: {  	[sflag:s14] =	ssyncadd.s32 $0xFFFFFC00  }
0x17d: {  	_ =	swait.ge [sflag:s14], $0x400  }
0x17e: {  	[sflag:s14] =	ssyncset.done $0x0  }
0x17f: {  	[sflag:s14] =	ssyncadd.s32 $0xFFFFFC00  }
0x180: {  	_ =	swait.ge [sflag:s14], $0x400  }
0x181: {  	[sflag:s14] =	ssyncset.done $0x0  }
0x182: {  	[sflag:s14] =	ssyncadd.s32 $0xFFFFFC00  }
0x183: {  	_ =	swait.ge [sflag:s14], $0x400  }
0x184: {  	[sflag:s14] =	ssyncset.done $0x0  }
0x185: {  	[sflag:s14] =	ssyncadd.s32 $0xFFFFFC00  }
.LBB2_16:
0x186: {  	s16 =	sshll.u32 s15, $0x4  }
0x187: {  	s16 =	sand.u32 $0x70, s16  }
0x188: {  	s17 =	sshll.u32 s15, $0x1;
	v6 =	vor.u32 s16, v0  }
0x189: {  	s21 =	sand.u32 $0x30, s17;
	v3 =	vshll.u32 v6, $0x6  }
0x18a: {  	p0 =	por $0x1, $0x1;
	v4 =	vmov s21;
	s16 =	simm.s32 $0x0;
	v6 =	vand.u32 v2, v6;
	v5 =	vor.u32 v1, v3  }
.LBB2_17:
0x18b: {  	v7 =	vadd.s32 s16, v0  }
0x18c: {  	v7 =	vand.u32 $0xF, v7  }
0x18d: {  	v7 =	vor.u32 v4, v7  }
0x18e: {  	v8 =	vand.u32 $0x38, v7  }
0x18f: {  	s17 =	sor.u32 $0x1, s16;
	v8 =	vor.u32 v8, v5  }
0x190: {  	v9 =	vadd.s32 s17, v0  }
0x191: {  	v10 =	vand.u32 $0xF, v9  }
0x192: {  	v10 =	vor.u32 v4, v10  }
0x193: {  	v9 =	vand.u32 $0x7, v9;
	v7 =	vshll.u32 v7, $0x7;
	v11 =	vand.u32 $0x38, v10  }
0x194: {  	v7 =	vor.u32 v6, v7;
	v9 =	vor.u32 v11, v9;
	v8 =	vld.idx.msk [tilespmem:v8+s9+$0x0], $0xffff  }
0x195: {  	s18 =	sor.u32 $0x2, s16;
	v9 =	vor.u32 v3, v9  }
0x196: {  	v49 =	vadd.s32 s18, v0  }
0x197: {  	v12 =	vand.u32 $0xF, v49  }
0x198: {  	v12 =	vor.u32 v4, v12  }
0x199: {  	v50 =	vand.u32 $0x7, v49;
	[tilespmem:v7+s20+$0x0] =	vst.idx.msk $0xffff, v8;
	v7 =	vshll.u32 v10, $0x7;
	v8 =	vand.u32 $0x38, v12  }
0x19a: {  	v9 =	vld.idx.msk [tilespmem:v9+s9+$0x0], $0xffff;
	v7 =	vor.u32 v6, v7;
	v8 =	vor.u32 v8, v50  }
0x19b: {  	s21 =	sor.u32 $0x3, s16;
	v8 =	vor.u32 v3, v8  }
0x19c: {  	v51 =	vadd.s32 s21, v0  }
0x19d: {  	v52 =	vand.u32 $0xF, v51  }
0x19e: {  	v11 =	vor.u32 v4, v52  }
0x19f: {  	v53 =	vand.u32 $0x38, v11;
	v10 =	vand.u32 $0x7, v51;
	[tilespmem:v7+s20+$0x0] =	vst.idx.msk $0xffff, v9;
	v7 =	vshll.u32 v12, $0x7  }
0x1a0: {  	v9 =	vor.u32 v53, v10;
	v8 =	vld.idx.msk [tilespmem:v8+s9+$0x0], $0xffff;
	v7 =	vor.u32 v6, v7  }
0x1a1: {  	s18 =	sor.u32 $0x4, s16;
	v9 =	vor.u32 v3, v9  }
0x1a2: {  	v54 =	vadd.s32 s18, v0  }
0x1a3: {  	v55 =	vand.u32 $0xF, v54  }
0x1a4: {  	v12 =	vor.u32 v4, v55  }
0x1a5: {  	v10 =	vand.u32 $0x7, v54;
	[tilespmem:v7+s20+$0x0] =	vst.idx.msk $0xffff, v8;
	v7 =	vshll.u32 v11, $0x7;
	v8 =	vand.u32 $0x38, v12  }
0x1a6: {  	v9 =	vld.idx.msk [tilespmem:v9+s9+$0x0], $0xffff;
	v7 =	vor.u32 v6, v7;
	v8 =	vor.u32 v8, v10  }
0x1a7: {  	s21 =	sor.u32 $0x5, s16;
	v8 =	vor.u32 v3, v8  }
0x1a8: {  	v56 =	vadd.s32 s21, v0  }
0x1a9: {  	v57 =	vand.u32 $0xF, v56  }
0x1aa: {  	v11 =	vor.u32 v4, v57  }
0x1ab: {  	v58 =	vand.u32 $0x38, v11;
	v10 =	vand.u32 $0x7, v56;
	[tilespmem:v7+s20+$0x0] =	vst.idx.msk $0xffff, v9;
	v7 =	vshll.u32 v12, $0x7  }
0x1ac: {  	v9 =	vor.u32 v58, v10;
	v8 =	vld.idx.msk [tilespmem:v8+s9+$0x0], $0xffff;
	v7 =	vor.u32 v6, v7  }
0x1ad: {  	s18 =	sor.u32 $0x6, s16;
	v9 =	vor.u32 v3, v9  }
0x1ae: {  	v59 =	vadd.s32 s18, v0  }
0x1af: {  	v60 =	vand.u32 $0xF, v59  }
0x1b0: {  	v12 =	vor.u32 v4, v60  }
0x1b1: {  	v10 =	vand.u32 $0x7, v59;
	[tilespmem:v7+s20+$0x0] =	vst.idx.msk $0xffff, v8;
	v7 =	vshll.u32 v11, $0x7;
	v8 =	vand.u32 $0x38, v12  }
0x1b2: {  	v9 =	vld.idx.msk [tilespmem:v9+s9+$0x0], $0xffff;
	v7 =	vor.u32 v6, v7;
	v8 =	vor.u32 v8, v10  }
0x1b3: {  	s21 =	sor.u32 $0x7, s16;
	v8 =	vor.u32 v3, v8  }
0x1b4: {  	v61 =	vadd.s32 s21, v0  }
0x1b5: {  	v62 =	vand.u32 $0xF, v61  }
0x1b6: {  	v11 =	vor.u32 v4, v62  }
0x1b7: {  	v63 =	vand.u32 $0x38, v11;
	v10 =	vand.u32 $0x7, v61;
	[tilespmem:v7+s20+$0x0] =	vst.idx.msk $0xffff, v9;
	v7 =	vshll.u32 v12, $0x7  }
0x1b8: {  	v9 =	vor.u32 v63, v10;
	v8 =	vld.idx.msk [tilespmem:v8+s9+$0x0], $0xffff;
	v7 =	vor.u32 v6, v7  }
0x1b9: {  	v9 =	vor.u32 v3, v9;
	_ =	sdelay $0x3  }
0x1ba: {  	[tilespmem:v7+s20+$0x0] =	vst.idx.msk $0xffff, v8;
	v7 =	vshll.u32 v11, $0x7  }
0x1bb: {  	p1 =	por p0, p0;
	v8 =	vld.idx.msk [tilespmem:v9+s9+$0x0], $0xffff;
	v7 =	vor.u32 v6, v7  }
.Ltmp7:
0x1bc: {  	_ = 	snop;
	(pc) =	sbr.rel @p1 .LBB2_17-.Ltmp7, $2  }
0x1bd: {  	_ =	sdelay $0x2  }
0x1be: {  	p0 =	por $0x0, $0x0;
	s16 =	simm.s32 $0x8;
	[tilespmem:v7+s20+$0x0] =	vst.idx.msk $0xffff, v8  }
0x1bf: {  	s15 =	sadd.s32 $0x1, s15  }
0x1c0: {  	p0 =	sne.s32 s15, $0x20  }
.Ltmp8:
0x1c1: {  	_ = 	snop;
	(pc) =	sbr.rel @p0 .LBB2_16-.Ltmp8, $1  }
0x1c2: {  	_ =	sdelay $0x3  }
0x1c3: {  	s15 =	rddreg [dreg:$0xc]  }
0x1c4: {  	[hbm4b:s15+s3] =	stream.linear.scatter [tilespmem:s20], [sflag:$0x4], $0x400, $0x38;
	[tilespmem:$0xE400] =	vst v63  }
0x1c5: {  	s21 =	rddreg [dreg:$0xd];
	s16 =	simm.s32 $0xC800  }
0x1c6: {  	[hbm4b:s21+s3] =	stream.linear.scatter [tilespmem:s16], [sflag:$0x4], $0x400, $0x38;
	[tilespmem:$0xE400] =	vst v63  }
0x1c7: {  	s16 =	rddreg [dreg:$0xe]  }
0x1c8: {  	[hbm4b:s16+s3] =	stream.linear.scatter [tilespmem:s22], [sflag:$0x4], $0x400, $0x38;
	[tilespmem:$0xE400] =	vst v63  }
0x1c9: {  	s17 =	rddreg [dreg:$0xf]  }
0x1ca: {  	[hbm4b:s17+s3] =	stream.linear.scatter [tilespmem:s23], [sflag:$0x4], $0x400, $0x38;
	[tilespmem:$0xE400] =	vst v63  }
0x1cb: {  	s18 =	rddreg [dreg:$0x10]  }
0x1cc: {  	[hbm4b:s18+s3] =	stream.linear.scatter [tilespmem:s24], [sflag:$0x4], $0x400, $0x38;
	[tilespmem:$0xE400] =	vst v63  }
0x1cd: {  	s21 =	rddreg [dreg:$0x11]  }
0x1ce: {  	[hbm4b:s21+s3] =	stream.linear.scatter [tilespmem:s25], [sflag:$0x4], $0x400, $0x38;
	[tilespmem:$0xE400] =	vst v63  }
0x1cf: {  	s16 =	rddreg [dreg:$0x12]  }
0x1d0: {  	[hbm4b:s16+s3] =	stream.linear.scatter [tilespmem:s0], [sflag:$0x4], $0x400, $0x38;
	[tilespmem:$0xE400] =	vst v63  }
0x1d1: {  	s17 =	rddreg [dreg:$0x13]  }
0x1d2: {  	[hbm4b:s17+s3] =	stream.linear.scatter [tilespmem:s12], [sflag:$0x4], $0x400, $0x38;
	[tilespmem:$0xE400] =	vst v63  }
0x1d3: {  	_ =	swait.ge [sflag:s13], $0x400  }
0x1d4: {  	[sflag:s13] =	ssyncset.done $0x0  }
0x1d5: {  	[sflag:s13] =	ssyncadd.s32 $0xFFFFFC00  }
0x1d6: {  	_ =	swait.ge [sflag:s13], $0x400  }
0x1d7: {  	[sflag:s13] =	ssyncset.done $0x0  }
0x1d8: {  	[sflag:s13] =	ssyncadd.s32 $0xFFFFFC00  }
0x1d9: {  	_ =	swait.ge [sflag:s13], $0x400  }
0x1da: {  	[sflag:s13] =	ssyncset.done $0x0  }
0x1db: {  	[sflag:s13] =	ssyncadd.s32 $0xFFFFFC00  }
0x1dc: {  	_ =	swait.ge [sflag:s13], $0x400  }
0x1dd: {  	[sflag:s13] =	ssyncset.done $0x0  }
0x1de: {  	[sflag:s13] =	ssyncadd.s32 $0xFFFFFC00  }
0x1df: {  	_ =	swait.ge [sflag:s13], $0x400  }
0x1e0: {  	[sflag:s13] =	ssyncset.done $0x0  }
0x1e1: {  	[sflag:s13] =	ssyncadd.s32 $0xFFFFFC00  }
0x1e2: {  	_ =	swait.ge [sflag:s13], $0x400  }
0x1e3: {  	[sflag:s13] =	ssyncset.done $0x0  }
0x1e4: {  	[sflag:s13] =	ssyncadd.s32 $0xFFFFFC00  }
0x1e5: {  	_ =	swait.ge [sflag:s13], $0x400  }
0x1e6: {  	[sflag:s13] =	ssyncset.done $0x0  }
0x1e7: {  	[sflag:s13] =	ssyncadd.s32 $0xFFFFFC00  }
0x1e8: {  	_ =	swait.ge [sflag:s13], $0x400  }
0x1e9: {  	[sflag:s13] =	ssyncset.done $0x0  }
0x1ea: {  	[sflag:s13] =	ssyncadd.s32 $0xFFFFFC00  }
0x1eb: {  	_ =	swait.ge [sflag:s14], $0x400  }
0x1ec: {  	[sflag:s14] =	ssyncset.done $0x0  }
0x1ed: {  	[sflag:s14] =	ssyncadd.s32 $0xFFFFFC00  }
0x1ee: {  	_ =	swait.ge [sflag:s14], $0x400  }
0x1ef: {  	[sflag:s14] =	ssyncset.done $0x0  }
0x1f0: {  	[sflag:s14] =	ssyncadd.s32 $0xFFFFFC00  }
0x1f1: {  	_ =	swait.ge [sflag:s14], $0x400  }
0x1f2: {  	[sflag:s14] =	ssyncset.done $0x0  }
0x1f3: {  	[sflag:s14] =	ssyncadd.s32 $0xFFFFFC00  }
0x1f4: {  	_ =	swait.ge [sflag:s14], $0x400  }
0x1f5: {  	[sflag:s14] =	ssyncset.done $0x0  }
0x1f6: {  	[sflag:s14] =	ssyncadd.s32 $0xFFFFFC00  }
0x1f7: {  	_ =	swait.ge [sflag:s14], $0x400  }
0x1f8: {  	[sflag:s14] =	ssyncset.done $0x0  }
0x1f9: {  	[sflag:s14] =	ssyncadd.s32 $0xFFFFFC00  }
0x1fa: {  	_ =	swait.ge [sflag:s14], $0x400  }
0x1fb: {  	[sflag:s14] =	ssyncset.done $0x0  }
0x1fc: {  	[sflag:s14] =	ssyncadd.s32 $0xFFFFFC00  }
0x1fd: {  	_ =	swait.ge [sflag:s14], $0x400  }
0x1fe: {  	[sflag:s14] =	ssyncset.done $0x0  }
0x1ff: {  	[sflag:s14] =	ssyncadd.s32 $0xFFFFFC00  }
0x200: {  	_ =	swait.ge [sflag:s14], $0x400  }
0x201: {  	s18 =	rddreg [dreg:$0x15]  }
0x202: {  	s21 =	rddreg [dreg:$0x14];
	s16 =	sadd.s32 $0x1, s18  }
0x203: {  	p0 =	sne.s32 s16, s21  }
.Ltmp9:
0x204: {  	_ = 	snop;
	(pc) =	sbr.rel @p0 .LBB2_1-.Ltmp9, $3  }
0x205: {  	_ =	sdelay $0x1  }
0x206: {  	[sflag:s14] =	ssyncset.done $0x0  }
0x207: {  	[sflag:s14] =	ssyncadd.s32 $0xFFFFFC00  }
0x208: {  	_ =	sfence.sel $0x180000  }
0x209: {  	[bflag:$0x0] =	sbarrier.arrive $0xFFFF  }
0x20a: {  	_ =	strace $0x9000004A  }
0x20b: {  	s0 =	stileid.u32;
	[bflag:$0x2] =	sbarrier.arrive $0xFFFF  }
0x20c: {  	p0 =	sne.s32 s0, $0x0;
	s0 =	rddreg [dreg:$0x2]  }
0x20d: {  	s0 =	sadd.s32 @!p0 $0x100000, s0  }
0x20e: {  	[sflag:s0] =	ssyncadd.tile.s32 @!p0 $0x1;
	_ =	shalt  }
.Lfunc_end2:
_tile_overlayer_lowered:
.L_overlay_start_2:
0x20f: {  	(tag) =	ssettag $0x2  }
0x210: {  	s0 =	rddreg [dreg:$0x0];
	s2 =	stileid.u32  }
0x211: {  	s1 =	rddreg [dreg:$0x1];
	p0 =	sne.s32 s2, $0x0  }
0x212: {  	s3 =	rddreg [dreg:$0x2];
	[bflag:$0x3] =	sbarrier.arrive $0xFFFF;
	s2 =	simm.s32 @!p0 $0x1C05  }
0x213: {  	[timem:s3], [sflag:s2] =	dma.local @!p0 [hbm:s0], s1  }
0x214: {  	s0 =	simm.s32 @!p0 $0x5  }
0x215: {  	_ =	swait.ge @!p0 [sflag:s0], s1  }
0x216: {  	s1 =	ssub.s32 @!p0 $0x0, s1;
	[sflag:s0] =	ssyncset.done @!p0 $0x0  }
0x217: {  	[sflag:s0] =	ssyncadd.s32 @!p0 s1  }
0x218: {  	[bflag:$0x3] =	sbarrier.arrive $0xFFFF  }
0x219: {  	_ =	shalt  }

</sc_bundles>
